<compile_context>
chip_gen: v7x
topology: tpu7x:2x2x1
jax: 0.10.2.dev20260603
libtpu: 0.0.44.dev20260713+nightly
codegen_flags: <defaults>
</compile_context>

<pallas_src>
import functools

import jax
import jax.numpy as jnp
from jax import lax
from jax.experimental import pallas as pl
from jax.experimental.pallas import tpu as pltpu
from jax.experimental.pallas import tpu_sc as plsc

_NC = 2
_NS = 16
_NW = _NC * _NS
_CH = 80
_NP = 10240
_BM = 2000
_U = 8
_STEPS = 128
_EPAD = _NW * _STEPS * _CH




@functools.lru_cache(maxsize=None)
def _make_sc_segsum(D, with_cnt=False):
  rpt = _NP // _NS
  mesh = plsc.VectorSubcoreMesh(core_axis_name="c", subcore_axis_name="s")
  out_type = jax.ShapeDtypeStruct((_NC, _NP, D), jnp.float32)
  if with_cnt:
    out_type = (out_type, jax.ShapeDtypeStruct((_NC, _NP, _DC), jnp.float32))
  scratch = ((pltpu.VMEM_SHARED((_NP, D), jnp.float32),)
             + ((pltpu.VMEM_SHARED((_NP, _DC), jnp.float32),
                 pltpu.VMEM((_CH, _DC), jnp.float32)) if with_cnt else ())
             + (pltpu.VMEM((_U, _CH), jnp.int32),
                pltpu.VMEM((_U, _CH), jnp.int32),
                pltpu.VMEM((_CH, D), jnp.float32),
                pltpu.VMEM((_CH, D), jnp.float32),
                pltpu.VMEM((_CH, D), jnp.float32))
             + tuple(pltpu.SemaphoreType.DMA
                     for _ in range(8 + (3 if with_cnt else 0))))

  def body(*args):
    if with_cnt:
      (y_h, src_h, dst_h, zD_h, zC_h, ones_h, agg_h, cnt_h,
       acc, acc16, ones, si, di, rows0, rows1, rows2, semis, semid,
       semg0, semg1, semg2, sems0, sems1, sems2, semo0, semo1, semo2) = args
      semo = (semo0, semo1, semo2)
    else:
      (y_h, src_h, dst_h, zD_h, agg_h,
       acc, si, di, rows0, rows1, rows2, semis, semid,
       semg0, semg1, semg2, sems0, sems1, sems2) = args
    rows = (rows0, rows1, rows2)
    semg = (semg0, semg1, semg2)
    sems = (sems0, sems1, sems2)
    c = lax.axis_index("c")
    s = lax.axis_index("s")
    wid = c * _NS + s
    r0 = s * rpt
    pltpu.sync_copy(zD_h.at[pl.ds(r0, rpt)], acc.at[pl.ds(r0, rpt)])
    if with_cnt:
      pltpu.sync_copy(zC_h.at[pl.ds(r0, rpt)], acc16.at[pl.ds(r0, rpt)])
      pltpu.sync_copy(ones_h, ones)
    plsc.subcore_barrier()
    base = wid * _STEPS * _CH

    def outer(t, carry):
      bb = pl.multiple_of(base + t * _U * _CH, 8)
      idx_descs = []
      for k in range(_U):
        off = pl.multiple_of(bb + k * _CH, 8)
        idx_descs.append(
            pltpu.async_copy(src_h.at[pl.ds(off, _CH)], si.at[k], semis))
        idx_descs.append(
            pltpu.async_copy(dst_h.at[pl.ds(off, _CH)], di.at[k], semid))
      for d in idx_descs:
        d.wait()
      def gath(k):
        b3 = k % 3
        return pltpu.async_copy(y_h.at[si.at[k]], rows[b3], semg[b3])
      gd = [None, None, None]
      scat = [None, None, None]
      oscat = [None, None, None]
      gd[0] = gath(0)
      for k in range(_U):
        b3 = k % 3
        if k + 1 < _U:
          nb = (k + 1) % 3
          if k + 1 >= 3:
            scat[nb].wait()
            if with_cnt:
              oscat[nb].wait()
          gd[nb] = gath(k + 1)
        gd[b3].wait()
        scat[b3] = pltpu.async_copy(rows[b3], acc.at[di.at[k]],
                                    sems[b3], add=True)
        if with_cnt:
          oscat[b3] = pltpu.async_copy(ones, acc16.at[di.at[k]],
                                       semo[b3], add=True)
      for j in range(3):
        scat[(_U - 3 + j) % 3].wait()
        if with_cnt:
          oscat[(_U - 3 + j) % 3].wait()
      return carry

    lax.fori_loop(0, _STEPS // _U, outer, 0)
    plsc.subcore_barrier()
    pltpu.sync_copy(acc.at[pl.ds(r0, rpt)], agg_h.at[c, pl.ds(r0, rpt)])
    if with_cnt:
      pltpu.sync_copy(acc16.at[pl.ds(r0, rpt)], cnt_h.at[c, pl.ds(r0, rpt)])

  return pl.kernel(body, out_type=out_type, mesh=mesh, scratch_types=scratch,
                   compiler_params=pltpu.CompilerParams(
                       use_tc_tiling_on_sc=False))


_DC = 16


def _pad_edges(idx, base, mod):
  npad = _EPAD - idx.shape[0]
  fill = base + jnp.arange(npad, dtype=jnp.int32) % mod
  return jnp.concatenate([idx, fill])


def _sc_segsum(y, src_p, dst_p):
  _, D = y.shape
  k = _make_sc_segsum(D)
  zD = jnp.zeros((_NP, D), jnp.float32)
  return k(y, src_p, dst_p, zD)


def _sc_segsum_cnt(y, src_p, dst_p):
  _, D = y.shape
  k = _make_sc_segsum(D, with_cnt=True)
  zD = jnp.zeros((_NP, D), jnp.float32)
  zC = jnp.zeros((_NP, _DC), jnp.float32)
  ones = jnp.ones((_CH, _DC), jnp.float32)
  return k(y, src_p, dst_p, zD, zC, ones)




def _tc_proj2(x, Wl, Wr, bl):
  N, Din = x.shape
  Dl, Dr = Wl.shape[1], Wr.shape[1]

  def body(x_ref, wl_ref, wr_ref, b_ref, y_ref, z_ref):
    xb = x_ref[...]
    y_ref[...] = jnp.dot(xb, wl_ref[...], preferred_element_type=jnp.float32)
    z_ref[...] = (jnp.dot(xb, wr_ref[...], preferred_element_type=jnp.float32)
                  + b_ref[...])

  return pl.pallas_call(
      body,
      grid=(N // _BM,),
      in_specs=[pl.BlockSpec((_BM, Din), lambda i: (i, 0)),
                pl.BlockSpec((Din, Dl), lambda i: (0, 0)),
                pl.BlockSpec((Din, Dr), lambda i: (0, 0)),
                pl.BlockSpec((1, Dr), lambda i: (0, 0))],
      out_specs=[pl.BlockSpec((_BM, Dl), lambda i: (i, 0)),
                 pl.BlockSpec((_BM, Dr), lambda i: (i, 0))],
      out_shape=[jax.ShapeDtypeStruct((N, Dl), jnp.float32),
                 jax.ShapeDtypeStruct((N, Dr), jnp.float32)],
  )(x, Wl, Wr, bl.reshape(1, Dr))


def _tc_combine_proj(aggp, cntp, z1, Wl, Wr, b):
  N, H = z1.shape
  Do = Wl.shape[1]

  def body(a_ref, c_ref, z_ref, wl_ref, wr_ref, b_ref, y_ref, z2_ref):
    a = a_ref[0] + a_ref[1]
    cnt = c_ref[0, :, 0:1] + c_ref[1, :, 0:1]
    inv = 1.0 / jnp.maximum(cnt, 1.0)
    h = jnp.maximum(a * inv + z_ref[...], 0.0)
    y_ref[...] = jnp.dot(h, wl_ref[...], preferred_element_type=jnp.float32)
    z2_ref[...] = (jnp.dot(h, wr_ref[...], preferred_element_type=jnp.float32)
                   + b_ref[...])

  return pl.pallas_call(
      body,
      grid=(N // _BM,),
      in_specs=[pl.BlockSpec((2, _BM, H), lambda i: (0, i, 0)),
                pl.BlockSpec((2, _BM, _DC), lambda i: (0, i, 0)),
                pl.BlockSpec((_BM, H), lambda i: (i, 0)),
                pl.BlockSpec((H, Do), lambda i: (0, 0)),
                pl.BlockSpec((H, Do), lambda i: (0, 0)),
                pl.BlockSpec((1, Do), lambda i: (0, 0))],
      out_specs=[pl.BlockSpec((_BM, Do), lambda i: (i, 0)),
                 pl.BlockSpec((_BM, Do), lambda i: (i, 0))],
      out_shape=[jax.ShapeDtypeStruct((N, Do), jnp.float32),
                 jax.ShapeDtypeStruct((N, Do), jnp.float32)],
  )(aggp, cntp, z1, Wl, Wr, b.reshape(1, Do))


def _tc_final(aggp, cntp, z2):
  N, Do = z2.shape

  def body(a_ref, c_ref, z_ref, o_ref):
    a = a_ref[0] + a_ref[1]
    cnt = c_ref[0, :, 0:1] + c_ref[1, :, 0:1]
    inv = 1.0 / jnp.maximum(cnt, 1.0)
    o_ref[...] = a * inv + z_ref[...]

  return pl.pallas_call(
      body,
      grid=(N // _BM,),
      in_specs=[pl.BlockSpec((2, _BM, Do), lambda i: (0, i, 0)),
                pl.BlockSpec((2, _BM, _DC), lambda i: (0, i, 0)),
                pl.BlockSpec((_BM, Do), lambda i: (i, 0))],
      out_specs=pl.BlockSpec((_BM, Do), lambda i: (i, 0)),
      out_shape=jax.ShapeDtypeStruct((N, Do), jnp.float32),
  )(aggp, cntp, z2)




def kernel(x, edge_index, W1l, b1l, W1r, W2l, b2l, W2r):
  N, _ = x.shape
  C = W2l.shape[1]
  Dp = 64
  src = _pad_edges(edge_index[0].astype(jnp.int32), 0, _CH)
  dst = _pad_edges(edge_index[1].astype(jnp.int32), N, _NP - N)

  y1, z1 = _tc_proj2(x, W1l, W1r, b1l)
  agg1p, cntp = _sc_segsum_cnt(y1, src, dst)

  W2l_p = jnp.zeros((W2l.shape[0], Dp), jnp.float32).at[:, :C].set(W2l)
  W2r_p = jnp.zeros((W2r.shape[0], Dp), jnp.float32).at[:, :C].set(W2r)
  b2_p = jnp.zeros((Dp,), jnp.float32).at[:C].set(b2l)

  y2, z2 = _tc_combine_proj(agg1p, cntp, z1, W2l_p, W2r_p, b2_p)
  agg2p = _sc_segsum(y2, src, dst)
  out = _tc_final(agg2p, cntp, z2)
  return out[:, :C]

# --- scband reference (transcript-rebuilt; emitter-appended) ---
"""Pipeline reference for scband-sage-79620103733916 (READ-ONLY COPY).

The authoritative reference and input builder live on the scoring server;
editing this copy changes nothing except your own understanding.
"""

import jax, jax.numpy as jnp
import numpy as np

N_NODES = 10000
N_EDGES = 320000
IN_DIM = 128
HID_DIM = 128
N_CLS = 40


def setup_inputs(seed: int = 0) -> dict:
    key = jax.random.key(seed)
    ks = jax.random.split(key, 8)
    x = jax.random.normal(ks[0], (N_NODES, IN_DIM), dtype=jnp.float32)
    edge_index = jax.random.randint(ks[1], (2, N_EDGES), 0, N_NODES, dtype=jnp.int64)
    s1 = 1.0 / np.sqrt(IN_DIM)
    s2 = 1.0 / np.sqrt(HID_DIM)
    W1l = jax.random.uniform(ks[2], (IN_DIM, HID_DIM), jnp.float32, -s1, s1)
    b1l = jnp.zeros((HID_DIM,), dtype=jnp.float32)
    W1r = jax.random.uniform(ks[3], (IN_DIM, HID_DIM), jnp.float32, -s1, s1)
    W2l = jax.random.uniform(ks[4], (HID_DIM, N_CLS), jnp.float32, -s2, s2)
    b2l = jnp.zeros((N_CLS,), dtype=jnp.float32)
    W2r = jax.random.uniform(ks[5], (HID_DIM, N_CLS), jnp.float32, -s2, s2)
    return {"x": x, "edge_index": edge_index, "W1l": W1l, "b1l": b1l, "W1r": W1r, "W2l": W2l, "b2l": b2l, "W2r": W2r}


def _sage_conv(h, src, dst, Wl, bl, Wr):
    # PyG SAGEConv with mean aggregation: out = lin_l(mean_j x_j) + lin_r(x_i)
    msgs = h[src]  # gather by source node
    agg = jax.ops.segment_sum(msgs, dst, num_segments=h.shape[0])
    cnt = jax.ops.segment_sum(jnp.ones((src.shape[0],), dtype=h.dtype), dst, num_segments=h.shape[0])
    agg = agg / jnp.maximum(cnt, 1.0)[:, None]
    return agg @ Wl + bl + h @ Wr


def reference(x, edge_index, W1l, b1l, W1r, W2l, b2l, W2r):
    src = edge_index[0]
    dst = edge_index[1]
    h = _sage_conv(x, src, dst, W1l, b1l, W1r)
    h = jax.nn.relu(h)
    # dropout is identity in eval mode; norm=False, proj=False
    h = _sage_conv(h, src, dst, W2l, b2l, W2r)
    return h

if __name__ == "__main__":
    import jax
    _d = setup_inputs()
    print(jax.jit(kernel)(*tuple(_d.values())))

</pallas_src>

<mosaic_0001>
#map = affine_map<(d0, d1) -> (0, 0)>
#map1 = affine_map<(d0, d1) -> (0)>
#map2 = affine_map<(d0, d1) -> (0, 0, 0)>
module attributes {stable_mosaic.version = 14 : i64} {
  func.func @body(%arg0: i32, %arg1: i32, %arg2: memref<10000x128xf32, #tpu.memory_space<hbm>>, %arg3: memref<327680xi32, #tpu.memory_space<hbm>>, %arg4: memref<327680xi32, #tpu.memory_space<hbm>>, %arg5: memref<10240x128xf32, #tpu.memory_space<hbm>>, %arg6: memref<10240x16xf32, #tpu.memory_space<hbm>>, %arg7: memref<80x16xf32, #tpu.memory_space<hbm>>, %arg8: memref<2x10240x128xf32, #tpu.memory_space<hbm>>, %arg9: memref<2x10240x16xf32, #tpu.memory_space<hbm>>, %arg10: memref<10240x128xf32, #tpu.memory_space<vmem_shared>>, %arg11: memref<10240x16xf32, #tpu.memory_space<vmem_shared>>, %arg12: memref<80x16xf32, #tpu.memory_space<vmem>>, %arg13: memref<8x80xi32, #tpu.memory_space<vmem>>, %arg14: memref<8x80xi32, #tpu.memory_space<vmem>>, %arg15: memref<80x128xf32, #tpu.memory_space<vmem>>, %arg16: memref<80x128xf32, #tpu.memory_space<vmem>>, %arg17: memref<80x128xf32, #tpu.memory_space<vmem>>, %arg18: memref<!tpu.dma_semaphore, #tpu.memory_space<semaphore_mem>>, %arg19: memref<!tpu.dma_semaphore, #tpu.memory_space<semaphore_mem>>, %arg20: memref<!tpu.dma_semaphore, #tpu.memory_space<semaphore_mem>>, %arg21: memref<!tpu.dma_semaphore, #tpu.memory_space<semaphore_mem>>, %arg22: memref<!tpu.dma_semaphore, #tpu.memory_space<semaphore_mem>>, %arg23: memref<!tpu.dma_semaphore, #tpu.memory_space<semaphore_mem>>, %arg24: memref<!tpu.dma_semaphore, #tpu.memory_space<semaphore_mem>>, %arg25: memref<!tpu.dma_semaphore, #tpu.memory_space<semaphore_mem>>, %arg26: memref<!tpu.dma_semaphore, #tpu.memory_space<semaphore_mem>>, %arg27: memref<!tpu.dma_semaphore, #tpu.memory_space<semaphore_mem>>, %arg28: memref<!tpu.dma_semaphore, #tpu.memory_space<semaphore_mem>>) attributes {dimension_semantics = [#tpu.dimension_semantics<core_parallel>, #tpu.dimension_semantics<subcore_parallel>], iteration_bounds = array<i64: 2, 16>, scalar_prefetch = 0 : i64, scratch_operands = 19 : i64, tpu.core_type = #tpu.core_type<sc_vector_subcore>, window_params = [{transform_indices = #map}, {transform_indices = #map1}, {transform_indices = #map1}, {transform_indices = #map}, {transform_indices = #map}, {transform_indices = #map}, {transform_indices = #map2}, {transform_indices = #map2}]} {
    %mul3A = arith.constant 16 : i32
    %mul3A_0 = arith.muli %arg0, %mul3A : i32
    %add3A = arith.addi %mul3A_0, %arg1 : i32
    %mul3A_1 = arith.constant 640 : i32
    %mul3A_2 = arith.muli %arg1, %mul3A_1 : i32
    "tpu.region"() ({
      %run_scoped3A = tpu.sem_alloc : memref<!tpu.dma_semaphore, #tpu.memory_space<semaphore_mem>>
      %dma_start3A = arith.constant 0 : i32
      %dma_start3A_13 = tpu.memref_slice %arg10[%mul3A_2, %dma_start3A] : memref<10240x128xf32, #tpu.memory_space<vmem_shared>> -> memref<640x128xf32, #tpu.memory_space<vmem_shared>>
      %dma_start3A_14 = arith.constant 0 : i32
      %dma_start3A_15 = tpu.memref_slice %arg5[%mul3A_2, %dma_start3A_14] : memref<10240x128xf32, #tpu.memory_space<hbm>> -> memref<640x128xf32, #tpu.memory_space<hbm>>
      tpu.enqueue_dma source(%dma_start3A_15 : memref<640x128xf32, #tpu.memory_space<hbm>>) target(%dma_start3A_13 : memref<640x128xf32, #tpu.memory_space<vmem_shared>>) target_semaphore(%run_scoped3A : memref<!tpu.dma_semaphore, #tpu.memory_space<semaphore_mem>>)
      %dma_wait3A = arith.constant 0 : i32
      %dma_wait3A_16 = tpu.memref_slice %arg10[%mul3A_2, %dma_wait3A] : memref<10240x128xf32, #tpu.memory_space<vmem_shared>> -> memref<640x128xf32, #tpu.memory_space<vmem_shared>>
      %dma_wait3A_17 = arith.constant 0 : i32
      %dma_wait3A_18 = tpu.memref_slice %arg5[%mul3A_2, %dma_wait3A_17] : memref<10240x128xf32, #tpu.memory_space<hbm>> -> memref<640x128xf32, #tpu.memory_space<hbm>>
      tpu.wait_dma2 semaphore(%run_scoped3A : memref<!tpu.dma_semaphore, #tpu.memory_space<semaphore_mem>>) src(%dma_wait3A_18 : memref<640x128xf32, #tpu.memory_space<hbm>>) dst(%dma_wait3A_16 : memref<640x128xf32, #tpu.memory_space<vmem_shared>>)
      tpu.yield
    }) : () -> ()
    "tpu.region"() ({
      %run_scoped3A = tpu.sem_alloc : memref<!tpu.dma_semaphore, #tpu.memory_space<semaphore_mem>>
      %dma_start3A = arith.constant 0 : i32
      %dma_start3A_13 = tpu.memref_slice %arg11[%mul3A_2, %dma_start3A] : memref<10240x16xf32, #tpu.memory_space<vmem_shared>> -> memref<640x16xf32, #tpu.memory_space<vmem_shared>>
      %dma_start3A_14 = arith.constant 0 : i32
      %dma_start3A_15 = tpu.memref_slice %arg6[%mul3A_2, %dma_start3A_14] : memref<10240x16xf32, #tpu.memory_space<hbm>> -> memref<640x16xf32, #tpu.memory_space<hbm>>
      tpu.enqueue_dma source(%dma_start3A_15 : memref<640x16xf32, #tpu.memory_space<hbm>>) target(%dma_start3A_13 : memref<640x16xf32, #tpu.memory_space<vmem_shared>>) target_semaphore(%run_scoped3A : memref<!tpu.dma_semaphore, #tpu.memory_space<semaphore_mem>>)
      %dma_wait3A = arith.constant 0 : i32
      %dma_wait3A_16 = tpu.memref_slice %arg11[%mul3A_2, %dma_wait3A] : memref<10240x16xf32, #tpu.memory_space<vmem_shared>> -> memref<640x16xf32, #tpu.memory_space<vmem_shared>>
      %dma_wait3A_17 = arith.constant 0 : i32
      %dma_wait3A_18 = tpu.memref_slice %arg6[%mul3A_2, %dma_wait3A_17] : memref<10240x16xf32, #tpu.memory_space<hbm>> -> memref<640x16xf32, #tpu.memory_space<hbm>>
      tpu.wait_dma2 semaphore(%run_scoped3A : memref<!tpu.dma_semaphore, #tpu.memory_space<semaphore_mem>>) src(%dma_wait3A_18 : memref<640x16xf32, #tpu.memory_space<hbm>>) dst(%dma_wait3A_16 : memref<640x16xf32, #tpu.memory_space<vmem_shared>>)
      tpu.yield
    }) : () -> ()
    "tpu.region"() ({
      %run_scoped3A = tpu.sem_alloc : memref<!tpu.dma_semaphore, #tpu.memory_space<semaphore_mem>>
      tpu.enqueue_dma source(%arg7 : memref<80x16xf32, #tpu.memory_space<hbm>>) target(%arg12 : memref<80x16xf32, #tpu.memory_space<vmem>>) target_semaphore(%run_scoped3A : memref<!tpu.dma_semaphore, #tpu.memory_space<semaphore_mem>>)
      tpu.wait_dma2 semaphore(%run_scoped3A : memref<!tpu.dma_semaphore, #tpu.memory_space<semaphore_mem>>) src(%arg7 : memref<80x16xf32, #tpu.memory_space<hbm>>) dst(%arg12 : memref<80x16xf32, #tpu.memory_space<vmem>>)
      tpu.yield
    }) : () -> ()
    %barrier3A = arith.constant 0 : index
    tpu.barrier barrier_id(%barrier3A)
    %mul3A_3 = arith.constant 128 : i32
    %mul3A_4 = arith.muli %add3A, %mul3A_3 : i32
    %mul3A_5 = arith.constant 80 : i32
    %mul3A_6 = arith.muli %mul3A_4, %mul3A_5 : i32
    %scan3A = arith.constant 0 : i32
    %scan3A_7 = arith.constant 0 : i32
    %scan3A_8 = arith.constant 16 : i32
    %scan3A_9 = arith.addi %scan3A_7, %scan3A_8 : i32
    %scan3A_10 = arith.constant 1 : i32
    scf.for %scan3A_13 = %scan3A_7 to %scan3A_9 step %scan3A_10  : i32 {
      %mul3A_14 = arith.constant 8 : i32
      %mul3A_15 = arith.muli %scan3A_13, %mul3A_14 : i32
      %mul3A_16 = arith.constant 80 : i32
      %mul3A_17 = arith.muli %mul3A_15, %mul3A_16 : i32
      %add3A_18 = arith.addi %mul3A_6, %mul3A_17 : i32
      %multiple_of3A = tpu.assume_multiple %add3A_18, 8 : i32
      %add3A_19 = arith.constant 0 : i32
      %add3A_20 = arith.addi %multiple_of3A, %add3A_19 : i32
      %multiple_of3A_21 = tpu.assume_multiple %add3A_20, 8 : i32
      %dma_start3A = arith.constant 0 : i32
      %dma_start3A_22 = arith.constant 0 : i32
      %dma_start3A_23 = tpu.memref_slice %arg13[%dma_start3A, %dma_start3A_22] : memref<8x80xi32, #tpu.memory_space<vmem>> -> memref<1x80xi32, #tpu.memory_space<vmem>>
      %dma_start3A_24 = tpu.memref_squeeze %dma_start3A_23 : memref<1x80xi32, #tpu.memory_space<vmem>> -> memref<80xi32, #tpu.memory_space<vmem>>
      %dma_start3A_25 = tpu.memref_slice %arg3[%multiple_of3A_21] : memref<327680xi32, #tpu.memory_space<hbm>> -> memref<80xi32, #tpu.memory_space<hbm>>
      %dma_start3A_26 = arith.constant 0 : i32
      %dma_start3A_27 = tpu.memref_slice %arg13[%dma_start3A, %dma_start3A_26] : memref<8x80xi32, #tpu.memory_space<vmem>> -> memref<1x80xi32, #tpu.memory_space<vmem>>
      %dma_start3A_28 = tpu.memref_squeeze %dma_start3A_27 : memref<1x80xi32, #tpu.memory_space<vmem>> -> memref<80xi32, #tpu.memory_space<vmem>>
      %dma_start3A_29 = tpu.memref_slice %arg3[%multiple_of3A_21] : memref<327680xi32, #tpu.memory_space<hbm>> -> memref<80xi32, #tpu.memory_space<hbm>>
      tpu.enqueue_dma source(%dma_start3A_29 : memref<80xi32, #tpu.memory_space<hbm>>) target(%dma_start3A_28 : memref<80xi32, #tpu.memory_space<vmem>>) target_semaphore(%arg18 : memref<!tpu.dma_semaphore, #tpu.memory_space<semaphore_mem>>)
      %dma_start3A_30 = arith.constant 0 : i32
      %dma_start3A_31 = arith.constant 0 : i32
      %dma_start3A_32 = tpu.memref_slice %arg14[%dma_start3A_30, %dma_start3A_31] : memref<8x80xi32, #tpu.memory_space<vmem>> -> memref<1x80xi32, #tpu.memory_space<vmem>>
      %dma_start3A_33 = tpu.memref_squeeze %dma_start3A_32 : memref<1x80xi32, #tpu.memory_space<vmem>> -> memref<80xi32, #tpu.memory_space<vmem>>
      %dma_start3A_34 = tpu.memref_slice %arg4[%multiple_of3A_21] : memref<327680xi32, #tpu.memory_space<hbm>> -> memref<80xi32, #tpu.memory_space<hbm>>
      %dma_start3A_35 = arith.constant 0 : i32
      %dma_start3A_36 = tpu.memref_slice %arg14[%dma_start3A_30, %dma_start3A_35] : memref<8x80xi32, #tpu.memory_space<vmem>> -> memref<1x80xi32, #tpu.memory_space<vmem>>
      %dma_start3A_37 = tpu.memref_squeeze %dma_start3A_36 : memref<1x80xi32, #tpu.memory_space<vmem>> -> memref<80xi32, #tpu.memory_space<vmem>>
      %dma_start3A_38 = tpu.memref_slice %arg4[%multiple_of3A_21] : memref<327680xi32, #tpu.memory_space<hbm>> -> memref<80xi32, #tpu.memory_space<hbm>>
      tpu.enqueue_dma source(%dma_start3A_38 : memref<80xi32, #tpu.memory_space<hbm>>) target(%dma_start3A_37 : memref<80xi32, #tpu.memory_space<vmem>>) target_semaphore(%arg19 : memref<!tpu.dma_semaphore, #tpu.memory_space<semaphore_mem>>)
      %add3A_39 = arith.constant 80 : i32
      %add3A_40 = arith.addi %multiple_of3A, %add3A_39 : i32
      %multiple_of3A_41 = tpu.assume_multiple %add3A_40, 8 : i32
      %dma_start3A_42 = arith.constant 1 : i32
      %dma_start3A_43 = arith.constant 0 : i32
      %dma_start3A_44 = tpu.memref_slice %arg13[%dma_start3A_42, %dma_start3A_43] : memref<8x80xi32, #tpu.memory_space<vmem>> -> memref<1x80xi32, #tpu.memory_space<vmem>>
      %dma_start3A_45 = tpu.memref_squeeze %dma_start3A_44 : memref<1x80xi32, #tpu.memory_space<vmem>> -> memref<80xi32, #tpu.memory_space<vmem>>
      %dma_start3A_46 = tpu.memref_slice %arg3[%multiple_of3A_41] : memref<327680xi32, #tpu.memory_space<hbm>> -> memref<80xi32, #tpu.memory_space<hbm>>
      %dma_start3A_47 = arith.constant 0 : i32
      %dma_start3A_48 = tpu.memref_slice %arg13[%dma_start3A_42, %dma_start3A_47] : memref<8x80xi32, #tpu.memory_space<vmem>> -> memref<1x80xi32, #tpu.memory_space<vmem>>
      %dma_start3A_49 = tpu.memref_squeeze %dma_start3A_48 : memref<1x80xi32, #tpu.memory_space<vmem>> -> memref<80xi32, #tpu.memory_space<vmem>>
      %dma_start3A_50 = tpu.memref_slice %arg3[%multiple_of3A_41] : memref<327680xi32, #tpu.memory_space<hbm>> -> memref<80xi32, #tpu.memory_space<hbm>>
      tpu.enqueue_dma source(%dma_start3A_50 : memref<80xi32, #tpu.memory_space<hbm>>) target(%dma_start3A_49 : memref<80xi32, #tpu.memory_space<vmem>>) target_semaphore(%arg18 : memref<!tpu.dma_semaphore, #tpu.memory_space<semaphore_mem>>)
      %dma_start3A_51 = arith.constant 1 : i32
      %dma_start3A_52 = arith.constant 0 : i32
      %dma_start3A_53 = tpu.memref_slice %arg14[%dma_start3A_51, %dma_start3A_52] : memref<8x80xi32, #tpu.memory_space<vmem>> -> memref<1x80xi32, #tpu.memory_space<vmem>>
      %dma_start3A_54 = tpu.memref_squeeze %dma_start3A_53 : memref<1x80xi32, #tpu.memory_space<vmem>> -> memref<80xi32, #tpu.memory_space<vmem>>
      %dma_start3A_55 = tpu.memref_slice %arg4[%multiple_of3A_41] : memref<327680xi32, #tpu.memory_space<hbm>> -> memref<80xi32, #tpu.memory_space<hbm>>
      %dma_start3A_56 = arith.constant 0 : i32
      %dma_start3A_57 = tpu.memref_slice %arg14[%dma_start3A_51, %dma_start3A_56] : memref<8x80xi32, #tpu.memory_space<vmem>> -> memref<1x80xi32, #tpu.memory_space<vmem>>
      %dma_start3A_58 = tpu.memref_squeeze %dma_start3A_57 : memref<1x80xi32, #tpu.memory_space<vmem>> -> memref<80xi32, #tpu.memory_space<vmem>>
      %dma_start3A_59 = tpu.memref_slice %arg4[%multiple_of3A_41] : memref<327680xi32, #tpu.memory_space<hbm>> -> memref<80xi32, #tpu.memory_space<hbm>>
      tpu.enqueue_dma source(%dma_start3A_59 : memref<80xi32, #tpu.memory_space<hbm>>) target(%dma_start3A_58 : memref<80xi32, #tpu.memory_space<vmem>>) target_semaphore(%arg19 : memref<!tpu.dma_semaphore, #tpu.memory_space<semaphore_mem>>)
      %add3A_60 = arith.constant 160 : i32
      %add3A_61 = arith.addi %multiple_of3A, %add3A_60 : i32
      %multiple_of3A_62 = tpu.assume_multiple %add3A_61, 8 : i32
      %dma_start3A_63 = arith.constant 2 : i32
      %dma_start3A_64 = arith.constant 0 : i32
      %dma_start3A_65 = tpu.memref_slice %arg13[%dma_start3A_63, %dma_start3A_64] : memref<8x80xi32, #tpu.memory_space<vmem>> -> memref<1x80xi32, #tpu.memory_space<vmem>>
      %dma_start3A_66 = tpu.memref_squeeze %dma_start3A_65 : memref<1x80xi32, #tpu.memory_space<vmem>> -> memref<80xi32, #tpu.memory_space<vmem>>
      %dma_start3A_67 = tpu.memref_slice %arg3[%multiple_of3A_62] : memref<327680xi32, #tpu.memory_space<hbm>> -> memref<80xi32, #tpu.memory_space<hbm>>
      %dma_start3A_68 = arith.constant 0 : i32
      %dma_start3A_69 = tpu.memref_slice %arg13[%dma_start3A_63, %dma_start3A_68] : memref<8x80xi32, #tpu.memory_space<vmem>> -> memref<1x80xi32, #tpu.memory_space<vmem>>
      %dma_start3A_70 = tpu.memref_squeeze %dma_start3A_69 : memref<1x80xi32, #tpu.memory_space<vmem>> -> memref<80xi32, #tpu.memory_space<vmem>>
      %dma_start3A_71 = tpu.memref_slice %arg3[%multiple_of3A_62] : memref<327680xi32, #tpu.memory_space<hbm>> -> memref<80xi32, #tpu.memory_space<hbm>>
      tpu.enqueue_dma source(%dma_start3A_71 : memref<80xi32, #tpu.memory_space<hbm>>) target(%dma_start3A_70 : memref<80xi32, #tpu.memory_space<vmem>>) target_semaphore(%arg18 : memref<!tpu.dma_semaphore, #tpu.memory_space<semaphore_mem>>)
      %dma_start3A_72 = arith.constant 2 : i32
      %dma_start3A_73 = arith.constant 0 : i32
      %dma_start3A_74 = tpu.memref_slice %arg14[%dma_start3A_72, %dma_start3A_73] : memref<8x80xi32, #tpu.memory_space<vmem>> -> memref<1x80xi32, #tpu.memory_space<vmem>>
      %dma_start3A_75 = tpu.memref_squeeze %dma_start3A_74 : memref<1x80xi32, #tpu.memory_space<vmem>> -> memref<80xi32, #tpu.memory_space<vmem>>
      %dma_start3A_76 = tpu.memref_slice %arg4[%multiple_of3A_62] : memref<327680xi32, #tpu.memory_space<hbm>> -> memref<80xi32, #tpu.memory_space<hbm>>
      %dma_start3A_77 = arith.constant 0 : i32
      %dma_start3A_78 = tpu.memref_slice %arg14[%dma_start3A_72, %dma_start3A_77] : memref<8x80xi32, #tpu.memory_space<vmem>> -> memref<1x80xi32, #tpu.memory_space<vmem>>
      %dma_start3A_79 = tpu.memref_squeeze %dma_start3A_78 : memref<1x80xi32, #tpu.memory_space<vmem>> -> memref<80xi32, #tpu.memory_space<vmem>>
      %dma_start3A_80 = tpu.memref_slice %arg4[%multiple_of3A_62] : memref<327680xi32, #tpu.memory_space<hbm>> -> memref<80xi32, #tpu.memory_space<hbm>>
      tpu.enqueue_dma source(%dma_start3A_80 : memref<80xi32, #tpu.memory_space<hbm>>) target(%dma_start3A_79 : memref<80xi32, #tpu.memory_space<vmem>>) target_semaphore(%arg19 : memref<!tpu.dma_semaphore, #tpu.memory_space<semaphore_mem>>)
      %add3A_81 = arith.constant 240 : i32
      %add3A_82 = arith.addi %multiple_of3A, %add3A_81 : i32
      %multiple_of3A_83 = tpu.assume_multiple %add3A_82, 8 : i32
      %dma_start3A_84 = arith.constant 3 : i32
      %dma_start3A_85 = arith.constant 0 : i32
      %dma_start3A_86 = tpu.memref_slice %arg13[%dma_start3A_84, %dma_start3A_85] : memref<8x80xi32, #tpu.memory_space<vmem>> -> memref<1x80xi32, #tpu.memory_space<vmem>>
      %dma_start3A_87 = tpu.memref_squeeze %dma_start3A_86 : memref<1x80xi32, #tpu.memory_space<vmem>> -> memref<80xi32, #tpu.memory_space<vmem>>
      %dma_start3A_88 = tpu.memref_slice %arg3[%multiple_of3A_83] : memref<327680xi32, #tpu.memory_space<hbm>> -> memref<80xi32, #tpu.memory_space<hbm>>
      %dma_start3A_89 = arith.constant 0 : i32
      %dma_start3A_90 = tpu.memref_slice %arg13[%dma_start3A_84, %dma_start3A_89] : memref<8x80xi32, #tpu.memory_space<vmem>> -> memref<1x80xi32, #tpu.memory_space<vmem>>
      %dma_start3A_91 = tpu.memref_squeeze %dma_start3A_90 : memref<1x80xi32, #tpu.memory_space<vmem>> -> memref<80xi32, #tpu.memory_space<vmem>>
      %dma_start3A_92 = tpu.memref_slice %arg3[%multiple_of3A_83] : memref<327680xi32, #tpu.memory_space<hbm>> -> memref<80xi32, #tpu.memory_space<hbm>>
      tpu.enqueue_dma source(%dma_start3A_92 : memref<80xi32, #tpu.memory_space<hbm>>) target(%dma_start3A_91 : memref<80xi32, #tpu.memory_space<vmem>>) target_semaphore(%arg18 : memref<!tpu.dma_semaphore, #tpu.memory_space<semaphore_mem>>)
      %dma_start3A_93 = arith.constant 3 : i32
      %dma_start3A_94 = arith.constant 0 : i32
      %dma_start3A_95 = tpu.memref_slice %arg14[%dma_start3A_93, %dma_start3A_94] : memref<8x80xi32, #tpu.memory_space<vmem>> -> memref<1x80xi32, #tpu.memory_space<vmem>>
      %dma_start3A_96 = tpu.memref_squeeze %dma_start3A_95 : memref<1x80xi32, #tpu.memory_space<vmem>> -> memref<80xi32, #tpu.memory_space<vmem>>
      %dma_start3A_97 = tpu.memref_slice %arg4[%multiple_of3A_83] : memref<327680xi32, #tpu.memory_space<hbm>> -> memref<80xi32, #tpu.memory_space<hbm>>
      %dma_start3A_98 = arith.constant 0 : i32
      %dma_start3A_99 = tpu.memref_slice %arg14[%dma_start3A_93, %dma_start3A_98] : memref<8x80xi32, #tpu.memory_space<vmem>> -> memref<1x80xi32, #tpu.memory_space<vmem>>
      %dma_start3A_100 = tpu.memref_squeeze %dma_start3A_99 : memref<1x80xi32, #tpu.memory_space<vmem>> -> memref<80xi32, #tpu.memory_space<vmem>>
      %dma_start3A_101 = tpu.memref_slice %arg4[%multiple_of3A_83] : memref<327680xi32, #tpu.memory_space<hbm>> -> memref<80xi32, #tpu.memory_space<hbm>>
      tpu.enqueue_dma source(%dma_start3A_101 : memref<80xi32, #tpu.memory_space<hbm>>) target(%dma_start3A_100 : memref<80xi32, #tpu.memory_space<vmem>>) target_semaphore(%arg19 : memref<!tpu.dma_semaphore, #tpu.memory_space<semaphore_mem>>)
      %add3A_102 = arith.constant 320 : i32
      %add3A_103 = arith.addi %multiple_of3A, %add3A_102 : i32
      %multiple_of3A_104 = tpu.assume_multiple %add3A_103, 8 : i32
      %dma_start3A_105 = arith.constant 4 : i32
      %dma_start3A_106 = arith.constant 0 : i32
      %dma_start3A_107 = tpu.memref_slice %arg13[%dma_start3A_105, %dma_start3A_106] : memref<8x80xi32, #tpu.memory_space<vmem>> -> memref<1x80xi32, #tpu.memory_space<vmem>>
      %dma_start3A_108 = tpu.memref_squeeze %dma_start3A_107 : memref<1x80xi32, #tpu.memory_space<vmem>> -> memref<80xi32, #tpu.memory_space<vmem>>
      %dma_start3A_109 = tpu.memref_slice %arg3[%multiple_of3A_104] : memref<327680xi32, #tpu.memory_space<hbm>> -> memref<80xi32, #tpu.memory_space<hbm>>
      %dma_start3A_110 = arith.constant 0 : i32
      %dma_start3A_111 = tpu.memref_slice %arg13[%dma_start3A_105, %dma_start3A_110] : memref<8x80xi32, #tpu.memory_space<vmem>> -> memref<1x80xi32, #tpu.memory_space<vmem>>
      %dma_start3A_112 = tpu.memref_squeeze %dma_start3A_111 : memref<1x80xi32, #tpu.memory_space<vmem>> -> memref<80xi32, #tpu.memory_space<vmem>>
      %dma_start3A_113 = tpu.memref_slice %arg3[%multiple_of3A_104] : memref<327680xi32, #tpu.memory_space<hbm>> -> memref<80xi32, #tpu.memory_space<hbm>>
      tpu.enqueue_dma source(%dma_start3A_113 : memref<80xi32, #tpu.memory_space<hbm>>) target(%dma_start3A_112 : memref<80xi32, #tpu.memory_space<vmem>>) target_semaphore(%arg18 : memref<!tpu.dma_semaphore, #tpu.memory_space<semaphore_mem>>)
      %dma_start3A_114 = arith.constant 4 : i32
      %dma_start3A_115 = arith.constant 0 : i32
      %dma_start3A_116 = tpu.memref_slice %arg14[%dma_start3A_114, %dma_start3A_115] : memref<8x80xi32, #tpu.memory_space<vmem>> -> memref<1x80xi32, #tpu.memory_space<vmem>>
      %dma_start3A_117 = tpu.memref_squeeze %dma_start3A_116 : memref<1x80xi32, #tpu.memory_space<vmem>> -> memref<80xi32, #tpu.memory_space<vmem>>
      %dma_start3A_118 = tpu.memref_slice %arg4[%multiple_of3A_104] : memref<327680xi32, #tpu.memory_space<hbm>> -> memref<80xi32, #tpu.memory_space<hbm>>
      %dma_start3A_119 = arith.constant 0 : i32
      %dma_start3A_120 = tpu.memref_slice %arg14[%dma_start3A_114, %dma_start3A_119] : memref<8x80xi32, #tpu.memory_space<vmem>> -> memref<1x80xi32, #tpu.memory_space<vmem>>
      %dma_start3A_121 = tpu.memref_squeeze %dma_start3A_120 : memref<1x80xi32, #tpu.memory_space<vmem>> -> memref<80xi32, #tpu.memory_space<vmem>>
      %dma_start3A_122 = tpu.memref_slice %arg4[%multiple_of3A_104] : memref<327680xi32, #tpu.memory_space<hbm>> -> memref<80xi32, #tpu.memory_space<hbm>>
      tpu.enqueue_dma source(%dma_start3A_122 : memref<80xi32, #tpu.memory_space<hbm>>) target(%dma_start3A_121 : memref<80xi32, #tpu.memory_space<vmem>>) target_semaphore(%arg19 : memref<!tpu.dma_semaphore, #tpu.memory_space<semaphore_mem>>)
      %add3A_123 = arith.constant 400 : i32
      %add3A_124 = arith.addi %multiple_of3A, %add3A_123 : i32
      %multiple_of3A_125 = tpu.assume_multiple %add3A_124, 8 : i32
      %dma_start3A_126 = arith.constant 5 : i32
      %dma_start3A_127 = arith.constant 0 : i32
      %dma_start3A_128 = tpu.memref_slice %arg13[%dma_start3A_126, %dma_start3A_127] : memref<8x80xi32, #tpu.memory_space<vmem>> -> memref<1x80xi32, #tpu.memory_space<vmem>>
      %dma_start3A_129 = tpu.memref_squeeze %dma_start3A_128 : memref<1x80xi32, #tpu.memory_space<vmem>> -> memref<80xi32, #tpu.memory_space<vmem>>
      %dma_start3A_130 = tpu.memref_slice %arg3[%multiple_of3A_125] : memref<327680xi32, #tpu.memory_space<hbm>> -> memref<80xi32, #tpu.memory_space<hbm>>
      %dma_start3A_131 = arith.constant 0 : i32
      %dma_start3A_132 = tpu.memref_slice %arg13[%dma_start3A_126, %dma_start3A_131] : memref<8x80xi32, #tpu.memory_space<vmem>> -> memref<1x80xi32, #tpu.memory_space<vmem>>
      %dma_start3A_133 = tpu.memref_squeeze %dma_start3A_132 : memref<1x80xi32, #tpu.memory_space<vmem>> -> memref<80xi32, #tpu.memory_space<vmem>>
      %dma_start3A_134 = tpu.memref_slice %arg3[%multiple_of3A_125] : memref<327680xi32, #tpu.memory_space<hbm>> -> memref<80xi32, #tpu.memory_space<hbm>>
      tpu.enqueue_dma source(%dma_start3A_134 : memref<80xi32, #tpu.memory_space<hbm>>) target(%dma_start3A_133 : memref<80xi32, #tpu.memory_space<vmem>>) target_semaphore(%arg18 : memref<!tpu.dma_semaphore, #tpu.memory_space<semaphore_mem>>)
      %dma_start3A_135 = arith.constant 5 : i32
      %dma_start3A_136 = arith.constant 0 : i32
      %dma_start3A_137 = tpu.memref_slice %arg14[%dma_start3A_135, %dma_start3A_136] : memref<8x80xi32, #tpu.memory_space<vmem>> -> memref<1x80xi32, #tpu.memory_space<vmem>>
      %dma_start3A_138 = tpu.memref_squeeze %dma_start3A_137 : memref<1x80xi32, #tpu.memory_space<vmem>> -> memref<80xi32, #tpu.memory_space<vmem>>
      %dma_start3A_139 = tpu.memref_slice %arg4[%multiple_of3A_125] : memref<327680xi32, #tpu.memory_space<hbm>> -> memref<80xi32, #tpu.memory_space<hbm>>
      %dma_start3A_140 = arith.constant 0 : i32
      %dma_start3A_141 = tpu.memref_slice %arg14[%dma_start3A_135, %dma_start3A_140] : memref<8x80xi32, #tpu.memory_space<vmem>> -> memref<1x80xi32, #tpu.memory_space<vmem>>
      %dma_start3A_142 = tpu.memref_squeeze %dma_start3A_141 : memref<1x80xi32, #tpu.memory_space<vmem>> -> memref<80xi32, #tpu.memory_space<vmem>>
      %dma_start3A_143 = tpu.memref_slice %arg4[%multiple_of3A_125] : memref<327680xi32, #tpu.memory_space<hbm>> -> memref<80xi32, #tpu.memory_space<hbm>>
      tpu.enqueue_dma source(%dma_start3A_143 : memref<80xi32, #tpu.memory_space<hbm>>) target(%dma_start3A_142 : memref<80xi32, #tpu.memory_space<vmem>>) target_semaphore(%arg19 : memref<!tpu.dma_semaphore, #tpu.memory_space<semaphore_mem>>)
      %add3A_144 = arith.constant 480 : i32
      %add3A_145 = arith.addi %multiple_of3A, %add3A_144 : i32
      %multiple_of3A_146 = tpu.assume_multiple %add3A_145, 8 : i32
      %dma_start3A_147 = arith.constant 6 : i32
      %dma_start3A_148 = arith.constant 0 : i32
      %dma_start3A_149 = tpu.memref_slice %arg13[%dma_start3A_147, %dma_start3A_148] : memref<8x80xi32, #tpu.memory_space<vmem>> -> memref<1x80xi32, #tpu.memory_space<vmem>>
      %dma_start3A_150 = tpu.memref_squeeze %dma_start3A_149 : memref<1x80xi32, #tpu.memory_space<vmem>> -> memref<80xi32, #tpu.memory_space<vmem>>
      %dma_start3A_151 = tpu.memref_slice %arg3[%multiple_of3A_146] : memref<327680xi32, #tpu.memory_space<hbm>> -> memref<80xi32, #tpu.memory_space<hbm>>
      %dma_start3A_152 = arith.constant 0 : i32
      %dma_start3A_153 = tpu.memref_slice %arg13[%dma_start3A_147, %dma_start3A_152] : memref<8x80xi32, #tpu.memory_space<vmem>> -> memref<1x80xi32, #tpu.memory_space<vmem>>
      %dma_start3A_154 = tpu.memref_squeeze %dma_start3A_153 : memref<1x80xi32, #tpu.memory_space<vmem>> -> memref<80xi32, #tpu.memory_space<vmem>>
      %dma_start3A_155 = tpu.memref_slice %arg3[%multiple_of3A_146] : memref<327680xi32, #tpu.memory_space<hbm>> -> memref<80xi32, #tpu.memory_space<hbm>>
      tpu.enqueue_dma source(%dma_start3A_155 : memref<80xi32, #tpu.memory_space<hbm>>) target(%dma_start3A_154 : memref<80xi32, #tpu.memory_space<vmem>>) target_semaphore(%arg18 : memref<!tpu.dma_semaphore, #tpu.memory_space<semaphore_mem>>)
      %dma_start3A_156 = arith.constant 6 : i32
      %dma_start3A_157 = arith.constant 0 : i32
      %dma_start3A_158 = tpu.memref_slice %arg14[%dma_start3A_156, %dma_start3A_157] : memref<8x80xi32, #tpu.memory_space<vmem>> -> memref<1x80xi32, #tpu.memory_space<vmem>>
      %dma_start3A_159 = tpu.memref_squeeze %dma_start3A_158 : memref<1x80xi32, #tpu.memory_space<vmem>> -> memref<80xi32, #tpu.memory_space<vmem>>
      %dma_start3A_160 = tpu.memref_slice %arg4[%multiple_of3A_146] : memref<327680xi32, #tpu.memory_space<hbm>> -> memref<80xi32, #tpu.memory_space<hbm>>
      %dma_start3A_161 = arith.constant 0 : i32
      %dma_start3A_162 = tpu.memref_slice %arg14[%dma_start3A_156, %dma_start3A_161] : memref<8x80xi32, #tpu.memory_space<vmem>> -> memref<1x80xi32, #tpu.memory_space<vmem>>
      %dma_start3A_163 = tpu.memref_squeeze %dma_start3A_162 : memref<1x80xi32, #tpu.memory_space<vmem>> -> memref<80xi32, #tpu.memory_space<vmem>>
      %dma_start3A_164 = tpu.memref_slice %arg4[%multiple_of3A_146] : memref<327680xi32, #tpu.memory_space<hbm>> -> memref<80xi32, #tpu.memory_space<hbm>>
      tpu.enqueue_dma source(%dma_start3A_164 : memref<80xi32, #tpu.memory_space<hbm>>) target(%dma_start3A_163 : memref<80xi32, #tpu.memory_space<vmem>>) target_semaphore(%arg19 : memref<!tpu.dma_semaphore, #tpu.memory_space<semaphore_mem>>)
      %add3A_165 = arith.constant 560 : i32
      %add3A_166 = arith.addi %multiple_of3A, %add3A_165 : i32
      %multiple_of3A_167 = tpu.assume_multiple %add3A_166, 8 : i32
      %dma_start3A_168 = arith.constant 7 : i32
      %dma_start3A_169 = arith.constant 0 : i32
      %dma_start3A_170 = tpu.memref_slice %arg13[%dma_start3A_168, %dma_start3A_169] : memref<8x80xi32, #tpu.memory_space<vmem>> -> memref<1x80xi32, #tpu.memory_space<vmem>>
      %dma_start3A_171 = tpu.memref_squeeze %dma_start3A_170 : memref<1x80xi32, #tpu.memory_space<vmem>> -> memref<80xi32, #tpu.memory_space<vmem>>
      %dma_start3A_172 = tpu.memref_slice %arg3[%multiple_of3A_167] : memref<327680xi32, #tpu.memory_space<hbm>> -> memref<80xi32, #tpu.memory_space<hbm>>
      %dma_start3A_173 = arith.constant 0 : i32
      %dma_start3A_174 = tpu.memref_slice %arg13[%dma_start3A_168, %dma_start3A_173] : memref<8x80xi32, #tpu.memory_space<vmem>> -> memref<1x80xi32, #tpu.memory_space<vmem>>
      %dma_start3A_175 = tpu.memref_squeeze %dma_start3A_174 : memref<1x80xi32, #tpu.memory_space<vmem>> -> memref<80xi32, #tpu.memory_space<vmem>>
      %dma_start3A_176 = tpu.memref_slice %arg3[%multiple_of3A_167] : memref<327680xi32, #tpu.memory_space<hbm>> -> memref<80xi32, #tpu.memory_space<hbm>>
      tpu.enqueue_dma source(%dma_start3A_176 : memref<80xi32, #tpu.memory_space<hbm>>) target(%dma_start3A_175 : memref<80xi32, #tpu.memory_space<vmem>>) target_semaphore(%arg18 : memref<!tpu.dma_semaphore, #tpu.memory_space<semaphore_mem>>)
      %dma_start3A_177 = arith.constant 7 : i32
      %dma_start3A_178 = arith.constant 0 : i32
      %dma_start3A_179 = tpu.memref_slice %arg14[%dma_start3A_177, %dma_start3A_178] : memref<8x80xi32, #tpu.memory_space<vmem>> -> memref<1x80xi32, #tpu.memory_space<vmem>>
      %dma_start3A_180 = tpu.memref_squeeze %dma_start3A_179 : memref<1x80xi32, #tpu.memory_space<vmem>> -> memref<80xi32, #tpu.memory_space<vmem>>
      %dma_start3A_181 = tpu.memref_slice %arg4[%multiple_of3A_167] : memref<327680xi32, #tpu.memory_space<hbm>> -> memref<80xi32, #tpu.memory_space<hbm>>
      %dma_start3A_182 = arith.constant 0 : i32
      %dma_start3A_183 = tpu.memref_slice %arg14[%dma_start3A_177, %dma_start3A_182] : memref<8x80xi32, #tpu.memory_space<vmem>> -> memref<1x80xi32, #tpu.memory_space<vmem>>
      %dma_start3A_184 = tpu.memref_squeeze %dma_start3A_183 : memref<1x80xi32, #tpu.memory_space<vmem>> -> memref<80xi32, #tpu.memory_space<vmem>>
      %dma_start3A_185 = tpu.memref_slice %arg4[%multiple_of3A_167] : memref<327680xi32, #tpu.memory_space<hbm>> -> memref<80xi32, #tpu.memory_space<hbm>>
      tpu.enqueue_dma source(%dma_start3A_185 : memref<80xi32, #tpu.memory_space<hbm>>) target(%dma_start3A_184 : memref<80xi32, #tpu.memory_space<vmem>>) target_semaphore(%arg19 : memref<!tpu.dma_semaphore, #tpu.memory_space<semaphore_mem>>)
      %dma_wait3A = arith.constant 0 : i32
      %dma_wait3A_186 = arith.constant 0 : i32
      %dma_wait3A_187 = tpu.memref_slice %arg13[%dma_wait3A, %dma_wait3A_186] : memref<8x80xi32, #tpu.memory_space<vmem>> -> memref<1x80xi32, #tpu.memory_space<vmem>>
      %dma_wait3A_188 = tpu.memref_squeeze %dma_wait3A_187 : memref<1x80xi32, #tpu.memory_space<vmem>> -> memref<80xi32, #tpu.memory_space<vmem>>
      %dma_wait3A_189 = tpu.memref_slice %arg3[%multiple_of3A_21] : memref<327680xi32, #tpu.memory_space<hbm>> -> memref<80xi32, #tpu.memory_space<hbm>>
      %dma_wait3A_190 = arith.constant 0 : i32
      %dma_wait3A_191 = tpu.memref_slice %arg13[%dma_wait3A, %dma_wait3A_190] : memref<8x80xi32, #tpu.memory_space<vmem>> -> memref<1x80xi32, #tpu.memory_space<vmem>>
      %dma_wait3A_192 = tpu.memref_squeeze %dma_wait3A_191 : memref<1x80xi32, #tpu.memory_space<vmem>> -> memref<80xi32, #tpu.memory_space<vmem>>
      %dma_wait3A_193 = tpu.memref_slice %arg3[%multiple_of3A_21] : memref<327680xi32, #tpu.memory_space<hbm>> -> memref<80xi32, #tpu.memory_space<hbm>>
      tpu.wait_dma2 semaphore(%arg18 : memref<!tpu.dma_semaphore, #tpu.memory_space<semaphore_mem>>) src(%dma_wait3A_193 : memref<80xi32, #tpu.memory_space<hbm>>) dst(%dma_wait3A_192 : memref<80xi32, #tpu.memory_space<vmem>>)
      %dma_wait3A_194 = arith.constant 0 : i32
      %dma_wait3A_195 = arith.constant 0 : i32
      %dma_wait3A_196 = tpu.memref_slice %arg14[%dma_wait3A_194, %dma_wait3A_195] : memref<8x80xi32, #tpu.memory_space<vmem>> -> memref<1x80xi32, #tpu.memory_space<vmem>>
      %dma_wait3A_197 = tpu.memref_squeeze %dma_wait3A_196 : memref<1x80xi32, #tpu.memory_space<vmem>> -> memref<80xi32, #tpu.memory_space<vmem>>
      %dma_wait3A_198 = tpu.memref_slice %arg4[%multiple_of3A_21] : memref<327680xi32, #tpu.memory_space<hbm>> -> memref<80xi32, #tpu.memory_space<hbm>>
      %dma_wait3A_199 = arith.constant 0 : i32
      %dma_wait3A_200 = tpu.memref_slice %arg14[%dma_wait3A_194, %dma_wait3A_199] : memref<8x80xi32, #tpu.memory_space<vmem>> -> memref<1x80xi32, #tpu.memory_space<vmem>>
      %dma_wait3A_201 = tpu.memref_squeeze %dma_wait3A_200 : memref<1x80xi32, #tpu.memory_space<vmem>> -> memref<80xi32, #tpu.memory_space<vmem>>
      %dma_wait3A_202 = tpu.memref_slice %arg4[%multiple_of3A_21] : memref<327680xi32, #tpu.memory_space<hbm>> -> memref<80xi32, #tpu.memory_space<hbm>>
      tpu.wait_dma2 semaphore(%arg19 : memref<!tpu.dma_semaphore, #tpu.memory_space<semaphore_mem>>) src(%dma_wait3A_202 : memref<80xi32, #tpu.memory_space<hbm>>) dst(%dma_wait3A_201 : memref<80xi32, #tpu.memory_space<vmem>>)
      %dma_wait3A_203 = arith.constant 1 : i32
      %dma_wait3A_204 = arith.constant 0 : i32
      %dma_wait3A_205 = tpu.memref_slice %arg13[%dma_wait3A_203, %dma_wait3A_204] : memref<8x80xi32, #tpu.memory_space<vmem>> -> memref<1x80xi32, #tpu.memory_space<vmem>>
      %dma_wait3A_206 = tpu.memref_squeeze %dma_wait3A_205 : memref<1x80xi32, #tpu.memory_space<vmem>> -> memref<80xi32, #tpu.memory_space<vmem>>
      %dma_wait3A_207 = tpu.memref_slice %arg3[%multiple_of3A_41] : memref<327680xi32, #tpu.memory_space<hbm>> -> memref<80xi32, #tpu.memory_space<hbm>>
      %dma_wait3A_208 = arith.constant 0 : i32
      %dma_wait3A_209 = tpu.memref_slice %arg13[%dma_wait3A_203, %dma_wait3A_208] : memref<8x80xi32, #tpu.memory_space<vmem>> -> memref<1x80xi32, #tpu.memory_space<vmem>>
      %dma_wait3A_210 = tpu.memref_squeeze %dma_wait3A_209 : memref<1x80xi32, #tpu.memory_space<vmem>> -> memref<80xi32, #tpu.memory_space<vmem>>
      %dma_wait3A_211 = tpu.memref_slice %arg3[%multiple_of3A_41] : memref<327680xi32, #tpu.memory_space<hbm>> -> memref<80xi32, #tpu.memory_space<hbm>>
      tpu.wait_dma2 semaphore(%arg18 : memref<!tpu.dma_semaphore, #tpu.memory_space<semaphore_mem>>) src(%dma_wait3A_211 : memref<80xi32, #tpu.memory_space<hbm>>) dst(%dma_wait3A_210 : memref<80xi32, #tpu.memory_space<vmem>>)
      %dma_wait3A_212 = arith.constant 1 : i32
      %dma_wait3A_213 = arith.constant 0 : i32
      %dma_wait3A_214 = tpu.memref_slice %arg14[%dma_wait3A_212, %dma_wait3A_213] : memref<8x80xi32, #tpu.memory_space<vmem>> -> memref<1x80xi32, #tpu.memory_space<vmem>>
      %dma_wait3A_215 = tpu.memref_squeeze %dma_wait3A_214 : memref<1x80xi32, #tpu.memory_space<vmem>> -> memref<80xi32, #tpu.memory_space<vmem>>
      %dma_wait3A_216 = tpu.memref_slice %arg4[%multiple_of3A_41] : memref<327680xi32, #tpu.memory_space<hbm>> -> memref<80xi32, #tpu.memory_space<hbm>>
      %dma_wait3A_217 = arith.constant 0 : i32
      %dma_wait3A_218 = tpu.memref_slice %arg14[%dma_wait3A_212, %dma_wait3A_217] : memref<8x80xi32, #tpu.memory_space<vmem>> -> memref<1x80xi32, #tpu.memory_space<vmem>>
      %dma_wait3A_219 = tpu.memref_squeeze %dma_wait3A_218 : memref<1x80xi32, #tpu.memory_space<vmem>> -> memref<80xi32, #tpu.memory_space<vmem>>
      %dma_wait3A_220 = tpu.memref_slice %arg4[%multiple_of3A_41] : memref<327680xi32, #tpu.memory_space<hbm>> -> memref<80xi32, #tpu.memory_space<hbm>>
      tpu.wait_dma2 semaphore(%arg19 : memref<!tpu.dma_semaphore, #tpu.memory_space<semaphore_mem>>) src(%dma_wait3A_220 : memref<80xi32, #tpu.memory_space<hbm>>) dst(%dma_wait3A_219 : memref<80xi32, #tpu.memory_space<vmem>>)
      %dma_wait3A_221 = arith.constant 2 : i32
      %dma_wait3A_222 = arith.constant 0 : i32
      %dma_wait3A_223 = tpu.memref_slice %arg13[%dma_wait3A_221, %dma_wait3A_222] : memref<8x80xi32, #tpu.memory_space<vmem>> -> memref<1x80xi32, #tpu.memory_space<vmem>>
      %dma_wait3A_224 = tpu.memref_squeeze %dma_wait3A_223 : memref<1x80xi32, #tpu.memory_space<vmem>> -> memref<80xi32, #tpu.memory_space<vmem>>
      %dma_wait3A_225 = tpu.memref_slice %arg3[%multiple_of3A_62] : memref<327680xi32, #tpu.memory_space<hbm>> -> memref<80xi32, #tpu.memory_space<hbm>>
      %dma_wait3A_226 = arith.constant 0 : i32
      %dma_wait3A_227 = tpu.memref_slice %arg13[%dma_wait3A_221, %dma_wait3A_226] : memref<8x80xi32, #tpu.memory_space<vmem>> -> memref<1x80xi32, #tpu.memory_space<vmem>>
      %dma_wait3A_228 = tpu.memref_squeeze %dma_wait3A_227 : memref<1x80xi32, #tpu.memory_space<vmem>> -> memref<80xi32, #tpu.memory_space<vmem>>
      %dma_wait3A_229 = tpu.memref_slice %arg3[%multiple_of3A_62] : memref<327680xi32, #tpu.memory_space<hbm>> -> memref<80xi32, #tpu.memory_space<hbm>>
      tpu.wait_dma2 semaphore(%arg18 : memref<!tpu.dma_semaphore, #tpu.memory_space<semaphore_mem>>) src(%dma_wait3A_229 : memref<80xi32, #tpu.memory_space<hbm>>) dst(%dma_wait3A_228 : memref<80xi32, #tpu.memory_space<vmem>>)
      %dma_wait3A_230 = arith.constant 2 : i32
      %dma_wait3A_231 = arith.constant 0 : i32
      %dma_wait3A_232 = tpu.memref_slice %arg14[%dma_wait3A_230, %dma_wait3A_231] : memref<8x80xi32, #tpu.memory_space<vmem>> -> memref<1x80xi32, #tpu.memory_space<vmem>>
      %dma_wait3A_233 = tpu.memref_squeeze %dma_wait3A_232 : memref<1x80xi32, #tpu.memory_space<vmem>> -> memref<80xi32, #tpu.memory_space<vmem>>
      %dma_wait3A_234 = tpu.memref_slice %arg4[%multiple_of3A_62] : memref<327680xi32, #tpu.memory_space<hbm>> -> memref<80xi32, #tpu.memory_space<hbm>>
      %dma_wait3A_235 = arith.constant 0 : i32
      %dma_wait3A_236 = tpu.memref_slice %arg14[%dma_wait3A_230, %dma_wait3A_235] : memref<8x80xi32, #tpu.memory_space<vmem>> -> memref<1x80xi32, #tpu.memory_space<vmem>>
      %dma_wait3A_237 = tpu.memref_squeeze %dma_wait3A_236 : memref<1x80xi32, #tpu.memory_space<vmem>> -> memref<80xi32, #tpu.memory_space<vmem>>
      %dma_wait3A_238 = tpu.memref_slice %arg4[%multiple_of3A_62] : memref<327680xi32, #tpu.memory_space<hbm>> -> memref<80xi32, #tpu.memory_space<hbm>>
      tpu.wait_dma2 semaphore(%arg19 : memref<!tpu.dma_semaphore, #tpu.memory_space<semaphore_mem>>) src(%dma_wait3A_238 : memref<80xi32, #tpu.memory_space<hbm>>) dst(%dma_wait3A_237 : memref<80xi32, #tpu.memory_space<vmem>>)
      %dma_wait3A_239 = arith.constant 3 : i32
      %dma_wait3A_240 = arith.constant 0 : i32
      %dma_wait3A_241 = tpu.memref_slice %arg13[%dma_wait3A_239, %dma_wait3A_240] : memref<8x80xi32, #tpu.memory_space<vmem>> -> memref<1x80xi32, #tpu.memory_space<vmem>>
      %dma_wait3A_242 = tpu.memref_squeeze %dma_wait3A_241 : memref<1x80xi32, #tpu.memory_space<vmem>> -> memref<80xi32, #tpu.memory_space<vmem>>
      %dma_wait3A_243 = tpu.memref_slice %arg3[%multiple_of3A_83] : memref<327680xi32, #tpu.memory_space<hbm>> -> memref<80xi32, #tpu.memory_space<hbm>>
      %dma_wait3A_244 = arith.constant 0 : i32
      %dma_wait3A_245 = tpu.memref_slice %arg13[%dma_wait3A_239, %dma_wait3A_244] : memref<8x80xi32, #tpu.memory_space<vmem>> -> memref<1x80xi32, #tpu.memory_space<vmem>>
      %dma_wait3A_246 = tpu.memref_squeeze %dma_wait3A_245 : memref<1x80xi32, #tpu.memory_space<vmem>> -> memref<80xi32, #tpu.memory_space<vmem>>
      %dma_wait3A_247 = tpu.memref_slice %arg3[%multiple_of3A_83] : memref<327680xi32, #tpu.memory_space<hbm>> -> memref<80xi32, #tpu.memory_space<hbm>>
      tpu.wait_dma2 semaphore(%arg18 : memref<!tpu.dma_semaphore, #tpu.memory_space<semaphore_mem>>) src(%dma_wait3A_247 : memref<80xi32, #tpu.memory_space<hbm>>) dst(%dma_wait3A_246 : memref<80xi32, #tpu.memory_space<vmem>>)
      %dma_wait3A_248 = arith.constant 3 : i32
      %dma_wait3A_249 = arith.constant 0 : i32
      %dma_wait3A_250 = tpu.memref_slice %arg14[%dma_wait3A_248, %dma_wait3A_249] : memref<8x80xi32, #tpu.memory_space<vmem>> -> memref<1x80xi32, #tpu.memory_space<vmem>>
      %dma_wait3A_251 = tpu.memref_squeeze %dma_wait3A_250 : memref<1x80xi32, #tpu.memory_space<vmem>> -> memref<80xi32, #tpu.memory_space<vmem>>
      %dma_wait3A_252 = tpu.memref_slice %arg4[%multiple_of3A_83] : memref<327680xi32, #tpu.memory_space<hbm>> -> memref<80xi32, #tpu.memory_space<hbm>>
      %dma_wait3A_253 = arith.constant 0 : i32
      %dma_wait3A_254 = tpu.memref_slice %arg14[%dma_wait3A_248, %dma_wait3A_253] : memref<8x80xi32, #tpu.memory_space<vmem>> -> memref<1x80xi32, #tpu.memory_space<vmem>>
      %dma_wait3A_255 = tpu.memref_squeeze %dma_wait3A_254 : memref<1x80xi32, #tpu.memory_space<vmem>> -> memref<80xi32, #tpu.memory_space<vmem>>
      %dma_wait3A_256 = tpu.memref_slice %arg4[%multiple_of3A_83] : memref<327680xi32, #tpu.memory_space<hbm>> -> memref<80xi32, #tpu.memory_space<hbm>>
      tpu.wait_dma2 semaphore(%arg19 : memref<!tpu.dma_semaphore, #tpu.memory_space<semaphore_mem>>) src(%dma_wait3A_256 : memref<80xi32, #tpu.memory_space<hbm>>) dst(%dma_wait3A_255 : memref<80xi32, #tpu.memory_space<vmem>>)
      %dma_wait3A_257 = arith.constant 4 : i32
      %dma_wait3A_258 = arith.constant 0 : i32
      %dma_wait3A_259 = tpu.memref_slice %arg13[%dma_wait3A_257, %dma_wait3A_258] : memref<8x80xi32, #tpu.memory_space<vmem>> -> memref<1x80xi32, #tpu.memory_space<vmem>>
      %dma_wait3A_260 = tpu.memref_squeeze %dma_wait3A_259 : memref<1x80xi32, #tpu.memory_space<vmem>> -> memref<80xi32, #tpu.memory_space<vmem>>
      %dma_wait3A_261 = tpu.memref_slice %arg3[%multiple_of3A_104] : memref<327680xi32, #tpu.memory_space<hbm>> -> memref<80xi32, #tpu.memory_space<hbm>>
      %dma_wait3A_262 = arith.constant 0 : i32
      %dma_wait3A_263 = tpu.memref_slice %arg13[%dma_wait3A_257, %dma_wait3A_262] : memref<8x80xi32, #tpu.memory_space<vmem>> -> memref<1x80xi32, #tpu.memory_space<vmem>>
      %dma_wait3A_264 = tpu.memref_squeeze %dma_wait3A_263 : memref<1x80xi32, #tpu.memory_space<vmem>> -> memref<80xi32, #tpu.memory_space<vmem>>
      %dma_wait3A_265 = tpu.memref_slice %arg3[%multiple_of3A_104] : memref<327680xi32, #tpu.memory_space<hbm>> -> memref<80xi32, #tpu.memory_space<hbm>>
      tpu.wait_dma2 semaphore(%arg18 : memref<!tpu.dma_semaphore, #tpu.memory_space<semaphore_mem>>) src(%dma_wait3A_265 : memref<80xi32, #tpu.memory_space<hbm>>) dst(%dma_wait3A_264 : memref<80xi32, #tpu.memory_space<vmem>>)
      %dma_wait3A_266 = arith.constant 4 : i32
      %dma_wait3A_267 = arith.constant 0 : i32
      %dma_wait3A_268 = tpu.memref_slice %arg14[%dma_wait3A_266, %dma_wait3A_267] : memref<8x80xi32, #tpu.memory_space<vmem>> -> memref<1x80xi32, #tpu.memory_space<vmem>>
      %dma_wait3A_269 = tpu.memref_squeeze %dma_wait3A_268 : memref<1x80xi32, #tpu.memory_space<vmem>> -> memref<80xi32, #tpu.memory_space<vmem>>
      %dma_wait3A_270 = tpu.memref_slice %arg4[%multiple_of3A_104] : memref<327680xi32, #tpu.memory_space<hbm>> -> memref<80xi32, #tpu.memory_space<hbm>>
      %dma_wait3A_271 = arith.constant 0 : i32
      %dma_wait3A_272 = tpu.memref_slice %arg14[%dma_wait3A_266, %dma_wait3A_271] : memref<8x80xi32, #tpu.memory_space<vmem>> -> memref<1x80xi32, #tpu.memory_space<vmem>>
      %dma_wait3A_273 = tpu.memref_squeeze %dma_wait3A_272 : memref<1x80xi32, #tpu.memory_space<vmem>> -> memref<80xi32, #tpu.memory_space<vmem>>
      %dma_wait3A_274 = tpu.memref_slice %arg4[%multiple_of3A_104] : memref<327680xi32, #tpu.memory_space<hbm>> -> memref<80xi32, #tpu.memory_space<hbm>>
      tpu.wait_dma2 semaphore(%arg19 : memref<!tpu.dma_semaphore, #tpu.memory_space<semaphore_mem>>) src(%dma_wait3A_274 : memref<80xi32, #tpu.memory_space<hbm>>) dst(%dma_wait3A_273 : memref<80xi32, #tpu.memory_space<vmem>>)
      %dma_wait3A_275 = arith.constant 5 : i32
      %dma_wait3A_276 = arith.constant 0 : i32
      %dma_wait3A_277 = tpu.memref_slice %arg13[%dma_wait3A_275, %dma_wait3A_276] : memref<8x80xi32, #tpu.memory_space<vmem>> -> memref<1x80xi32, #tpu.memory_space<vmem>>
      %dma_wait3A_278 = tpu.memref_squeeze %dma_wait3A_277 : memref<1x80xi32, #tpu.memory_space<vmem>> -> memref<80xi32, #tpu.memory_space<vmem>>
      %dma_wait3A_279 = tpu.memref_slice %arg3[%multiple_of3A_125] : memref<327680xi32, #tpu.memory_space<hbm>> -> memref<80xi32, #tpu.memory_space<hbm>>
      %dma_wait3A_280 = arith.constant 0 : i32
      %dma_wait3A_281 = tpu.memref_slice %arg13[%dma_wait3A_275, %dma_wait3A_280] : memref<8x80xi32, #tpu.memory_space<vmem>> -> memref<1x80xi32, #tpu.memory_space<vmem>>
      %dma_wait3A_282 = tpu.memref_squeeze %dma_wait3A_281 : memref<1x80xi32, #tpu.memory_space<vmem>> -> memref<80xi32, #tpu.memory_space<vmem>>
      %dma_wait3A_283 = tpu.memref_slice %arg3[%multiple_of3A_125] : memref<327680xi32, #tpu.memory_space<hbm>> -> memref<80xi32, #tpu.memory_space<hbm>>
      tpu.wait_dma2 semaphore(%arg18 : memref<!tpu.dma_semaphore, #tpu.memory_space<semaphore_mem>>) src(%dma_wait3A_283 : memref<80xi32, #tpu.memory_space<hbm>>) dst(%dma_wait3A_282 : memref<80xi32, #tpu.memory_space<vmem>>)
      %dma_wait3A_284 = arith.constant 5 : i32
      %dma_wait3A_285 = arith.constant 0 : i32
      %dma_wait3A_286 = tpu.memref_slice %arg14[%dma_wait3A_284, %dma_wait3A_285] : memref<8x80xi32, #tpu.memory_space<vmem>> -> memref<1x80xi32, #tpu.memory_space<vmem>>
      %dma_wait3A_287 = tpu.memref_squeeze %dma_wait3A_286 : memref<1x80xi32, #tpu.memory_space<vmem>> -> memref<80xi32, #tpu.memory_space<vmem>>
      %dma_wait3A_288 = tpu.memref_slice %arg4[%multiple_of3A_125] : memref<327680xi32, #tpu.memory_space<hbm>> -> memref<80xi32, #tpu.memory_space<hbm>>
      %dma_wait3A_289 = arith.constant 0 : i32
      %dma_wait3A_290 = tpu.memref_slice %arg14[%dma_wait3A_284, %dma_wait3A_289] : memref<8x80xi32, #tpu.memory_space<vmem>> -> memref<1x80xi32, #tpu.memory_space<vmem>>
      %dma_wait3A_291 = tpu.memref_squeeze %dma_wait3A_290 : memref<1x80xi32, #tpu.memory_space<vmem>> -> memref<80xi32, #tpu.memory_space<vmem>>
      %dma_wait3A_292 = tpu.memref_slice %arg4[%multiple_of3A_125] : memref<327680xi32, #tpu.memory_space<hbm>> -> memref<80xi32, #tpu.memory_space<hbm>>
      tpu.wait_dma2 semaphore(%arg19 : memref<!tpu.dma_semaphore, #tpu.memory_space<semaphore_mem>>) src(%dma_wait3A_292 : memref<80xi32, #tpu.memory_space<hbm>>) dst(%dma_wait3A_291 : memref<80xi32, #tpu.memory_space<vmem>>)
      %dma_wait3A_293 = arith.constant 6 : i32
      %dma_wait3A_294 = arith.constant 0 : i32
      %dma_wait3A_295 = tpu.memref_slice %arg13[%dma_wait3A_293, %dma_wait3A_294] : memref<8x80xi32, #tpu.memory_space<vmem>> -> memref<1x80xi32, #tpu.memory_space<vmem>>
      %dma_wait3A_296 = tpu.memref_squeeze %dma_wait3A_295 : memref<1x80xi32, #tpu.memory_space<vmem>> -> memref<80xi32, #tpu.memory_space<vmem>>
      %dma_wait3A_297 = tpu.memref_slice %arg3[%multiple_of3A_146] : memref<327680xi32, #tpu.memory_space<hbm>> -> memref<80xi32, #tpu.memory_space<hbm>>
      %dma_wait3A_298 = arith.constant 0 : i32
      %dma_wait3A_299 = tpu.memref_slice %arg13[%dma_wait3A_293, %dma_wait3A_298] : memref<8x80xi32, #tpu.memory_space<vmem>> -> memref<1x80xi32, #tpu.memory_space<vmem>>
      %dma_wait3A_300 = tpu.memref_squeeze %dma_wait3A_299 : memref<1x80xi32, #tpu.memory_space<vmem>> -> memref<80xi32, #tpu.memory_space<vmem>>
      %dma_wait3A_301 = tpu.memref_slice %arg3[%multiple_of3A_146] : memref<327680xi32, #tpu.memory_space<hbm>> -> memref<80xi32, #tpu.memory_space<hbm>>
      tpu.wait_dma2 semaphore(%arg18 : memref<!tpu.dma_semaphore, #tpu.memory_space<semaphore_mem>>) src(%dma_wait3A_301 : memref<80xi32, #tpu.memory_space<hbm>>) dst(%dma_wait3A_300 : memref<80xi32, #tpu.memory_space<vmem>>)
      %dma_wait3A_302 = arith.constant 6 : i32
      %dma_wait3A_303 = arith.constant 0 : i32
      %dma_wait3A_304 = tpu.memref_slice %arg14[%dma_wait3A_302, %dma_wait3A_303] : memref<8x80xi32, #tpu.memory_space<vmem>> -> memref<1x80xi32, #tpu.memory_space<vmem>>
      %dma_wait3A_305 = tpu.memref_squeeze %dma_wait3A_304 : memref<1x80xi32, #tpu.memory_space<vmem>> -> memref<80xi32, #tpu.memory_space<vmem>>
      %dma_wait3A_306 = tpu.memref_slice %arg4[%multiple_of3A_146] : memref<327680xi32, #tpu.memory_space<hbm>> -> memref<80xi32, #tpu.memory_space<hbm>>
      %dma_wait3A_307 = arith.constant 0 : i32
      %dma_wait3A_308 = tpu.memref_slice %arg14[%dma_wait3A_302, %dma_wait3A_307] : memref<8x80xi32, #tpu.memory_space<vmem>> -> memref<1x80xi32, #tpu.memory_space<vmem>>
      %dma_wait3A_309 = tpu.memref_squeeze %dma_wait3A_308 : memref<1x80xi32, #tpu.memory_space<vmem>> -> memref<80xi32, #tpu.memory_space<vmem>>
      %dma_wait3A_310 = tpu.memref_slice %arg4[%multiple_of3A_146] : memref<327680xi32, #tpu.memory_space<hbm>> -> memref<80xi32, #tpu.memory_space<hbm>>
      tpu.wait_dma2 semaphore(%arg19 : memref<!tpu.dma_semaphore, #tpu.memory_space<semaphore_mem>>) src(%dma_wait3A_310 : memref<80xi32, #tpu.memory_space<hbm>>) dst(%dma_wait3A_309 : memref<80xi32, #tpu.memory_space<vmem>>)
      %dma_wait3A_311 = arith.constant 7 : i32
      %dma_wait3A_312 = arith.constant 0 : i32
      %dma_wait3A_313 = tpu.memref_slice %arg13[%dma_wait3A_311, %dma_wait3A_312] : memref<8x80xi32, #tpu.memory_space<vmem>> -> memref<1x80xi32, #tpu.memory_space<vmem>>
      %dma_wait3A_314 = tpu.memref_squeeze %dma_wait3A_313 : memref<1x80xi32, #tpu.memory_space<vmem>> -> memref<80xi32, #tpu.memory_space<vmem>>
      %dma_wait3A_315 = tpu.memref_slice %arg3[%multiple_of3A_167] : memref<327680xi32, #tpu.memory_space<hbm>> -> memref<80xi32, #tpu.memory_space<hbm>>
      %dma_wait3A_316 = arith.constant 0 : i32
      %dma_wait3A_317 = tpu.memref_slice %arg13[%dma_wait3A_311, %dma_wait3A_316] : memref<8x80xi32, #tpu.memory_space<vmem>> -> memref<1x80xi32, #tpu.memory_space<vmem>>
      %dma_wait3A_318 = tpu.memref_squeeze %dma_wait3A_317 : memref<1x80xi32, #tpu.memory_space<vmem>> -> memref<80xi32, #tpu.memory_space<vmem>>
      %dma_wait3A_319 = tpu.memref_slice %arg3[%multiple_of3A_167] : memref<327680xi32, #tpu.memory_space<hbm>> -> memref<80xi32, #tpu.memory_space<hbm>>
      tpu.wait_dma2 semaphore(%arg18 : memref<!tpu.dma_semaphore, #tpu.memory_space<semaphore_mem>>) src(%dma_wait3A_319 : memref<80xi32, #tpu.memory_space<hbm>>) dst(%dma_wait3A_318 : memref<80xi32, #tpu.memory_space<vmem>>)
      %dma_wait3A_320 = arith.constant 7 : i32
      %dma_wait3A_321 = arith.constant 0 : i32
      %dma_wait3A_322 = tpu.memref_slice %arg14[%dma_wait3A_320, %dma_wait3A_321] : memref<8x80xi32, #tpu.memory_space<vmem>> -> memref<1x80xi32, #tpu.memory_space<vmem>>
      %dma_wait3A_323 = tpu.memref_squeeze %dma_wait3A_322 : memref<1x80xi32, #tpu.memory_space<vmem>> -> memref<80xi32, #tpu.memory_space<vmem>>
      %dma_wait3A_324 = tpu.memref_slice %arg4[%multiple_of3A_167] : memref<327680xi32, #tpu.memory_space<hbm>> -> memref<80xi32, #tpu.memory_space<hbm>>
      %dma_wait3A_325 = arith.constant 0 : i32
      %dma_wait3A_326 = tpu.memref_slice %arg14[%dma_wait3A_320, %dma_wait3A_325] : memref<8x80xi32, #tpu.memory_space<vmem>> -> memref<1x80xi32, #tpu.memory_space<vmem>>
      %dma_wait3A_327 = tpu.memref_squeeze %dma_wait3A_326 : memref<1x80xi32, #tpu.memory_space<vmem>> -> memref<80xi32, #tpu.memory_space<vmem>>
      %dma_wait3A_328 = tpu.memref_slice %arg4[%multiple_of3A_167] : memref<327680xi32, #tpu.memory_space<hbm>> -> memref<80xi32, #tpu.memory_space<hbm>>
      tpu.wait_dma2 semaphore(%arg19 : memref<!tpu.dma_semaphore, #tpu.memory_space<semaphore_mem>>) src(%dma_wait3A_328 : memref<80xi32, #tpu.memory_space<hbm>>) dst(%dma_wait3A_327 : memref<80xi32, #tpu.memory_space<vmem>>)
      %dma_start3A_329 = arith.constant 0 : i32
      %dma_start3A_330 = arith.constant 0 : i32
      %dma_start3A_331 = tpu.memref_slice %arg13[%dma_start3A_329, %dma_start3A_330] : memref<8x80xi32, #tpu.memory_space<vmem>> -> memref<1x80xi32, #tpu.memory_space<vmem>>
      %dma_start3A_332 = tpu.memref_squeeze %dma_start3A_331 : memref<1x80xi32, #tpu.memory_space<vmem>> -> memref<80xi32, #tpu.memory_space<vmem>>
      %dma_start3A_333 = arith.constant 0 : i32
      %dma_start3A_334 = arith.constant 0 : i32
      %dma_start3A_335 = tpu.memref_slice %arg2[%dma_start3A_333, %dma_start3A_334] : memref<10000x128xf32, #tpu.memory_space<hbm>> -> memref<10000x128xf32, #tpu.memory_space<hbm>>
      tpu.enqueue_indirect_dma source(%dma_start3A_335 : memref<10000x128xf32, #tpu.memory_space<hbm>>) target(%arg15 : memref<80x128xf32, #tpu.memory_space<vmem>>) offsets(%dma_start3A_332 : memref<80xi32, #tpu.memory_space<vmem>>) semaphore(%arg20 : memref<!tpu.dma_semaphore, #tpu.memory_space<semaphore_mem>>)
      %dma_start3A_336 = arith.constant 1 : i32
      %dma_start3A_337 = arith.constant 0 : i32
      %dma_start3A_338 = tpu.memref_slice %arg13[%dma_start3A_336, %dma_start3A_337] : memref<8x80xi32, #tpu.memory_space<vmem>> -> memref<1x80xi32, #tpu.memory_space<vmem>>
      %dma_start3A_339 = tpu.memref_squeeze %dma_start3A_338 : memref<1x80xi32, #tpu.memory_space<vmem>> -> memref<80xi32, #tpu.memory_space<vmem>>
      %dma_start3A_340 = arith.constant 0 : i32
      %dma_start3A_341 = arith.constant 0 : i32
      %dma_start3A_342 = tpu.memref_slice %arg2[%dma_start3A_340, %dma_start3A_341] : memref<10000x128xf32, #tpu.memory_space<hbm>> -> memref<10000x128xf32, #tpu.memory_space<hbm>>
      tpu.enqueue_indirect_dma source(%dma_start3A_342 : memref<10000x128xf32, #tpu.memory_space<hbm>>) target(%arg16 : memref<80x128xf32, #tpu.memory_space<vmem>>) offsets(%dma_start3A_339 : memref<80xi32, #tpu.memory_space<vmem>>) semaphore(%arg21 : memref<!tpu.dma_semaphore, #tpu.memory_space<semaphore_mem>>)
      %dma_wait3A_343 = arith.constant 0 : i32
      %dma_wait3A_344 = arith.constant 0 : i32
      %dma_wait3A_345 = tpu.memref_slice %arg13[%dma_wait3A_343, %dma_wait3A_344] : memref<8x80xi32, #tpu.memory_space<vmem>> -> memref<1x80xi32, #tpu.memory_space<vmem>>
      %dma_wait3A_346 = tpu.memref_squeeze %dma_wait3A_345 : memref<1x80xi32, #tpu.memory_space<vmem>> -> memref<80xi32, #tpu.memory_space<vmem>>
      %dma_wait3A_347 = arith.constant 0 : i32
      %dma_wait3A_348 = arith.constant 0 : i32
      %dma_wait3A_349 = tpu.memref_slice %arg2[%dma_wait3A_347, %dma_wait3A_348] : memref<10000x128xf32, #tpu.memory_space<hbm>> -> memref<10000x128xf32, #tpu.memory_space<hbm>>
      tpu.wait_indirect_dma semaphore(%arg20 : memref<!tpu.dma_semaphore, #tpu.memory_space<semaphore_mem>>) src(%dma_wait3A_349 : memref<10000x128xf32, #tpu.memory_space<hbm>>) dst(%arg15 : memref<80x128xf32, #tpu.memory_space<vmem>>)
      %dma_start3A_350 = arith.constant 0 : i32
      %dma_start3A_351 = arith.constant 0 : i32
      %dma_start3A_352 = tpu.memref_slice %arg14[%dma_start3A_350, %dma_start3A_351] : memref<8x80xi32, #tpu.memory_space<vmem>> -> memref<1x80xi32, #tpu.memory_space<vmem>>
      %dma_start3A_353 = tpu.memref_squeeze %dma_start3A_352 : memref<1x80xi32, #tpu.memory_space<vmem>> -> memref<80xi32, #tpu.memory_space<vmem>>
      %dma_start3A_354 = arith.constant 0 : i32
      %dma_start3A_355 = arith.constant 0 : i32
      %dma_start3A_356 = tpu.memref_slice %arg10[%dma_start3A_354, %dma_start3A_355] : memref<10240x128xf32, #tpu.memory_space<vmem_shared>> -> memref<10240x128xf32, #tpu.memory_space<vmem_shared>>
      tpu.enqueue_indirect_dma source(%arg15 : memref<80x128xf32, #tpu.memory_space<vmem>>) target(%dma_start3A_356 : memref<10240x128xf32, #tpu.memory_space<vmem_shared>>) offsets(%dma_start3A_353 : memref<80xi32, #tpu.memory_space<vmem>>) semaphore(%arg23 : memref<!tpu.dma_semaphore, #tpu.memory_space<semaphore_mem>>) {add = true}
      %dma_start3A_357 = arith.constant 0 : i32
      %dma_start3A_358 = arith.constant 0 : i32
      %dma_start3A_359 = tpu.memref_slice %arg14[%dma_start3A_357, %dma_start3A_358] : memref<8x80xi32, #tpu.memory_space<vmem>> -> memref<1x80xi32, #tpu.memory_space<vmem>>
      %dma_start3A_360 = tpu.memref_squeeze %dma_start3A_359 : memref<1x80xi32, #tpu.memory_space<vmem>> -> memref<80xi32, #tpu.memory_space<vmem>>
      %dma_start3A_361 = arith.constant 0 : i32
      %dma_start3A_362 = arith.constant 0 : i32
      %dma_start3A_363 = tpu.memref_slice %arg11[%dma_start3A_361, %dma_start3A_362] : memref<10240x16xf32, #tpu.memory_space<vmem_shared>> -> memref<10240x16xf32, #tpu.memory_space<vmem_shared>>
      tpu.enqueue_indirect_dma source(%arg12 : memref<80x16xf32, #tpu.memory_space<vmem>>) target(%dma_start3A_363 : memref<10240x16xf32, #tpu.memory_space<vmem_shared>>) offsets(%dma_start3A_360 : memref<80xi32, #tpu.memory_space<vmem>>) semaphore(%arg26 : memref<!tpu.dma_semaphore, #tpu.memory_space<semaphore_mem>>) {add = true}
      %dma_start3A_364 = arith.constant 2 : i32
      %dma_start3A_365 = arith.constant 0 : i32
      %dma_start3A_366 = tpu.memref_slice %arg13[%dma_start3A_364, %dma_start3A_365] : memref<8x80xi32, #tpu.memory_space<vmem>> -> memref<1x80xi32, #tpu.memory_space<vmem>>
      %dma_start3A_367 = tpu.memref_squeeze %dma_start3A_366 : memref<1x80xi32, #tpu.memory_space<vmem>> -> memref<80xi32, #tpu.memory_space<vmem>>
      %dma_start3A_368 = arith.constant 0 : i32
      %dma_start3A_369 = arith.constant 0 : i32
      %dma_start3A_370 = tpu.memref_slice %arg2[%dma_start3A_368, %dma_start3A_369] : memref<10000x128xf32, #tpu.memory_space<hbm>> -> memref<10000x128xf32, #tpu.memory_space<hbm>>
      tpu.enqueue_indirect_dma source(%dma_start3A_370 : memref<10000x128xf32, #tpu.memory_space<hbm>>) target(%arg17 : memref<80x128xf32, #tpu.memory_space<vmem>>) offsets(%dma_start3A_367 : memref<80xi32, #tpu.memory_space<vmem>>) semaphore(%arg22 : memref<!tpu.dma_semaphore, #tpu.memory_space<semaphore_mem>>)
      %dma_wait3A_371 = arith.constant 1 : i32
      %dma_wait3A_372 = arith.constant 0 : i32
      %dma_wait3A_373 = tpu.memref_slice %arg13[%dma_wait3A_371, %dma_wait3A_372] : memref<8x80xi32, #tpu.memory_space<vmem>> -> memref<1x80xi32, #tpu.memory_space<vmem>>
      %dma_wait3A_374 = tpu.memref_squeeze %dma_wait3A_373 : memref<1x80xi32, #tpu.memory_space<vmem>> -> memref<80xi32, #tpu.memory_space<vmem>>
      %dma_wait3A_375 = arith.constant 0 : i32
      %dma_wait3A_376 = arith.constant 0 : i32
      %dma_wait3A_377 = tpu.memref_slice %arg2[%dma_wait3A_375, %dma_wait3A_376] : memref<10000x128xf32, #tpu.memory_space<hbm>> -> memref<10000x128xf32, #tpu.memory_space<hbm>>
      tpu.wait_indirect_dma semaphore(%arg21 : memref<!tpu.dma_semaphore, #tpu.memory_space<semaphore_mem>>) src(%dma_wait3A_377 : memref<10000x128xf32, #tpu.memory_space<hbm>>) dst(%arg16 : memref<80x128xf32, #tpu.memory_space<vmem>>)
      %dma_start3A_378 = arith.constant 1 : i32
      %dma_start3A_379 = arith.constant 0 : i32
      %dma_start3A_380 = tpu.memref_slice %arg14[%dma_start3A_378, %dma_start3A_379] : memref<8x80xi32, #tpu.memory_space<vmem>> -> memref<1x80xi32, #tpu.memory_space<vmem>>
      %dma_start3A_381 = tpu.memref_squeeze %dma_start3A_380 : memref<1x80xi32, #tpu.memory_space<vmem>> -> memref<80xi32, #tpu.memory_space<vmem>>
      %dma_start3A_382 = arith.constant 0 : i32
      %dma_start3A_383 = arith.constant 0 : i32
      %dma_start3A_384 = tpu.memref_slice %arg10[%dma_start3A_382, %dma_start3A_383] : memref<10240x128xf32, #tpu.memory_space<vmem_shared>> -> memref<10240x128xf32, #tpu.memory_space<vmem_shared>>
      tpu.enqueue_indirect_dma source(%arg16 : memref<80x128xf32, #tpu.memory_space<vmem>>) target(%dma_start3A_384 : memref<10240x128xf32, #tpu.memory_space<vmem_shared>>) offsets(%dma_start3A_381 : memref<80xi32, #tpu.memory_space<vmem>>) semaphore(%arg24 : memref<!tpu.dma_semaphore, #tpu.memory_space<semaphore_mem>>) {add = true}
      %dma_start3A_385 = arith.constant 1 : i32
      %dma_start3A_386 = arith.constant 0 : i32
      %dma_start3A_387 = tpu.memref_slice %arg14[%dma_start3A_385, %dma_start3A_386] : memref<8x80xi32, #tpu.memory_space<vmem>> -> memref<1x80xi32, #tpu.memory_space<vmem>>
      %dma_start3A_388 = tpu.memref_squeeze %dma_start3A_387 : memref<1x80xi32, #tpu.memory_space<vmem>> -> memref<80xi32, #tpu.memory_space<vmem>>
      %dma_start3A_389 = arith.constant 0 : i32
      %dma_start3A_390 = arith.constant 0 : i32
      %dma_start3A_391 = tpu.memref_slice %arg11[%dma_start3A_389, %dma_start3A_390] : memref<10240x16xf32, #tpu.memory_space<vmem_shared>> -> memref<10240x16xf32, #tpu.memory_space<vmem_shared>>
      tpu.enqueue_indirect_dma source(%arg12 : memref<80x16xf32, #tpu.memory_space<vmem>>) target(%dma_start3A_391 : memref<10240x16xf32, #tpu.memory_space<vmem_shared>>) offsets(%dma_start3A_388 : memref<80xi32, #tpu.memory_space<vmem>>) semaphore(%arg27 : memref<!tpu.dma_semaphore, #tpu.memory_space<semaphore_mem>>) {add = true}
      %dma_wait3A_392 = arith.constant 0 : i32
      %dma_wait3A_393 = arith.constant 0 : i32
      %dma_wait3A_394 = tpu.memref_slice %arg14[%dma_wait3A_392, %dma_wait3A_393] : memref<8x80xi32, #tpu.memory_space<vmem>> -> memref<1x80xi32, #tpu.memory_space<vmem>>
      %dma_wait3A_395 = tpu.memref_squeeze %dma_wait3A_394 : memref<1x80xi32, #tpu.memory_space<vmem>> -> memref<80xi32, #tpu.memory_space<vmem>>
      %dma_wait3A_396 = arith.constant 0 : i32
      %dma_wait3A_397 = arith.constant 0 : i32
      %dma_wait3A_398 = tpu.memref_slice %arg10[%dma_wait3A_396, %dma_wait3A_397] : memref<10240x128xf32, #tpu.memory_space<vmem_shared>> -> memref<10240x128xf32, #tpu.memory_space<vmem_shared>>
      tpu.wait_indirect_dma semaphore(%arg23 : memref<!tpu.dma_semaphore, #tpu.memory_space<semaphore_mem>>) src(%arg15 : memref<80x128xf32, #tpu.memory_space<vmem>>) dst(%dma_wait3A_398 : memref<10240x128xf32, #tpu.memory_space<vmem_shared>>)
      %dma_wait3A_399 = arith.constant 0 : i32
      %dma_wait3A_400 = arith.constant 0 : i32
      %dma_wait3A_401 = tpu.memref_slice %arg14[%dma_wait3A_399, %dma_wait3A_400] : memref<8x80xi32, #tpu.memory_space<vmem>> -> memref<1x80xi32, #tpu.memory_space<vmem>>
      %dma_wait3A_402 = tpu.memref_squeeze %dma_wait3A_401 : memref<1x80xi32, #tpu.memory_space<vmem>> -> memref<80xi32, #tpu.memory_space<vmem>>
      %dma_wait3A_403 = arith.constant 0 : i32
      %dma_wait3A_404 = arith.constant 0 : i32
      %dma_wait3A_405 = tpu.memref_slice %arg11[%dma_wait3A_403, %dma_wait3A_404] : memref<10240x16xf32, #tpu.memory_space<vmem_shared>> -> memref<10240x16xf32, #tpu.memory_space<vmem_shared>>
      tpu.wait_indirect_dma semaphore(%arg26 : memref<!tpu.dma_semaphore, #tpu.memory_space<semaphore_mem>>) src(%arg12 : memref<80x16xf32, #tpu.memory_space<vmem>>) dst(%dma_wait3A_405 : memref<10240x16xf32, #tpu.memory_space<vmem_shared>>)
      %dma_start3A_406 = arith.constant 3 : i32
      %dma_start3A_407 = arith.constant 0 : i32
      %dma_start3A_408 = tpu.memref_slice %arg13[%dma_start3A_406, %dma_start3A_407] : memref<8x80xi32, #tpu.memory_space<vmem>> -> memref<1x80xi32, #tpu.memory_space<vmem>>
      %dma_start3A_409 = tpu.memref_squeeze %dma_start3A_408 : memref<1x80xi32, #tpu.memory_space<vmem>> -> memref<80xi32, #tpu.memory_space<vmem>>
      %dma_start3A_410 = arith.constant 0 : i32
      %dma_start3A_411 = arith.constant 0 : i32
      %dma_start3A_412 = tpu.memref_slice %arg2[%dma_start3A_410, %dma_start3A_411] : memref<10000x128xf32, #tpu.memory_space<hbm>> -> memref<10000x128xf32, #tpu.memory_space<hbm>>
      tpu.enqueue_indirect_dma source(%dma_start3A_412 : memref<10000x128xf32, #tpu.memory_space<hbm>>) target(%arg15 : memref<80x128xf32, #tpu.memory_space<vmem>>) offsets(%dma_start3A_409 : memref<80xi32, #tpu.memory_space<vmem>>) semaphore(%arg20 : memref<!tpu.dma_semaphore, #tpu.memory_space<semaphore_mem>>)
      %dma_wait3A_413 = arith.constant 2 : i32
      %dma_wait3A_414 = arith.constant 0 : i32
      %dma_wait3A_415 = tpu.memref_slice %arg13[%dma_wait3A_413, %dma_wait3A_414] : memref<8x80xi32, #tpu.memory_space<vmem>> -> memref<1x80xi32, #tpu.memory_space<vmem>>
      %dma_wait3A_416 = tpu.memref_squeeze %dma_wait3A_415 : memref<1x80xi32, #tpu.memory_space<vmem>> -> memref<80xi32, #tpu.memory_space<vmem>>
      %dma_wait3A_417 = arith.constant 0 : i32
      %dma_wait3A_418 = arith.constant 0 : i32
      %dma_wait3A_419 = tpu.memref_slice %arg2[%dma_wait3A_417, %dma_wait3A_418] : memref<10000x128xf32, #tpu.memory_space<hbm>> -> memref<10000x128xf32, #tpu.memory_space<hbm>>
      tpu.wait_indirect_dma semaphore(%arg22 : memref<!tpu.dma_semaphore, #tpu.memory_space<semaphore_mem>>) src(%dma_wait3A_419 : memref<10000x128xf32, #tpu.memory_space<hbm>>) dst(%arg17 : memref<80x128xf32, #tpu.memory_space<vmem>>)
      %dma_start3A_420 = arith.constant 2 : i32
      %dma_start3A_421 = arith.constant 0 : i32
      %dma_start3A_422 = tpu.memref_slice %arg14[%dma_start3A_420, %dma_start3A_421] : memref<8x80xi32, #tpu.memory_space<vmem>> -> memref<1x80xi32, #tpu.memory_space<vmem>>
      %dma_start3A_423 = tpu.memref_squeeze %dma_start3A_422 : memref<1x80xi32, #tpu.memory_space<vmem>> -> memref<80xi32, #tpu.memory_space<vmem>>
      %dma_start3A_424 = arith.constant 0 : i32
      %dma_start3A_425 = arith.constant 0 : i32
      %dma_start3A_426 = tpu.memref_slice %arg10[%dma_start3A_424, %dma_start3A_425] : memref<10240x128xf32, #tpu.memory_space<vmem_shared>> -> memref<10240x128xf32, #tpu.memory_space<vmem_shared>>
      tpu.enqueue_indirect_dma source(%arg17 : memref<80x128xf32, #tpu.memory_space<vmem>>) target(%dma_start3A_426 : memref<10240x128xf32, #tpu.memory_space<vmem_shared>>) offsets(%dma_start3A_423 : memref<80xi32, #tpu.memory_space<vmem>>) semaphore(%arg25 : memref<!tpu.dma_semaphore, #tpu.memory_space<semaphore_mem>>) {add = true}
      %dma_start3A_427 = arith.constant 2 : i32
      %dma_start3A_428 = arith.constant 0 : i32
      %dma_start3A_429 = tpu.memref_slice %arg14[%dma_start3A_427, %dma_start3A_428] : memref<8x80xi32, #tpu.memory_space<vmem>> -> memref<1x80xi32, #tpu.memory_space<vmem>>
      %dma_start3A_430 = tpu.memref_squeeze %dma_start3A_429 : memref<1x80xi32, #tpu.memory_space<vmem>> -> memref<80xi32, #tpu.memory_space<vmem>>
      %dma_start3A_431 = arith.constant 0 : i32
      %dma_start3A_432 = arith.constant 0 : i32
      %dma_start3A_433 = tpu.memref_slice %arg11[%dma_start3A_431, %dma_start3A_432] : memref<10240x16xf32, #tpu.memory_space<vmem_shared>> -> memref<10240x16xf32, #tpu.memory_space<vmem_shared>>
      tpu.enqueue_indirect_dma source(%arg12 : memref<80x16xf32, #tpu.memory_space<vmem>>) target(%dma_start3A_433 : memref<10240x16xf32, #tpu.memory_space<vmem_shared>>) offsets(%dma_start3A_430 : memref<80xi32, #tpu.memory_space<vmem>>) semaphore(%arg28 : memref<!tpu.dma_semaphore, #tpu.memory_space<semaphore_mem>>) {add = true}
      %dma_wait3A_434 = arith.constant 1 : i32
      %dma_wait3A_435 = arith.constant 0 : i32
      %dma_wait3A_436 = tpu.memref_slice %arg14[%dma_wait3A_434, %dma_wait3A_435] : memref<8x80xi32, #tpu.memory_space<vmem>> -> memref<1x80xi32, #tpu.memory_space<vmem>>
      %dma_wait3A_437 = tpu.memref_squeeze %dma_wait3A_436 : memref<1x80xi32, #tpu.memory_space<vmem>> -> memref<80xi32, #tpu.memory_space<vmem>>
      %dma_wait3A_438 = arith.constant 0 : i32
      %dma_wait3A_439 = arith.constant 0 : i32
      %dma_wait3A_440 = tpu.memref_slice %arg10[%dma_wait3A_438, %dma_wait3A_439] : memref<10240x128xf32, #tpu.memory_space<vmem_shared>> -> memref<10240x128xf32, #tpu.memory_space<vmem_shared>>
      tpu.wait_indirect_dma semaphore(%arg24 : memref<!tpu.dma_semaphore, #tpu.memory_space<semaphore_mem>>) src(%arg16 : memref<80x128xf32, #tpu.memory_space<vmem>>) dst(%dma_wait3A_440 : memref<10240x128xf32, #tpu.memory_space<vmem_shared>>)
      %dma_wait3A_441 = arith.constant 1 : i32
      %dma_wait3A_442 = arith.constant 0 : i32
      %dma_wait3A_443 = tpu.memref_slice %arg14[%dma_wait3A_441, %dma_wait3A_442] : memref<8x80xi32, #tpu.memory_space<vmem>> -> memref<1x80xi32, #tpu.memory_space<vmem>>
      %dma_wait3A_444 = tpu.memref_squeeze %dma_wait3A_443 : memref<1x80xi32, #tpu.memory_space<vmem>> -> memref<80xi32, #tpu.memory_space<vmem>>
      %dma_wait3A_445 = arith.constant 0 : i32
      %dma_wait3A_446 = arith.constant 0 : i32
      %dma_wait3A_447 = tpu.memref_slice %arg11[%dma_wait3A_445, %dma_wait3A_446] : memref<10240x16xf32, #tpu.memory_space<vmem_shared>> -> memref<10240x16xf32, #tpu.memory_space<vmem_shared>>
      tpu.wait_indirect_dma semaphore(%arg27 : memref<!tpu.dma_semaphore, #tpu.memory_space<semaphore_mem>>) src(%arg12 : memref<80x16xf32, #tpu.memory_space<vmem>>) dst(%dma_wait3A_447 : memref<10240x16xf32, #tpu.memory_space<vmem_shared>>)
      %dma_start3A_448 = arith.constant 4 : i32
      %dma_start3A_449 = arith.constant 0 : i32
      %dma_start3A_450 = tpu.memref_slice %arg13[%dma_start3A_448, %dma_start3A_449] : memref<8x80xi32, #tpu.memory_space<vmem>> -> memref<1x80xi32, #tpu.memory_space<vmem>>
      %dma_start3A_451 = tpu.memref_squeeze %dma_start3A_450 : memref<1x80xi32, #tpu.memory_space<vmem>> -> memref<80xi32, #tpu.memory_space<vmem>>
      %dma_start3A_452 = arith.constant 0 : i32
      %dma_start3A_453 = arith.constant 0 : i32
      %dma_start3A_454 = tpu.memref_slice %arg2[%dma_start3A_452, %dma_start3A_453] : memref<10000x128xf32, #tpu.memory_space<hbm>> -> memref<10000x128xf32, #tpu.memory_space<hbm>>
      tpu.enqueue_indirect_dma source(%dma_start3A_454 : memref<10000x128xf32, #tpu.memory_space<hbm>>) target(%arg16 : memref<80x128xf32, #tpu.memory_space<vmem>>) offsets(%dma_start3A_451 : memref<80xi32, #tpu.memory_space<vmem>>) semaphore(%arg21 : memref<!tpu.dma_semaphore, #tpu.memory_space<semaphore_mem>>)
      %dma_wait3A_455 = arith.constant 3 : i32
      %dma_wait3A_456 = arith.constant 0 : i32
      %dma_wait3A_457 = tpu.memref_slice %arg13[%dma_wait3A_455, %dma_wait3A_456] : memref<8x80xi32, #tpu.memory_space<vmem>> -> memref<1x80xi32, #tpu.memory_space<vmem>>
      %dma_wait3A_458 = tpu.memref_squeeze %dma_wait3A_457 : memref<1x80xi32, #tpu.memory_space<vmem>> -> memref<80xi32, #tpu.memory_space<vmem>>
      %dma_wait3A_459 = arith.constant 0 : i32
      %dma_wait3A_460 = arith.constant 0 : i32
      %dma_wait3A_461 = tpu.memref_slice %arg2[%dma_wait3A_459, %dma_wait3A_460] : memref<10000x128xf32, #tpu.memory_space<hbm>> -> memref<10000x128xf32, #tpu.memory_space<hbm>>
      tpu.wait_indirect_dma semaphore(%arg20 : memref<!tpu.dma_semaphore, #tpu.memory_space<semaphore_mem>>) src(%dma_wait3A_461 : memref<10000x128xf32, #tpu.memory_space<hbm>>) dst(%arg15 : memref<80x128xf32, #tpu.memory_space<vmem>>)
      %dma_start3A_462 = arith.constant 3 : i32
      %dma_start3A_463 = arith.constant 0 : i32
      %dma_start3A_464 = tpu.memref_slice %arg14[%dma_start3A_462, %dma_start3A_463] : memref<8x80xi32, #tpu.memory_space<vmem>> -> memref<1x80xi32, #tpu.memory_space<vmem>>
      %dma_start3A_465 = tpu.memref_squeeze %dma_start3A_464 : memref<1x80xi32, #tpu.memory_space<vmem>> -> memref<80xi32, #tpu.memory_space<vmem>>
      %dma_start3A_466 = arith.constant 0 : i32
      %dma_start3A_467 = arith.constant 0 : i32
      %dma_start3A_468 = tpu.memref_slice %arg10[%dma_start3A_466, %dma_start3A_467] : memref<10240x128xf32, #tpu.memory_space<vmem_shared>> -> memref<10240x128xf32, #tpu.memory_space<vmem_shared>>
      tpu.enqueue_indirect_dma source(%arg15 : memref<80x128xf32, #tpu.memory_space<vmem>>) target(%dma_start3A_468 : memref<10240x128xf32, #tpu.memory_space<vmem_shared>>) offsets(%dma_start3A_465 : memref<80xi32, #tpu.memory_space<vmem>>) semaphore(%arg23 : memref<!tpu.dma_semaphore, #tpu.memory_space<semaphore_mem>>) {add = true}
      %dma_start3A_469 = arith.constant 3 : i32
      %dma_start3A_470 = arith.constant 0 : i32
      %dma_start3A_471 = tpu.memref_slice %arg14[%dma_start3A_469, %dma_start3A_470] : memref<8x80xi32, #tpu.memory_space<vmem>> -> memref<1x80xi32, #tpu.memory_space<vmem>>
      %dma_start3A_472 = tpu.memref_squeeze %dma_start3A_471 : memref<1x80xi32, #tpu.memory_space<vmem>> -> memref<80xi32, #tpu.memory_space<vmem>>
      %dma_start3A_473 = arith.constant 0 : i32
      %dma_start3A_474 = arith.constant 0 : i32
      %dma_start3A_475 = tpu.memref_slice %arg11[%dma_start3A_473, %dma_start3A_474] : memref<10240x16xf32, #tpu.memory_space<vmem_shared>> -> memref<10240x16xf32, #tpu.memory_space<vmem_shared>>
      tpu.enqueue_indirect_dma source(%arg12 : memref<80x16xf32, #tpu.memory_space<vmem>>) target(%dma_start3A_475 : memref<10240x16xf32, #tpu.memory_space<vmem_shared>>) offsets(%dma_start3A_472 : memref<80xi32, #tpu.memory_space<vmem>>) semaphore(%arg26 : memref<!tpu.dma_semaphore, #tpu.memory_space<semaphore_mem>>) {add = true}
      %dma_wait3A_476 = arith.constant 2 : i32
      %dma_wait3A_477 = arith.constant 0 : i32
      %dma_wait3A_478 = tpu.memref_slice %arg14[%dma_wait3A_476, %dma_wait3A_477] : memref<8x80xi32, #tpu.memory_space<vmem>> -> memref<1x80xi32, #tpu.memory_space<vmem>>
      %dma_wait3A_479 = tpu.memref_squeeze %dma_wait3A_478 : memref<1x80xi32, #tpu.memory_space<vmem>> -> memref<80xi32, #tpu.memory_space<vmem>>
      %dma_wait3A_480 = arith.constant 0 : i32
      %dma_wait3A_481 = arith.constant 0 : i32
      %dma_wait3A_482 = tpu.memref_slice %arg10[%dma_wait3A_480, %dma_wait3A_481] : memref<10240x128xf32, #tpu.memory_space<vmem_shared>> -> memref<10240x128xf32, #tpu.memory_space<vmem_shared>>
      tpu.wait_indirect_dma semaphore(%arg25 : memref<!tpu.dma_semaphore, #tpu.memory_space<semaphore_mem>>) src(%arg17 : memref<80x128xf32, #tpu.memory_space<vmem>>) dst(%dma_wait3A_482 : memref<10240x128xf32, #tpu.memory_space<vmem_shared>>)
      %dma_wait3A_483 = arith.constant 2 : i32
      %dma_wait3A_484 = arith.constant 0 : i32
      %dma_wait3A_485 = tpu.memref_slice %arg14[%dma_wait3A_483, %dma_wait3A_484] : memref<8x80xi32, #tpu.memory_space<vmem>> -> memref<1x80xi32, #tpu.memory_space<vmem>>
      %dma_wait3A_486 = tpu.memref_squeeze %dma_wait3A_485 : memref<1x80xi32, #tpu.memory_space<vmem>> -> memref<80xi32, #tpu.memory_space<vmem>>
      %dma_wait3A_487 = arith.constant 0 : i32
      %dma_wait3A_488 = arith.constant 0 : i32
      %dma_wait3A_489 = tpu.memref_slice %arg11[%dma_wait3A_487, %dma_wait3A_488] : memref<10240x16xf32, #tpu.memory_space<vmem_shared>> -> memref<10240x16xf32, #tpu.memory_space<vmem_shared>>
      tpu.wait_indirect_dma semaphore(%arg28 : memref<!tpu.dma_semaphore, #tpu.memory_space<semaphore_mem>>) src(%arg12 : memref<80x16xf32, #tpu.memory_space<vmem>>) dst(%dma_wait3A_489 : memref<10240x16xf32, #tpu.memory_space<vmem_shared>>)
      %dma_start3A_490 = arith.constant 5 : i32
      %dma_start3A_491 = arith.constant 0 : i32
      %dma_start3A_492 = tpu.memref_slice %arg13[%dma_start3A_490, %dma_start3A_491] : memref<8x80xi32, #tpu.memory_space<vmem>> -> memref<1x80xi32, #tpu.memory_space<vmem>>
      %dma_start3A_493 = tpu.memref_squeeze %dma_start3A_492 : memref<1x80xi32, #tpu.memory_space<vmem>> -> memref<80xi32, #tpu.memory_space<vmem>>
      %dma_start3A_494 = arith.constant 0 : i32
      %dma_start3A_495 = arith.constant 0 : i32
      %dma_start3A_496 = tpu.memref_slice %arg2[%dma_start3A_494, %dma_start3A_495] : memref<10000x128xf32, #tpu.memory_space<hbm>> -> memref<10000x128xf32, #tpu.memory_space<hbm>>
      tpu.enqueue_indirect_dma source(%dma_start3A_496 : memref<10000x128xf32, #tpu.memory_space<hbm>>) target(%arg17 : memref<80x128xf32, #tpu.memory_space<vmem>>) offsets(%dma_start3A_493 : memref<80xi32, #tpu.memory_space<vmem>>) semaphore(%arg22 : memref<!tpu.dma_semaphore, #tpu.memory_space<semaphore_mem>>)
      %dma_wait3A_497 = arith.constant 4 : i32
      %dma_wait3A_498 = arith.constant 0 : i32
      %dma_wait3A_499 = tpu.memref_slice %arg13[%dma_wait3A_497, %dma_wait3A_498] : memref<8x80xi32, #tpu.memory_space<vmem>> -> memref<1x80xi32, #tpu.memory_space<vmem>>
      %dma_wait3A_500 = tpu.memref_squeeze %dma_wait3A_499 : memref<1x80xi32, #tpu.memory_space<vmem>> -> memref<80xi32, #tpu.memory_space<vmem>>
      %dma_wait3A_501 = arith.constant 0 : i32
      %dma_wait3A_502 = arith.constant 0 : i32
      %dma_wait3A_503 = tpu.memref_slice %arg2[%dma_wait3A_501, %dma_wait3A_502] : memref<10000x128xf32, #tpu.memory_space<hbm>> -> memref<10000x128xf32, #tpu.memory_space<hbm>>
      tpu.wait_indirect_dma semaphore(%arg21 : memref<!tpu.dma_semaphore, #tpu.memory_space<semaphore_mem>>) src(%dma_wait3A_503 : memref<10000x128xf32, #tpu.memory_space<hbm>>) dst(%arg16 : memref<80x128xf32, #tpu.memory_space<vmem>>)
      %dma_start3A_504 = arith.constant 4 : i32
      %dma_start3A_505 = arith.constant 0 : i32
      %dma_start3A_506 = tpu.memref_slice %arg14[%dma_start3A_504, %dma_start3A_505] : memref<8x80xi32, #tpu.memory_space<vmem>> -> memref<1x80xi32, #tpu.memory_space<vmem>>
      %dma_start3A_507 = tpu.memref_squeeze %dma_start3A_506 : memref<1x80xi32, #tpu.memory_space<vmem>> -> memref<80xi32, #tpu.memory_space<vmem>>
      %dma_start3A_508 = arith.constant 0 : i32
      %dma_start3A_509 = arith.constant 0 : i32
      %dma_start3A_510 = tpu.memref_slice %arg10[%dma_start3A_508, %dma_start3A_509] : memref<10240x128xf32, #tpu.memory_space<vmem_shared>> -> memref<10240x128xf32, #tpu.memory_space<vmem_shared>>
      tpu.enqueue_indirect_dma source(%arg16 : memref<80x128xf32, #tpu.memory_space<vmem>>) target(%dma_start3A_510 : memref<10240x128xf32, #tpu.memory_space<vmem_shared>>) offsets(%dma_start3A_507 : memref<80xi32, #tpu.memory_space<vmem>>) semaphore(%arg24 : memref<!tpu.dma_semaphore, #tpu.memory_space<semaphore_mem>>) {add = true}
      %dma_start3A_511 = arith.constant 4 : i32
      %dma_start3A_512 = arith.constant 0 : i32
      %dma_start3A_513 = tpu.memref_slice %arg14[%dma_start3A_511, %dma_start3A_512] : memref<8x80xi32, #tpu.memory_space<vmem>> -> memref<1x80xi32, #tpu.memory_space<vmem>>
      %dma_start3A_514 = tpu.memref_squeeze %dma_start3A_513 : memref<1x80xi32, #tpu.memory_space<vmem>> -> memref<80xi32, #tpu.memory_space<vmem>>
      %dma_start3A_515 = arith.constant 0 : i32
      %dma_start3A_516 = arith.constant 0 : i32
      %dma_start3A_517 = tpu.memref_slice %arg11[%dma_start3A_515, %dma_start3A_516] : memref<10240x16xf32, #tpu.memory_space<vmem_shared>> -> memref<10240x16xf32, #tpu.memory_space<vmem_shared>>
      tpu.enqueue_indirect_dma source(%arg12 : memref<80x16xf32, #tpu.memory_space<vmem>>) target(%dma_start3A_517 : memref<10240x16xf32, #tpu.memory_space<vmem_shared>>) offsets(%dma_start3A_514 : memref<80xi32, #tpu.memory_space<vmem>>) semaphore(%arg27 : memref<!tpu.dma_semaphore, #tpu.memory_space<semaphore_mem>>) {add = true}
      %dma_wait3A_518 = arith.constant 3 : i32
      %dma_wait3A_519 = arith.constant 0 : i32
      %dma_wait3A_520 = tpu.memref_slice %arg14[%dma_wait3A_518, %dma_wait3A_519] : memref<8x80xi32, #tpu.memory_space<vmem>> -> memref<1x80xi32, #tpu.memory_space<vmem>>
      %dma_wait3A_521 = tpu.memref_squeeze %dma_wait3A_520 : memref<1x80xi32, #tpu.memory_space<vmem>> -> memref<80xi32, #tpu.memory_space<vmem>>
      %dma_wait3A_522 = arith.constant 0 : i32
      %dma_wait3A_523 = arith.constant 0 : i32
      %dma_wait3A_524 = tpu.memref_slice %arg10[%dma_wait3A_522, %dma_wait3A_523] : memref<10240x128xf32, #tpu.memory_space<vmem_shared>> -> memref<10240x128xf32, #tpu.memory_space<vmem_shared>>
      tpu.wait_indirect_dma semaphore(%arg23 : memref<!tpu.dma_semaphore, #tpu.memory_space<semaphore_mem>>) src(%arg15 : memref<80x128xf32, #tpu.memory_space<vmem>>) dst(%dma_wait3A_524 : memref<10240x128xf32, #tpu.memory_space<vmem_shared>>)
      %dma_wait3A_525 = arith.constant 3 : i32
      %dma_wait3A_526 = arith.constant 0 : i32
      %dma_wait3A_527 = tpu.memref_slice %arg14[%dma_wait3A_525, %dma_wait3A_526] : memref<8x80xi32, #tpu.memory_space<vmem>> -> memref<1x80xi32, #tpu.memory_space<vmem>>
      %dma_wait3A_528 = tpu.memref_squeeze %dma_wait3A_527 : memref<1x80xi32, #tpu.memory_space<vmem>> -> memref<80xi32, #tpu.memory_space<vmem>>
      %dma_wait3A_529 = arith.constant 0 : i32
      %dma_wait3A_530 = arith.constant 0 : i32
      %dma_wait3A_531 = tpu.memref_slice %arg11[%dma_wait3A_529, %dma_wait3A_530] : memref<10240x16xf32, #tpu.memory_space<vmem_shared>> -> memref<10240x16xf32, #tpu.memory_space<vmem_shared>>
      tpu.wait_indirect_dma semaphore(%arg26 : memref<!tpu.dma_semaphore, #tpu.memory_space<semaphore_mem>>) src(%arg12 : memref<80x16xf32, #tpu.memory_space<vmem>>) dst(%dma_wait3A_531 : memref<10240x16xf32, #tpu.memory_space<vmem_shared>>)
      %dma_start3A_532 = arith.constant 6 : i32
      %dma_start3A_533 = arith.constant 0 : i32
      %dma_start3A_534 = tpu.memref_slice %arg13[%dma_start3A_532, %dma_start3A_533] : memref<8x80xi32, #tpu.memory_space<vmem>> -> memref<1x80xi32, #tpu.memory_space<vmem>>
      %dma_start3A_535 = tpu.memref_squeeze %dma_start3A_534 : memref<1x80xi32, #tpu.memory_space<vmem>> -> memref<80xi32, #tpu.memory_space<vmem>>
      %dma_start3A_536 = arith.constant 0 : i32
      %dma_start3A_537 = arith.constant 0 : i32
      %dma_start3A_538 = tpu.memref_slice %arg2[%dma_start3A_536, %dma_start3A_537] : memref<10000x128xf32, #tpu.memory_space<hbm>> -> memref<10000x128xf32, #tpu.memory_space<hbm>>
      tpu.enqueue_indirect_dma source(%dma_start3A_538 : memref<10000x128xf32, #tpu.memory_space<hbm>>) target(%arg15 : memref<80x128xf32, #tpu.memory_space<vmem>>) offsets(%dma_start3A_535 : memref<80xi32, #tpu.memory_space<vmem>>) semaphore(%arg20 : memref<!tpu.dma_semaphore, #tpu.memory_space<semaphore_mem>>)
      %dma_wait3A_539 = arith.constant 5 : i32
      %dma_wait3A_540 = arith.constant 0 : i32
      %dma_wait3A_541 = tpu.memref_slice %arg13[%dma_wait3A_539, %dma_wait3A_540] : memref<8x80xi32, #tpu.memory_space<vmem>> -> memref<1x80xi32, #tpu.memory_space<vmem>>
      %dma_wait3A_542 = tpu.memref_squeeze %dma_wait3A_541 : memref<1x80xi32, #tpu.memory_space<vmem>> -> memref<80xi32, #tpu.memory_space<vmem>>
      %dma_wait3A_543 = arith.constant 0 : i32
      %dma_wait3A_544 = arith.constant 0 : i32
      %dma_wait3A_545 = tpu.memref_slice %arg2[%dma_wait3A_543, %dma_wait3A_544] : memref<10000x128xf32, #tpu.memory_space<hbm>> -> memref<10000x128xf32, #tpu.memory_space<hbm>>
      tpu.wait_indirect_dma semaphore(%arg22 : memref<!tpu.dma_semaphore, #tpu.memory_space<semaphore_mem>>) src(%dma_wait3A_545 : memref<10000x128xf32, #tpu.memory_space<hbm>>) dst(%arg17 : memref<80x128xf32, #tpu.memory_space<vmem>>)
      %dma_start3A_546 = arith.constant 5 : i32
      %dma_start3A_547 = arith.constant 0 : i32
      %dma_start3A_548 = tpu.memref_slice %arg14[%dma_start3A_546, %dma_start3A_547] : memref<8x80xi32, #tpu.memory_space<vmem>> -> memref<1x80xi32, #tpu.memory_space<vmem>>
      %dma_start3A_549 = tpu.memref_squeeze %dma_start3A_548 : memref<1x80xi32, #tpu.memory_space<vmem>> -> memref<80xi32, #tpu.memory_space<vmem>>
      %dma_start3A_550 = arith.constant 0 : i32
      %dma_start3A_551 = arith.constant 0 : i32
      %dma_start3A_552 = tpu.memref_slice %arg10[%dma_start3A_550, %dma_start3A_551] : memref<10240x128xf32, #tpu.memory_space<vmem_shared>> -> memref<10240x128xf32, #tpu.memory_space<vmem_shared>>
      tpu.enqueue_indirect_dma source(%arg17 : memref<80x128xf32, #tpu.memory_space<vmem>>) target(%dma_start3A_552 : memref<10240x128xf32, #tpu.memory_space<vmem_shared>>) offsets(%dma_start3A_549 : memref<80xi32, #tpu.memory_space<vmem>>) semaphore(%arg25 : memref<!tpu.dma_semaphore, #tpu.memory_space<semaphore_mem>>) {add = true}
      %dma_start3A_553 = arith.constant 5 : i32
      %dma_start3A_554 = arith.constant 0 : i32
      %dma_start3A_555 = tpu.memref_slice %arg14[%dma_start3A_553, %dma_start3A_554] : memref<8x80xi32, #tpu.memory_space<vmem>> -> memref<1x80xi32, #tpu.memory_space<vmem>>
      %dma_start3A_556 = tpu.memref_squeeze %dma_start3A_555 : memref<1x80xi32, #tpu.memory_space<vmem>> -> memref<80xi32, #tpu.memory_space<vmem>>
      %dma_start3A_557 = arith.constant 0 : i32
      %dma_start3A_558 = arith.constant 0 : i32
      %dma_start3A_559 = tpu.memref_slice %arg11[%dma_start3A_557, %dma_start3A_558] : memref<10240x16xf32, #tpu.memory_space<vmem_shared>> -> memref<10240x16xf32, #tpu.memory_space<vmem_shared>>
      tpu.enqueue_indirect_dma source(%arg12 : memref<80x16xf32, #tpu.memory_space<vmem>>) target(%dma_start3A_559 : memref<10240x16xf32, #tpu.memory_space<vmem_shared>>) offsets(%dma_start3A_556 : memref<80xi32, #tpu.memory_space<vmem>>) semaphore(%arg28 : memref<!tpu.dma_semaphore, #tpu.memory_space<semaphore_mem>>) {add = true}
      %dma_wait3A_560 = arith.constant 4 : i32
      %dma_wait3A_561 = arith.constant 0 : i32
      %dma_wait3A_562 = tpu.memref_slice %arg14[%dma_wait3A_560, %dma_wait3A_561] : memref<8x80xi32, #tpu.memory_space<vmem>> -> memref<1x80xi32, #tpu.memory_space<vmem>>
      %dma_wait3A_563 = tpu.memref_squeeze %dma_wait3A_562 : memref<1x80xi32, #tpu.memory_space<vmem>> -> memref<80xi32, #tpu.memory_space<vmem>>
      %dma_wait3A_564 = arith.constant 0 : i32
      %dma_wait3A_565 = arith.constant 0 : i32
      %dma_wait3A_566 = tpu.memref_slice %arg10[%dma_wait3A_564, %dma_wait3A_565] : memref<10240x128xf32, #tpu.memory_space<vmem_shared>> -> memref<10240x128xf32, #tpu.memory_space<vmem_shared>>
      tpu.wait_indirect_dma semaphore(%arg24 : memref<!tpu.dma_semaphore, #tpu.memory_space<semaphore_mem>>) src(%arg16 : memref<80x128xf32, #tpu.memory_space<vmem>>) dst(%dma_wait3A_566 : memref<10240x128xf32, #tpu.memory_space<vmem_shared>>)
      %dma_wait3A_567 = arith.constant 4 : i32
      %dma_wait3A_568 = arith.constant 0 : i32
      %dma_wait3A_569 = tpu.memref_slice %arg14[%dma_wait3A_567, %dma_wait3A_568] : memref<8x80xi32, #tpu.memory_space<vmem>> -> memref<1x80xi32, #tpu.memory_space<vmem>>
      %dma_wait3A_570 = tpu.memref_squeeze %dma_wait3A_569 : memref<1x80xi32, #tpu.memory_space<vmem>> -> memref<80xi32, #tpu.memory_space<vmem>>
      %dma_wait3A_571 = arith.constant 0 : i32
      %dma_wait3A_572 = arith.constant 0 : i32
      %dma_wait3A_573 = tpu.memref_slice %arg11[%dma_wait3A_571, %dma_wait3A_572] : memref<10240x16xf32, #tpu.memory_space<vmem_shared>> -> memref<10240x16xf32, #tpu.memory_space<vmem_shared>>
      tpu.wait_indirect_dma semaphore(%arg27 : memref<!tpu.dma_semaphore, #tpu.memory_space<semaphore_mem>>) src(%arg12 : memref<80x16xf32, #tpu.memory_space<vmem>>) dst(%dma_wait3A_573 : memref<10240x16xf32, #tpu.memory_space<vmem_shared>>)
      %dma_start3A_574 = arith.constant 7 : i32
      %dma_start3A_575 = arith.constant 0 : i32
      %dma_start3A_576 = tpu.memref_slice %arg13[%dma_start3A_574, %dma_start3A_575] : memref<8x80xi32, #tpu.memory_space<vmem>> -> memref<1x80xi32, #tpu.memory_space<vmem>>
      %dma_start3A_577 = tpu.memref_squeeze %dma_start3A_576 : memref<1x80xi32, #tpu.memory_space<vmem>> -> memref<80xi32, #tpu.memory_space<vmem>>
      %dma_start3A_578 = arith.constant 0 : i32
      %dma_start3A_579 = arith.constant 0 : i32
      %dma_start3A_580 = tpu.memref_slice %arg2[%dma_start3A_578, %dma_start3A_579] : memref<10000x128xf32, #tpu.memory_space<hbm>> -> memref<10000x128xf32, #tpu.memory_space<hbm>>
      tpu.enqueue_indirect_dma source(%dma_start3A_580 : memref<10000x128xf32, #tpu.memory_space<hbm>>) target(%arg16 : memref<80x128xf32, #tpu.memory_space<vmem>>) offsets(%dma_start3A_577 : memref<80xi32, #tpu.memory_space<vmem>>) semaphore(%arg21 : memref<!tpu.dma_semaphore, #tpu.memory_space<semaphore_mem>>)
      %dma_wait3A_581 = arith.constant 6 : i32
      %dma_wait3A_582 = arith.constant 0 : i32
      %dma_wait3A_583 = tpu.memref_slice %arg13[%dma_wait3A_581, %dma_wait3A_582] : memref<8x80xi32, #tpu.memory_space<vmem>> -> memref<1x80xi32, #tpu.memory_space<vmem>>
      %dma_wait3A_584 = tpu.memref_squeeze %dma_wait3A_583 : memref<1x80xi32, #tpu.memory_space<vmem>> -> memref<80xi32, #tpu.memory_space<vmem>>
      %dma_wait3A_585 = arith.constant 0 : i32
      %dma_wait3A_586 = arith.constant 0 : i32
      %dma_wait3A_587 = tpu.memref_slice %arg2[%dma_wait3A_585, %dma_wait3A_586] : memref<10000x128xf32, #tpu.memory_space<hbm>> -> memref<10000x128xf32, #tpu.memory_space<hbm>>
      tpu.wait_indirect_dma semaphore(%arg20 : memref<!tpu.dma_semaphore, #tpu.memory_space<semaphore_mem>>) src(%dma_wait3A_587 : memref<10000x128xf32, #tpu.memory_space<hbm>>) dst(%arg15 : memref<80x128xf32, #tpu.memory_space<vmem>>)
      %dma_start3A_588 = arith.constant 6 : i32
      %dma_start3A_589 = arith.constant 0 : i32
      %dma_start3A_590 = tpu.memref_slice %arg14[%dma_start3A_588, %dma_start3A_589] : memref<8x80xi32, #tpu.memory_space<vmem>> -> memref<1x80xi32, #tpu.memory_space<vmem>>
      %dma_start3A_591 = tpu.memref_squeeze %dma_start3A_590 : memref<1x80xi32, #tpu.memory_space<vmem>> -> memref<80xi32, #tpu.memory_space<vmem>>
      %dma_start3A_592 = arith.constant 0 : i32
      %dma_start3A_593 = arith.constant 0 : i32
      %dma_start3A_594 = tpu.memref_slice %arg10[%dma_start3A_592, %dma_start3A_593] : memref<10240x128xf32, #tpu.memory_space<vmem_shared>> -> memref<10240x128xf32, #tpu.memory_space<vmem_shared>>
      tpu.enqueue_indirect_dma source(%arg15 : memref<80x128xf32, #tpu.memory_space<vmem>>) target(%dma_start3A_594 : memref<10240x128xf32, #tpu.memory_space<vmem_shared>>) offsets(%dma_start3A_591 : memref<80xi32, #tpu.memory_space<vmem>>) semaphore(%arg23 : memref<!tpu.dma_semaphore, #tpu.memory_space<semaphore_mem>>) {add = true}
      %dma_start3A_595 = arith.constant 6 : i32
      %dma_start3A_596 = arith.constant 0 : i32
      %dma_start3A_597 = tpu.memref_slice %arg14[%dma_start3A_595, %dma_start3A_596] : memref<8x80xi32, #tpu.memory_space<vmem>> -> memref<1x80xi32, #tpu.memory_space<vmem>>
      %dma_start3A_598 = tpu.memref_squeeze %dma_start3A_597 : memref<1x80xi32, #tpu.memory_space<vmem>> -> memref<80xi32, #tpu.memory_space<vmem>>
      %dma_start3A_599 = arith.constant 0 : i32
      %dma_start3A_600 = arith.constant 0 : i32
      %dma_start3A_601 = tpu.memref_slice %arg11[%dma_start3A_599, %dma_start3A_600] : memref<10240x16xf32, #tpu.memory_space<vmem_shared>> -> memref<10240x16xf32, #tpu.memory_space<vmem_shared>>
      tpu.enqueue_indirect_dma source(%arg12 : memref<80x16xf32, #tpu.memory_space<vmem>>) target(%dma_start3A_601 : memref<10240x16xf32, #tpu.memory_space<vmem_shared>>) offsets(%dma_start3A_598 : memref<80xi32, #tpu.memory_space<vmem>>) semaphore(%arg26 : memref<!tpu.dma_semaphore, #tpu.memory_space<semaphore_mem>>) {add = true}
      %dma_wait3A_602 = arith.constant 7 : i32
      %dma_wait3A_603 = arith.constant 0 : i32
      %dma_wait3A_604 = tpu.memref_slice %arg13[%dma_wait3A_602, %dma_wait3A_603] : memref<8x80xi32, #tpu.memory_space<vmem>> -> memref<1x80xi32, #tpu.memory_space<vmem>>
      %dma_wait3A_605 = tpu.memref_squeeze %dma_wait3A_604 : memref<1x80xi32, #tpu.memory_space<vmem>> -> memref<80xi32, #tpu.memory_space<vmem>>
      %dma_wait3A_606 = arith.constant 0 : i32
      %dma_wait3A_607 = arith.constant 0 : i32
      %dma_wait3A_608 = tpu.memref_slice %arg2[%dma_wait3A_606, %dma_wait3A_607] : memref<10000x128xf32, #tpu.memory_space<hbm>> -> memref<10000x128xf32, #tpu.memory_space<hbm>>
      tpu.wait_indirect_dma semaphore(%arg21 : memref<!tpu.dma_semaphore, #tpu.memory_space<semaphore_mem>>) src(%dma_wait3A_608 : memref<10000x128xf32, #tpu.memory_space<hbm>>) dst(%arg16 : memref<80x128xf32, #tpu.memory_space<vmem>>)
      %dma_start3A_609 = arith.constant 7 : i32
      %dma_start3A_610 = arith.constant 0 : i32
      %dma_start3A_611 = tpu.memref_slice %arg14[%dma_start3A_609, %dma_start3A_610] : memref<8x80xi32, #tpu.memory_space<vmem>> -> memref<1x80xi32, #tpu.memory_space<vmem>>
      %dma_start3A_612 = tpu.memref_squeeze %dma_start3A_611 : memref<1x80xi32, #tpu.memory_space<vmem>> -> memref<80xi32, #tpu.memory_space<vmem>>
      %dma_start3A_613 = arith.constant 0 : i32
      %dma_start3A_614 = arith.constant 0 : i32
      %dma_start3A_615 = tpu.memref_slice %arg10[%dma_start3A_613, %dma_start3A_614] : memref<10240x128xf32, #tpu.memory_space<vmem_shared>> -> memref<10240x128xf32, #tpu.memory_space<vmem_shared>>
      tpu.enqueue_indirect_dma source(%arg16 : memref<80x128xf32, #tpu.memory_space<vmem>>) target(%dma_start3A_615 : memref<10240x128xf32, #tpu.memory_space<vmem_shared>>) offsets(%dma_start3A_612 : memref<80xi32, #tpu.memory_space<vmem>>) semaphore(%arg24 : memref<!tpu.dma_semaphore, #tpu.memory_space<semaphore_mem>>) {add = true}
      %dma_start3A_616 = arith.constant 7 : i32
      %dma_start3A_617 = arith.constant 0 : i32
      %dma_start3A_618 = tpu.memref_slice %arg14[%dma_start3A_616, %dma_start3A_617] : memref<8x80xi32, #tpu.memory_space<vmem>> -> memref<1x80xi32, #tpu.memory_space<vmem>>
      %dma_start3A_619 = tpu.memref_squeeze %dma_start3A_618 : memref<1x80xi32, #tpu.memory_space<vmem>> -> memref<80xi32, #tpu.memory_space<vmem>>
      %dma_start3A_620 = arith.constant 0 : i32
      %dma_start3A_621 = arith.constant 0 : i32
      %dma_start3A_622 = tpu.memref_slice %arg11[%dma_start3A_620, %dma_start3A_621] : memref<10240x16xf32, #tpu.memory_space<vmem_shared>> -> memref<10240x16xf32, #tpu.memory_space<vmem_shared>>
      tpu.enqueue_indirect_dma source(%arg12 : memref<80x16xf32, #tpu.memory_space<vmem>>) target(%dma_start3A_622 : memref<10240x16xf32, #tpu.memory_space<vmem_shared>>) offsets(%dma_start3A_619 : memref<80xi32, #tpu.memory_space<vmem>>) semaphore(%arg27 : memref<!tpu.dma_semaphore, #tpu.memory_space<semaphore_mem>>) {add = true}
      %dma_wait3A_623 = arith.constant 5 : i32
      %dma_wait3A_624 = arith.constant 0 : i32
      %dma_wait3A_625 = tpu.memref_slice %arg14[%dma_wait3A_623, %dma_wait3A_624] : memref<8x80xi32, #tpu.memory_space<vmem>> -> memref<1x80xi32, #tpu.memory_space<vmem>>
      %dma_wait3A_626 = tpu.memref_squeeze %dma_wait3A_625 : memref<1x80xi32, #tpu.memory_space<vmem>> -> memref<80xi32, #tpu.memory_space<vmem>>
      %dma_wait3A_627 = arith.constant 0 : i32
      %dma_wait3A_628 = arith.constant 0 : i32
      %dma_wait3A_629 = tpu.memref_slice %arg10[%dma_wait3A_627, %dma_wait3A_628] : memref<10240x128xf32, #tpu.memory_space<vmem_shared>> -> memref<10240x128xf32, #tpu.memory_space<vmem_shared>>
      tpu.wait_indirect_dma semaphore(%arg25 : memref<!tpu.dma_semaphore, #tpu.memory_space<semaphore_mem>>) src(%arg17 : memref<80x128xf32, #tpu.memory_space<vmem>>) dst(%dma_wait3A_629 : memref<10240x128xf32, #tpu.memory_space<vmem_shared>>)
      %dma_wait3A_630 = arith.constant 5 : i32
      %dma_wait3A_631 = arith.constant 0 : i32
      %dma_wait3A_632 = tpu.memref_slice %arg14[%dma_wait3A_630, %dma_wait3A_631] : memref<8x80xi32, #tpu.memory_space<vmem>> -> memref<1x80xi32, #tpu.memory_space<vmem>>
      %dma_wait3A_633 = tpu.memref_squeeze %dma_wait3A_632 : memref<1x80xi32, #tpu.memory_space<vmem>> -> memref<80xi32, #tpu.memory_space<vmem>>
      %dma_wait3A_634 = arith.constant 0 : i32
      %dma_wait3A_635 = arith.constant 0 : i32
      %dma_wait3A_636 = tpu.memref_slice %arg11[%dma_wait3A_634, %dma_wait3A_635] : memref<10240x16xf32, #tpu.memory_space<vmem_shared>> -> memref<10240x16xf32, #tpu.memory_space<vmem_shared>>
      tpu.wait_indirect_dma semaphore(%arg28 : memref<!tpu.dma_semaphore, #tpu.memory_space<semaphore_mem>>) src(%arg12 : memref<80x16xf32, #tpu.memory_space<vmem>>) dst(%dma_wait3A_636 : memref<10240x16xf32, #tpu.memory_space<vmem_shared>>)
      %dma_wait3A_637 = arith.constant 6 : i32
      %dma_wait3A_638 = arith.constant 0 : i32
      %dma_wait3A_639 = tpu.memref_slice %arg14[%dma_wait3A_637, %dma_wait3A_638] : memref<8x80xi32, #tpu.memory_space<vmem>> -> memref<1x80xi32, #tpu.memory_space<vmem>>
      %dma_wait3A_640 = tpu.memref_squeeze %dma_wait3A_639 : memref<1x80xi32, #tpu.memory_space<vmem>> -> memref<80xi32, #tpu.memory_space<vmem>>
      %dma_wait3A_641 = arith.constant 0 : i32
      %dma_wait3A_642 = arith.constant 0 : i32
      %dma_wait3A_643 = tpu.memref_slice %arg10[%dma_wait3A_641, %dma_wait3A_642] : memref<10240x128xf32, #tpu.memory_space<vmem_shared>> -> memref<10240x128xf32, #tpu.memory_space<vmem_shared>>
      tpu.wait_indirect_dma semaphore(%arg23 : memref<!tpu.dma_semaphore, #tpu.memory_space<semaphore_mem>>) src(%arg15 : memref<80x128xf32, #tpu.memory_space<vmem>>) dst(%dma_wait3A_643 : memref<10240x128xf32, #tpu.memory_space<vmem_shared>>)
      %dma_wait3A_644 = arith.constant 6 : i32
      %dma_wait3A_645 = arith.constant 0 : i32
      %dma_wait3A_646 = tpu.memref_slice %arg14[%dma_wait3A_644, %dma_wait3A_645] : memref<8x80xi32, #tpu.memory_space<vmem>> -> memref<1x80xi32, #tpu.memory_space<vmem>>
      %dma_wait3A_647 = tpu.memref_squeeze %dma_wait3A_646 : memref<1x80xi32, #tpu.memory_space<vmem>> -> memref<80xi32, #tpu.memory_space<vmem>>
      %dma_wait3A_648 = arith.constant 0 : i32
      %dma_wait3A_649 = arith.constant 0 : i32
      %dma_wait3A_650 = tpu.memref_slice %arg11[%dma_wait3A_648, %dma_wait3A_649] : memref<10240x16xf32, #tpu.memory_space<vmem_shared>> -> memref<10240x16xf32, #tpu.memory_space<vmem_shared>>
      tpu.wait_indirect_dma semaphore(%arg26 : memref<!tpu.dma_semaphore, #tpu.memory_space<semaphore_mem>>) src(%arg12 : memref<80x16xf32, #tpu.memory_space<vmem>>) dst(%dma_wait3A_650 : memref<10240x16xf32, #tpu.memory_space<vmem_shared>>)
      %dma_wait3A_651 = arith.constant 7 : i32
      %dma_wait3A_652 = arith.constant 0 : i32
      %dma_wait3A_653 = tpu.memref_slice %arg14[%dma_wait3A_651, %dma_wait3A_652] : memref<8x80xi32, #tpu.memory_space<vmem>> -> memref<1x80xi32, #tpu.memory_space<vmem>>
      %dma_wait3A_654 = tpu.memref_squeeze %dma_wait3A_653 : memref<1x80xi32, #tpu.memory_space<vmem>> -> memref<80xi32, #tpu.memory_space<vmem>>
      %dma_wait3A_655 = arith.constant 0 : i32
      %dma_wait3A_656 = arith.constant 0 : i32
      %dma_wait3A_657 = tpu.memref_slice %arg10[%dma_wait3A_655, %dma_wait3A_656] : memref<10240x128xf32, #tpu.memory_space<vmem_shared>> -> memref<10240x128xf32, #tpu.memory_space<vmem_shared>>
      tpu.wait_indirect_dma semaphore(%arg24 : memref<!tpu.dma_semaphore, #tpu.memory_space<semaphore_mem>>) src(%arg16 : memref<80x128xf32, #tpu.memory_space<vmem>>) dst(%dma_wait3A_657 : memref<10240x128xf32, #tpu.memory_space<vmem_shared>>)
      %dma_wait3A_658 = arith.constant 7 : i32
      %dma_wait3A_659 = arith.constant 0 : i32
      %dma_wait3A_660 = tpu.memref_slice %arg14[%dma_wait3A_658, %dma_wait3A_659] : memref<8x80xi32, #tpu.memory_space<vmem>> -> memref<1x80xi32, #tpu.memory_space<vmem>>
      %dma_wait3A_661 = tpu.memref_squeeze %dma_wait3A_660 : memref<1x80xi32, #tpu.memory_space<vmem>> -> memref<80xi32, #tpu.memory_space<vmem>>
      %dma_wait3A_662 = arith.constant 0 : i32
      %dma_wait3A_663 = arith.constant 0 : i32
      %dma_wait3A_664 = tpu.memref_slice %arg11[%dma_wait3A_662, %dma_wait3A_663] : memref<10240x16xf32, #tpu.memory_space<vmem_shared>> -> memref<10240x16xf32, #tpu.memory_space<vmem_shared>>
      tpu.wait_indirect_dma semaphore(%arg27 : memref<!tpu.dma_semaphore, #tpu.memory_space<semaphore_mem>>) src(%arg12 : memref<80x16xf32, #tpu.memory_space<vmem>>) dst(%dma_wait3A_664 : memref<10240x16xf32, #tpu.memory_space<vmem_shared>>)
    }
    %scan3A_11 = arith.constant 16 : i32
    %barrier3A_12 = arith.constant 0 : index
    tpu.barrier barrier_id(%barrier3A_12)
    "tpu.region"() ({
      %run_scoped3A = tpu.sem_alloc : memref<!tpu.dma_semaphore, #tpu.memory_space<semaphore_mem>>
      %dma_start3A = arith.constant 0 : i32
      %dma_start3A_13 = tpu.memref_slice %arg8[%arg0, %mul3A_2, %dma_start3A] : memref<2x10240x128xf32, #tpu.memory_space<hbm>> -> memref<1x640x128xf32, #tpu.memory_space<hbm>>
      %dma_start3A_14 = tpu.memref_squeeze %dma_start3A_13 : memref<1x640x128xf32, #tpu.memory_space<hbm>> -> memref<640x128xf32, #tpu.memory_space<hbm>>
      %dma_start3A_15 = arith.constant 0 : i32
      %dma_start3A_16 = tpu.memref_slice %arg10[%mul3A_2, %dma_start3A_15] : memref<10240x128xf32, #tpu.memory_space<vmem_shared>> -> memref<640x128xf32, #tpu.memory_space<vmem_shared>>
      tpu.enqueue_dma source(%dma_start3A_16 : memref<640x128xf32, #tpu.memory_space<vmem_shared>>) target(%dma_start3A_14 : memref<640x128xf32, #tpu.memory_space<hbm>>) target_semaphore(%run_scoped3A : memref<!tpu.dma_semaphore, #tpu.memory_space<semaphore_mem>>)
      %dma_wait3A = arith.constant 0 : i32
      %dma_wait3A_17 = tpu.memref_slice %arg8[%arg0, %mul3A_2, %dma_wait3A] : memref<2x10240x128xf32, #tpu.memory_space<hbm>> -> memref<1x640x128xf32, #tpu.memory_space<hbm>>
      %dma_wait3A_18 = tpu.memref_squeeze %dma_wait3A_17 : memref<1x640x128xf32, #tpu.memory_space<hbm>> -> memref<640x128xf32, #tpu.memory_space<hbm>>
      %dma_wait3A_19 = arith.constant 0 : i32
      %dma_wait3A_20 = tpu.memref_slice %arg10[%mul3A_2, %dma_wait3A_19] : memref<10240x128xf32, #tpu.memory_space<vmem_shared>> -> memref<640x128xf32, #tpu.memory_space<vmem_shared>>
      tpu.wait_dma2 semaphore(%run_scoped3A : memref<!tpu.dma_semaphore, #tpu.memory_space<semaphore_mem>>) src(%dma_wait3A_20 : memref<640x128xf32, #tpu.memory_space<vmem_shared>>) dst(%dma_wait3A_18 : memref<640x128xf32, #tpu.memory_space<hbm>>)
      tpu.yield
    }) : () -> ()
    "tpu.region"() ({
      %run_scoped3A = tpu.sem_alloc : memref<!tpu.dma_semaphore, #tpu.memory_space<semaphore_mem>>
      %dma_start3A = arith.constant 0 : i32
      %dma_start3A_13 = tpu.memref_slice %arg9[%arg0, %mul3A_2, %dma_start3A] : memref<2x10240x16xf32, #tpu.memory_space<hbm>> -> memref<1x640x16xf32, #tpu.memory_space<hbm>>
      %dma_start3A_14 = tpu.memref_squeeze %dma_start3A_13 : memref<1x640x16xf32, #tpu.memory_space<hbm>> -> memref<640x16xf32, #tpu.memory_space<hbm>>
      %dma_start3A_15 = arith.constant 0 : i32
      %dma_start3A_16 = tpu.memref_slice %arg11[%mul3A_2, %dma_start3A_15] : memref<10240x16xf32, #tpu.memory_space<vmem_shared>> -> memref<640x16xf32, #tpu.memory_space<vmem_shared>>
      tpu.enqueue_dma source(%dma_start3A_16 : memref<640x16xf32, #tpu.memory_space<vmem_shared>>) target(%dma_start3A_14 : memref<640x16xf32, #tpu.memory_space<hbm>>) target_semaphore(%run_scoped3A : memref<!tpu.dma_semaphore, #tpu.memory_space<semaphore_mem>>)
      %dma_wait3A = arith.constant 0 : i32
      %dma_wait3A_17 = tpu.memref_slice %arg9[%arg0, %mul3A_2, %dma_wait3A] : memref<2x10240x16xf32, #tpu.memory_space<hbm>> -> memref<1x640x16xf32, #tpu.memory_space<hbm>>
      %dma_wait3A_18 = tpu.memref_squeeze %dma_wait3A_17 : memref<1x640x16xf32, #tpu.memory_space<hbm>> -> memref<640x16xf32, #tpu.memory_space<hbm>>
      %dma_wait3A_19 = arith.constant 0 : i32
      %dma_wait3A_20 = tpu.memref_slice %arg11[%mul3A_2, %dma_wait3A_19] : memref<10240x16xf32, #tpu.memory_space<vmem_shared>> -> memref<640x16xf32, #tpu.memory_space<vmem_shared>>
      tpu.wait_dma2 semaphore(%run_scoped3A : memref<!tpu.dma_semaphore, #tpu.memory_space<semaphore_mem>>) src(%dma_wait3A_20 : memref<640x16xf32, #tpu.memory_space<vmem_shared>>) dst(%dma_wait3A_18 : memref<640x16xf32, #tpu.memory_space<hbm>>)
      tpu.yield
    }) : () -> ()
    return
  }
}

#map = affine_map<(d0, d1) -> (0, 0)>
#map1 = affine_map<(d0, d1) -> (0)>
#map2 = affine_map<(d0, d1) -> (0, 0, 0)>
module attributes {stable_mosaic.version = 14 : i64} {
  func.func @body(%arg0: i32, %arg1: i32, %arg2: memref<10000x64xf32, #tpu.memory_space<hbm>>, %arg3: memref<327680xi32, #tpu.memory_space<hbm>>, %arg4: memref<327680xi32, #tpu.memory_space<hbm>>, %arg5: memref<10240x64xf32, #tpu.memory_space<hbm>>, %arg6: memref<2x10240x64xf32, #tpu.memory_space<hbm>>, %arg7: memref<10240x64xf32, #tpu.memory_space<vmem_shared>>, %arg8: memref<8x80xi32, #tpu.memory_space<vmem>>, %arg9: memref<8x80xi32, #tpu.memory_space<vmem>>, %arg10: memref<80x64xf32, #tpu.memory_space<vmem>>, %arg11: memref<80x64xf32, #tpu.memory_space<vmem>>, %arg12: memref<80x64xf32, #tpu.memory_space<vmem>>, %arg13: memref<!tpu.dma_semaphore, #tpu.memory_space<semaphore_mem>>, %arg14: memref<!tpu.dma_semaphore, #tpu.memory_space<semaphore_mem>>, %arg15: memref<!tpu.dma_semaphore, #tpu.memory_space<semaphore_mem>>, %arg16: memref<!tpu.dma_semaphore, #tpu.memory_space<semaphore_mem>>, %arg17: memref<!tpu.dma_semaphore, #tpu.memory_space<semaphore_mem>>, %arg18: memref<!tpu.dma_semaphore, #tpu.memory_space<semaphore_mem>>, %arg19: memref<!tpu.dma_semaphore, #tpu.memory_space<semaphore_mem>>, %arg20: memref<!tpu.dma_semaphore, #tpu.memory_space<semaphore_mem>>) attributes {dimension_semantics = [#tpu.dimension_semantics<core_parallel>, #tpu.dimension_semantics<subcore_parallel>], iteration_bounds = array<i64: 2, 16>, scalar_prefetch = 0 : i64, scratch_operands = 14 : i64, tpu.core_type = #tpu.core_type<sc_vector_subcore>, window_params = [{transform_indices = #map}, {transform_indices = #map1}, {transform_indices = #map1}, {transform_indices = #map}, {transform_indices = #map2}]} {
    %mul3A = arith.constant 16 : i32
    %mul3A_0 = arith.muli %arg0, %mul3A : i32
    %add3A = arith.addi %mul3A_0, %arg1 : i32
    %mul3A_1 = arith.constant 640 : i32
    %mul3A_2 = arith.muli %arg1, %mul3A_1 : i32
    "tpu.region"() ({
      %run_scoped3A = tpu.sem_alloc : memref<!tpu.dma_semaphore, #tpu.memory_space<semaphore_mem>>
      %dma_start3A = arith.constant 0 : i32
      %dma_start3A_13 = tpu.memref_slice %arg7[%mul3A_2, %dma_start3A] : memref<10240x64xf32, #tpu.memory_space<vmem_shared>> -> memref<640x64xf32, #tpu.memory_space<vmem_shared>>
      %dma_start3A_14 = arith.constant 0 : i32
      %dma_start3A_15 = tpu.memref_slice %arg5[%mul3A_2, %dma_start3A_14] : memref<10240x64xf32, #tpu.memory_space<hbm>> -> memref<640x64xf32, #tpu.memory_space<hbm>>
      tpu.enqueue_dma source(%dma_start3A_15 : memref<640x64xf32, #tpu.memory_space<hbm>>) target(%dma_start3A_13 : memref<640x64xf32, #tpu.memory_space<vmem_shared>>) target_semaphore(%run_scoped3A : memref<!tpu.dma_semaphore, #tpu.memory_space<semaphore_mem>>)
      %dma_wait3A = arith.constant 0 : i32
      %dma_wait3A_16 = tpu.memref_slice %arg7[%mul3A_2, %dma_wait3A] : memref<10240x64xf32, #tpu.memory_space<vmem_shared>> -> memref<640x64xf32, #tpu.memory_space<vmem_shared>>
      %dma_wait3A_17 = arith.constant 0 : i32
      %dma_wait3A_18 = tpu.memref_slice %arg5[%mul3A_2, %dma_wait3A_17] : memref<10240x64xf32, #tpu.memory_space<hbm>> -> memref<640x64xf32, #tpu.memory_space<hbm>>
      tpu.wait_dma2 semaphore(%run_scoped3A : memref<!tpu.dma_semaphore, #tpu.memory_space<semaphore_mem>>) src(%dma_wait3A_18 : memref<640x64xf32, #tpu.memory_space<hbm>>) dst(%dma_wait3A_16 : memref<640x64xf32, #tpu.memory_space<vmem_shared>>)
      tpu.yield
    }) : () -> ()
    %barrier3A = arith.constant 0 : index
    tpu.barrier barrier_id(%barrier3A)
    %mul3A_3 = arith.constant 128 : i32
    %mul3A_4 = arith.muli %add3A, %mul3A_3 : i32
    %mul3A_5 = arith.constant 80 : i32
    %mul3A_6 = arith.muli %mul3A_4, %mul3A_5 : i32
    %scan3A = arith.constant 0 : i32
    %scan3A_7 = arith.constant 0 : i32
    %scan3A_8 = arith.constant 16 : i32
    %scan3A_9 = arith.addi %scan3A_7, %scan3A_8 : i32
    %scan3A_10 = arith.constant 1 : i32
    scf.for %scan3A_13 = %scan3A_7 to %scan3A_9 step %scan3A_10  : i32 {
      %mul3A_14 = arith.constant 8 : i32
      %mul3A_15 = arith.muli %scan3A_13, %mul3A_14 : i32
      %mul3A_16 = arith.constant 80 : i32
      %mul3A_17 = arith.muli %mul3A_15, %mul3A_16 : i32
      %add3A_18 = arith.addi %mul3A_6, %mul3A_17 : i32
      %multiple_of3A = tpu.assume_multiple %add3A_18, 8 : i32
      %add3A_19 = arith.constant 0 : i32
      %add3A_20 = arith.addi %multiple_of3A, %add3A_19 : i32
      %multiple_of3A_21 = tpu.assume_multiple %add3A_20, 8 : i32
      %dma_start3A = arith.constant 0 : i32
      %dma_start3A_22 = arith.constant 0 : i32
      %dma_start3A_23 = tpu.memref_slice %arg8[%dma_start3A, %dma_start3A_22] : memref<8x80xi32, #tpu.memory_space<vmem>> -> memref<1x80xi32, #tpu.memory_space<vmem>>
      %dma_start3A_24 = tpu.memref_squeeze %dma_start3A_23 : memref<1x80xi32, #tpu.memory_space<vmem>> -> memref<80xi32, #tpu.memory_space<vmem>>
      %dma_start3A_25 = tpu.memref_slice %arg3[%multiple_of3A_21] : memref<327680xi32, #tpu.memory_space<hbm>> -> memref<80xi32, #tpu.memory_space<hbm>>
      %dma_start3A_26 = arith.constant 0 : i32
      %dma_start3A_27 = tpu.memref_slice %arg8[%dma_start3A, %dma_start3A_26] : memref<8x80xi32, #tpu.memory_space<vmem>> -> memref<1x80xi32, #tpu.memory_space<vmem>>
      %dma_start3A_28 = tpu.memref_squeeze %dma_start3A_27 : memref<1x80xi32, #tpu.memory_space<vmem>> -> memref<80xi32, #tpu.memory_space<vmem>>
      %dma_start3A_29 = tpu.memref_slice %arg3[%multiple_of3A_21] : memref<327680xi32, #tpu.memory_space<hbm>> -> memref<80xi32, #tpu.memory_space<hbm>>
      tpu.enqueue_dma source(%dma_start3A_29 : memref<80xi32, #tpu.memory_space<hbm>>) target(%dma_start3A_28 : memref<80xi32, #tpu.memory_space<vmem>>) target_semaphore(%arg13 : memref<!tpu.dma_semaphore, #tpu.memory_space<semaphore_mem>>)
      %dma_start3A_30 = arith.constant 0 : i32
      %dma_start3A_31 = arith.constant 0 : i32
      %dma_start3A_32 = tpu.memref_slice %arg9[%dma_start3A_30, %dma_start3A_31] : memref<8x80xi32, #tpu.memory_space<vmem>> -> memref<1x80xi32, #tpu.memory_space<vmem>>
      %dma_start3A_33 = tpu.memref_squeeze %dma_start3A_32 : memref<1x80xi32, #tpu.memory_space<vmem>> -> memref<80xi32, #tpu.memory_space<vmem>>
      %dma_start3A_34 = tpu.memref_slice %arg4[%multiple_of3A_21] : memref<327680xi32, #tpu.memory_space<hbm>> -> memref<80xi32, #tpu.memory_space<hbm>>
      %dma_start3A_35 = arith.constant 0 : i32
      %dma_start3A_36 = tpu.memref_slice %arg9[%dma_start3A_30, %dma_start3A_35] : memref<8x80xi32, #tpu.memory_space<vmem>> -> memref<1x80xi32, #tpu.memory_space<vmem>>
      %dma_start3A_37 = tpu.memref_squeeze %dma_start3A_36 : memref<1x80xi32, #tpu.memory_space<vmem>> -> memref<80xi32, #tpu.memory_space<vmem>>
      %dma_start3A_38 = tpu.memref_slice %arg4[%multiple_of3A_21] : memref<327680xi32, #tpu.memory_space<hbm>> -> memref<80xi32, #tpu.memory_space<hbm>>
      tpu.enqueue_dma source(%dma_start3A_38 : memref<80xi32, #tpu.memory_space<hbm>>) target(%dma_start3A_37 : memref<80xi32, #tpu.memory_space<vmem>>) target_semaphore(%arg14 : memref<!tpu.dma_semaphore, #tpu.memory_space<semaphore_mem>>)
      %add3A_39 = arith.constant 80 : i32
      %add3A_40 = arith.addi %multiple_of3A, %add3A_39 : i32
      %multiple_of3A_41 = tpu.assume_multiple %add3A_40, 8 : i32
      %dma_start3A_42 = arith.constant 1 : i32
      %dma_start3A_43 = arith.constant 0 : i32
      %dma_start3A_44 = tpu.memref_slice %arg8[%dma_start3A_42, %dma_start3A_43] : memref<8x80xi32, #tpu.memory_space<vmem>> -> memref<1x80xi32, #tpu.memory_space<vmem>>
      %dma_start3A_45 = tpu.memref_squeeze %dma_start3A_44 : memref<1x80xi32, #tpu.memory_space<vmem>> -> memref<80xi32, #tpu.memory_space<vmem>>
      %dma_start3A_46 = tpu.memref_slice %arg3[%multiple_of3A_41] : memref<327680xi32, #tpu.memory_space<hbm>> -> memref<80xi32, #tpu.memory_space<hbm>>
      %dma_start3A_47 = arith.constant 0 : i32
      %dma_start3A_48 = tpu.memref_slice %arg8[%dma_start3A_42, %dma_start3A_47] : memref<8x80xi32, #tpu.memory_space<vmem>> -> memref<1x80xi32, #tpu.memory_space<vmem>>
      %dma_start3A_49 = tpu.memref_squeeze %dma_start3A_48 : memref<1x80xi32, #tpu.memory_space<vmem>> -> memref<80xi32, #tpu.memory_space<vmem>>
      %dma_start3A_50 = tpu.memref_slice %arg3[%multiple_of3A_41] : memref<327680xi32, #tpu.memory_space<hbm>> -> memref<80xi32, #tpu.memory_space<hbm>>
      tpu.enqueue_dma source(%dma_start3A_50 : memref<80xi32, #tpu.memory_space<hbm>>) target(%dma_start3A_49 : memref<80xi32, #tpu.memory_space<vmem>>) target_semaphore(%arg13 : memref<!tpu.dma_semaphore, #tpu.memory_space<semaphore_mem>>)
      %dma_start3A_51 = arith.constant 1 : i32
      %dma_start3A_52 = arith.constant 0 : i32
      %dma_start3A_53 = tpu.memref_slice %arg9[%dma_start3A_51, %dma_start3A_52] : memref<8x80xi32, #tpu.memory_space<vmem>> -> memref<1x80xi32, #tpu.memory_space<vmem>>
      %dma_start3A_54 = tpu.memref_squeeze %dma_start3A_53 : memref<1x80xi32, #tpu.memory_space<vmem>> -> memref<80xi32, #tpu.memory_space<vmem>>
      %dma_start3A_55 = tpu.memref_slice %arg4[%multiple_of3A_41] : memref<327680xi32, #tpu.memory_space<hbm>> -> memref<80xi32, #tpu.memory_space<hbm>>
      %dma_start3A_56 = arith.constant 0 : i32
      %dma_start3A_57 = tpu.memref_slice %arg9[%dma_start3A_51, %dma_start3A_56] : memref<8x80xi32, #tpu.memory_space<vmem>> -> memref<1x80xi32, #tpu.memory_space<vmem>>
      %dma_start3A_58 = tpu.memref_squeeze %dma_start3A_57 : memref<1x80xi32, #tpu.memory_space<vmem>> -> memref<80xi32, #tpu.memory_space<vmem>>
      %dma_start3A_59 = tpu.memref_slice %arg4[%multiple_of3A_41] : memref<327680xi32, #tpu.memory_space<hbm>> -> memref<80xi32, #tpu.memory_space<hbm>>
      tpu.enqueue_dma source(%dma_start3A_59 : memref<80xi32, #tpu.memory_space<hbm>>) target(%dma_start3A_58 : memref<80xi32, #tpu.memory_space<vmem>>) target_semaphore(%arg14 : memref<!tpu.dma_semaphore, #tpu.memory_space<semaphore_mem>>)
      %add3A_60 = arith.constant 160 : i32
      %add3A_61 = arith.addi %multiple_of3A, %add3A_60 : i32
      %multiple_of3A_62 = tpu.assume_multiple %add3A_61, 8 : i32
      %dma_start3A_63 = arith.constant 2 : i32
      %dma_start3A_64 = arith.constant 0 : i32
      %dma_start3A_65 = tpu.memref_slice %arg8[%dma_start3A_63, %dma_start3A_64] : memref<8x80xi32, #tpu.memory_space<vmem>> -> memref<1x80xi32, #tpu.memory_space<vmem>>
      %dma_start3A_66 = tpu.memref_squeeze %dma_start3A_65 : memref<1x80xi32, #tpu.memory_space<vmem>> -> memref<80xi32, #tpu.memory_space<vmem>>
      %dma_start3A_67 = tpu.memref_slice %arg3[%multiple_of3A_62] : memref<327680xi32, #tpu.memory_space<hbm>> -> memref<80xi32, #tpu.memory_space<hbm>>
      %dma_start3A_68 = arith.constant 0 : i32
      %dma_start3A_69 = tpu.memref_slice %arg8[%dma_start3A_63, %dma_start3A_68] : memref<8x80xi32, #tpu.memory_space<vmem>> -> memref<1x80xi32, #tpu.memory_space<vmem>>
      %dma_start3A_70 = tpu.memref_squeeze %dma_start3A_69 : memref<1x80xi32, #tpu.memory_space<vmem>> -> memref<80xi32, #tpu.memory_space<vmem>>
      %dma_start3A_71 = tpu.memref_slice %arg3[%multiple_of3A_62] : memref<327680xi32, #tpu.memory_space<hbm>> -> memref<80xi32, #tpu.memory_space<hbm>>
      tpu.enqueue_dma source(%dma_start3A_71 : memref<80xi32, #tpu.memory_space<hbm>>) target(%dma_start3A_70 : memref<80xi32, #tpu.memory_space<vmem>>) target_semaphore(%arg13 : memref<!tpu.dma_semaphore, #tpu.memory_space<semaphore_mem>>)
      %dma_start3A_72 = arith.constant 2 : i32
      %dma_start3A_73 = arith.constant 0 : i32
      %dma_start3A_74 = tpu.memref_slice %arg9[%dma_start3A_72, %dma_start3A_73] : memref<8x80xi32, #tpu.memory_space<vmem>> -> memref<1x80xi32, #tpu.memory_space<vmem>>
      %dma_start3A_75 = tpu.memref_squeeze %dma_start3A_74 : memref<1x80xi32, #tpu.memory_space<vmem>> -> memref<80xi32, #tpu.memory_space<vmem>>
      %dma_start3A_76 = tpu.memref_slice %arg4[%multiple_of3A_62] : memref<327680xi32, #tpu.memory_space<hbm>> -> memref<80xi32, #tpu.memory_space<hbm>>
      %dma_start3A_77 = arith.constant 0 : i32
      %dma_start3A_78 = tpu.memref_slice %arg9[%dma_start3A_72, %dma_start3A_77] : memref<8x80xi32, #tpu.memory_space<vmem>> -> memref<1x80xi32, #tpu.memory_space<vmem>>
      %dma_start3A_79 = tpu.memref_squeeze %dma_start3A_78 : memref<1x80xi32, #tpu.memory_space<vmem>> -> memref<80xi32, #tpu.memory_space<vmem>>
      %dma_start3A_80 = tpu.memref_slice %arg4[%multiple_of3A_62] : memref<327680xi32, #tpu.memory_space<hbm>> -> memref<80xi32, #tpu.memory_space<hbm>>
      tpu.enqueue_dma source(%dma_start3A_80 : memref<80xi32, #tpu.memory_space<hbm>>) target(%dma_start3A_79 : memref<80xi32, #tpu.memory_space<vmem>>) target_semaphore(%arg14 : memref<!tpu.dma_semaphore, #tpu.memory_space<semaphore_mem>>)
      %add3A_81 = arith.constant 240 : i32
      %add3A_82 = arith.addi %multiple_of3A, %add3A_81 : i32
      %multiple_of3A_83 = tpu.assume_multiple %add3A_82, 8 : i32
      %dma_start3A_84 = arith.constant 3 : i32
      %dma_start3A_85 = arith.constant 0 : i32
      %dma_start3A_86 = tpu.memref_slice %arg8[%dma_start3A_84, %dma_start3A_85] : memref<8x80xi32, #tpu.memory_space<vmem>> -> memref<1x80xi32, #tpu.memory_space<vmem>>
      %dma_start3A_87 = tpu.memref_squeeze %dma_start3A_86 : memref<1x80xi32, #tpu.memory_space<vmem>> -> memref<80xi32, #tpu.memory_space<vmem>>
      %dma_start3A_88 = tpu.memref_slice %arg3[%multiple_of3A_83] : memref<327680xi32, #tpu.memory_space<hbm>> -> memref<80xi32, #tpu.memory_space<hbm>>
      %dma_start3A_89 = arith.constant 0 : i32
      %dma_start3A_90 = tpu.memref_slice %arg8[%dma_start3A_84, %dma_start3A_89] : memref<8x80xi32, #tpu.memory_space<vmem>> -> memref<1x80xi32, #tpu.memory_space<vmem>>
      %dma_start3A_91 = tpu.memref_squeeze %dma_start3A_90 : memref<1x80xi32, #tpu.memory_space<vmem>> -> memref<80xi32, #tpu.memory_space<vmem>>
      %dma_start3A_92 = tpu.memref_slice %arg3[%multiple_of3A_83] : memref<327680xi32, #tpu.memory_space<hbm>> -> memref<80xi32, #tpu.memory_space<hbm>>
      tpu.enqueue_dma source(%dma_start3A_92 : memref<80xi32, #tpu.memory_space<hbm>>) target(%dma_start3A_91 : memref<80xi32, #tpu.memory_space<vmem>>) target_semaphore(%arg13 : memref<!tpu.dma_semaphore, #tpu.memory_space<semaphore_mem>>)
      %dma_start3A_93 = arith.constant 3 : i32
      %dma_start3A_94 = arith.constant 0 : i32
      %dma_start3A_95 = tpu.memref_slice %arg9[%dma_start3A_93, %dma_start3A_94] : memref<8x80xi32, #tpu.memory_space<vmem>> -> memref<1x80xi32, #tpu.memory_space<vmem>>
      %dma_start3A_96 = tpu.memref_squeeze %dma_start3A_95 : memref<1x80xi32, #tpu.memory_space<vmem>> -> memref<80xi32, #tpu.memory_space<vmem>>
      %dma_start3A_97 = tpu.memref_slice %arg4[%multiple_of3A_83] : memref<327680xi32, #tpu.memory_space<hbm>> -> memref<80xi32, #tpu.memory_space<hbm>>
      %dma_start3A_98 = arith.constant 0 : i32
      %dma_start3A_99 = tpu.memref_slice %arg9[%dma_start3A_93, %dma_start3A_98] : memref<8x80xi32, #tpu.memory_space<vmem>> -> memref<1x80xi32, #tpu.memory_space<vmem>>
      %dma_start3A_100 = tpu.memref_squeeze %dma_start3A_99 : memref<1x80xi32, #tpu.memory_space<vmem>> -> memref<80xi32, #tpu.memory_space<vmem>>
      %dma_start3A_101 = tpu.memref_slice %arg4[%multiple_of3A_83] : memref<327680xi32, #tpu.memory_space<hbm>> -> memref<80xi32, #tpu.memory_space<hbm>>
      tpu.enqueue_dma source(%dma_start3A_101 : memref<80xi32, #tpu.memory_space<hbm>>) target(%dma_start3A_100 : memref<80xi32, #tpu.memory_space<vmem>>) target_semaphore(%arg14 : memref<!tpu.dma_semaphore, #tpu.memory_space<semaphore_mem>>)
      %add3A_102 = arith.constant 320 : i32
      %add3A_103 = arith.addi %multiple_of3A, %add3A_102 : i32
      %multiple_of3A_104 = tpu.assume_multiple %add3A_103, 8 : i32
      %dma_start3A_105 = arith.constant 4 : i32
      %dma_start3A_106 = arith.constant 0 : i32
      %dma_start3A_107 = tpu.memref_slice %arg8[%dma_start3A_105, %dma_start3A_106] : memref<8x80xi32, #tpu.memory_space<vmem>> -> memref<1x80xi32, #tpu.memory_space<vmem>>
      %dma_start3A_108 = tpu.memref_squeeze %dma_start3A_107 : memref<1x80xi32, #tpu.memory_space<vmem>> -> memref<80xi32, #tpu.memory_space<vmem>>
      %dma_start3A_109 = tpu.memref_slice %arg3[%multiple_of3A_104] : memref<327680xi32, #tpu.memory_space<hbm>> -> memref<80xi32, #tpu.memory_space<hbm>>
      %dma_start3A_110 = arith.constant 0 : i32
      %dma_start3A_111 = tpu.memref_slice %arg8[%dma_start3A_105, %dma_start3A_110] : memref<8x80xi32, #tpu.memory_space<vmem>> -> memref<1x80xi32, #tpu.memory_space<vmem>>
      %dma_start3A_112 = tpu.memref_squeeze %dma_start3A_111 : memref<1x80xi32, #tpu.memory_space<vmem>> -> memref<80xi32, #tpu.memory_space<vmem>>
      %dma_start3A_113 = tpu.memref_slice %arg3[%multiple_of3A_104] : memref<327680xi32, #tpu.memory_space<hbm>> -> memref<80xi32, #tpu.memory_space<hbm>>
      tpu.enqueue_dma source(%dma_start3A_113 : memref<80xi32, #tpu.memory_space<hbm>>) target(%dma_start3A_112 : memref<80xi32, #tpu.memory_space<vmem>>) target_semaphore(%arg13 : memref<!tpu.dma_semaphore, #tpu.memory_space<semaphore_mem>>)
      %dma_start3A_114 = arith.constant 4 : i32
      %dma_start3A_115 = arith.constant 0 : i32
      %dma_start3A_116 = tpu.memref_slice %arg9[%dma_start3A_114, %dma_start3A_115] : memref<8x80xi32, #tpu.memory_space<vmem>> -> memref<1x80xi32, #tpu.memory_space<vmem>>
      %dma_start3A_117 = tpu.memref_squeeze %dma_start3A_116 : memref<1x80xi32, #tpu.memory_space<vmem>> -> memref<80xi32, #tpu.memory_space<vmem>>
      %dma_start3A_118 = tpu.memref_slice %arg4[%multiple_of3A_104] : memref<327680xi32, #tpu.memory_space<hbm>> -> memref<80xi32, #tpu.memory_space<hbm>>
      %dma_start3A_119 = arith.constant 0 : i32
      %dma_start3A_120 = tpu.memref_slice %arg9[%dma_start3A_114, %dma_start3A_119] : memref<8x80xi32, #tpu.memory_space<vmem>> -> memref<1x80xi32, #tpu.memory_space<vmem>>
      %dma_start3A_121 = tpu.memref_squeeze %dma_start3A_120 : memref<1x80xi32, #tpu.memory_space<vmem>> -> memref<80xi32, #tpu.memory_space<vmem>>
      %dma_start3A_122 = tpu.memref_slice %arg4[%multiple_of3A_104] : memref<327680xi32, #tpu.memory_space<hbm>> -> memref<80xi32, #tpu.memory_space<hbm>>
      tpu.enqueue_dma source(%dma_start3A_122 : memref<80xi32, #tpu.memory_space<hbm>>) target(%dma_start3A_121 : memref<80xi32, #tpu.memory_space<vmem>>) target_semaphore(%arg14 : memref<!tpu.dma_semaphore, #tpu.memory_space<semaphore_mem>>)
      %add3A_123 = arith.constant 400 : i32
      %add3A_124 = arith.addi %multiple_of3A, %add3A_123 : i32
      %multiple_of3A_125 = tpu.assume_multiple %add3A_124, 8 : i32
      %dma_start3A_126 = arith.constant 5 : i32
      %dma_start3A_127 = arith.constant 0 : i32
      %dma_start3A_128 = tpu.memref_slice %arg8[%dma_start3A_126, %dma_start3A_127] : memref<8x80xi32, #tpu.memory_space<vmem>> -> memref<1x80xi32, #tpu.memory_space<vmem>>
      %dma_start3A_129 = tpu.memref_squeeze %dma_start3A_128 : memref<1x80xi32, #tpu.memory_space<vmem>> -> memref<80xi32, #tpu.memory_space<vmem>>
      %dma_start3A_130 = tpu.memref_slice %arg3[%multiple_of3A_125] : memref<327680xi32, #tpu.memory_space<hbm>> -> memref<80xi32, #tpu.memory_space<hbm>>
      %dma_start3A_131 = arith.constant 0 : i32
      %dma_start3A_132 = tpu.memref_slice %arg8[%dma_start3A_126, %dma_start3A_131] : memref<8x80xi32, #tpu.memory_space<vmem>> -> memref<1x80xi32, #tpu.memory_space<vmem>>
      %dma_start3A_133 = tpu.memref_squeeze %dma_start3A_132 : memref<1x80xi32, #tpu.memory_space<vmem>> -> memref<80xi32, #tpu.memory_space<vmem>>
      %dma_start3A_134 = tpu.memref_slice %arg3[%multiple_of3A_125] : memref<327680xi32, #tpu.memory_space<hbm>> -> memref<80xi32, #tpu.memory_space<hbm>>
      tpu.enqueue_dma source(%dma_start3A_134 : memref<80xi32, #tpu.memory_space<hbm>>) target(%dma_start3A_133 : memref<80xi32, #tpu.memory_space<vmem>>) target_semaphore(%arg13 : memref<!tpu.dma_semaphore, #tpu.memory_space<semaphore_mem>>)
      %dma_start3A_135 = arith.constant 5 : i32
      %dma_start3A_136 = arith.constant 0 : i32
      %dma_start3A_137 = tpu.memref_slice %arg9[%dma_start3A_135, %dma_start3A_136] : memref<8x80xi32, #tpu.memory_space<vmem>> -> memref<1x80xi32, #tpu.memory_space<vmem>>
      %dma_start3A_138 = tpu.memref_squeeze %dma_start3A_137 : memref<1x80xi32, #tpu.memory_space<vmem>> -> memref<80xi32, #tpu.memory_space<vmem>>
      %dma_start3A_139 = tpu.memref_slice %arg4[%multiple_of3A_125] : memref<327680xi32, #tpu.memory_space<hbm>> -> memref<80xi32, #tpu.memory_space<hbm>>
      %dma_start3A_140 = arith.constant 0 : i32
      %dma_start3A_141 = tpu.memref_slice %arg9[%dma_start3A_135, %dma_start3A_140] : memref<8x80xi32, #tpu.memory_space<vmem>> -> memref<1x80xi32, #tpu.memory_space<vmem>>
      %dma_start3A_142 = tpu.memref_squeeze %dma_start3A_141 : memref<1x80xi32, #tpu.memory_space<vmem>> -> memref<80xi32, #tpu.memory_space<vmem>>
      %dma_start3A_143 = tpu.memref_slice %arg4[%multiple_of3A_125] : memref<327680xi32, #tpu.memory_space<hbm>> -> memref<80xi32, #tpu.memory_space<hbm>>
      tpu.enqueue_dma source(%dma_start3A_143 : memref<80xi32, #tpu.memory_space<hbm>>) target(%dma_start3A_142 : memref<80xi32, #tpu.memory_space<vmem>>) target_semaphore(%arg14 : memref<!tpu.dma_semaphore, #tpu.memory_space<semaphore_mem>>)
      %add3A_144 = arith.constant 480 : i32
      %add3A_145 = arith.addi %multiple_of3A, %add3A_144 : i32
      %multiple_of3A_146 = tpu.assume_multiple %add3A_145, 8 : i32
      %dma_start3A_147 = arith.constant 6 : i32
      %dma_start3A_148 = arith.constant 0 : i32
      %dma_start3A_149 = tpu.memref_slice %arg8[%dma_start3A_147, %dma_start3A_148] : memref<8x80xi32, #tpu.memory_space<vmem>> -> memref<1x80xi32, #tpu.memory_space<vmem>>
      %dma_start3A_150 = tpu.memref_squeeze %dma_start3A_149 : memref<1x80xi32, #tpu.memory_space<vmem>> -> memref<80xi32, #tpu.memory_space<vmem>>
      %dma_start3A_151 = tpu.memref_slice %arg3[%multiple_of3A_146] : memref<327680xi32, #tpu.memory_space<hbm>> -> memref<80xi32, #tpu.memory_space<hbm>>
      %dma_start3A_152 = arith.constant 0 : i32
      %dma_start3A_153 = tpu.memref_slice %arg8[%dma_start3A_147, %dma_start3A_152] : memref<8x80xi32, #tpu.memory_space<vmem>> -> memref<1x80xi32, #tpu.memory_space<vmem>>
      %dma_start3A_154 = tpu.memref_squeeze %dma_start3A_153 : memref<1x80xi32, #tpu.memory_space<vmem>> -> memref<80xi32, #tpu.memory_space<vmem>>
      %dma_start3A_155 = tpu.memref_slice %arg3[%multiple_of3A_146] : memref<327680xi32, #tpu.memory_space<hbm>> -> memref<80xi32, #tpu.memory_space<hbm>>
      tpu.enqueue_dma source(%dma_start3A_155 : memref<80xi32, #tpu.memory_space<hbm>>) target(%dma_start3A_154 : memref<80xi32, #tpu.memory_space<vmem>>) target_semaphore(%arg13 : memref<!tpu.dma_semaphore, #tpu.memory_space<semaphore_mem>>)
      %dma_start3A_156 = arith.constant 6 : i32
      %dma_start3A_157 = arith.constant 0 : i32
      %dma_start3A_158 = tpu.memref_slice %arg9[%dma_start3A_156, %dma_start3A_157] : memref<8x80xi32, #tpu.memory_space<vmem>> -> memref<1x80xi32, #tpu.memory_space<vmem>>
      %dma_start3A_159 = tpu.memref_squeeze %dma_start3A_158 : memref<1x80xi32, #tpu.memory_space<vmem>> -> memref<80xi32, #tpu.memory_space<vmem>>
      %dma_start3A_160 = tpu.memref_slice %arg4[%multiple_of3A_146] : memref<327680xi32, #tpu.memory_space<hbm>> -> memref<80xi32, #tpu.memory_space<hbm>>
      %dma_start3A_161 = arith.constant 0 : i32
      %dma_start3A_162 = tpu.memref_slice %arg9[%dma_start3A_156, %dma_start3A_161] : memref<8x80xi32, #tpu.memory_space<vmem>> -> memref<1x80xi32, #tpu.memory_space<vmem>>
      %dma_start3A_163 = tpu.memref_squeeze %dma_start3A_162 : memref<1x80xi32, #tpu.memory_space<vmem>> -> memref<80xi32, #tpu.memory_space<vmem>>
      %dma_start3A_164 = tpu.memref_slice %arg4[%multiple_of3A_146] : memref<327680xi32, #tpu.memory_space<hbm>> -> memref<80xi32, #tpu.memory_space<hbm>>
      tpu.enqueue_dma source(%dma_start3A_164 : memref<80xi32, #tpu.memory_space<hbm>>) target(%dma_start3A_163 : memref<80xi32, #tpu.memory_space<vmem>>) target_semaphore(%arg14 : memref<!tpu.dma_semaphore, #tpu.memory_space<semaphore_mem>>)
      %add3A_165 = arith.constant 560 : i32
      %add3A_166 = arith.addi %multiple_of3A, %add3A_165 : i32
      %multiple_of3A_167 = tpu.assume_multiple %add3A_166, 8 : i32
      %dma_start3A_168 = arith.constant 7 : i32
      %dma_start3A_169 = arith.constant 0 : i32
      %dma_start3A_170 = tpu.memref_slice %arg8[%dma_start3A_168, %dma_start3A_169] : memref<8x80xi32, #tpu.memory_space<vmem>> -> memref<1x80xi32, #tpu.memory_space<vmem>>
      %dma_start3A_171 = tpu.memref_squeeze %dma_start3A_170 : memref<1x80xi32, #tpu.memory_space<vmem>> -> memref<80xi32, #tpu.memory_space<vmem>>
      %dma_start3A_172 = tpu.memref_slice %arg3[%multiple_of3A_167] : memref<327680xi32, #tpu.memory_space<hbm>> -> memref<80xi32, #tpu.memory_space<hbm>>
      %dma_start3A_173 = arith.constant 0 : i32
      %dma_start3A_174 = tpu.memref_slice %arg8[%dma_start3A_168, %dma_start3A_173] : memref<8x80xi32, #tpu.memory_space<vmem>> -> memref<1x80xi32, #tpu.memory_space<vmem>>
      %dma_start3A_175 = tpu.memref_squeeze %dma_start3A_174 : memref<1x80xi32, #tpu.memory_space<vmem>> -> memref<80xi32, #tpu.memory_space<vmem>>
      %dma_start3A_176 = tpu.memref_slice %arg3[%multiple_of3A_167] : memref<327680xi32, #tpu.memory_space<hbm>> -> memref<80xi32, #tpu.memory_space<hbm>>
      tpu.enqueue_dma source(%dma_start3A_176 : memref<80xi32, #tpu.memory_space<hbm>>) target(%dma_start3A_175 : memref<80xi32, #tpu.memory_space<vmem>>) target_semaphore(%arg13 : memref<!tpu.dma_semaphore, #tpu.memory_space<semaphore_mem>>)
      %dma_start3A_177 = arith.constant 7 : i32
      %dma_start3A_178 = arith.constant 0 : i32
      %dma_start3A_179 = tpu.memref_slice %arg9[%dma_start3A_177, %dma_start3A_178] : memref<8x80xi32, #tpu.memory_space<vmem>> -> memref<1x80xi32, #tpu.memory_space<vmem>>
      %dma_start3A_180 = tpu.memref_squeeze %dma_start3A_179 : memref<1x80xi32, #tpu.memory_space<vmem>> -> memref<80xi32, #tpu.memory_space<vmem>>
      %dma_start3A_181 = tpu.memref_slice %arg4[%multiple_of3A_167] : memref<327680xi32, #tpu.memory_space<hbm>> -> memref<80xi32, #tpu.memory_space<hbm>>
      %dma_start3A_182 = arith.constant 0 : i32
      %dma_start3A_183 = tpu.memref_slice %arg9[%dma_start3A_177, %dma_start3A_182] : memref<8x80xi32, #tpu.memory_space<vmem>> -> memref<1x80xi32, #tpu.memory_space<vmem>>
      %dma_start3A_184 = tpu.memref_squeeze %dma_start3A_183 : memref<1x80xi32, #tpu.memory_space<vmem>> -> memref<80xi32, #tpu.memory_space<vmem>>
      %dma_start3A_185 = tpu.memref_slice %arg4[%multiple_of3A_167] : memref<327680xi32, #tpu.memory_space<hbm>> -> memref<80xi32, #tpu.memory_space<hbm>>
      tpu.enqueue_dma source(%dma_start3A_185 : memref<80xi32, #tpu.memory_space<hbm>>) target(%dma_start3A_184 : memref<80xi32, #tpu.memory_space<vmem>>) target_semaphore(%arg14 : memref<!tpu.dma_semaphore, #tpu.memory_space<semaphore_mem>>)
      %dma_wait3A = arith.constant 0 : i32
      %dma_wait3A_186 = arith.constant 0 : i32
      %dma_wait3A_187 = tpu.memref_slice %arg8[%dma_wait3A, %dma_wait3A_186] : memref<8x80xi32, #tpu.memory_space<vmem>> -> memref<1x80xi32, #tpu.memory_space<vmem>>
      %dma_wait3A_188 = tpu.memref_squeeze %dma_wait3A_187 : memref<1x80xi32, #tpu.memory_space<vmem>> -> memref<80xi32, #tpu.memory_space<vmem>>
      %dma_wait3A_189 = tpu.memref_slice %arg3[%multiple_of3A_21] : memref<327680xi32, #tpu.memory_space<hbm>> -> memref<80xi32, #tpu.memory_space<hbm>>
      %dma_wait3A_190 = arith.constant 0 : i32
      %dma_wait3A_191 = tpu.memref_slice %arg8[%dma_wait3A, %dma_wait3A_190] : memref<8x80xi32, #tpu.memory_space<vmem>> -> memref<1x80xi32, #tpu.memory_space<vmem>>
      %dma_wait3A_192 = tpu.memref_squeeze %dma_wait3A_191 : memref<1x80xi32, #tpu.memory_space<vmem>> -> memref<80xi32, #tpu.memory_space<vmem>>
      %dma_wait3A_193 = tpu.memref_slice %arg3[%multiple_of3A_21] : memref<327680xi32, #tpu.memory_space<hbm>> -> memref<80xi32, #tpu.memory_space<hbm>>
      tpu.wait_dma2 semaphore(%arg13 : memref<!tpu.dma_semaphore, #tpu.memory_space<semaphore_mem>>) src(%dma_wait3A_193 : memref<80xi32, #tpu.memory_space<hbm>>) dst(%dma_wait3A_192 : memref<80xi32, #tpu.memory_space<vmem>>)
      %dma_wait3A_194 = arith.constant 0 : i32
      %dma_wait3A_195 = arith.constant 0 : i32
      %dma_wait3A_196 = tpu.memref_slice %arg9[%dma_wait3A_194, %dma_wait3A_195] : memref<8x80xi32, #tpu.memory_space<vmem>> -> memref<1x80xi32, #tpu.memory_space<vmem>>
      %dma_wait3A_197 = tpu.memref_squeeze %dma_wait3A_196 : memref<1x80xi32, #tpu.memory_space<vmem>> -> memref<80xi32, #tpu.memory_space<vmem>>
      %dma_wait3A_198 = tpu.memref_slice %arg4[%multiple_of3A_21] : memref<327680xi32, #tpu.memory_space<hbm>> -> memref<80xi32, #tpu.memory_space<hbm>>
      %dma_wait3A_199 = arith.constant 0 : i32
      %dma_wait3A_200 = tpu.memref_slice %arg9[%dma_wait3A_194, %dma_wait3A_199] : memref<8x80xi32, #tpu.memory_space<vmem>> -> memref<1x80xi32, #tpu.memory_space<vmem>>
      %dma_wait3A_201 = tpu.memref_squeeze %dma_wait3A_200 : memref<1x80xi32, #tpu.memory_space<vmem>> -> memref<80xi32, #tpu.memory_space<vmem>>
      %dma_wait3A_202 = tpu.memref_slice %arg4[%multiple_of3A_21] : memref<327680xi32, #tpu.memory_space<hbm>> -> memref<80xi32, #tpu.memory_space<hbm>>
      tpu.wait_dma2 semaphore(%arg14 : memref<!tpu.dma_semaphore, #tpu.memory_space<semaphore_mem>>) src(%dma_wait3A_202 : memref<80xi32, #tpu.memory_space<hbm>>) dst(%dma_wait3A_201 : memref<80xi32, #tpu.memory_space<vmem>>)
      %dma_wait3A_203 = arith.constant 1 : i32
      %dma_wait3A_204 = arith.constant 0 : i32
      %dma_wait3A_205 = tpu.memref_slice %arg8[%dma_wait3A_203, %dma_wait3A_204] : memref<8x80xi32, #tpu.memory_space<vmem>> -> memref<1x80xi32, #tpu.memory_space<vmem>>
      %dma_wait3A_206 = tpu.memref_squeeze %dma_wait3A_205 : memref<1x80xi32, #tpu.memory_space<vmem>> -> memref<80xi32, #tpu.memory_space<vmem>>
      %dma_wait3A_207 = tpu.memref_slice %arg3[%multiple_of3A_41] : memref<327680xi32, #tpu.memory_space<hbm>> -> memref<80xi32, #tpu.memory_space<hbm>>
      %dma_wait3A_208 = arith.constant 0 : i32
      %dma_wait3A_209 = tpu.memref_slice %arg8[%dma_wait3A_203, %dma_wait3A_208] : memref<8x80xi32, #tpu.memory_space<vmem>> -> memref<1x80xi32, #tpu.memory_space<vmem>>
      %dma_wait3A_210 = tpu.memref_squeeze %dma_wait3A_209 : memref<1x80xi32, #tpu.memory_space<vmem>> -> memref<80xi32, #tpu.memory_space<vmem>>
      %dma_wait3A_211 = tpu.memref_slice %arg3[%multiple_of3A_41] : memref<327680xi32, #tpu.memory_space<hbm>> -> memref<80xi32, #tpu.memory_space<hbm>>
      tpu.wait_dma2 semaphore(%arg13 : memref<!tpu.dma_semaphore, #tpu.memory_space<semaphore_mem>>) src(%dma_wait3A_211 : memref<80xi32, #tpu.memory_space<hbm>>) dst(%dma_wait3A_210 : memref<80xi32, #tpu.memory_space<vmem>>)
      %dma_wait3A_212 = arith.constant 1 : i32
      %dma_wait3A_213 = arith.constant 0 : i32
      %dma_wait3A_214 = tpu.memref_slice %arg9[%dma_wait3A_212, %dma_wait3A_213] : memref<8x80xi32, #tpu.memory_space<vmem>> -> memref<1x80xi32, #tpu.memory_space<vmem>>
      %dma_wait3A_215 = tpu.memref_squeeze %dma_wait3A_214 : memref<1x80xi32, #tpu.memory_space<vmem>> -> memref<80xi32, #tpu.memory_space<vmem>>
      %dma_wait3A_216 = tpu.memref_slice %arg4[%multiple_of3A_41] : memref<327680xi32, #tpu.memory_space<hbm>> -> memref<80xi32, #tpu.memory_space<hbm>>
      %dma_wait3A_217 = arith.constant 0 : i32
      %dma_wait3A_218 = tpu.memref_slice %arg9[%dma_wait3A_212, %dma_wait3A_217] : memref<8x80xi32, #tpu.memory_space<vmem>> -> memref<1x80xi32, #tpu.memory_space<vmem>>
      %dma_wait3A_219 = tpu.memref_squeeze %dma_wait3A_218 : memref<1x80xi32, #tpu.memory_space<vmem>> -> memref<80xi32, #tpu.memory_space<vmem>>
      %dma_wait3A_220 = tpu.memref_slice %arg4[%multiple_of3A_41] : memref<327680xi32, #tpu.memory_space<hbm>> -> memref<80xi32, #tpu.memory_space<hbm>>
      tpu.wait_dma2 semaphore(%arg14 : memref<!tpu.dma_semaphore, #tpu.memory_space<semaphore_mem>>) src(%dma_wait3A_220 : memref<80xi32, #tpu.memory_space<hbm>>) dst(%dma_wait3A_219 : memref<80xi32, #tpu.memory_space<vmem>>)
      %dma_wait3A_221 = arith.constant 2 : i32
      %dma_wait3A_222 = arith.constant 0 : i32
      %dma_wait3A_223 = tpu.memref_slice %arg8[%dma_wait3A_221, %dma_wait3A_222] : memref<8x80xi32, #tpu.memory_space<vmem>> -> memref<1x80xi32, #tpu.memory_space<vmem>>
      %dma_wait3A_224 = tpu.memref_squeeze %dma_wait3A_223 : memref<1x80xi32, #tpu.memory_space<vmem>> -> memref<80xi32, #tpu.memory_space<vmem>>
      %dma_wait3A_225 = tpu.memref_slice %arg3[%multiple_of3A_62] : memref<327680xi32, #tpu.memory_space<hbm>> -> memref<80xi32, #tpu.memory_space<hbm>>
      %dma_wait3A_226 = arith.constant 0 : i32
      %dma_wait3A_227 = tpu.memref_slice %arg8[%dma_wait3A_221, %dma_wait3A_226] : memref<8x80xi32, #tpu.memory_space<vmem>> -> memref<1x80xi32, #tpu.memory_space<vmem>>
      %dma_wait3A_228 = tpu.memref_squeeze %dma_wait3A_227 : memref<1x80xi32, #tpu.memory_space<vmem>> -> memref<80xi32, #tpu.memory_space<vmem>>
      %dma_wait3A_229 = tpu.memref_slice %arg3[%multiple_of3A_62] : memref<327680xi32, #tpu.memory_space<hbm>> -> memref<80xi32, #tpu.memory_space<hbm>>
      tpu.wait_dma2 semaphore(%arg13 : memref<!tpu.dma_semaphore, #tpu.memory_space<semaphore_mem>>) src(%dma_wait3A_229 : memref<80xi32, #tpu.memory_space<hbm>>) dst(%dma_wait3A_228 : memref<80xi32, #tpu.memory_space<vmem>>)
      %dma_wait3A_230 = arith.constant 2 : i32
      %dma_wait3A_231 = arith.constant 0 : i32
      %dma_wait3A_232 = tpu.memref_slice %arg9[%dma_wait3A_230, %dma_wait3A_231] : memref<8x80xi32, #tpu.memory_space<vmem>> -> memref<1x80xi32, #tpu.memory_space<vmem>>
      %dma_wait3A_233 = tpu.memref_squeeze %dma_wait3A_232 : memref<1x80xi32, #tpu.memory_space<vmem>> -> memref<80xi32, #tpu.memory_space<vmem>>
      %dma_wait3A_234 = tpu.memref_slice %arg4[%multiple_of3A_62] : memref<327680xi32, #tpu.memory_space<hbm>> -> memref<80xi32, #tpu.memory_space<hbm>>
      %dma_wait3A_235 = arith.constant 0 : i32
      %dma_wait3A_236 = tpu.memref_slice %arg9[%dma_wait3A_230, %dma_wait3A_235] : memref<8x80xi32, #tpu.memory_space<vmem>> -> memref<1x80xi32, #tpu.memory_space<vmem>>
      %dma_wait3A_237 = tpu.memref_squeeze %dma_wait3A_236 : memref<1x80xi32, #tpu.memory_space<vmem>> -> memref<80xi32, #tpu.memory_space<vmem>>
      %dma_wait3A_238 = tpu.memref_slice %arg4[%multiple_of3A_62] : memref<327680xi32, #tpu.memory_space<hbm>> -> memref<80xi32, #tpu.memory_space<hbm>>
      tpu.wait_dma2 semaphore(%arg14 : memref<!tpu.dma_semaphore, #tpu.memory_space<semaphore_mem>>) src(%dma_wait3A_238 : memref<80xi32, #tpu.memory_space<hbm>>) dst(%dma_wait3A_237 : memref<80xi32, #tpu.memory_space<vmem>>)
      %dma_wait3A_239 = arith.constant 3 : i32
      %dma_wait3A_240 = arith.constant 0 : i32
      %dma_wait3A_241 = tpu.memref_slice %arg8[%dma_wait3A_239, %dma_wait3A_240] : memref<8x80xi32, #tpu.memory_space<vmem>> -> memref<1x80xi32, #tpu.memory_space<vmem>>
      %dma_wait3A_242 = tpu.memref_squeeze %dma_wait3A_241 : memref<1x80xi32, #tpu.memory_space<vmem>> -> memref<80xi32, #tpu.memory_space<vmem>>
      %dma_wait3A_243 = tpu.memref_slice %arg3[%multiple_of3A_83] : memref<327680xi32, #tpu.memory_space<hbm>> -> memref<80xi32, #tpu.memory_space<hbm>>
      %dma_wait3A_244 = arith.constant 0 : i32
      %dma_wait3A_245 = tpu.memref_slice %arg8[%dma_wait3A_239, %dma_wait3A_244] : memref<8x80xi32, #tpu.memory_space<vmem>> -> memref<1x80xi32, #tpu.memory_space<vmem>>
      %dma_wait3A_246 = tpu.memref_squeeze %dma_wait3A_245 : memref<1x80xi32, #tpu.memory_space<vmem>> -> memref<80xi32, #tpu.memory_space<vmem>>
      %dma_wait3A_247 = tpu.memref_slice %arg3[%multiple_of3A_83] : memref<327680xi32, #tpu.memory_space<hbm>> -> memref<80xi32, #tpu.memory_space<hbm>>
      tpu.wait_dma2 semaphore(%arg13 : memref<!tpu.dma_semaphore, #tpu.memory_space<semaphore_mem>>) src(%dma_wait3A_247 : memref<80xi32, #tpu.memory_space<hbm>>) dst(%dma_wait3A_246 : memref<80xi32, #tpu.memory_space<vmem>>)
      %dma_wait3A_248 = arith.constant 3 : i32
      %dma_wait3A_249 = arith.constant 0 : i32
      %dma_wait3A_250 = tpu.memref_slice %arg9[%dma_wait3A_248, %dma_wait3A_249] : memref<8x80xi32, #tpu.memory_space<vmem>> -> memref<1x80xi32, #tpu.memory_space<vmem>>
      %dma_wait3A_251 = tpu.memref_squeeze %dma_wait3A_250 : memref<1x80xi32, #tpu.memory_space<vmem>> -> memref<80xi32, #tpu.memory_space<vmem>>
      %dma_wait3A_252 = tpu.memref_slice %arg4[%multiple_of3A_83] : memref<327680xi32, #tpu.memory_space<hbm>> -> memref<80xi32, #tpu.memory_space<hbm>>
      %dma_wait3A_253 = arith.constant 0 : i32
      %dma_wait3A_254 = tpu.memref_slice %arg9[%dma_wait3A_248, %dma_wait3A_253] : memref<8x80xi32, #tpu.memory_space<vmem>> -> memref<1x80xi32, #tpu.memory_space<vmem>>
      %dma_wait3A_255 = tpu.memref_squeeze %dma_wait3A_254 : memref<1x80xi32, #tpu.memory_space<vmem>> -> memref<80xi32, #tpu.memory_space<vmem>>
      %dma_wait3A_256 = tpu.memref_slice %arg4[%multiple_of3A_83] : memref<327680xi32, #tpu.memory_space<hbm>> -> memref<80xi32, #tpu.memory_space<hbm>>
      tpu.wait_dma2 semaphore(%arg14 : memref<!tpu.dma_semaphore, #tpu.memory_space<semaphore_mem>>) src(%dma_wait3A_256 : memref<80xi32, #tpu.memory_space<hbm>>) dst(%dma_wait3A_255 : memref<80xi32, #tpu.memory_space<vmem>>)
      %dma_wait3A_257 = arith.constant 4 : i32
      %dma_wait3A_258 = arith.constant 0 : i32
      %dma_wait3A_259 = tpu.memref_slice %arg8[%dma_wait3A_257, %dma_wait3A_258] : memref<8x80xi32, #tpu.memory_space<vmem>> -> memref<1x80xi32, #tpu.memory_space<vmem>>
      %dma_wait3A_260 = tpu.memref_squeeze %dma_wait3A_259 : memref<1x80xi32, #tpu.memory_space<vmem>> -> memref<80xi32, #tpu.memory_space<vmem>>
      %dma_wait3A_261 = tpu.memref_slice %arg3[%multiple_of3A_104] : memref<327680xi32, #tpu.memory_space<hbm>> -> memref<80xi32, #tpu.memory_space<hbm>>
      %dma_wait3A_262 = arith.constant 0 : i32
      %dma_wait3A_263 = tpu.memref_slice %arg8[%dma_wait3A_257, %dma_wait3A_262] : memref<8x80xi32, #tpu.memory_space<vmem>> -> memref<1x80xi32, #tpu.memory_space<vmem>>
      %dma_wait3A_264 = tpu.memref_squeeze %dma_wait3A_263 : memref<1x80xi32, #tpu.memory_space<vmem>> -> memref<80xi32, #tpu.memory_space<vmem>>
      %dma_wait3A_265 = tpu.memref_slice %arg3[%multiple_of3A_104] : memref<327680xi32, #tpu.memory_space<hbm>> -> memref<80xi32, #tpu.memory_space<hbm>>
      tpu.wait_dma2 semaphore(%arg13 : memref<!tpu.dma_semaphore, #tpu.memory_space<semaphore_mem>>) src(%dma_wait3A_265 : memref<80xi32, #tpu.memory_space<hbm>>) dst(%dma_wait3A_264 : memref<80xi32, #tpu.memory_space<vmem>>)
      %dma_wait3A_266 = arith.constant 4 : i32
      %dma_wait3A_267 = arith.constant 0 : i32
      %dma_wait3A_268 = tpu.memref_slice %arg9[%dma_wait3A_266, %dma_wait3A_267] : memref<8x80xi32, #tpu.memory_space<vmem>> -> memref<1x80xi32, #tpu.memory_space<vmem>>
      %dma_wait3A_269 = tpu.memref_squeeze %dma_wait3A_268 : memref<1x80xi32, #tpu.memory_space<vmem>> -> memref<80xi32, #tpu.memory_space<vmem>>
      %dma_wait3A_270 = tpu.memref_slice %arg4[%multiple_of3A_104] : memref<327680xi32, #tpu.memory_space<hbm>> -> memref<80xi32, #tpu.memory_space<hbm>>
      %dma_wait3A_271 = arith.constant 0 : i32
      %dma_wait3A_272 = tpu.memref_slice %arg9[%dma_wait3A_266, %dma_wait3A_271] : memref<8x80xi32, #tpu.memory_space<vmem>> -> memref<1x80xi32, #tpu.memory_space<vmem>>
      %dma_wait3A_273 = tpu.memref_squeeze %dma_wait3A_272 : memref<1x80xi32, #tpu.memory_space<vmem>> -> memref<80xi32, #tpu.memory_space<vmem>>
      %dma_wait3A_274 = tpu.memref_slice %arg4[%multiple_of3A_104] : memref<327680xi32, #tpu.memory_space<hbm>> -> memref<80xi32, #tpu.memory_space<hbm>>
      tpu.wait_dma2 semaphore(%arg14 : memref<!tpu.dma_semaphore, #tpu.memory_space<semaphore_mem>>) src(%dma_wait3A_274 : memref<80xi32, #tpu.memory_space<hbm>>) dst(%dma_wait3A_273 : memref<80xi32, #tpu.memory_space<vmem>>)
      %dma_wait3A_275 = arith.constant 5 : i32
      %dma_wait3A_276 = arith.constant 0 : i32
      %dma_wait3A_277 = tpu.memref_slice %arg8[%dma_wait3A_275, %dma_wait3A_276] : memref<8x80xi32, #tpu.memory_space<vmem>> -> memref<1x80xi32, #tpu.memory_space<vmem>>
      %dma_wait3A_278 = tpu.memref_squeeze %dma_wait3A_277 : memref<1x80xi32, #tpu.memory_space<vmem>> -> memref<80xi32, #tpu.memory_space<vmem>>
      %dma_wait3A_279 = tpu.memref_slice %arg3[%multiple_of3A_125] : memref<327680xi32, #tpu.memory_space<hbm>> -> memref<80xi32, #tpu.memory_space<hbm>>
      %dma_wait3A_280 = arith.constant 0 : i32
      %dma_wait3A_281 = tpu.memref_slice %arg8[%dma_wait3A_275, %dma_wait3A_280] : memref<8x80xi32, #tpu.memory_space<vmem>> -> memref<1x80xi32, #tpu.memory_space<vmem>>
      %dma_wait3A_282 = tpu.memref_squeeze %dma_wait3A_281 : memref<1x80xi32, #tpu.memory_space<vmem>> -> memref<80xi32, #tpu.memory_space<vmem>>
      %dma_wait3A_283 = tpu.memref_slice %arg3[%multiple_of3A_125] : memref<327680xi32, #tpu.memory_space<hbm>> -> memref<80xi32, #tpu.memory_space<hbm>>
      tpu.wait_dma2 semaphore(%arg13 : memref<!tpu.dma_semaphore, #tpu.memory_space<semaphore_mem>>) src(%dma_wait3A_283 : memref<80xi32, #tpu.memory_space<hbm>>) dst(%dma_wait3A_282 : memref<80xi32, #tpu.memory_space<vmem>>)
      %dma_wait3A_284 = arith.constant 5 : i32
      %dma_wait3A_285 = arith.constant 0 : i32
      %dma_wait3A_286 = tpu.memref_slice %arg9[%dma_wait3A_284, %dma_wait3A_285] : memref<8x80xi32, #tpu.memory_space<vmem>> -> memref<1x80xi32, #tpu.memory_space<vmem>>
      %dma_wait3A_287 = tpu.memref_squeeze %dma_wait3A_286 : memref<1x80xi32, #tpu.memory_space<vmem>> -> memref<80xi32, #tpu.memory_space<vmem>>
      %dma_wait3A_288 = tpu.memref_slice %arg4[%multiple_of3A_125] : memref<327680xi32, #tpu.memory_space<hbm>> -> memref<80xi32, #tpu.memory_space<hbm>>
      %dma_wait3A_289 = arith.constant 0 : i32
      %dma_wait3A_290 = tpu.memref_slice %arg9[%dma_wait3A_284, %dma_wait3A_289] : memref<8x80xi32, #tpu.memory_space<vmem>> -> memref<1x80xi32, #tpu.memory_space<vmem>>
      %dma_wait3A_291 = tpu.memref_squeeze %dma_wait3A_290 : memref<1x80xi32, #tpu.memory_space<vmem>> -> memref<80xi32, #tpu.memory_space<vmem>>
      %dma_wait3A_292 = tpu.memref_slice %arg4[%multiple_of3A_125] : memref<327680xi32, #tpu.memory_space<hbm>> -> memref<80xi32, #tpu.memory_space<hbm>>
      tpu.wait_dma2 semaphore(%arg14 : memref<!tpu.dma_semaphore, #tpu.memory_space<semaphore_mem>>) src(%dma_wait3A_292 : memref<80xi32, #tpu.memory_space<hbm>>) dst(%dma_wait3A_291 : memref<80xi32, #tpu.memory_space<vmem>>)
      %dma_wait3A_293 = arith.constant 6 : i32
      %dma_wait3A_294 = arith.constant 0 : i32
      %dma_wait3A_295 = tpu.memref_slice %arg8[%dma_wait3A_293, %dma_wait3A_294] : memref<8x80xi32, #tpu.memory_space<vmem>> -> memref<1x80xi32, #tpu.memory_space<vmem>>
      %dma_wait3A_296 = tpu.memref_squeeze %dma_wait3A_295 : memref<1x80xi32, #tpu.memory_space<vmem>> -> memref<80xi32, #tpu.memory_space<vmem>>
      %dma_wait3A_297 = tpu.memref_slice %arg3[%multiple_of3A_146] : memref<327680xi32, #tpu.memory_space<hbm>> -> memref<80xi32, #tpu.memory_space<hbm>>
      %dma_wait3A_298 = arith.constant 0 : i32
      %dma_wait3A_299 = tpu.memref_slice %arg8[%dma_wait3A_293, %dma_wait3A_298] : memref<8x80xi32, #tpu.memory_space<vmem>> -> memref<1x80xi32, #tpu.memory_space<vmem>>
      %dma_wait3A_300 = tpu.memref_squeeze %dma_wait3A_299 : memref<1x80xi32, #tpu.memory_space<vmem>> -> memref<80xi32, #tpu.memory_space<vmem>>
      %dma_wait3A_301 = tpu.memref_slice %arg3[%multiple_of3A_146] : memref<327680xi32, #tpu.memory_space<hbm>> -> memref<80xi32, #tpu.memory_space<hbm>>
      tpu.wait_dma2 semaphore(%arg13 : memref<!tpu.dma_semaphore, #tpu.memory_space<semaphore_mem>>) src(%dma_wait3A_301 : memref<80xi32, #tpu.memory_space<hbm>>) dst(%dma_wait3A_300 : memref<80xi32, #tpu.memory_space<vmem>>)
      %dma_wait3A_302 = arith.constant 6 : i32
      %dma_wait3A_303 = arith.constant 0 : i32
      %dma_wait3A_304 = tpu.memref_slice %arg9[%dma_wait3A_302, %dma_wait3A_303] : memref<8x80xi32, #tpu.memory_space<vmem>> -> memref<1x80xi32, #tpu.memory_space<vmem>>
      %dma_wait3A_305 = tpu.memref_squeeze %dma_wait3A_304 : memref<1x80xi32, #tpu.memory_space<vmem>> -> memref<80xi32, #tpu.memory_space<vmem>>
      %dma_wait3A_306 = tpu.memref_slice %arg4[%multiple_of3A_146] : memref<327680xi32, #tpu.memory_space<hbm>> -> memref<80xi32, #tpu.memory_space<hbm>>
      %dma_wait3A_307 = arith.constant 0 : i32
      %dma_wait3A_308 = tpu.memref_slice %arg9[%dma_wait3A_302, %dma_wait3A_307] : memref<8x80xi32, #tpu.memory_space<vmem>> -> memref<1x80xi32, #tpu.memory_space<vmem>>
      %dma_wait3A_309 = tpu.memref_squeeze %dma_wait3A_308 : memref<1x80xi32, #tpu.memory_space<vmem>> -> memref<80xi32, #tpu.memory_space<vmem>>
      %dma_wait3A_310 = tpu.memref_slice %arg4[%multiple_of3A_146] : memref<327680xi32, #tpu.memory_space<hbm>> -> memref<80xi32, #tpu.memory_space<hbm>>
      tpu.wait_dma2 semaphore(%arg14 : memref<!tpu.dma_semaphore, #tpu.memory_space<semaphore_mem>>) src(%dma_wait3A_310 : memref<80xi32, #tpu.memory_space<hbm>>) dst(%dma_wait3A_309 : memref<80xi32, #tpu.memory_space<vmem>>)
      %dma_wait3A_311 = arith.constant 7 : i32
      %dma_wait3A_312 = arith.constant 0 : i32
      %dma_wait3A_313 = tpu.memref_slice %arg8[%dma_wait3A_311, %dma_wait3A_312] : memref<8x80xi32, #tpu.memory_space<vmem>> -> memref<1x80xi32, #tpu.memory_space<vmem>>
      %dma_wait3A_314 = tpu.memref_squeeze %dma_wait3A_313 : memref<1x80xi32, #tpu.memory_space<vmem>> -> memref<80xi32, #tpu.memory_space<vmem>>
      %dma_wait3A_315 = tpu.memref_slice %arg3[%multiple_of3A_167] : memref<327680xi32, #tpu.memory_space<hbm>> -> memref<80xi32, #tpu.memory_space<hbm>>
      %dma_wait3A_316 = arith.constant 0 : i32
      %dma_wait3A_317 = tpu.memref_slice %arg8[%dma_wait3A_311, %dma_wait3A_316] : memref<8x80xi32, #tpu.memory_space<vmem>> -> memref<1x80xi32, #tpu.memory_space<vmem>>
      %dma_wait3A_318 = tpu.memref_squeeze %dma_wait3A_317 : memref<1x80xi32, #tpu.memory_space<vmem>> -> memref<80xi32, #tpu.memory_space<vmem>>
      %dma_wait3A_319 = tpu.memref_slice %arg3[%multiple_of3A_167] : memref<327680xi32, #tpu.memory_space<hbm>> -> memref<80xi32, #tpu.memory_space<hbm>>
      tpu.wait_dma2 semaphore(%arg13 : memref<!tpu.dma_semaphore, #tpu.memory_space<semaphore_mem>>) src(%dma_wait3A_319 : memref<80xi32, #tpu.memory_space<hbm>>) dst(%dma_wait3A_318 : memref<80xi32, #tpu.memory_space<vmem>>)
      %dma_wait3A_320 = arith.constant 7 : i32
      %dma_wait3A_321 = arith.constant 0 : i32
      %dma_wait3A_322 = tpu.memref_slice %arg9[%dma_wait3A_320, %dma_wait3A_321] : memref<8x80xi32, #tpu.memory_space<vmem>> -> memref<1x80xi32, #tpu.memory_space<vmem>>
      %dma_wait3A_323 = tpu.memref_squeeze %dma_wait3A_322 : memref<1x80xi32, #tpu.memory_space<vmem>> -> memref<80xi32, #tpu.memory_space<vmem>>
      %dma_wait3A_324 = tpu.memref_slice %arg4[%multiple_of3A_167] : memref<327680xi32, #tpu.memory_space<hbm>> -> memref<80xi32, #tpu.memory_space<hbm>>
      %dma_wait3A_325 = arith.constant 0 : i32
      %dma_wait3A_326 = tpu.memref_slice %arg9[%dma_wait3A_320, %dma_wait3A_325] : memref<8x80xi32, #tpu.memory_space<vmem>> -> memref<1x80xi32, #tpu.memory_space<vmem>>
      %dma_wait3A_327 = tpu.memref_squeeze %dma_wait3A_326 : memref<1x80xi32, #tpu.memory_space<vmem>> -> memref<80xi32, #tpu.memory_space<vmem>>
      %dma_wait3A_328 = tpu.memref_slice %arg4[%multiple_of3A_167] : memref<327680xi32, #tpu.memory_space<hbm>> -> memref<80xi32, #tpu.memory_space<hbm>>
      tpu.wait_dma2 semaphore(%arg14 : memref<!tpu.dma_semaphore, #tpu.memory_space<semaphore_mem>>) src(%dma_wait3A_328 : memref<80xi32, #tpu.memory_space<hbm>>) dst(%dma_wait3A_327 : memref<80xi32, #tpu.memory_space<vmem>>)
      %dma_start3A_329 = arith.constant 0 : i32
      %dma_start3A_330 = arith.constant 0 : i32
      %dma_start3A_331 = tpu.memref_slice %arg8[%dma_start3A_329, %dma_start3A_330] : memref<8x80xi32, #tpu.memory_space<vmem>> -> memref<1x80xi32, #tpu.memory_space<vmem>>
      %dma_start3A_332 = tpu.memref_squeeze %dma_start3A_331 : memref<1x80xi32, #tpu.memory_space<vmem>> -> memref<80xi32, #tpu.memory_space<vmem>>
      %dma_start3A_333 = arith.constant 0 : i32
      %dma_start3A_334 = arith.constant 0 : i32
      %dma_start3A_335 = tpu.memref_slice %arg2[%dma_start3A_333, %dma_start3A_334] : memref<10000x64xf32, #tpu.memory_space<hbm>> -> memref<10000x64xf32, #tpu.memory_space<hbm>>
      tpu.enqueue_indirect_dma source(%dma_start3A_335 : memref<10000x64xf32, #tpu.memory_space<hbm>>) target(%arg10 : memref<80x64xf32, #tpu.memory_space<vmem>>) offsets(%dma_start3A_332 : memref<80xi32, #tpu.memory_space<vmem>>) semaphore(%arg15 : memref<!tpu.dma_semaphore, #tpu.memory_space<semaphore_mem>>)
      %dma_start3A_336 = arith.constant 1 : i32
      %dma_start3A_337 = arith.constant 0 : i32
      %dma_start3A_338 = tpu.memref_slice %arg8[%dma_start3A_336, %dma_start3A_337] : memref<8x80xi32, #tpu.memory_space<vmem>> -> memref<1x80xi32, #tpu.memory_space<vmem>>
      %dma_start3A_339 = tpu.memref_squeeze %dma_start3A_338 : memref<1x80xi32, #tpu.memory_space<vmem>> -> memref<80xi32, #tpu.memory_space<vmem>>
      %dma_start3A_340 = arith.constant 0 : i32
      %dma_start3A_341 = arith.constant 0 : i32
      %dma_start3A_342 = tpu.memref_slice %arg2[%dma_start3A_340, %dma_start3A_341] : memref<10000x64xf32, #tpu.memory_space<hbm>> -> memref<10000x64xf32, #tpu.memory_space<hbm>>
      tpu.enqueue_indirect_dma source(%dma_start3A_342 : memref<10000x64xf32, #tpu.memory_space<hbm>>) target(%arg11 : memref<80x64xf32, #tpu.memory_space<vmem>>) offsets(%dma_start3A_339 : memref<80xi32, #tpu.memory_space<vmem>>) semaphore(%arg16 : memref<!tpu.dma_semaphore, #tpu.memory_space<semaphore_mem>>)
      %dma_wait3A_343 = arith.constant 0 : i32
      %dma_wait3A_344 = arith.constant 0 : i32
      %dma_wait3A_345 = tpu.memref_slice %arg8[%dma_wait3A_343, %dma_wait3A_344] : memref<8x80xi32, #tpu.memory_space<vmem>> -> memref<1x80xi32, #tpu.memory_space<vmem>>
      %dma_wait3A_346 = tpu.memref_squeeze %dma_wait3A_345 : memref<1x80xi32, #tpu.memory_space<vmem>> -> memref<80xi32, #tpu.memory_space<vmem>>
      %dma_wait3A_347 = arith.constant 0 : i32
      %dma_wait3A_348 = arith.constant 0 : i32
      %dma_wait3A_349 = tpu.memref_slice %arg2[%dma_wait3A_347, %dma_wait3A_348] : memref<10000x64xf32, #tpu.memory_space<hbm>> -> memref<10000x64xf32, #tpu.memory_space<hbm>>
      tpu.wait_indirect_dma semaphore(%arg15 : memref<!tpu.dma_semaphore, #tpu.memory_space<semaphore_mem>>) src(%dma_wait3A_349 : memref<10000x64xf32, #tpu.memory_space<hbm>>) dst(%arg10 : memref<80x64xf32, #tpu.memory_space<vmem>>)
      %dma_start3A_350 = arith.constant 0 : i32
      %dma_start3A_351 = arith.constant 0 : i32
      %dma_start3A_352 = tpu.memref_slice %arg9[%dma_start3A_350, %dma_start3A_351] : memref<8x80xi32, #tpu.memory_space<vmem>> -> memref<1x80xi32, #tpu.memory_space<vmem>>
      %dma_start3A_353 = tpu.memref_squeeze %dma_start3A_352 : memref<1x80xi32, #tpu.memory_space<vmem>> -> memref<80xi32, #tpu.memory_space<vmem>>
      %dma_start3A_354 = arith.constant 0 : i32
      %dma_start3A_355 = arith.constant 0 : i32
      %dma_start3A_356 = tpu.memref_slice %arg7[%dma_start3A_354, %dma_start3A_355] : memref<10240x64xf32, #tpu.memory_space<vmem_shared>> -> memref<10240x64xf32, #tpu.memory_space<vmem_shared>>
      tpu.enqueue_indirect_dma source(%arg10 : memref<80x64xf32, #tpu.memory_space<vmem>>) target(%dma_start3A_356 : memref<10240x64xf32, #tpu.memory_space<vmem_shared>>) offsets(%dma_start3A_353 : memref<80xi32, #tpu.memory_space<vmem>>) semaphore(%arg18 : memref<!tpu.dma_semaphore, #tpu.memory_space<semaphore_mem>>) {add = true}
      %dma_start3A_357 = arith.constant 2 : i32
      %dma_start3A_358 = arith.constant 0 : i32
      %dma_start3A_359 = tpu.memref_slice %arg8[%dma_start3A_357, %dma_start3A_358] : memref<8x80xi32, #tpu.memory_space<vmem>> -> memref<1x80xi32, #tpu.memory_space<vmem>>
      %dma_start3A_360 = tpu.memref_squeeze %dma_start3A_359 : memref<1x80xi32, #tpu.memory_space<vmem>> -> memref<80xi32, #tpu.memory_space<vmem>>
      %dma_start3A_361 = arith.constant 0 : i32
      %dma_start3A_362 = arith.constant 0 : i32
      %dma_start3A_363 = tpu.memref_slice %arg2[%dma_start3A_361, %dma_start3A_362] : memref<10000x64xf32, #tpu.memory_space<hbm>> -> memref<10000x64xf32, #tpu.memory_space<hbm>>
      tpu.enqueue_indirect_dma source(%dma_start3A_363 : memref<10000x64xf32, #tpu.memory_space<hbm>>) target(%arg12 : memref<80x64xf32, #tpu.memory_space<vmem>>) offsets(%dma_start3A_360 : memref<80xi32, #tpu.memory_space<vmem>>) semaphore(%arg17 : memref<!tpu.dma_semaphore, #tpu.memory_space<semaphore_mem>>)
      %dma_wait3A_364 = arith.constant 1 : i32
      %dma_wait3A_365 = arith.constant 0 : i32
      %dma_wait3A_366 = tpu.memref_slice %arg8[%dma_wait3A_364, %dma_wait3A_365] : memref<8x80xi32, #tpu.memory_space<vmem>> -> memref<1x80xi32, #tpu.memory_space<vmem>>
      %dma_wait3A_367 = tpu.memref_squeeze %dma_wait3A_366 : memref<1x80xi32, #tpu.memory_space<vmem>> -> memref<80xi32, #tpu.memory_space<vmem>>
      %dma_wait3A_368 = arith.constant 0 : i32
      %dma_wait3A_369 = arith.constant 0 : i32
      %dma_wait3A_370 = tpu.memref_slice %arg2[%dma_wait3A_368, %dma_wait3A_369] : memref<10000x64xf32, #tpu.memory_space<hbm>> -> memref<10000x64xf32, #tpu.memory_space<hbm>>
      tpu.wait_indirect_dma semaphore(%arg16 : memref<!tpu.dma_semaphore, #tpu.memory_space<semaphore_mem>>) src(%dma_wait3A_370 : memref<10000x64xf32, #tpu.memory_space<hbm>>) dst(%arg11 : memref<80x64xf32, #tpu.memory_space<vmem>>)
      %dma_start3A_371 = arith.constant 1 : i32
      %dma_start3A_372 = arith.constant 0 : i32
      %dma_start3A_373 = tpu.memref_slice %arg9[%dma_start3A_371, %dma_start3A_372] : memref<8x80xi32, #tpu.memory_space<vmem>> -> memref<1x80xi32, #tpu.memory_space<vmem>>
      %dma_start3A_374 = tpu.memref_squeeze %dma_start3A_373 : memref<1x80xi32, #tpu.memory_space<vmem>> -> memref<80xi32, #tpu.memory_space<vmem>>
      %dma_start3A_375 = arith.constant 0 : i32
      %dma_start3A_376 = arith.constant 0 : i32
      %dma_start3A_377 = tpu.memref_slice %arg7[%dma_start3A_375, %dma_start3A_376] : memref<10240x64xf32, #tpu.memory_space<vmem_shared>> -> memref<10240x64xf32, #tpu.memory_space<vmem_shared>>
      tpu.enqueue_indirect_dma source(%arg11 : memref<80x64xf32, #tpu.memory_space<vmem>>) target(%dma_start3A_377 : memref<10240x64xf32, #tpu.memory_space<vmem_shared>>) offsets(%dma_start3A_374 : memref<80xi32, #tpu.memory_space<vmem>>) semaphore(%arg19 : memref<!tpu.dma_semaphore, #tpu.memory_space<semaphore_mem>>) {add = true}
      %dma_wait3A_378 = arith.constant 0 : i32
      %dma_wait3A_379 = arith.constant 0 : i32
      %dma_wait3A_380 = tpu.memref_slice %arg9[%dma_wait3A_378, %dma_wait3A_379] : memref<8x80xi32, #tpu.memory_space<vmem>> -> memref<1x80xi32, #tpu.memory_space<vmem>>
      %dma_wait3A_381 = tpu.memref_squeeze %dma_wait3A_380 : memref<1x80xi32, #tpu.memory_space<vmem>> -> memref<80xi32, #tpu.memory_space<vmem>>
      %dma_wait3A_382 = arith.constant 0 : i32
      %dma_wait3A_383 = arith.constant 0 : i32
      %dma_wait3A_384 = tpu.memref_slice %arg7[%dma_wait3A_382, %dma_wait3A_383] : memref<10240x64xf32, #tpu.memory_space<vmem_shared>> -> memref<10240x64xf32, #tpu.memory_space<vmem_shared>>
      tpu.wait_indirect_dma semaphore(%arg18 : memref<!tpu.dma_semaphore, #tpu.memory_space<semaphore_mem>>) src(%arg10 : memref<80x64xf32, #tpu.memory_space<vmem>>) dst(%dma_wait3A_384 : memref<10240x64xf32, #tpu.memory_space<vmem_shared>>)
      %dma_start3A_385 = arith.constant 3 : i32
      %dma_start3A_386 = arith.constant 0 : i32
      %dma_start3A_387 = tpu.memref_slice %arg8[%dma_start3A_385, %dma_start3A_386] : memref<8x80xi32, #tpu.memory_space<vmem>> -> memref<1x80xi32, #tpu.memory_space<vmem>>
      %dma_start3A_388 = tpu.memref_squeeze %dma_start3A_387 : memref<1x80xi32, #tpu.memory_space<vmem>> -> memref<80xi32, #tpu.memory_space<vmem>>
      %dma_start3A_389 = arith.constant 0 : i32
      %dma_start3A_390 = arith.constant 0 : i32
      %dma_start3A_391 = tpu.memref_slice %arg2[%dma_start3A_389, %dma_start3A_390] : memref<10000x64xf32, #tpu.memory_space<hbm>> -> memref<10000x64xf32, #tpu.memory_space<hbm>>
      tpu.enqueue_indirect_dma source(%dma_start3A_391 : memref<10000x64xf32, #tpu.memory_space<hbm>>) target(%arg10 : memref<80x64xf32, #tpu.memory_space<vmem>>) offsets(%dma_start3A_388 : memref<80xi32, #tpu.memory_space<vmem>>) semaphore(%arg15 : memref<!tpu.dma_semaphore, #tpu.memory_space<semaphore_mem>>)
      %dma_wait3A_392 = arith.constant 2 : i32
      %dma_wait3A_393 = arith.constant 0 : i32
      %dma_wait3A_394 = tpu.memref_slice %arg8[%dma_wait3A_392, %dma_wait3A_393] : memref<8x80xi32, #tpu.memory_space<vmem>> -> memref<1x80xi32, #tpu.memory_space<vmem>>
      %dma_wait3A_395 = tpu.memref_squeeze %dma_wait3A_394 : memref<1x80xi32, #tpu.memory_space<vmem>> -> memref<80xi32, #tpu.memory_space<vmem>>
      %dma_wait3A_396 = arith.constant 0 : i32
      %dma_wait3A_397 = arith.constant 0 : i32
      %dma_wait3A_398 = tpu.memref_slice %arg2[%dma_wait3A_396, %dma_wait3A_397] : memref<10000x64xf32, #tpu.memory_space<hbm>> -> memref<10000x64xf32, #tpu.memory_space<hbm>>
      tpu.wait_indirect_dma semaphore(%arg17 : memref<!tpu.dma_semaphore, #tpu.memory_space<semaphore_mem>>) src(%dma_wait3A_398 : memref<10000x64xf32, #tpu.memory_space<hbm>>) dst(%arg12 : memref<80x64xf32, #tpu.memory_space<vmem>>)
      %dma_start3A_399 = arith.constant 2 : i32
      %dma_start3A_400 = arith.constant 0 : i32
      %dma_start3A_401 = tpu.memref_slice %arg9[%dma_start3A_399, %dma_start3A_400] : memref<8x80xi32, #tpu.memory_space<vmem>> -> memref<1x80xi32, #tpu.memory_space<vmem>>
      %dma_start3A_402 = tpu.memref_squeeze %dma_start3A_401 : memref<1x80xi32, #tpu.memory_space<vmem>> -> memref<80xi32, #tpu.memory_space<vmem>>
      %dma_start3A_403 = arith.constant 0 : i32
      %dma_start3A_404 = arith.constant 0 : i32
      %dma_start3A_405 = tpu.memref_slice %arg7[%dma_start3A_403, %dma_start3A_404] : memref<10240x64xf32, #tpu.memory_space<vmem_shared>> -> memref<10240x64xf32, #tpu.memory_space<vmem_shared>>
      tpu.enqueue_indirect_dma source(%arg12 : memref<80x64xf32, #tpu.memory_space<vmem>>) target(%dma_start3A_405 : memref<10240x64xf32, #tpu.memory_space<vmem_shared>>) offsets(%dma_start3A_402 : memref<80xi32, #tpu.memory_space<vmem>>) semaphore(%arg20 : memref<!tpu.dma_semaphore, #tpu.memory_space<semaphore_mem>>) {add = true}
      %dma_wait3A_406 = arith.constant 1 : i32
      %dma_wait3A_407 = arith.constant 0 : i32
      %dma_wait3A_408 = tpu.memref_slice %arg9[%dma_wait3A_406, %dma_wait3A_407] : memref<8x80xi32, #tpu.memory_space<vmem>> -> memref<1x80xi32, #tpu.memory_space<vmem>>
      %dma_wait3A_409 = tpu.memref_squeeze %dma_wait3A_408 : memref<1x80xi32, #tpu.memory_space<vmem>> -> memref<80xi32, #tpu.memory_space<vmem>>
      %dma_wait3A_410 = arith.constant 0 : i32
      %dma_wait3A_411 = arith.constant 0 : i32
      %dma_wait3A_412 = tpu.memref_slice %arg7[%dma_wait3A_410, %dma_wait3A_411] : memref<10240x64xf32, #tpu.memory_space<vmem_shared>> -> memref<10240x64xf32, #tpu.memory_space<vmem_shared>>
      tpu.wait_indirect_dma semaphore(%arg19 : memref<!tpu.dma_semaphore, #tpu.memory_space<semaphore_mem>>) src(%arg11 : memref<80x64xf32, #tpu.memory_space<vmem>>) dst(%dma_wait3A_412 : memref<10240x64xf32, #tpu.memory_space<vmem_shared>>)
      %dma_start3A_413 = arith.constant 4 : i32
      %dma_start3A_414 = arith.constant 0 : i32
      %dma_start3A_415 = tpu.memref_slice %arg8[%dma_start3A_413, %dma_start3A_414] : memref<8x80xi32, #tpu.memory_space<vmem>> -> memref<1x80xi32, #tpu.memory_space<vmem>>
      %dma_start3A_416 = tpu.memref_squeeze %dma_start3A_415 : memref<1x80xi32, #tpu.memory_space<vmem>> -> memref<80xi32, #tpu.memory_space<vmem>>
      %dma_start3A_417 = arith.constant 0 : i32
      %dma_start3A_418 = arith.constant 0 : i32
      %dma_start3A_419 = tpu.memref_slice %arg2[%dma_start3A_417, %dma_start3A_418] : memref<10000x64xf32, #tpu.memory_space<hbm>> -> memref<10000x64xf32, #tpu.memory_space<hbm>>
      tpu.enqueue_indirect_dma source(%dma_start3A_419 : memref<10000x64xf32, #tpu.memory_space<hbm>>) target(%arg11 : memref<80x64xf32, #tpu.memory_space<vmem>>) offsets(%dma_start3A_416 : memref<80xi32, #tpu.memory_space<vmem>>) semaphore(%arg16 : memref<!tpu.dma_semaphore, #tpu.memory_space<semaphore_mem>>)
      %dma_wait3A_420 = arith.constant 3 : i32
      %dma_wait3A_421 = arith.constant 0 : i32
      %dma_wait3A_422 = tpu.memref_slice %arg8[%dma_wait3A_420, %dma_wait3A_421] : memref<8x80xi32, #tpu.memory_space<vmem>> -> memref<1x80xi32, #tpu.memory_space<vmem>>
      %dma_wait3A_423 = tpu.memref_squeeze %dma_wait3A_422 : memref<1x80xi32, #tpu.memory_space<vmem>> -> memref<80xi32, #tpu.memory_space<vmem>>
      %dma_wait3A_424 = arith.constant 0 : i32
      %dma_wait3A_425 = arith.constant 0 : i32
      %dma_wait3A_426 = tpu.memref_slice %arg2[%dma_wait3A_424, %dma_wait3A_425] : memref<10000x64xf32, #tpu.memory_space<hbm>> -> memref<10000x64xf32, #tpu.memory_space<hbm>>
      tpu.wait_indirect_dma semaphore(%arg15 : memref<!tpu.dma_semaphore, #tpu.memory_space<semaphore_mem>>) src(%dma_wait3A_426 : memref<10000x64xf32, #tpu.memory_space<hbm>>) dst(%arg10 : memref<80x64xf32, #tpu.memory_space<vmem>>)
      %dma_start3A_427 = arith.constant 3 : i32
      %dma_start3A_428 = arith.constant 0 : i32
      %dma_start3A_429 = tpu.memref_slice %arg9[%dma_start3A_427, %dma_start3A_428] : memref<8x80xi32, #tpu.memory_space<vmem>> -> memref<1x80xi32, #tpu.memory_space<vmem>>
      %dma_start3A_430 = tpu.memref_squeeze %dma_start3A_429 : memref<1x80xi32, #tpu.memory_space<vmem>> -> memref<80xi32, #tpu.memory_space<vmem>>
      %dma_start3A_431 = arith.constant 0 : i32
      %dma_start3A_432 = arith.constant 0 : i32
      %dma_start3A_433 = tpu.memref_slice %arg7[%dma_start3A_431, %dma_start3A_432] : memref<10240x64xf32, #tpu.memory_space<vmem_shared>> -> memref<10240x64xf32, #tpu.memory_space<vmem_shared>>
      tpu.enqueue_indirect_dma source(%arg10 : memref<80x64xf32, #tpu.memory_space<vmem>>) target(%dma_start3A_433 : memref<10240x64xf32, #tpu.memory_space<vmem_shared>>) offsets(%dma_start3A_430 : memref<80xi32, #tpu.memory_space<vmem>>) semaphore(%arg18 : memref<!tpu.dma_semaphore, #tpu.memory_space<semaphore_mem>>) {add = true}
      %dma_wait3A_434 = arith.constant 2 : i32
      %dma_wait3A_435 = arith.constant 0 : i32
      %dma_wait3A_436 = tpu.memref_slice %arg9[%dma_wait3A_434, %dma_wait3A_435] : memref<8x80xi32, #tpu.memory_space<vmem>> -> memref<1x80xi32, #tpu.memory_space<vmem>>
      %dma_wait3A_437 = tpu.memref_squeeze %dma_wait3A_436 : memref<1x80xi32, #tpu.memory_space<vmem>> -> memref<80xi32, #tpu.memory_space<vmem>>
      %dma_wait3A_438 = arith.constant 0 : i32
      %dma_wait3A_439 = arith.constant 0 : i32
      %dma_wait3A_440 = tpu.memref_slice %arg7[%dma_wait3A_438, %dma_wait3A_439] : memref<10240x64xf32, #tpu.memory_space<vmem_shared>> -> memref<10240x64xf32, #tpu.memory_space<vmem_shared>>
      tpu.wait_indirect_dma semaphore(%arg20 : memref<!tpu.dma_semaphore, #tpu.memory_space<semaphore_mem>>) src(%arg12 : memref<80x64xf32, #tpu.memory_space<vmem>>) dst(%dma_wait3A_440 : memref<10240x64xf32, #tpu.memory_space<vmem_shared>>)
      %dma_start3A_441 = arith.constant 5 : i32
      %dma_start3A_442 = arith.constant 0 : i32
      %dma_start3A_443 = tpu.memref_slice %arg8[%dma_start3A_441, %dma_start3A_442] : memref<8x80xi32, #tpu.memory_space<vmem>> -> memref<1x80xi32, #tpu.memory_space<vmem>>
      %dma_start3A_444 = tpu.memref_squeeze %dma_start3A_443 : memref<1x80xi32, #tpu.memory_space<vmem>> -> memref<80xi32, #tpu.memory_space<vmem>>
      %dma_start3A_445 = arith.constant 0 : i32
      %dma_start3A_446 = arith.constant 0 : i32
      %dma_start3A_447 = tpu.memref_slice %arg2[%dma_start3A_445, %dma_start3A_446] : memref<10000x64xf32, #tpu.memory_space<hbm>> -> memref<10000x64xf32, #tpu.memory_space<hbm>>
      tpu.enqueue_indirect_dma source(%dma_start3A_447 : memref<10000x64xf32, #tpu.memory_space<hbm>>) target(%arg12 : memref<80x64xf32, #tpu.memory_space<vmem>>) offsets(%dma_start3A_444 : memref<80xi32, #tpu.memory_space<vmem>>) semaphore(%arg17 : memref<!tpu.dma_semaphore, #tpu.memory_space<semaphore_mem>>)
      %dma_wait3A_448 = arith.constant 4 : i32
      %dma_wait3A_449 = arith.constant 0 : i32
      %dma_wait3A_450 = tpu.memref_slice %arg8[%dma_wait3A_448, %dma_wait3A_449] : memref<8x80xi32, #tpu.memory_space<vmem>> -> memref<1x80xi32, #tpu.memory_space<vmem>>
      %dma_wait3A_451 = tpu.memref_squeeze %dma_wait3A_450 : memref<1x80xi32, #tpu.memory_space<vmem>> -> memref<80xi32, #tpu.memory_space<vmem>>
      %dma_wait3A_452 = arith.constant 0 : i32
      %dma_wait3A_453 = arith.constant 0 : i32
      %dma_wait3A_454 = tpu.memref_slice %arg2[%dma_wait3A_452, %dma_wait3A_453] : memref<10000x64xf32, #tpu.memory_space<hbm>> -> memref<10000x64xf32, #tpu.memory_space<hbm>>
      tpu.wait_indirect_dma semaphore(%arg16 : memref<!tpu.dma_semaphore, #tpu.memory_space<semaphore_mem>>) src(%dma_wait3A_454 : memref<10000x64xf32, #tpu.memory_space<hbm>>) dst(%arg11 : memref<80x64xf32, #tpu.memory_space<vmem>>)
      %dma_start3A_455 = arith.constant 4 : i32
      %dma_start3A_456 = arith.constant 0 : i32
      %dma_start3A_457 = tpu.memref_slice %arg9[%dma_start3A_455, %dma_start3A_456] : memref<8x80xi32, #tpu.memory_space<vmem>> -> memref<1x80xi32, #tpu.memory_space<vmem>>
      %dma_start3A_458 = tpu.memref_squeeze %dma_start3A_457 : memref<1x80xi32, #tpu.memory_space<vmem>> -> memref<80xi32, #tpu.memory_space<vmem>>
      %dma_start3A_459 = arith.constant 0 : i32
      %dma_start3A_460 = arith.constant 0 : i32
      %dma_start3A_461 = tpu.memref_slice %arg7[%dma_start3A_459, %dma_start3A_460] : memref<10240x64xf32, #tpu.memory_space<vmem_shared>> -> memref<10240x64xf32, #tpu.memory_space<vmem_shared>>
      tpu.enqueue_indirect_dma source(%arg11 : memref<80x64xf32, #tpu.memory_space<vmem>>) target(%dma_start3A_461 : memref<10240x64xf32, #tpu.memory_space<vmem_shared>>) offsets(%dma_start3A_458 : memref<80xi32, #tpu.memory_space<vmem>>) semaphore(%arg19 : memref<!tpu.dma_semaphore, #tpu.memory_space<semaphore_mem>>) {add = true}
      %dma_wait3A_462 = arith.constant 3 : i32
      %dma_wait3A_463 = arith.constant 0 : i32
      %dma_wait3A_464 = tpu.memref_slice %arg9[%dma_wait3A_462, %dma_wait3A_463] : memref<8x80xi32, #tpu.memory_space<vmem>> -> memref<1x80xi32, #tpu.memory_space<vmem>>
      %dma_wait3A_465 = tpu.memref_squeeze %dma_wait3A_464 : memref<1x80xi32, #tpu.memory_space<vmem>> -> memref<80xi32, #tpu.memory_space<vmem>>
      %dma_wait3A_466 = arith.constant 0 : i32
      %dma_wait3A_467 = arith.constant 0 : i32
      %dma_wait3A_468 = tpu.memref_slice %arg7[%dma_wait3A_466, %dma_wait3A_467] : memref<10240x64xf32, #tpu.memory_space<vmem_shared>> -> memref<10240x64xf32, #tpu.memory_space<vmem_shared>>
      tpu.wait_indirect_dma semaphore(%arg18 : memref<!tpu.dma_semaphore, #tpu.memory_space<semaphore_mem>>) src(%arg10 : memref<80x64xf32, #tpu.memory_space<vmem>>) dst(%dma_wait3A_468 : memref<10240x64xf32, #tpu.memory_space<vmem_shared>>)
      %dma_start3A_469 = arith.constant 6 : i32
      %dma_start3A_470 = arith.constant 0 : i32
      %dma_start3A_471 = tpu.memref_slice %arg8[%dma_start3A_469, %dma_start3A_470] : memref<8x80xi32, #tpu.memory_space<vmem>> -> memref<1x80xi32, #tpu.memory_space<vmem>>
      %dma_start3A_472 = tpu.memref_squeeze %dma_start3A_471 : memref<1x80xi32, #tpu.memory_space<vmem>> -> memref<80xi32, #tpu.memory_space<vmem>>
      %dma_start3A_473 = arith.constant 0 : i32
      %dma_start3A_474 = arith.constant 0 : i32
      %dma_start3A_475 = tpu.memref_slice %arg2[%dma_start3A_473, %dma_start3A_474] : memref<10000x64xf32, #tpu.memory_space<hbm>> -> memref<10000x64xf32, #tpu.memory_space<hbm>>
      tpu.enqueue_indirect_dma source(%dma_start3A_475 : memref<10000x64xf32, #tpu.memory_space<hbm>>) target(%arg10 : memref<80x64xf32, #tpu.memory_space<vmem>>) offsets(%dma_start3A_472 : memref<80xi32, #tpu.memory_space<vmem>>) semaphore(%arg15 : memref<!tpu.dma_semaphore, #tpu.memory_space<semaphore_mem>>)
      %dma_wait3A_476 = arith.constant 5 : i32
      %dma_wait3A_477 = arith.constant 0 : i32
      %dma_wait3A_478 = tpu.memref_slice %arg8[%dma_wait3A_476, %dma_wait3A_477] : memref<8x80xi32, #tpu.memory_space<vmem>> -> memref<1x80xi32, #tpu.memory_space<vmem>>
      %dma_wait3A_479 = tpu.memref_squeeze %dma_wait3A_478 : memref<1x80xi32, #tpu.memory_space<vmem>> -> memref<80xi32, #tpu.memory_space<vmem>>
      %dma_wait3A_480 = arith.constant 0 : i32
      %dma_wait3A_481 = arith.constant 0 : i32
      %dma_wait3A_482 = tpu.memref_slice %arg2[%dma_wait3A_480, %dma_wait3A_481] : memref<10000x64xf32, #tpu.memory_space<hbm>> -> memref<10000x64xf32, #tpu.memory_space<hbm>>
      tpu.wait_indirect_dma semaphore(%arg17 : memref<!tpu.dma_semaphore, #tpu.memory_space<semaphore_mem>>) src(%dma_wait3A_482 : memref<10000x64xf32, #tpu.memory_space<hbm>>) dst(%arg12 : memref<80x64xf32, #tpu.memory_space<vmem>>)
      %dma_start3A_483 = arith.constant 5 : i32
      %dma_start3A_484 = arith.constant 0 : i32
      %dma_start3A_485 = tpu.memref_slice %arg9[%dma_start3A_483, %dma_start3A_484] : memref<8x80xi32, #tpu.memory_space<vmem>> -> memref<1x80xi32, #tpu.memory_space<vmem>>
      %dma_start3A_486 = tpu.memref_squeeze %dma_start3A_485 : memref<1x80xi32, #tpu.memory_space<vmem>> -> memref<80xi32, #tpu.memory_space<vmem>>
      %dma_start3A_487 = arith.constant 0 : i32
      %dma_start3A_488 = arith.constant 0 : i32
      %dma_start3A_489 = tpu.memref_slice %arg7[%dma_start3A_487, %dma_start3A_488] : memref<10240x64xf32, #tpu.memory_space<vmem_shared>> -> memref<10240x64xf32, #tpu.memory_space<vmem_shared>>
      tpu.enqueue_indirect_dma source(%arg12 : memref<80x64xf32, #tpu.memory_space<vmem>>) target(%dma_start3A_489 : memref<10240x64xf32, #tpu.memory_space<vmem_shared>>) offsets(%dma_start3A_486 : memref<80xi32, #tpu.memory_space<vmem>>) semaphore(%arg20 : memref<!tpu.dma_semaphore, #tpu.memory_space<semaphore_mem>>) {add = true}
      %dma_wait3A_490 = arith.constant 4 : i32
      %dma_wait3A_491 = arith.constant 0 : i32
      %dma_wait3A_492 = tpu.memref_slice %arg9[%dma_wait3A_490, %dma_wait3A_491] : memref<8x80xi32, #tpu.memory_space<vmem>> -> memref<1x80xi32, #tpu.memory_space<vmem>>
      %dma_wait3A_493 = tpu.memref_squeeze %dma_wait3A_492 : memref<1x80xi32, #tpu.memory_space<vmem>> -> memref<80xi32, #tpu.memory_space<vmem>>
      %dma_wait3A_494 = arith.constant 0 : i32
      %dma_wait3A_495 = arith.constant 0 : i32
      %dma_wait3A_496 = tpu.memref_slice %arg7[%dma_wait3A_494, %dma_wait3A_495] : memref<10240x64xf32, #tpu.memory_space<vmem_shared>> -> memref<10240x64xf32, #tpu.memory_space<vmem_shared>>
      tpu.wait_indirect_dma semaphore(%arg19 : memref<!tpu.dma_semaphore, #tpu.memory_space<semaphore_mem>>) src(%arg11 : memref<80x64xf32, #tpu.memory_space<vmem>>) dst(%dma_wait3A_496 : memref<10240x64xf32, #tpu.memory_space<vmem_shared>>)
      %dma_start3A_497 = arith.constant 7 : i32
      %dma_start3A_498 = arith.constant 0 : i32
      %dma_start3A_499 = tpu.memref_slice %arg8[%dma_start3A_497, %dma_start3A_498] : memref<8x80xi32, #tpu.memory_space<vmem>> -> memref<1x80xi32, #tpu.memory_space<vmem>>
      %dma_start3A_500 = tpu.memref_squeeze %dma_start3A_499 : memref<1x80xi32, #tpu.memory_space<vmem>> -> memref<80xi32, #tpu.memory_space<vmem>>
      %dma_start3A_501 = arith.constant 0 : i32
      %dma_start3A_502 = arith.constant 0 : i32
      %dma_start3A_503 = tpu.memref_slice %arg2[%dma_start3A_501, %dma_start3A_502] : memref<10000x64xf32, #tpu.memory_space<hbm>> -> memref<10000x64xf32, #tpu.memory_space<hbm>>
      tpu.enqueue_indirect_dma source(%dma_start3A_503 : memref<10000x64xf32, #tpu.memory_space<hbm>>) target(%arg11 : memref<80x64xf32, #tpu.memory_space<vmem>>) offsets(%dma_start3A_500 : memref<80xi32, #tpu.memory_space<vmem>>) semaphore(%arg16 : memref<!tpu.dma_semaphore, #tpu.memory_space<semaphore_mem>>)
      %dma_wait3A_504 = arith.constant 6 : i32
      %dma_wait3A_505 = arith.constant 0 : i32
      %dma_wait3A_506 = tpu.memref_slice %arg8[%dma_wait3A_504, %dma_wait3A_505] : memref<8x80xi32, #tpu.memory_space<vmem>> -> memref<1x80xi32, #tpu.memory_space<vmem>>
      %dma_wait3A_507 = tpu.memref_squeeze %dma_wait3A_506 : memref<1x80xi32, #tpu.memory_space<vmem>> -> memref<80xi32, #tpu.memory_space<vmem>>
      %dma_wait3A_508 = arith.constant 0 : i32
      %dma_wait3A_509 = arith.constant 0 : i32
      %dma_wait3A_510 = tpu.memref_slice %arg2[%dma_wait3A_508, %dma_wait3A_509] : memref<10000x64xf32, #tpu.memory_space<hbm>> -> memref<10000x64xf32, #tpu.memory_space<hbm>>
      tpu.wait_indirect_dma semaphore(%arg15 : memref<!tpu.dma_semaphore, #tpu.memory_space<semaphore_mem>>) src(%dma_wait3A_510 : memref<10000x64xf32, #tpu.memory_space<hbm>>) dst(%arg10 : memref<80x64xf32, #tpu.memory_space<vmem>>)
      %dma_start3A_511 = arith.constant 6 : i32
      %dma_start3A_512 = arith.constant 0 : i32
      %dma_start3A_513 = tpu.memref_slice %arg9[%dma_start3A_511, %dma_start3A_512] : memref<8x80xi32, #tpu.memory_space<vmem>> -> memref<1x80xi32, #tpu.memory_space<vmem>>
      %dma_start3A_514 = tpu.memref_squeeze %dma_start3A_513 : memref<1x80xi32, #tpu.memory_space<vmem>> -> memref<80xi32, #tpu.memory_space<vmem>>
      %dma_start3A_515 = arith.constant 0 : i32
      %dma_start3A_516 = arith.constant 0 : i32
      %dma_start3A_517 = tpu.memref_slice %arg7[%dma_start3A_515, %dma_start3A_516] : memref<10240x64xf32, #tpu.memory_space<vmem_shared>> -> memref<10240x64xf32, #tpu.memory_space<vmem_shared>>
      tpu.enqueue_indirect_dma source(%arg10 : memref<80x64xf32, #tpu.memory_space<vmem>>) target(%dma_start3A_517 : memref<10240x64xf32, #tpu.memory_space<vmem_shared>>) offsets(%dma_start3A_514 : memref<80xi32, #tpu.memory_space<vmem>>) semaphore(%arg18 : memref<!tpu.dma_semaphore, #tpu.memory_space<semaphore_mem>>) {add = true}
      %dma_wait3A_518 = arith.constant 7 : i32
      %dma_wait3A_519 = arith.constant 0 : i32
      %dma_wait3A_520 = tpu.memref_slice %arg8[%dma_wait3A_518, %dma_wait3A_519] : memref<8x80xi32, #tpu.memory_space<vmem>> -> memref<1x80xi32, #tpu.memory_space<vmem>>
      %dma_wait3A_521 = tpu.memref_squeeze %dma_wait3A_520 : memref<1x80xi32, #tpu.memory_space<vmem>> -> memref<80xi32, #tpu.memory_space<vmem>>
      %dma_wait3A_522 = arith.constant 0 : i32
      %dma_wait3A_523 = arith.constant 0 : i32
      %dma_wait3A_524 = tpu.memref_slice %arg2[%dma_wait3A_522, %dma_wait3A_523] : memref<10000x64xf32, #tpu.memory_space<hbm>> -> memref<10000x64xf32, #tpu.memory_space<hbm>>
      tpu.wait_indirect_dma semaphore(%arg16 : memref<!tpu.dma_semaphore, #tpu.memory_space<semaphore_mem>>) src(%dma_wait3A_524 : memref<10000x64xf32, #tpu.memory_space<hbm>>) dst(%arg11 : memref<80x64xf32, #tpu.memory_space<vmem>>)
      %dma_start3A_525 = arith.constant 7 : i32
      %dma_start3A_526 = arith.constant 0 : i32
      %dma_start3A_527 = tpu.memref_slice %arg9[%dma_start3A_525, %dma_start3A_526] : memref<8x80xi32, #tpu.memory_space<vmem>> -> memref<1x80xi32, #tpu.memory_space<vmem>>
      %dma_start3A_528 = tpu.memref_squeeze %dma_start3A_527 : memref<1x80xi32, #tpu.memory_space<vmem>> -> memref<80xi32, #tpu.memory_space<vmem>>
      %dma_start3A_529 = arith.constant 0 : i32
      %dma_start3A_530 = arith.constant 0 : i32
      %dma_start3A_531 = tpu.memref_slice %arg7[%dma_start3A_529, %dma_start3A_530] : memref<10240x64xf32, #tpu.memory_space<vmem_shared>> -> memref<10240x64xf32, #tpu.memory_space<vmem_shared>>
      tpu.enqueue_indirect_dma source(%arg11 : memref<80x64xf32, #tpu.memory_space<vmem>>) target(%dma_start3A_531 : memref<10240x64xf32, #tpu.memory_space<vmem_shared>>) offsets(%dma_start3A_528 : memref<80xi32, #tpu.memory_space<vmem>>) semaphore(%arg19 : memref<!tpu.dma_semaphore, #tpu.memory_space<semaphore_mem>>) {add = true}
      %dma_wait3A_532 = arith.constant 5 : i32
      %dma_wait3A_533 = arith.constant 0 : i32
      %dma_wait3A_534 = tpu.memref_slice %arg9[%dma_wait3A_532, %dma_wait3A_533] : memref<8x80xi32, #tpu.memory_space<vmem>> -> memref<1x80xi32, #tpu.memory_space<vmem>>
      %dma_wait3A_535 = tpu.memref_squeeze %dma_wait3A_534 : memref<1x80xi32, #tpu.memory_space<vmem>> -> memref<80xi32, #tpu.memory_space<vmem>>
      %dma_wait3A_536 = arith.constant 0 : i32
      %dma_wait3A_537 = arith.constant 0 : i32
      %dma_wait3A_538 = tpu.memref_slice %arg7[%dma_wait3A_536, %dma_wait3A_537] : memref<10240x64xf32, #tpu.memory_space<vmem_shared>> -> memref<10240x64xf32, #tpu.memory_space<vmem_shared>>
      tpu.wait_indirect_dma semaphore(%arg20 : memref<!tpu.dma_semaphore, #tpu.memory_space<semaphore_mem>>) src(%arg12 : memref<80x64xf32, #tpu.memory_space<vmem>>) dst(%dma_wait3A_538 : memref<10240x64xf32, #tpu.memory_space<vmem_shared>>)
      %dma_wait3A_539 = arith.constant 6 : i32
      %dma_wait3A_540 = arith.constant 0 : i32
      %dma_wait3A_541 = tpu.memref_slice %arg9[%dma_wait3A_539, %dma_wait3A_540] : memref<8x80xi32, #tpu.memory_space<vmem>> -> memref<1x80xi32, #tpu.memory_space<vmem>>
      %dma_wait3A_542 = tpu.memref_squeeze %dma_wait3A_541 : memref<1x80xi32, #tpu.memory_space<vmem>> -> memref<80xi32, #tpu.memory_space<vmem>>
      %dma_wait3A_543 = arith.constant 0 : i32
      %dma_wait3A_544 = arith.constant 0 : i32
      %dma_wait3A_545 = tpu.memref_slice %arg7[%dma_wait3A_543, %dma_wait3A_544] : memref<10240x64xf32, #tpu.memory_space<vmem_shared>> -> memref<10240x64xf32, #tpu.memory_space<vmem_shared>>
      tpu.wait_indirect_dma semaphore(%arg18 : memref<!tpu.dma_semaphore, #tpu.memory_space<semaphore_mem>>) src(%arg10 : memref<80x64xf32, #tpu.memory_space<vmem>>) dst(%dma_wait3A_545 : memref<10240x64xf32, #tpu.memory_space<vmem_shared>>)
      %dma_wait3A_546 = arith.constant 7 : i32
      %dma_wait3A_547 = arith.constant 0 : i32
      %dma_wait3A_548 = tpu.memref_slice %arg9[%dma_wait3A_546, %dma_wait3A_547] : memref<8x80xi32, #tpu.memory_space<vmem>> -> memref<1x80xi32, #tpu.memory_space<vmem>>
      %dma_wait3A_549 = tpu.memref_squeeze %dma_wait3A_548 : memref<1x80xi32, #tpu.memory_space<vmem>> -> memref<80xi32, #tpu.memory_space<vmem>>
      %dma_wait3A_550 = arith.constant 0 : i32
      %dma_wait3A_551 = arith.constant 0 : i32
      %dma_wait3A_552 = tpu.memref_slice %arg7[%dma_wait3A_550, %dma_wait3A_551] : memref<10240x64xf32, #tpu.memory_space<vmem_shared>> -> memref<10240x64xf32, #tpu.memory_space<vmem_shared>>
      tpu.wait_indirect_dma semaphore(%arg19 : memref<!tpu.dma_semaphore, #tpu.memory_space<semaphore_mem>>) src(%arg11 : memref<80x64xf32, #tpu.memory_space<vmem>>) dst(%dma_wait3A_552 : memref<10240x64xf32, #tpu.memory_space<vmem_shared>>)
    }
    %scan3A_11 = arith.constant 16 : i32
    %barrier3A_12 = arith.constant 0 : index
    tpu.barrier barrier_id(%barrier3A_12)
    "tpu.region"() ({
      %run_scoped3A = tpu.sem_alloc : memref<!tpu.dma_semaphore, #tpu.memory_space<semaphore_mem>>
      %dma_start3A = arith.constant 0 : i32
      %dma_start3A_13 = tpu.memref_slice %arg6[%arg0, %mul3A_2, %dma_start3A] : memref<2x10240x64xf32, #tpu.memory_space<hbm>> -> memref<1x640x64xf32, #tpu.memory_space<hbm>>
      %dma_start3A_14 = tpu.memref_squeeze %dma_start3A_13 : memref<1x640x64xf32, #tpu.memory_space<hbm>> -> memref<640x64xf32, #tpu.memory_space<hbm>>
      %dma_start3A_15 = arith.constant 0 : i32
      %dma_start3A_16 = tpu.memref_slice %arg7[%mul3A_2, %dma_start3A_15] : memref<10240x64xf32, #tpu.memory_space<vmem_shared>> -> memref<640x64xf32, #tpu.memory_space<vmem_shared>>
      tpu.enqueue_dma source(%dma_start3A_16 : memref<640x64xf32, #tpu.memory_space<vmem_shared>>) target(%dma_start3A_14 : memref<640x64xf32, #tpu.memory_space<hbm>>) target_semaphore(%run_scoped3A : memref<!tpu.dma_semaphore, #tpu.memory_space<semaphore_mem>>)
      %dma_wait3A = arith.constant 0 : i32
      %dma_wait3A_17 = tpu.memref_slice %arg6[%arg0, %mul3A_2, %dma_wait3A] : memref<2x10240x64xf32, #tpu.memory_space<hbm>> -> memref<1x640x64xf32, #tpu.memory_space<hbm>>
      %dma_wait3A_18 = tpu.memref_squeeze %dma_wait3A_17 : memref<1x640x64xf32, #tpu.memory_space<hbm>> -> memref<640x64xf32, #tpu.memory_space<hbm>>
      %dma_wait3A_19 = arith.constant 0 : i32
      %dma_wait3A_20 = tpu.memref_slice %arg7[%mul3A_2, %dma_wait3A_19] : memref<10240x64xf32, #tpu.memory_space<vmem_shared>> -> memref<640x64xf32, #tpu.memory_space<vmem_shared>>
      tpu.wait_dma2 semaphore(%run_scoped3A : memref<!tpu.dma_semaphore, #tpu.memory_space<semaphore_mem>>) src(%dma_wait3A_20 : memref<640x64xf32, #tpu.memory_space<vmem_shared>>) dst(%dma_wait3A_18 : memref<640x64xf32, #tpu.memory_space<hbm>>)
      tpu.yield
    }) : () -> ()
    return
  }
}

module attributes {stable_mosaic.version = 14 : i64} {
  func.func @body(%arg0: i32, %arg1: memref<2000x128xf32, #tpu.memory_space<vmem>>, %arg2: memref<128x128xf32, #tpu.memory_space<vmem>>, %arg3: memref<128x128xf32, #tpu.memory_space<vmem>>, %arg4: memref<1x128xf32, #tpu.memory_space<vmem>>, %arg5: memref<2000x128xf32, #tpu.memory_space<vmem>>, %arg6: memref<2000x128xf32, #tpu.memory_space<vmem>>) attributes {dimension_semantics = [#tpu.dimension_semantics<arbitrary>], iteration_bounds = array<i64: 5>, scalar_prefetch = 0 : i64, scratch_operands = 0 : i64, tpu.core_type = #tpu.core_type<tc>, window_params = [{transform_indices = @transform_0, window_bounds = array<i64: 2000, 128>}, {pipeline_mode = #tpu.pipeline_mode<synchronous>, transform_indices = @transform_1, window_bounds = array<i64: 128, 128>}, {pipeline_mode = #tpu.pipeline_mode<synchronous>, transform_indices = @transform_2, window_bounds = array<i64: 128, 128>}, {pipeline_mode = #tpu.pipeline_mode<synchronous>, transform_indices = @transform_3, window_bounds = array<i64: 1, 128>}, {transform_indices = @transform_4, window_bounds = array<i64: 2000, 128>}, {transform_indices = @transform_5, window_bounds = array<i64: 2000, 128>}]} {
    %get3A = arith.constant 0 : index
    %get3A_0 = arith.constant 0 : index
    %get3A_1 = vector.load %arg1[%get3A, %get3A_0] : memref<2000x128xf32, #tpu.memory_space<vmem>>, vector<2000x128xf32>
    %get3A_2 = arith.constant 0 : index
    %get3A_3 = arith.constant 0 : index
    %get3A_4 = vector.load %arg2[%get3A_2, %get3A_3] : memref<128x128xf32, #tpu.memory_space<vmem>>, vector<128x128xf32>
    %dot_general3A = arith.constant dense<0.000000e+00> : vector<2000x128xf32>
    %dot_general3A_5 = tpu.matmul %get3A_1, %get3A_4, %dot_general3A {dimension_numbers = #tpu.dot_dimension_numbers<[1], [0], [0], [1], [0, 0, 1, 1], [], []>, transpose_lhs_hint = false} : vector<2000x128xf32>, vector<128x128xf32>, vector<2000x128xf32> -> vector<2000x128xf32>
    %swap3A = arith.constant 0 : index
    %swap3A_6 = arith.constant 0 : index
    %swap3A_7 = vector.load %arg5[%swap3A, %swap3A_6] : memref<2000x128xf32, #tpu.memory_space<vmem>>, vector<2000x128xf32>
    tpu.vector_store %arg5[%swap3A, %swap3A_6], %dot_general3A_5 {strides = array<i32>} : memref<2000x128xf32, #tpu.memory_space<vmem>>, vector<2000x128xf32>,
    %get3A_8 = arith.constant 0 : index
    %get3A_9 = arith.constant 0 : index
    %get3A_10 = vector.load %arg3[%get3A_8, %get3A_9] : memref<128x128xf32, #tpu.memory_space<vmem>>, vector<128x128xf32>
    %dot_general3A_11 = arith.constant dense<0.000000e+00> : vector<2000x128xf32>
    %dot_general3A_12 = tpu.matmul %get3A_1, %get3A_10, %dot_general3A_11 {dimension_numbers = #tpu.dot_dimension_numbers<[1], [0], [0], [1], [0, 0, 1, 1], [], []>, transpose_lhs_hint = false} : vector<2000x128xf32>, vector<128x128xf32>, vector<2000x128xf32> -> vector<2000x128xf32>
    %get3A_13 = arith.constant 0 : index
    %get3A_14 = arith.constant 0 : index
    %get3A_15 = vector.load %arg4[%get3A_13, %get3A_14] : memref<1x128xf32, #tpu.memory_space<vmem>>, vector<1x128xf32>
    %add3A = vector.broadcast %get3A_15 : vector<1x128xf32> to vector<2000x128xf32>
    %add3A_16 = arith.addf %dot_general3A_12, %add3A : vector<2000x128xf32>
    %swap3A_17 = arith.constant 0 : index
    %swap3A_18 = arith.constant 0 : index
    %swap3A_19 = vector.load %arg6[%swap3A_17, %swap3A_18] : memref<2000x128xf32, #tpu.memory_space<vmem>>, vector<2000x128xf32>
    tpu.vector_store %arg6[%swap3A_17, %swap3A_18], %add3A_16 {strides = array<i32>} : memref<2000x128xf32, #tpu.memory_space<vmem>>, vector<2000x128xf32>,
    return
  }
  func.func @transform_0(%arg0: i32) -> (i32, i32) {
    %c0_i32 = arith.constant 0 : i32
    %c0_i32_0 = arith.constant 0 : i32
    return %arg0, %c0_i32 : i32, i32
  }
  func.func @transform_1(%arg0: i32) -> (i32, i32) {
    %c0_i32 = arith.constant 0 : i32
    %c0_i32_0 = arith.constant 0 : i32
    %c0_i32_1 = arith.constant 0 : i32
    return %c0_i32, %c0_i32_0 : i32, i32
  }
  func.func @transform_2(%arg0: i32) -> (i32, i32) {
    %c0_i32 = arith.constant 0 : i32
    %c0_i32_0 = arith.constant 0 : i32
    %c0_i32_1 = arith.constant 0 : i32
    return %c0_i32, %c0_i32_0 : i32, i32
  }
  func.func @transform_3(%arg0: i32) -> (i32, i32) {
    %c0_i32 = arith.constant 0 : i32
    %c0_i32_0 = arith.constant 0 : i32
    %c0_i32_1 = arith.constant 0 : i32
    return %c0_i32, %c0_i32_0 : i32, i32
  }
  func.func @transform_4(%arg0: i32) -> (i32, i32) {
    %c0_i32 = arith.constant 0 : i32
    %c0_i32_0 = arith.constant 0 : i32
    return %arg0, %c0_i32 : i32, i32
  }
  func.func @transform_5(%arg0: i32) -> (i32, i32) {
    %c0_i32 = arith.constant 0 : i32
    %c0_i32_0 = arith.constant 0 : i32
    return %arg0, %c0_i32 : i32, i32
  }
}

module attributes {stable_mosaic.version = 14 : i64} {
  func.func @body(%arg0: i32, %arg1: memref<2x2000x128xf32, #tpu.memory_space<vmem>>, %arg2: memref<2x2000x16xf32, #tpu.memory_space<vmem>>, %arg3: memref<2000x128xf32, #tpu.memory_space<vmem>>, %arg4: memref<128x64xf32, #tpu.memory_space<vmem>>, %arg5: memref<128x64xf32, #tpu.memory_space<vmem>>, %arg6: memref<1x64xf32, #tpu.memory_space<vmem>>, %arg7: memref<2000x64xf32, #tpu.memory_space<vmem>>, %arg8: memref<2000x64xf32, #tpu.memory_space<vmem>>) attributes {dimension_semantics = [#tpu.dimension_semantics<arbitrary>], iteration_bounds = array<i64: 5>, scalar_prefetch = 0 : i64, scratch_operands = 0 : i64, tpu.core_type = #tpu.core_type<tc>, window_params = [{transform_indices = @transform_0, window_bounds = array<i64: 2, 2000, 128>}, {transform_indices = @transform_1, window_bounds = array<i64: 2, 2000, 16>}, {transform_indices = @transform_2, window_bounds = array<i64: 2000, 128>}, {pipeline_mode = #tpu.pipeline_mode<synchronous>, transform_indices = @transform_3, window_bounds = array<i64: 128, 64>}, {pipeline_mode = #tpu.pipeline_mode<synchronous>, transform_indices = @transform_4, window_bounds = array<i64: 128, 64>}, {pipeline_mode = #tpu.pipeline_mode<synchronous>, transform_indices = @transform_5, window_bounds = array<i64: 1, 64>}, {transform_indices = @transform_6, window_bounds = array<i64: 2000, 64>}, {transform_indices = @transform_7, window_bounds = array<i64: 2000, 64>}]} {
    %get3A = arith.constant 0 : index
    %get3A_0 = arith.constant 0 : index
    %get3A_1 = arith.constant 0 : index
    %get3A_2 = vector.load %arg1[%get3A, %get3A_0, %get3A_1] : memref<2x2000x128xf32, #tpu.memory_space<vmem>>, vector<1x2000x128xf32>
    %get3A_3 = vector.shape_cast %get3A_2 : vector<1x2000x128xf32> to vector<2000x128xf32>
    %get3A_4 = arith.constant 1 : index
    %get3A_5 = arith.constant 0 : index
    %get3A_6 = arith.constant 0 : index
    %get3A_7 = vector.load %arg1[%get3A_4, %get3A_5, %get3A_6] : memref<2x2000x128xf32, #tpu.memory_space<vmem>>, vector<1x2000x128xf32>
    %get3A_8 = vector.shape_cast %get3A_7 : vector<1x2000x128xf32> to vector<2000x128xf32>
    %add3A = arith.addf %get3A_3, %get3A_8 : vector<2000x128xf32>
    %get3A_9 = arith.constant 0 : index
    %get3A_10 = arith.constant 0 : index
    %get3A_11 = arith.constant 0 : index
    %get3A_12 = vector.load %arg2[%get3A_9, %get3A_10, %get3A_11] : memref<2x2000x16xf32, #tpu.memory_space<vmem>>, vector<1x2000x1xf32>
    %get3A_13 = vector.shape_cast %get3A_12 : vector<1x2000x1xf32> to vector<2000x1xf32>
    %get3A_14 = arith.constant 1 : index
    %get3A_15 = arith.constant 0 : index
    %get3A_16 = arith.constant 0 : index
    %get3A_17 = vector.load %arg2[%get3A_14, %get3A_15, %get3A_16] : memref<2x2000x16xf32, #tpu.memory_space<vmem>>, vector<1x2000x1xf32>
    %get3A_18 = vector.shape_cast %get3A_17 : vector<1x2000x1xf32> to vector<2000x1xf32>
    %add3A_19 = arith.addf %get3A_13, %get3A_18 : vector<2000x1xf32>
    %max3A = arith.constant 1.000000e+00 : f32
    %max3A_20 = vector.broadcast %max3A : f32 to vector<2000x1xf32>
    %max3A_21 = arith.maximumf %add3A_19, %max3A_20 : vector<2000x1xf32>
    %div3A = arith.constant 1.000000e+00 : f32
    %div3A_22 = vector.broadcast %div3A : f32 to vector<2000x1xf32>
    %div3A_23 = arith.divf %div3A_22, %max3A_21 : vector<2000x1xf32>
    %mul3A = vector.broadcast %div3A_23 : vector<2000x1xf32> to vector<2000x128xf32>
    %mul3A_24 = arith.mulf %add3A, %mul3A : vector<2000x128xf32>
    %get3A_25 = arith.constant 0 : index
    %get3A_26 = arith.constant 0 : index
    %get3A_27 = vector.load %arg3[%get3A_25, %get3A_26] : memref<2000x128xf32, #tpu.memory_space<vmem>>, vector<2000x128xf32>
    %add3A_28 = arith.addf %mul3A_24, %get3A_27 : vector<2000x128xf32>
    %max3A_29 = arith.constant 0.000000e+00 : f32
    %max3A_30 = vector.broadcast %max3A_29 : f32 to vector<2000x128xf32>
    %max3A_31 = arith.maximumf %add3A_28, %max3A_30 : vector<2000x128xf32>
    %get3A_32 = arith.constant 0 : index
    %get3A_33 = arith.constant 0 : index
    %get3A_34 = vector.load %arg4[%get3A_32, %get3A_33] : memref<128x64xf32, #tpu.memory_space<vmem>>, vector<128x64xf32>
    %dot_general3A = arith.constant dense<0.000000e+00> : vector<2000x64xf32>
    %dot_general3A_35 = tpu.matmul %max3A_31, %get3A_34, %dot_general3A {dimension_numbers = #tpu.dot_dimension_numbers<[1], [0], [0], [1], [0, 0, 1, 1], [], []>, transpose_lhs_hint = false} : vector<2000x128xf32>, vector<128x64xf32>, vector<2000x64xf32> -> vector<2000x64xf32>
    %swap3A = arith.constant 0 : index
    %swap3A_36 = arith.constant 0 : index
    %swap3A_37 = vector.load %arg7[%swap3A, %swap3A_36] : memref<2000x64xf32, #tpu.memory_space<vmem>>, vector<2000x64xf32>
    tpu.vector_store %arg7[%swap3A, %swap3A_36], %dot_general3A_35 {strides = array<i32>} : memref<2000x64xf32, #tpu.memory_space<vmem>>, vector<2000x64xf32>,
    %get3A_38 = arith.constant 0 : index
    %get3A_39 = arith.constant 0 : index
    %get3A_40 = vector.load %arg5[%get3A_38, %get3A_39] : memref<128x64xf32, #tpu.memory_space<vmem>>, vector<128x64xf32>
    %dot_general3A_41 = arith.constant dense<0.000000e+00> : vector<2000x64xf32>
    %dot_general3A_42 = tpu.matmul %max3A_31, %get3A_40, %dot_general3A_41 {dimension_numbers = #tpu.dot_dimension_numbers<[1], [0], [0], [1], [0, 0, 1, 1], [], []>, transpose_lhs_hint = false} : vector<2000x128xf32>, vector<128x64xf32>, vector<2000x64xf32> -> vector<2000x64xf32>
    %get3A_43 = arith.constant 0 : index
    %get3A_44 = arith.constant 0 : index
    %get3A_45 = vector.load %arg6[%get3A_43, %get3A_44] : memref<1x64xf32, #tpu.memory_space<vmem>>, vector<1x64xf32>
    %add3A_46 = vector.broadcast %get3A_45 : vector<1x64xf32> to vector<2000x64xf32>
    %add3A_47 = arith.addf %dot_general3A_42, %add3A_46 : vector<2000x64xf32>
    %swap3A_48 = arith.constant 0 : index
    %swap3A_49 = arith.constant 0 : index
    %swap3A_50 = vector.load %arg8[%swap3A_48, %swap3A_49] : memref<2000x64xf32, #tpu.memory_space<vmem>>, vector<2000x64xf32>
    tpu.vector_store %arg8[%swap3A_48, %swap3A_49], %add3A_47 {strides = array<i32>} : memref<2000x64xf32, #tpu.memory_space<vmem>>, vector<2000x64xf32>,
    return
  }
  func.func @transform_0(%arg0: i32) -> (i32, i32, i32) {
    %c0_i32 = arith.constant 0 : i32
    %c0_i32_0 = arith.constant 0 : i32
    %c0_i32_1 = arith.constant 0 : i32
    return %c0_i32, %arg0, %c0_i32_0 : i32, i32, i32
  }
  func.func @transform_1(%arg0: i32) -> (i32, i32, i32) {
    %c0_i32 = arith.constant 0 : i32
    %c0_i32_0 = arith.constant 0 : i32
    %c0_i32_1 = arith.constant 0 : i32
    return %c0_i32, %arg0, %c0_i32_0 : i32, i32, i32
  }
  func.func @transform_2(%arg0: i32) -> (i32, i32) {
    %c0_i32 = arith.constant 0 : i32
    %c0_i32_0 = arith.constant 0 : i32
    return %arg0, %c0_i32 : i32, i32
  }
  func.func @transform_3(%arg0: i32) -> (i32, i32) {
    %c0_i32 = arith.constant 0 : i32
    %c0_i32_0 = arith.constant 0 : i32
    %c0_i32_1 = arith.constant 0 : i32
    return %c0_i32, %c0_i32_0 : i32, i32
  }
  func.func @transform_4(%arg0: i32) -> (i32, i32) {
    %c0_i32 = arith.constant 0 : i32
    %c0_i32_0 = arith.constant 0 : i32
    %c0_i32_1 = arith.constant 0 : i32
    return %c0_i32, %c0_i32_0 : i32, i32
  }
  func.func @transform_5(%arg0: i32) -> (i32, i32) {
    %c0_i32 = arith.constant 0 : i32
    %c0_i32_0 = arith.constant 0 : i32
    %c0_i32_1 = arith.constant 0 : i32
    return %c0_i32, %c0_i32_0 : i32, i32
  }
  func.func @transform_6(%arg0: i32) -> (i32, i32) {
    %c0_i32 = arith.constant 0 : i32
    %c0_i32_0 = arith.constant 0 : i32
    return %arg0, %c0_i32 : i32, i32
  }
  func.func @transform_7(%arg0: i32) -> (i32, i32) {
    %c0_i32 = arith.constant 0 : i32
    %c0_i32_0 = arith.constant 0 : i32
    return %arg0, %c0_i32 : i32, i32
  }
}

module attributes {stable_mosaic.version = 14 : i64} {
  func.func @body(%arg0: i32, %arg1: memref<2x2000x64xf32, #tpu.memory_space<vmem>>, %arg2: memref<2x2000x16xf32, #tpu.memory_space<vmem>>, %arg3: memref<2000x64xf32, #tpu.memory_space<vmem>>, %arg4: memref<2000x64xf32, #tpu.memory_space<vmem>>) attributes {dimension_semantics = [#tpu.dimension_semantics<arbitrary>], iteration_bounds = array<i64: 5>, scalar_prefetch = 0 : i64, scratch_operands = 0 : i64, tpu.core_type = #tpu.core_type<tc>, window_params = [{transform_indices = @transform_0, window_bounds = array<i64: 2, 2000, 64>}, {transform_indices = @transform_1, window_bounds = array<i64: 2, 2000, 16>}, {transform_indices = @transform_2, window_bounds = array<i64: 2000, 64>}, {transform_indices = @transform_3, window_bounds = array<i64: 2000, 64>}]} {
    %get3A = arith.constant 0 : index
    %get3A_0 = arith.constant 0 : index
    %get3A_1 = arith.constant 0 : index
    %get3A_2 = vector.load %arg1[%get3A, %get3A_0, %get3A_1] : memref<2x2000x64xf32, #tpu.memory_space<vmem>>, vector<1x2000x64xf32>
    %get3A_3 = vector.shape_cast %get3A_2 : vector<1x2000x64xf32> to vector<2000x64xf32>
    %get3A_4 = arith.constant 1 : index
    %get3A_5 = arith.constant 0 : index
    %get3A_6 = arith.constant 0 : index
    %get3A_7 = vector.load %arg1[%get3A_4, %get3A_5, %get3A_6] : memref<2x2000x64xf32, #tpu.memory_space<vmem>>, vector<1x2000x64xf32>
    %get3A_8 = vector.shape_cast %get3A_7 : vector<1x2000x64xf32> to vector<2000x64xf32>
    %add3A = arith.addf %get3A_3, %get3A_8 : vector<2000x64xf32>
    %get3A_9 = arith.constant 0 : index
    %get3A_10 = arith.constant 0 : index
    %get3A_11 = arith.constant 0 : index
    %get3A_12 = vector.load %arg2[%get3A_9, %get3A_10, %get3A_11] : memref<2x2000x16xf32, #tpu.memory_space<vmem>>, vector<1x2000x1xf32>
    %get3A_13 = vector.shape_cast %get3A_12 : vector<1x2000x1xf32> to vector<2000x1xf32>
    %get3A_14 = arith.constant 1 : index
    %get3A_15 = arith.constant 0 : index
    %get3A_16 = arith.constant 0 : index
    %get3A_17 = vector.load %arg2[%get3A_14, %get3A_15, %get3A_16] : memref<2x2000x16xf32, #tpu.memory_space<vmem>>, vector<1x2000x1xf32>
    %get3A_18 = vector.shape_cast %get3A_17 : vector<1x2000x1xf32> to vector<2000x1xf32>
    %add3A_19 = arith.addf %get3A_13, %get3A_18 : vector<2000x1xf32>
    %max3A = arith.constant 1.000000e+00 : f32
    %max3A_20 = vector.broadcast %max3A : f32 to vector<2000x1xf32>
    %max3A_21 = arith.maximumf %add3A_19, %max3A_20 : vector<2000x1xf32>
    %div3A = arith.constant 1.000000e+00 : f32
    %div3A_22 = vector.broadcast %div3A : f32 to vector<2000x1xf32>
    %div3A_23 = arith.divf %div3A_22, %max3A_21 : vector<2000x1xf32>
    %mul3A = vector.broadcast %div3A_23 : vector<2000x1xf32> to vector<2000x64xf32>
    %mul3A_24 = arith.mulf %add3A, %mul3A : vector<2000x64xf32>
    %get3A_25 = arith.constant 0 : index
    %get3A_26 = arith.constant 0 : index
    %get3A_27 = vector.load %arg3[%get3A_25, %get3A_26] : memref<2000x64xf32, #tpu.memory_space<vmem>>, vector<2000x64xf32>
    %add3A_28 = arith.addf %mul3A_24, %get3A_27 : vector<2000x64xf32>
    %swap3A = arith.constant 0 : index
    %swap3A_29 = arith.constant 0 : index
    %swap3A_30 = vector.load %arg4[%swap3A, %swap3A_29] : memref<2000x64xf32, #tpu.memory_space<vmem>>, vector<2000x64xf32>
    tpu.vector_store %arg4[%swap3A, %swap3A_29], %add3A_28 {strides = array<i32>} : memref<2000x64xf32, #tpu.memory_space<vmem>>, vector<2000x64xf32>,
    return
  }
  func.func @transform_0(%arg0: i32) -> (i32, i32, i32) {
    %c0_i32 = arith.constant 0 : i32
    %c0_i32_0 = arith.constant 0 : i32
    %c0_i32_1 = arith.constant 0 : i32
    return %c0_i32, %arg0, %c0_i32_0 : i32, i32, i32
  }
  func.func @transform_1(%arg0: i32) -> (i32, i32, i32) {
    %c0_i32 = arith.constant 0 : i32
    %c0_i32_0 = arith.constant 0 : i32
    %c0_i32_1 = arith.constant 0 : i32
    return %c0_i32, %arg0, %c0_i32_0 : i32, i32, i32
  }
  func.func @transform_2(%arg0: i32) -> (i32, i32) {
    %c0_i32 = arith.constant 0 : i32
    %c0_i32_0 = arith.constant 0 : i32
    return %arg0, %c0_i32 : i32, i32
  }
  func.func @transform_3(%arg0: i32) -> (i32, i32) {
    %c0_i32 = arith.constant 0 : i32
    %c0_i32_0 = arith.constant 0 : i32
    return %arg0, %c0_i32 : i32, i32
  }
}

</mosaic_0001>

<sc_bundles>
// kernel: kernel.10.cloned.1.call-start
scs
__scs_entry_jumppad:
0x0: {  	(pc) =	sbr.rel $0x88, $3  }
0x1: {  	(tag) =	ssettag $0x0;
	lr =	simm.s32 $0x1  }
0x2: {  	[smem:$0x3F99] =	sst lr;
	_ =	strace $0xD0000000  }
0x3: {  	_ = 	snop  }
0x4: {  	_ = 	snop  }
0x5: {  	_ = 	snop  }
0x6: {  	_ = 	snop  }
0x7: {  	_ = 	snop  }
__scs_overlays_trampoline_lowered:
0x8: {  	[smem:$0x3FA8] =	sst s0  }
0x9: {  	[smem:$0x3FA9] =	sst s1  }
0xa: {  	[smem:$0x3FAA] =	sst s2  }
0xb: {  	[smem:$0x3FAB] =	sst s3  }
0xc: {  	[smem:$0x3FAC] =	sst s4  }
0xd: {  	[smem:$0x3FAD] =	sst s5  }
0xe: {  	[smem:$0x3FAE] =	sst s6  }
0xf: {  	[smem:$0x3FAF] =	sst s7  }
0x10: {  	[smem:$0x3FB0] =	sst s8  }
0x11: {  	[smem:$0x3FB1] =	sst s9;
	s0 =	simm.s32 @!p0 $0x0  }
0x12: {  	s1 =	sld [smem:$0x3F97];
	s0 =	simm.s32 @p0 $0x1  }
0x13: {  	[smem:$0x3FB2] =	sst s0;
	s0 =	simm.s32 @!p1 $0x0  }
0x14: {  	s2 =	sld [smem:$0x3F96];
	s0 =	simm.s32 @p1 $0x1  }
0x15: {  	[smem:$0x3FB3] =	sst s0;
	s0 =	simm.s32 @!p2 $0x0  }
0x16: {  	s3 =	sld [smem:$0x3FDB];
	s0 =	simm.s32 @p2 $0x1  }
0x17: {  	s4 =	simm.s32 $0x1BF5;
	[smem:$0x3FB5] =	sst s0  }
0x18: {  	s0 =	sld [smem:$0x3F98];
	_ =	swait.ge [sflag:s4], $0x0  }
0x19: {  	s7 =	sld [smem:$0x3F99]  }
0x1a: {  	s8 =	sadd.s32 $0xFFFFE003, lr  }
0x1b: {  	s9 =	sadd.s32 $0xFFFFFEF7, lr;
	s5 =	simm.s32 $0xFFFFFFFF;
	p2 =	slt.u32 s8, $0xFFFFF086  }
0x1c: {  	p1 =	slt.u32 s9, $0xF7A;
	s5 =	simm.s32 @!p2 $0x0  }
0x1d: {  	s5 =	simm.s32 @p1 $0x1;
	p0 =	seq.s32 s7, s2  }
0x1e: {  	s7 =	smul.u32 @!p0 $0xF7A, s2;
	p2 =	seq.s32 @!p0 s5, $0x0  }
0x1f: {  	s9 =	smul.u32 $0xF7A, s1;
	s8 =	simm.s32 @!p0 $0x1BF5;
	p2 =	por !p2, p0  }
0x20: {  	[sflag:s8] =	ssyncset.s32 @!p0 $0xFFFFF086;
	s6 =	sadd.s32 @!p0 s3, s7;
	s7 =	simm.s32 @!p0 $0x108  }
0x21: {  	s3 =	sadd.s32 s3, s9;
	s6 =	sadd.s32 @!p0 $0x88, s6;
	s7 =	simm.s32 @p2 $0x1082  }
0x22: {  	[simem:s7], [sflag:s8] =	dma.local @!p0 [hbm:s6], $0xF7A  }
0x23: {  	s9 =	sor.u32 $0xD0000000, s2;
	s6 =	simm.s32 $0x108;
	_ =	swait.ge @!p0 [sflag:s8], $0x0  }
0x24: {  	s3 =	sadd.s32 $0x88, s3;
	s6 =	simm.s32 @!p1 $0x1082;
	[sflag:s4] =	ssyncset.s32 $0xFFFFF086  }
0x25: {  	[simem:s6], [sflag:s4] =	dma.local [hbm:s3], $0xF7A  }
0x26: {  	[smem:$0x3F99] =	sst s1;
	(tag) =	ssettag s2;
	_ =	strace s9  }
0x27: {  	s1 =	sld [smem:$0x3FA9]  }
0x28: {  	s2 =	sld [smem:$0x3FAA]  }
0x29: {  	s4 =	sld [smem:$0x3FAC]  }
0x2a: {  	p0 =	seq.s32 s5, $0x0;
	s5 =	sld [smem:$0x3FAD]  }
0x2b: {  	s6 =	sld [smem:$0x3FAE]  }
0x2c: {  	s7 =	sld [smem:$0x3FAF]  }
0x2d: {  	s3 =	simm.s32 $0x108;
	s8 =	sld [smem:$0x3FB0]  }
0x2e: {  	s3 =	simm.s32 @!p0 $0x1082;
	s9 =	sld [smem:$0x3FB1]  }
0x2f: {  	lr =	sadd.s32 s0, s3;
	s0 =	sld [smem:$0x3FA8]  }
0x30: {  	s3 =	sld [smem:$0x3FAB]  }
0x31: {  	[smem:$0x3FB4] =	sst s10  }
0x32: {  	s10 =	sld [smem:$0x3FB2];
	_ =	sdelay $0x3  }
0x33: {  	p0 =	seq.s32 s10, $0x1;
	s10 =	sld [smem:$0x3FB4];
	_ =	sdelay $0x3  }
0x34: {  	[smem:$0x3FB4] =	sst s10  }
0x35: {  	s10 =	sld [smem:$0x3FB3];
	_ =	sdelay $0x3  }
0x36: {  	p1 =	seq.s32 s10, $0x1;
	s10 =	sld [smem:$0x3FB4];
	_ =	sdelay $0x3  }
0x37: {  	[smem:$0x3FB4] =	sst s10  }
0x38: {  	s10 =	sld [smem:$0x3FB5]  }
0x39: {  	_ = 	snop;
	(pc) =	sbr.ind lr, $3  }
0x3a: {  	_ = 	snop  }
0x3b: {  	_ = 	snop  }
0x3c: {  	p2 =	seq.s32 s10, $0x1;
	s10 =	sld [smem:$0x3FB4]  }
0x3d: {  	_ =	shalt  }
0x3e: {  	_ =	shalt  }
0x3f: {  	_ =	shalt  }
0x40: {  	_ =	shalt  }
0x41: {  	_ =	shalt  }
0x42: {  	_ =	shalt  }
0x43: {  	_ =	shalt  }
0x44: {  	_ =	shalt  }
0x45: {  	_ =	shalt  }
0x46: {  	_ =	shalt  }
0x47: {  	_ =	shalt  }
0x48: {  	_ =	shalt  }
0x49: {  	_ =	shalt  }
0x4a: {  	_ =	shalt  }
0x4b: {  	_ =	shalt  }
0x4c: {  	_ =	shalt  }
0x4d: {  	_ =	shalt  }
0x4e: {  	_ =	shalt  }
0x4f: {  	_ =	shalt  }
0x50: {  	_ =	shalt  }
0x51: {  	_ =	shalt  }
0x52: {  	_ =	shalt  }
0x53: {  	_ =	shalt  }
0x54: {  	_ =	shalt  }
0x55: {  	_ =	shalt  }
0x56: {  	_ =	shalt  }
0x57: {  	_ =	shalt  }
0x58: {  	_ =	shalt  }
0x59: {  	_ =	shalt  }
0x5a: {  	_ =	shalt  }
0x5b: {  	_ =	shalt  }
0x5c: {  	_ =	shalt  }
0x5d: {  	_ =	shalt  }
0x5e: {  	_ =	shalt  }
0x5f: {  	_ =	shalt  }
0x60: {  	_ =	shalt  }
0x61: {  	_ =	shalt  }
0x62: {  	_ =	shalt  }
0x63: {  	_ =	shalt  }
0x64: {  	_ =	shalt  }
0x65: {  	_ =	shalt  }
0x66: {  	_ =	shalt  }
0x67: {  	_ =	shalt  }
0x68: {  	_ =	shalt  }
0x69: {  	_ =	shalt  }
0x6a: {  	_ =	shalt  }
0x6b: {  	_ =	shalt  }
0x6c: {  	_ =	shalt  }
0x6d: {  	_ =	shalt  }
0x6e: {  	_ =	shalt  }
0x6f: {  	_ =	shalt  }
0x70: {  	_ =	shalt  }
0x71: {  	_ =	shalt  }
0x72: {  	_ =	shalt  }
0x73: {  	_ =	shalt  }
0x74: {  	_ =	shalt  }
0x75: {  	_ =	shalt  }
0x76: {  	_ =	shalt  }
0x77: {  	_ =	shalt  }
0x78: {  	_ =	shalt  }
0x79: {  	_ =	shalt  }
0x7a: {  	_ =	shalt  }
0x7b: {  	_ =	shalt  }
0x7c: {  	_ =	shalt  }
0x7d: {  	_ =	shalt  }
0x7e: {  	_ =	shalt  }
0x7f: {  	_ =	shalt  }
0x80: {  	_ =	shalt  }
0x81: {  	_ =	shalt  }
0x82: {  	_ =	shalt  }
0x83: {  	_ =	shalt  }
0x84: {  	_ =	shalt  }
0x85: {  	_ =	shalt  }
0x86: {  	_ =	shalt  }
0x87: {  	_ =	shalt  }
.Lfunc_end0:
.L_simem_size_0:
called_computation.1_lowered:
.L_overlay_start_0:
0x88: {  	s2 =	sld [smem:$0x3FD9]  }
0x89: {  	s3 =	sld [smem:$0x3FFE];
	_ =	sdelay $0x1  }
0x8a: {  	s1 =	srdreg.scid  }
0x8b: {  	s0 =	sand.u32 $0x1, s1  }
0x8c: {  	s17 =	sshll.u32 s0, $0xA;
	s2 =	sadd.s32 s3, s2  }
0x8d: {  	s2 =	sadd.s32 s2, s17  }
0x8e: {  	[smem:$0x3FC0] =	sst s2  }
0x8f: {  	_ = 	snop  }
0x90: {  	s2 =	sld [smem:$0x3FD0];
	(tm) =	ssettm $0x1  }
0x91: {  	s18 =	sld [smem:$0x3FFB];
	_ =	sdelay $0x3  }
0x92: {  	_ =	strace s18  }
0x93: {  	s3 =	sld [smem:$0x3FFC];
	_ =	sdelay $0x3  }
0x94: {  	_ =	strace s3  }
0x95: {  	s3 =	sld [smem:$0x3FFD];
	_ =	sdelay $0x3  }
0x96: {  	_ =	strace s3  }
0x97: {  	_ =	strace $0x8FFFFFFF  }
0x98: {  	s19 =	sld [smem:$0x3FDB];
	_ =	sdelay $0x1  }
0x99: {  	s4 =	simm.s32 $_scs_section_size  }
0x9a: {  	s5 =	simm.s32 $_size__tile_overlayer_lowered;
	s6 =	simm.s32 $_tile_overlayer_lowered  }
0x9b: {  	s22 =	simm.s32 $0x1BFF;
	s21 =	sshll.u32 s6, $0x1;
	s3 =	sadd.s32 s4, s19  }
0x9c: {  	s7 =	simm.s32 $0x0;
	s20 =	sshll.u32 s5, $0x1;
	s5 =	sadd.s32 s21, s3  }
0x9d: {  	[timem:s7], [sflag:s22] =	dma.local [hbm:s5], s20  }
0x9e: {  	_ =	swait.ge [sflag:s22], s20  }
0x9f: {  	s4 =	ssub.s32 $0x0, s20;
	[sflag:s22] =	ssyncset.done $0x0  }
0xa0: {  	[sflag:s22] =	ssyncadd.s32 s4;
	_ =	sdelay $0x1  }
0xa1: {  	s23 =	simm.s32 $0x1B8B  }
0xa2: {  	_ =	swait.ge [sflag:s23], $0x1  }
0xa3: {  	[sflag:s23] =	ssyncset.done $0x0  }
0xa4: {  	s25 =	simm.s32 $0x1B8E;
	s24 =	sld [smem:$0x3FFE];
	[sflag:s23] =	ssyncadd.s32 $0xFFFFFFFF  }
0xa5: {  	s26 =	simm.s32 $execute0_lowered;
	[smem:$0x3FD2] =	sst s25  }
0xa6: {  	s5 =	sshll.u32 s26, $0x1;
	_ =	strace $0x80000049;
	[dreg:$0x1] =	wrdreg $0xFFFFFFFF  }
0xa7: {  	s28 =	simm.s32 $_size_execute0_lowered;
	s3 =	sadd.s32 s3, s5;
	[dreg:$0x0] =	wrdreg $0x0  }
0xa8: {  	s5 =	sshll.u32 s28, $0x1;
	[dreg:$0x2] =	wrdreg s3  }
0xa9: {  	[dreg:$0x3] =	wrdreg s5  }
0xaa: {  	[dreg:$0x4] =	wrdreg $0xC0  }
0xab: {  	_ =	task [dreg:s7], $0x5FFFF  }
0xac: {  	[dreg:$0x1] =	wrdreg $0xFFFFFFFF  }
0xad: {  	[dreg:$0x0] =	wrdreg $0x60  }
0xae: {  	[dreg:$0x2] =	wrdreg s24  }
0xaf: {  	[dreg:$0x3] =	wrdreg s2  }
0xb0: {  	[dreg:$0x4] =	wrdreg $0x0  }
0xb1: {  	[dreg:$0x5] =	wrdreg $0x9  }
0xb2: {  	_ =	task.clear_ibuf [dreg:s7], $0x6FFFF;
	_ =	strace $0x90000049  }
0xb3: {  	s29 =	simm.s32 $0x9;
	_ =	strace $0x8000004B  }
0xb4: {  	_ =	swait.ge [sflag:s29], $0x1  }
0xb5: {  	[sflag:s29] =	ssyncadd.s32 $0xFFFFFFFF  }
0xb6: {  	_ =	strace $0x9000004B  }
0xb7: {  	_ =	sfence  }
0xb8: {  	s30 =	sld [smem:$0x0];
	_ =	sdelay $0x2  }
0xb9: {  	s31 =	sshll.u32 s1, $0xD;
	s1 =	sshrl.u32 s1, $0x2  }
0xba: {  	s3 =	sand.u32 $0x4000, s31;
	s1 =	sadd.s32 s1, s30  }
0xbb: {  	s0 =	sor.u32 s3, s0;
	s1 =	sshll.u32 s1, $0x11  }
0xbc: {  	s0 =	sor.u32 s1, s0  }
0xbd: {  	s0 =	sadd.s32 $0x8F2B, s0  }
0xbe: {  	[sflag:s0] =	ssyncadd.remote.s32 $0x1  }
0xbf: {  	_ =	sfence.sel $0xFFFF  }
0xc0: {  	[dreg:$0x0] =	wrdreg $0xFFFFFFFF;
	(pc) =	sbr.abs _section_cstart, $3  }
0xc1: {  	[dreg:$0x1] =	wrdreg $0xFFFFFFFF  }
0xc2: {  	_ =	task.clear_ibuf [dreg:s7], $0x2FFFF;
	_ =	strace $0x9FFFFFFF  }
0xc3: {  	(tm) =	ssettm $0x7FFFFFFF  }
tec
execute0_lowered:
.L_overlay_start_1:
0x0: {  	(tag) =	ssettag $0x1  }
0x1: {  	s1 =	rddreg [dreg:$0x0]  }
0x2: {  	s0 =	rddreg [dreg:$0x1]  }
0x3: {  	s2 =	rddreg [dreg:$0x2];
	s3 =	simm.s32 $0x0  }
0x4: {  	s12 =	stileid.u32;
	s4 =	srdreg.scid;
	s28 =	simm.s32 $0x1  }
0x5: {  	s29 =	simm.s32 $0x2;
	s30 =	simm.s32 $0x50;
	s5 =	smul.u32 $0xA000, s12  }
0x6: {  	s31 =	simm.s32 $0xA410;
	s6 =	sand.u32 $0x1, s4;
	s11 =	smul.u32 $0x2800, s12  }
0x7: {  	[smem:$0x7FF] =	sst s3;
	s4 =	sadd.s32 $0x5B600, s1;
	s7 =	smul.u32 $0xA0000, s6  }
0x8: {  	s8 =	sadd.s32 $0x1600, s1;
	s9 =	smul.u32 $0x28000, s6;
	s6 =	ssub.s32 $0x2, s6  }
0x9: {  	_ =	strace $0x8000004A;
	s10 =	sshrl.u32 s5, $0x3;
	s15 =	sshrl.u32 s6, $0x1  }
0xa: {  	s7 =	sadd.s32 s5, s7;
	s10 =	sadd.s32 s10, s1;
	s9 =	sadd.s32 s11, s9  }
0xb: {  	s6 =	ssub.s32 s6, s15;
	s5 =	sadd.s32 s5, s2;
	s7 =	sshrl.u32 s7, $0x3  }
0xc: {  	[dreg:$0x12] =	wrdreg s5;
	s16 =	sshrl.u32 s9, $0x3;
	s17 =	sadd.s32 $0x6F000, s10  }
0xd: {  	s19 =	sor.u32 $0x230, s9;
	s22 =	sor.u32 $0x1E0, s9;
	s26 =	sor.u32 $0x190, s9  }
0xe: {  	s14 =	sor.u32 $0x140, s9;
	[dreg:$0x13] =	wrdreg s17;
	s18 =	sadd.s32 s16, s0  }
0xf: {  	s5 =	sadd.s32 s16, s8;
	s20 =	sshrl.u32 s19, $0x3;
	[dreg:$0x4] =	wrdreg s18  }
0x10: {  	s11 =	sshrl.u32 s26, $0x3;
	s26 =	smax.u32 s6, $0x1;
	[dreg:$0x5] =	wrdreg s5  }
0x11: {  	s10 =	simm.s32 $0x8;
	s21 =	sadd.s32 s20, s8;
	[dreg:$0x16] =	wrdreg s26  }
0x12: {  	s24 =	sshrl.u32 s22, $0x3;
	s23 =	sadd.s32 s20, s0;
	[dreg:$0x6] =	wrdreg s21  }
0x13: {  	s1 =	sadd.s32 s7, s1;
	s25 =	sadd.s32 s24, s8;
	[dreg:$0x7] =	wrdreg s23  }
0x14: {  	s16 =	sshrl.u32 s14, $0x3;
	s7 =	sadd.s32 s24, s0;
	[dreg:$0x8] =	wrdreg s25  }
0x15: {  	s6 =	simm.s32 $0x4;
	s13 =	sadd.s32 s11, s8;
	[dreg:$0x9] =	wrdreg s7  }
0x16: {  	s15 =	sadd.s32 s11, s0;
	s17 =	sadd.s32 s16, s8;
	[dreg:$0xa] =	wrdreg s13  }
0x17: {  	s18 =	sor.u32 $0xF0, s9;
	s19 =	sadd.s32 s16, s0;
	[dreg:$0xb] =	wrdreg s15  }
0x18: {  	s9 =	sor.u32 $0xA0, s9;
	s24 =	sshll.u32 s12, $0x6;
	[dreg:$0xc] =	wrdreg s17  }
0x19: {  	s1 =	sadd.s32 $0x83000, s1;
	s26 =	simm.s32 $0xA3C0;
	[dreg:$0xd] =	wrdreg s19  }
0x1a: {  	s20 =	sshrl.u32 s18, $0x3;
	s12 =	sor.u32 $0x1C09, s24;
	[dreg:$0x15] =	wrdreg s1  }
0x1b: {  	s23 =	sshrl.u32 s9, $0x3;
	s21 =	sadd.s32 s20, s8;
	[dreg:$0x14] =	wrdreg s12  }
0x1c: {  	s13 =	simm.s32 $0x9;
	s22 =	sadd.s32 s20, s0;
	[dreg:$0xe] =	wrdreg s21  }
0x1d: {  	s1 =	simm.s32 $0x3;
	s25 =	sadd.s32 s23, s8;
	[dreg:$0xf] =	wrdreg s22  }
0x1e: {  	s7 =	simm.s32 $0x7;
	s0 =	sadd.s32 s23, s0;
	[dreg:$0x10] =	wrdreg s25  }
0x1f: {  	s8 =	simm.s32 $0x6;
	[dreg:$0x11] =	wrdreg s0;
	s0 =	simm.s32 $0x0  }
.LBB2_1:
0x20: {  	[dreg:$0x17] =	wrdreg s0  }
0x21: {  	s11 =	rddreg [dreg:$0x12]  }
0x22: {  	s23 =	rddreg [dreg:$0x13];
	s22 =	sshrl.u32 s11, $0x3  }
0x23: {  	[dreg:$0x18] =	wrdreg s22  }
0x24: {  	[spmem:s22], [sflag:s12] =	dma.local [hbm:s23], $0x1400  }
0x25: {  	_ =	swait.ge [sflag:s13], $0x1400  }
0x26: {  	[sflag:s13] =	ssyncset.done $0x0  }
0x27: {  	[sflag:s13] =	ssyncadd.s32 $0xFFFFEC00  }
0x28: {  	[bflag:$0x0] =	sbarrier.arrive $0xFFFF  }
0x29: {  	s24 =	rddreg [dreg:$0x4]  }
0x2a: {  	s14 =	simm.s32 $0xA000;
	s25 =	rddreg [dreg:$0x5];
	s11 =	sadd.s32 $0x0, s24  }
0x2b: {  	[tilespmem:s14], [sflag:$0x1] =	stream.linear.gather [hbm4b:s11+s3], $0x50, $0x38;
	[tilespmem:$0xE100] =	vst v63  }
0x2c: {  	s15 =	simm.s32 $0xA280;
	s12 =	sadd.s32 $0x0, s25  }
0x2d: {  	[tilespmem:s15], [sflag:$0x2] =	stream.linear.gather [hbm4b:s12+s3], $0x50, $0x38;
	[tilespmem:$0xE100] =	vst v63  }
0x2e: {  	s16 =	simm.s32 $0xA050;
	s11 =	sadd.s32 $0xA, s11  }
0x2f: {  	[tilespmem:s16], [sflag:$0x1] =	stream.linear.gather [hbm4b:s11+s3], $0x50, $0x38;
	[tilespmem:$0xE100] =	vst v63  }
0x30: {  	s17 =	simm.s32 $0xA2D0;
	s0 =	rddreg [dreg:$0x11];
	s5 =	sadd.s32 $0xA, s12  }
0x31: {  	[tilespmem:s17], [sflag:$0x2] =	stream.linear.gather [hbm4b:s5+s3], $0x50, $0x38;
	[tilespmem:$0xE100] =	vst v63  }
0x32: {  	s18 =	simm.s32 $0xA0A0;
	s9 =	rddreg [dreg:$0x10];
	s19 =	sadd.s32 $0x0, s0  }
0x33: {  	[tilespmem:s18], [sflag:$0x1] =	stream.linear.gather [hbm4b:s19+s3], $0x50, $0x38;
	[tilespmem:$0xE100] =	vst v63  }
0x34: {  	s20 =	rddreg [dreg:$0xf];
	s21 =	sadd.s32 $0x0, s9;
	s19 =	simm.s32 $0xA320  }
0x35: {  	[tilespmem:s19], [sflag:$0x2] =	stream.linear.gather [hbm4b:s21+s3], $0x50, $0x38;
	[tilespmem:$0xE100] =	vst v63  }
0x36: {  	s22 =	rddreg [dreg:$0xe];
	s23 =	sadd.s32 $0x0, s20;
	s20 =	simm.s32 $0xA0F0  }
0x37: {  	[tilespmem:s20], [sflag:$0x1] =	stream.linear.gather [hbm4b:s23+s3], $0x50, $0x38;
	[tilespmem:$0xE100] =	vst v63  }
0x38: {  	s24 =	rddreg [dreg:$0xd];
	s25 =	sadd.s32 $0x0, s22;
	s21 =	simm.s32 $0xA370  }
0x39: {  	[tilespmem:s21], [sflag:$0x2] =	stream.linear.gather [hbm4b:s25+s3], $0x50, $0x38;
	[tilespmem:$0xE100] =	vst v63  }
0x3a: {  	s0 =	rddreg [dreg:$0xc];
	s22 =	simm.s32 $0xA140;
	s5 =	sadd.s32 $0x0, s24  }
0x3b: {  	[tilespmem:s22], [sflag:$0x1] =	stream.linear.gather [hbm4b:s5+s3], $0x50, $0x38;
	[tilespmem:$0xE100] =	vst v63  }
0x3c: {  	s9 =	rddreg [dreg:$0xb];
	s24 =	sadd.s32 $0x0, s0;
	s23 =	simm.s32 $0xA3C0  }
0x3d: {  	[tilespmem:s23], [sflag:$0x2] =	stream.linear.gather [hbm4b:s24+s3], $0x50, $0x38;
	[tilespmem:$0xE100] =	vst v63  }
0x3e: {  	s0 =	sadd.s32 $0x0, s9;
	s25 =	rddreg [dreg:$0xa];
	s5 =	simm.s32 $0xA190  }
0x3f: {  	[tilespmem:s5], [sflag:$0x1] =	stream.linear.gather [hbm4b:s0+s3], $0x50, $0x38;
	[tilespmem:$0xE100] =	vst v63  }
0x40: {  	s9 =	rddreg [dreg:$0x9];
	s12 =	sadd.s32 $0x0, s25;
	s24 =	simm.s32 $0xA410  }
0x41: {  	[tilespmem:s24], [sflag:$0x2] =	stream.linear.gather [hbm4b:s12+s3], $0x50, $0x38;
	[tilespmem:$0xE100] =	vst v63  }
0x42: {  	s9 =	sadd.s32 $0x0, s9;
	s25 =	rddreg [dreg:$0x8];
	s0 =	simm.s32 $0xA1E0  }
0x43: {  	[tilespmem:s0], [sflag:$0x1] =	stream.linear.gather [hbm4b:s9+s3], $0x50, $0x38;
	[tilespmem:$0xE100] =	vst v63  }
0x44: {  	s13 =	rddreg [dreg:$0x7];
	s25 =	sadd.s32 $0x0, s25;
	s9 =	simm.s32 $0xA460  }
0x45: {  	[tilespmem:s9], [sflag:$0x2] =	stream.linear.gather [hbm4b:s25+s3], $0x50, $0x38;
	[tilespmem:$0xE100] =	vst v63  }
0x46: {  	s12 =	rddreg [dreg:$0x6];
	s25 =	sadd.s32 $0x0, s13;
	s13 =	simm.s32 $0xA230  }
0x47: {  	[tilespmem:s13], [sflag:$0x1] =	stream.linear.gather [hbm4b:s25+s3], $0x50, $0x38;
	[tilespmem:$0xE100] =	vst v63  }
0x48: {  	s25 =	sadd.s32 $0x0, s12;
	s12 =	simm.s32 $0xA4B0  }
0x49: {  	[tilespmem:s12], [sflag:$0x2] =	stream.linear.gather [hbm4b:s25+s3], $0x50, $0x38;
	[tilespmem:$0xE100] =	vst v63  }
0x4a: {  	_ =	swait.ge [sflag:s28], $0x50  }
0x4b: {  	[sflag:s28] =	ssyncset.done $0x0  }
0x4c: {  	[sflag:s28] =	ssyncadd.s32 $0xFFFFFFB0  }
0x4d: {  	_ =	swait.ge [sflag:s29], $0x50  }
0x4e: {  	[sflag:s29] =	ssyncset.done $0x0  }
0x4f: {  	[sflag:s29] =	ssyncadd.s32 $0xFFFFFFB0  }
0x50: {  	_ =	swait.ge [sflag:s28], $0x50  }
0x51: {  	[sflag:s28] =	ssyncset.done $0x0  }
0x52: {  	[sflag:s28] =	ssyncadd.s32 $0xFFFFFFB0  }
0x53: {  	_ =	swait.ge [sflag:s29], $0x50  }
0x54: {  	[sflag:s29] =	ssyncset.done $0x0  }
0x55: {  	[sflag:s29] =	ssyncadd.s32 $0xFFFFFFB0  }
0x56: {  	_ =	swait.ge [sflag:s28], $0x50  }
0x57: {  	[sflag:s28] =	ssyncset.done $0x0  }
0x58: {  	[sflag:s28] =	ssyncadd.s32 $0xFFFFFFB0  }
0x59: {  	_ =	swait.ge [sflag:s29], $0x50  }
0x5a: {  	[sflag:s29] =	ssyncset.done $0x0  }
0x5b: {  	[sflag:s29] =	ssyncadd.s32 $0xFFFFFFB0  }
0x5c: {  	_ =	swait.ge [sflag:s28], $0x50  }
0x5d: {  	[sflag:s28] =	ssyncset.done $0x0  }
0x5e: {  	[sflag:s28] =	ssyncadd.s32 $0xFFFFFFB0  }
0x5f: {  	_ =	swait.ge [sflag:s29], $0x50  }
0x60: {  	[sflag:s29] =	ssyncset.done $0x0  }
0x61: {  	[sflag:s29] =	ssyncadd.s32 $0xFFFFFFB0  }
0x62: {  	_ =	swait.ge [sflag:s28], $0x50  }
0x63: {  	[sflag:s28] =	ssyncset.done $0x0  }
0x64: {  	[sflag:s28] =	ssyncadd.s32 $0xFFFFFFB0  }
0x65: {  	_ =	swait.ge [sflag:s29], $0x50  }
0x66: {  	[sflag:s29] =	ssyncset.done $0x0  }
0x67: {  	[sflag:s29] =	ssyncadd.s32 $0xFFFFFFB0  }
0x68: {  	_ =	swait.ge [sflag:s28], $0x50  }
0x69: {  	[sflag:s28] =	ssyncset.done $0x0  }
0x6a: {  	[sflag:s28] =	ssyncadd.s32 $0xFFFFFFB0  }
0x6b: {  	_ =	swait.ge [sflag:s29], $0x50  }
0x6c: {  	[sflag:s29] =	ssyncset.done $0x0  }
0x6d: {  	[sflag:s29] =	ssyncadd.s32 $0xFFFFFFB0  }
0x6e: {  	_ =	swait.ge [sflag:s28], $0x50  }
0x6f: {  	[sflag:s28] =	ssyncset.done $0x0  }
0x70: {  	[sflag:s28] =	ssyncadd.s32 $0xFFFFFFB0  }
0x71: {  	_ =	swait.ge [sflag:s29], $0x50  }
0x72: {  	[sflag:s29] =	ssyncset.done $0x0  }
0x73: {  	[sflag:s29] =	ssyncadd.s32 $0xFFFFFFB0  }
0x74: {  	_ =	swait.ge [sflag:s28], $0x50  }
0x75: {  	[sflag:s28] =	ssyncset.done $0x0  }
0x76: {  	[sflag:s28] =	ssyncadd.s32 $0xFFFFFFB0  }
0x77: {  	_ =	swait.ge [sflag:s29], $0x50  }
0x78: {  	[sflag:s29] =	ssyncset.done $0x0  }
0x79: {  	s11 =	simm.s32 $0xA500;
	[sflag:s29] =	ssyncadd.s32 $0xFFFFFFB0  }
0x7a: {  	[tilespmem:s11], [sflag:$0x3] =	stream.indirect.gather [hbm4b:s4+s30], $0x40, s14, s30, $0xb8;
	[tilespmem:$0xE100] =	vst v63  }
0x7b: {  	s14 =	simm.s32 $0xB900  }
0x7c: {  	[tilespmem:s14], [sflag:$0x4] =	stream.indirect.gather [hbm4b:s4+s30], $0x40, s16, s30, $0xb8;
	[tilespmem:$0xE100] =	vst v63  }
0x7d: {  	_ =	swait.ge [sflag:s1], $0x1400  }
0x7e: {  	[sflag:s1] =	ssyncset.done $0x0  }
0x7f: {  	[sflag:s1] =	ssyncadd.s32 $0xFFFFEC00  }
0x80: {  	[spmem:s2] =	stream.indirect.scatter.add.f32 [tilespmem:s11], [sflag:$0x6], $0x40, s15, s30, $0xb8;
	[tilespmem:$0xE100] =	vst v63  }
0x81: {  	s15 =	simm.s32 $0xCD00  }
0x82: {  	[tilespmem:s15], [sflag:$0x5] =	stream.indirect.gather [hbm4b:s4+s30], $0x40, s18, s30, $0xb8;
	[tilespmem:$0xE100] =	vst v63  }
0x83: {  	_ =	swait.ge [sflag:s6], $0x1400  }
0x84: {  	[sflag:s6] =	ssyncset.done $0x0  }
0x85: {  	[sflag:s6] =	ssyncadd.s32 $0xFFFFEC00  }
0x86: {  	[spmem:s2] =	stream.indirect.scatter.add.f32 [tilespmem:s14], [sflag:$0x7], $0x40, s17, s30, $0xb8;
	[tilespmem:$0xE100] =	vst v63  }
0x87: {  	_ =	swait.ge [sflag:s8], $0x1400  }
0x88: {  	[sflag:s8] =	ssyncset.done $0x0  }
0x89: {  	s25 =	simm.s32 $0x5;
	[sflag:s8] =	ssyncadd.s32 $0xFFFFEC00  }
0x8a: {  	[tilespmem:s11], [sflag:$0x3] =	stream.indirect.gather [hbm4b:s4+s30], $0x40, s20, s30, $0xb8;
	[tilespmem:$0xE100] =	vst v63  }
0x8b: {  	_ =	swait.ge [sflag:s25], $0x1400  }
0x8c: {  	[sflag:s25] =	ssyncset.done $0x0  }
0x8d: {  	[sflag:s25] =	ssyncadd.s32 $0xFFFFEC00  }
0x8e: {  	[spmem:s2] =	stream.indirect.scatter.add.f32 [tilespmem:s15], [sflag:$0x8], $0x40, s19, s30, $0xb8;
	[tilespmem:$0xE100] =	vst v63  }
0x8f: {  	_ =	swait.ge [sflag:s7], $0x1400  }
0x90: {  	[sflag:s7] =	ssyncset.done $0x0  }
0x91: {  	[sflag:s7] =	ssyncadd.s32 $0xFFFFEC00  }
0x92: {  	[tilespmem:s14], [sflag:$0x4] =	stream.indirect.gather [hbm4b:s4+s30], $0x40, s22, s30, $0xb8;
	[tilespmem:$0xE100] =	vst v63  }
0x93: {  	_ =	swait.ge [sflag:s1], $0x1400  }
0x94: {  	[sflag:s1] =	ssyncset.done $0x0  }
0x95: {  	[sflag:s1] =	ssyncadd.s32 $0xFFFFEC00  }
0x96: {  	[spmem:s2] =	stream.indirect.scatter.add.f32 [tilespmem:s11], [sflag:$0x6], $0x40, s21, s30, $0xb8;
	[tilespmem:$0xE100] =	vst v63  }
0x97: {  	_ =	swait.ge [sflag:s10], $0x1400  }
0x98: {  	[sflag:s10] =	ssyncset.done $0x0  }
0x99: {  	[sflag:s10] =	ssyncadd.s32 $0xFFFFEC00  }
0x9a: {  	[tilespmem:s15], [sflag:$0x5] =	stream.indirect.gather [hbm4b:s4+s30], $0x40, s5, s30, $0xb8;
	[tilespmem:$0xE100] =	vst v63  }
0x9b: {  	_ =	swait.ge [sflag:s6], $0x1400  }
0x9c: {  	[sflag:s6] =	ssyncset.done $0x0  }
0x9d: {  	[sflag:s6] =	ssyncadd.s32 $0xFFFFEC00  }
0x9e: {  	[spmem:s2] =	stream.indirect.scatter.add.f32 [tilespmem:s14], [sflag:$0x7], $0x40, s23, s30, $0xb8;
	[tilespmem:$0xE100] =	vst v63  }
0x9f: {  	_ =	swait.ge [sflag:s8], $0x1400  }
0xa0: {  	[sflag:s8] =	ssyncset.done $0x0  }
0xa1: {  	[sflag:s8] =	ssyncadd.s32 $0xFFFFEC00  }
0xa2: {  	[tilespmem:s11], [sflag:$0x3] =	stream.indirect.gather [hbm4b:s4+s30], $0x40, s0, s30, $0xb8;
	[tilespmem:$0xE100] =	vst v63  }
0xa3: {  	_ =	swait.ge [sflag:s25], $0x1400  }
0xa4: {  	[sflag:s25] =	ssyncset.done $0x0  }
0xa5: {  	[sflag:s25] =	ssyncadd.s32 $0xFFFFEC00  }
0xa6: {  	[spmem:s2] =	stream.indirect.scatter.add.f32 [tilespmem:s15], [sflag:$0x8], $0x40, s24, s30, $0xb8;
	[tilespmem:$0xE100] =	vst v63  }
0xa7: {  	_ =	swait.ge [sflag:s7], $0x1400  }
0xa8: {  	[sflag:s7] =	ssyncset.done $0x0  }
0xa9: {  	[sflag:s7] =	ssyncadd.s32 $0xFFFFEC00  }
0xaa: {  	[tilespmem:s14], [sflag:$0x4] =	stream.indirect.gather [hbm4b:s4+s30], $0x40, s13, s30, $0xb8;
	[tilespmem:$0xE100] =	vst v63  }
0xab: {  	_ =	swait.ge [sflag:s1], $0x1400  }
0xac: {  	[sflag:s1] =	ssyncset.done $0x0  }
0xad: {  	[sflag:s1] =	ssyncadd.s32 $0xFFFFEC00  }
0xae: {  	[spmem:s2] =	stream.indirect.scatter.add.f32 [tilespmem:s11], [sflag:$0x6], $0x40, s9, s30, $0xb8;
	[tilespmem:$0xE100] =	vst v63  }
0xaf: {  	_ =	swait.ge [sflag:s6], $0x1400  }
0xb0: {  	[sflag:s6] =	ssyncset.done $0x0  }
0xb1: {  	[sflag:s6] =	ssyncadd.s32 $0xFFFFEC00  }
0xb2: {  	[spmem:s2] =	stream.indirect.scatter.add.f32 [tilespmem:s14], [sflag:$0x7], $0x40, s12, s30, $0xb8;
	[tilespmem:$0xE100] =	vst v63  }
0xb3: {  	_ =	swait.ge [sflag:s10], $0x1400  }
0xb4: {  	[sflag:s10] =	ssyncset.done $0x0  }
0xb5: {  	[sflag:s10] =	ssyncadd.s32 $0xFFFFEC00  }
0xb6: {  	_ =	swait.ge [sflag:s8], $0x1400  }
0xb7: {  	[sflag:s8] =	ssyncset.done $0x0  }
0xb8: {  	[sflag:s8] =	ssyncadd.s32 $0xFFFFEC00  }
0xb9: {  	s11 =	simm.s32 $0x50;
	_ =	swait.ge [sflag:s7], $0x1400  }
0xba: {  	s12 =	simm.s32 $0xA0;
	s14 =	rddreg [dreg:$0x4];
	[sflag:s7] =	ssyncset.done $0x0  }
.LBB2_2:
0xbb: {  	[sflag:s7] =	ssyncadd.s32 $0xFFFFEC00  }
0xbc: {  	s15 =	rddreg [dreg:$0x5];
	s14 =	sadd.s32 s11, s14;
	s17 =	simm.s32 $0xA000  }
0xbd: {  	[tilespmem:s17], [sflag:$0x1] =	stream.linear.gather [hbm4b:s14+s3], $0x50, $0x38;
	[tilespmem:$0xE100] =	vst v63  }
0xbe: {  	s18 =	simm.s32 $0xA280;
	s15 =	sadd.s32 s11, s15  }
0xbf: {  	[tilespmem:s18], [sflag:$0x2] =	stream.linear.gather [hbm4b:s15+s3], $0x50, $0x38;
	[tilespmem:$0xE100] =	vst v63  }
0xc0: {  	s19 =	simm.s32 $0xA050;
	s14 =	sadd.s32 $0xA, s14  }
0xc1: {  	[tilespmem:s19], [sflag:$0x1] =	stream.linear.gather [hbm4b:s14+s3], $0x50, $0x38;
	[tilespmem:$0xE100] =	vst v63  }
0xc2: {  	s16 =	rddreg [dreg:$0x11];
	s20 =	simm.s32 $0xA2D0;
	s25 =	sadd.s32 $0xA, s15  }
0xc3: {  	[tilespmem:s20], [sflag:$0x2] =	stream.linear.gather [hbm4b:s25+s3], $0x50, $0x38;
	[tilespmem:$0xE100] =	vst v63  }
0xc4: {  	s0 =	rddreg [dreg:$0x10];
	s21 =	simm.s32 $0xA0A0;
	s5 =	sadd.s32 s11, s16  }
0xc5: {  	[tilespmem:s21], [sflag:$0x1] =	stream.linear.gather [hbm4b:s5+s3], $0x50, $0x38;
	[tilespmem:$0xE100] =	vst v63  }
0xc6: {  	s9 =	rddreg [dreg:$0xf];
	s22 =	simm.s32 $0xA320;
	s23 =	sadd.s32 s11, s0  }
0xc7: {  	[tilespmem:s22], [sflag:$0x2] =	stream.linear.gather [hbm4b:s23+s3], $0x50, $0x38;
	[tilespmem:$0xE100] =	vst v63  }
0xc8: {  	s24 =	rddreg [dreg:$0xe];
	s25 =	sadd.s32 s11, s9;
	s23 =	simm.s32 $0xA0F0  }
0xc9: {  	[tilespmem:s23], [sflag:$0x1] =	stream.linear.gather [hbm4b:s25+s3], $0x50, $0x38;
	[tilespmem:$0xE100] =	vst v63  }
0xca: {  	s0 =	rddreg [dreg:$0xd];
	s5 =	sadd.s32 s11, s24;
	s24 =	simm.s32 $0xA370  }
0xcb: {  	[tilespmem:s24], [sflag:$0x2] =	stream.linear.gather [hbm4b:s5+s3], $0x50, $0x38;
	[tilespmem:$0xE100] =	vst v63  }
0xcc: {  	s0 =	sadd.s32 s11, s0;
	s9 =	rddreg [dreg:$0xc];
	s25 =	simm.s32 $0xA140  }
0xcd: {  	[tilespmem:s25], [sflag:$0x1] =	stream.linear.gather [hbm4b:s0+s3], $0x50, $0x38;
	[tilespmem:$0xE100] =	vst v63  }
0xce: {  	s9 =	sadd.s32 s11, s9;
	s5 =	rddreg [dreg:$0xb]  }
0xcf: {  	[tilespmem:s26], [sflag:$0x2] =	stream.linear.gather [hbm4b:s9+s3], $0x50, $0x38;
	[tilespmem:$0xE100] =	vst v63  }
0xd0: {  	s15 =	rddreg [dreg:$0xa];
	s0 =	sadd.s32 s11, s5;
	s5 =	simm.s32 $0xA190  }
0xd1: {  	[tilespmem:s5], [sflag:$0x1] =	stream.linear.gather [hbm4b:s0+s3], $0x50, $0x38;
	[tilespmem:$0xE100] =	vst v63  }
0xd2: {  	s13 =	smov.u32 s12;
	s9 =	rddreg [dreg:$0x9];
	s0 =	sadd.s32 s11, s15  }
0xd3: {  	[tilespmem:s31], [sflag:$0x2] =	stream.linear.gather [hbm4b:s0+s3], $0x50, $0x38;
	[tilespmem:$0xE100] =	vst v63  }
0xd4: {  	s9 =	sadd.s32 s11, s9;
	s15 =	rddreg [dreg:$0x8];
	s0 =	simm.s32 $0xA1E0  }
0xd5: {  	[tilespmem:s0], [sflag:$0x1] =	stream.linear.gather [hbm4b:s9+s3], $0x50, $0x38;
	[tilespmem:$0xE100] =	vst v63  }
0xd6: {  	s16 =	rddreg [dreg:$0x7];
	s14 =	sadd.s32 s11, s15;
	s9 =	simm.s32 $0xA460  }
0xd7: {  	[tilespmem:s9], [sflag:$0x2] =	stream.linear.gather [hbm4b:s14+s3], $0x50, $0x38;
	[tilespmem:$0xE100] =	vst v63  }
0xd8: {  	s15 =	rddreg [dreg:$0x6];
	s14 =	sadd.s32 s11, s16;
	s16 =	simm.s32 $0xA230  }
0xd9: {  	[tilespmem:s16], [sflag:$0x1] =	stream.linear.gather [hbm4b:s14+s3], $0x50, $0x38;
	[tilespmem:$0xE100] =	vst v63  }
0xda: {  	s15 =	sadd.s32 s11, s15;
	s11 =	smov.u32 s13;
	s13 =	simm.s32 $0xA4B0  }
0xdb: {  	[tilespmem:s13], [sflag:$0x2] =	stream.linear.gather [hbm4b:s15+s3], $0x50, $0x38;
	[tilespmem:$0xE100] =	vst v63  }
0xdc: {  	_ =	swait.ge [sflag:s28], $0x50  }
0xdd: {  	[sflag:s28] =	ssyncset.done $0x0  }
0xde: {  	[sflag:s28] =	ssyncadd.s32 $0xFFFFFFB0  }
0xdf: {  	_ =	swait.ge [sflag:s29], $0x50  }
0xe0: {  	[sflag:s29] =	ssyncset.done $0x0  }
0xe1: {  	[sflag:s29] =	ssyncadd.s32 $0xFFFFFFB0  }
0xe2: {  	_ =	swait.ge [sflag:s28], $0x50  }
0xe3: {  	[sflag:s28] =	ssyncset.done $0x0  }
0xe4: {  	[sflag:s28] =	ssyncadd.s32 $0xFFFFFFB0  }
0xe5: {  	_ =	swait.ge [sflag:s29], $0x50  }
0xe6: {  	[sflag:s29] =	ssyncset.done $0x0  }
0xe7: {  	[sflag:s29] =	ssyncadd.s32 $0xFFFFFFB0  }
0xe8: {  	_ =	swait.ge [sflag:s28], $0x50  }
0xe9: {  	[sflag:s28] =	ssyncset.done $0x0  }
0xea: {  	[sflag:s28] =	ssyncadd.s32 $0xFFFFFFB0  }
0xeb: {  	_ =	swait.ge [sflag:s29], $0x50  }
0xec: {  	[sflag:s29] =	ssyncset.done $0x0  }
0xed: {  	[sflag:s29] =	ssyncadd.s32 $0xFFFFFFB0  }
0xee: {  	_ =	swait.ge [sflag:s28], $0x50  }
0xef: {  	[sflag:s28] =	ssyncset.done $0x0  }
0xf0: {  	[sflag:s28] =	ssyncadd.s32 $0xFFFFFFB0  }
0xf1: {  	_ =	swait.ge [sflag:s29], $0x50  }
0xf2: {  	[sflag:s29] =	ssyncset.done $0x0  }
0xf3: {  	[sflag:s29] =	ssyncadd.s32 $0xFFFFFFB0  }
0xf4: {  	_ =	swait.ge [sflag:s28], $0x50  }
0xf5: {  	[sflag:s28] =	ssyncset.done $0x0  }
0xf6: {  	[sflag:s28] =	ssyncadd.s32 $0xFFFFFFB0  }
0xf7: {  	_ =	swait.ge [sflag:s29], $0x50  }
0xf8: {  	[sflag:s29] =	ssyncset.done $0x0  }
0xf9: {  	[sflag:s29] =	ssyncadd.s32 $0xFFFFFFB0  }
0xfa: {  	_ =	swait.ge [sflag:s28], $0x50  }
0xfb: {  	[sflag:s28] =	ssyncset.done $0x0  }
0xfc: {  	[sflag:s28] =	ssyncadd.s32 $0xFFFFFFB0  }
0xfd: {  	_ =	swait.ge [sflag:s29], $0x50  }
0xfe: {  	[sflag:s29] =	ssyncset.done $0x0  }
0xff: {  	[sflag:s29] =	ssyncadd.s32 $0xFFFFFFB0  }
0x100: {  	_ =	swait.ge [sflag:s28], $0x50  }
0x101: {  	[sflag:s28] =	ssyncset.done $0x0  }
0x102: {  	[sflag:s28] =	ssyncadd.s32 $0xFFFFFFB0  }
0x103: {  	_ =	swait.ge [sflag:s29], $0x50  }
0x104: {  	[sflag:s29] =	ssyncset.done $0x0  }
0x105: {  	[sflag:s29] =	ssyncadd.s32 $0xFFFFFFB0  }
0x106: {  	_ =	swait.ge [sflag:s28], $0x50  }
0x107: {  	[sflag:s28] =	ssyncset.done $0x0  }
0x108: {  	[sflag:s28] =	ssyncadd.s32 $0xFFFFFFB0  }
0x109: {  	_ =	swait.ge [sflag:s29], $0x50  }
0x10a: {  	[sflag:s29] =	ssyncset.done $0x0  }
0x10b: {  	s14 =	simm.s32 $0xA500;
	[sflag:s29] =	ssyncadd.s32 $0xFFFFFFB0  }
0x10c: {  	[tilespmem:s14], [sflag:$0x3] =	stream.indirect.gather [hbm4b:s4+s30], $0x40, s17, s30, $0xb8;
	[tilespmem:$0xE100] =	vst v63  }
0x10d: {  	s15 =	simm.s32 $0xB900  }
0x10e: {  	[tilespmem:s15], [sflag:$0x4] =	stream.indirect.gather [hbm4b:s4+s30], $0x40, s19, s30, $0xb8;
	[tilespmem:$0xE100] =	vst v63  }
0x10f: {  	_ =	swait.ge [sflag:s1], $0x1400  }
0x110: {  	[sflag:s1] =	ssyncset.done $0x0  }
0x111: {  	[sflag:s1] =	ssyncadd.s32 $0xFFFFEC00  }
0x112: {  	[spmem:s2] =	stream.indirect.scatter.add.f32 [tilespmem:s14], [sflag:$0x6], $0x40, s18, s30, $0xb8;
	[tilespmem:$0xE100] =	vst v63  }
0x113: {  	s19 =	simm.s32 $0xCD00  }
0x114: {  	[tilespmem:s19], [sflag:$0x5] =	stream.indirect.gather [hbm4b:s4+s30], $0x40, s21, s30, $0xb8;
	[tilespmem:$0xE100] =	vst v63  }
0x115: {  	_ =	swait.ge [sflag:s6], $0x1400  }
0x116: {  	[sflag:s6] =	ssyncset.done $0x0  }
0x117: {  	[sflag:s6] =	ssyncadd.s32 $0xFFFFEC00  }
0x118: {  	[spmem:s2] =	stream.indirect.scatter.add.f32 [tilespmem:s15], [sflag:$0x7], $0x40, s20, s30, $0xb8;
	[tilespmem:$0xE100] =	vst v63  }
0x119: {  	_ =	swait.ge [sflag:s8], $0x1400  }
0x11a: {  	[sflag:s8] =	ssyncset.done $0x0  }
0x11b: {  	[sflag:s8] =	ssyncadd.s32 $0xFFFFEC00  }
0x11c: {  	[tilespmem:s14], [sflag:$0x3] =	stream.indirect.gather [hbm4b:s4+s30], $0x40, s23, s30, $0xb8;
	[tilespmem:$0xE100] =	vst v63  }
0x11d: {  	s23 =	simm.s32 $0x5  }
0x11e: {  	_ =	swait.ge [sflag:s23], $0x1400  }
0x11f: {  	[sflag:s23] =	ssyncset.done $0x0  }
0x120: {  	[sflag:s23] =	ssyncadd.s32 $0xFFFFEC00  }
0x121: {  	[spmem:s2] =	stream.indirect.scatter.add.f32 [tilespmem:s19], [sflag:$0x8], $0x40, s22, s30, $0xb8;
	[tilespmem:$0xE100] =	vst v63  }
0x122: {  	_ =	swait.ge [sflag:s7], $0x1400  }
0x123: {  	[sflag:s7] =	ssyncset.done $0x0  }
0x124: {  	[sflag:s7] =	ssyncadd.s32 $0xFFFFEC00  }
0x125: {  	[tilespmem:s15], [sflag:$0x4] =	stream.indirect.gather [hbm4b:s4+s30], $0x40, s25, s30, $0xb8;
	[tilespmem:$0xE100] =	vst v63  }
0x126: {  	_ =	swait.ge [sflag:s1], $0x1400  }
0x127: {  	[sflag:s1] =	ssyncset.done $0x0  }
0x128: {  	[sflag:s1] =	ssyncadd.s32 $0xFFFFEC00  }
0x129: {  	[spmem:s2] =	stream.indirect.scatter.add.f32 [tilespmem:s14], [sflag:$0x6], $0x40, s24, s30, $0xb8;
	[tilespmem:$0xE100] =	vst v63  }
0x12a: {  	_ =	swait.ge [sflag:s10], $0x1400  }
0x12b: {  	[sflag:s10] =	ssyncset.done $0x0  }
0x12c: {  	[sflag:s10] =	ssyncadd.s32 $0xFFFFEC00  }
0x12d: {  	[tilespmem:s19], [sflag:$0x5] =	stream.indirect.gather [hbm4b:s4+s30], $0x40, s5, s30, $0xb8;
	[tilespmem:$0xE100] =	vst v63  }
0x12e: {  	_ =	swait.ge [sflag:s6], $0x1400  }
0x12f: {  	[sflag:s6] =	ssyncset.done $0x0  }
0x130: {  	[sflag:s6] =	ssyncadd.s32 $0xFFFFEC00  }
0x131: {  	[spmem:s2] =	stream.indirect.scatter.add.f32 [tilespmem:s15], [sflag:$0x7], $0x40, s26, s30, $0xb8;
	[tilespmem:$0xE100] =	vst v63  }
0x132: {  	_ =	swait.ge [sflag:s8], $0x1400  }
0x133: {  	[sflag:s8] =	ssyncset.done $0x0  }
0x134: {  	[sflag:s8] =	ssyncadd.s32 $0xFFFFEC00  }
0x135: {  	[tilespmem:s14], [sflag:$0x3] =	stream.indirect.gather [hbm4b:s4+s30], $0x40, s0, s30, $0xb8;
	[tilespmem:$0xE100] =	vst v63  }
0x136: {  	_ =	swait.ge [sflag:s23], $0x1400  }
0x137: {  	[sflag:s23] =	ssyncset.done $0x0  }
0x138: {  	[sflag:s23] =	ssyncadd.s32 $0xFFFFEC00  }
0x139: {  	[spmem:s2] =	stream.indirect.scatter.add.f32 [tilespmem:s19], [sflag:$0x8], $0x40, s31, s30, $0xb8;
	[tilespmem:$0xE100] =	vst v63  }
0x13a: {  	_ =	swait.ge [sflag:s7], $0x1400  }
0x13b: {  	[sflag:s7] =	ssyncset.done $0x0  }
0x13c: {  	[sflag:s7] =	ssyncadd.s32 $0xFFFFEC00  }
0x13d: {  	[tilespmem:s15], [sflag:$0x4] =	stream.indirect.gather [hbm4b:s4+s30], $0x40, s16, s30, $0xb8;
	[tilespmem:$0xE100] =	vst v63  }
0x13e: {  	_ =	swait.ge [sflag:s1], $0x1400  }
0x13f: {  	[sflag:s1] =	ssyncset.done $0x0  }
0x140: {  	[sflag:s1] =	ssyncadd.s32 $0xFFFFEC00  }
0x141: {  	[spmem:s2] =	stream.indirect.scatter.add.f32 [tilespmem:s14], [sflag:$0x6], $0x40, s9, s30, $0xb8;
	[tilespmem:$0xE100] =	vst v63  }
0x142: {  	_ =	swait.ge [sflag:s6], $0x1400  }
0x143: {  	[sflag:s6] =	ssyncset.done $0x0  }
0x144: {  	[sflag:s6] =	ssyncadd.s32 $0xFFFFEC00  }
0x145: {  	[spmem:s2] =	stream.indirect.scatter.add.f32 [tilespmem:s15], [sflag:$0x7], $0x40, s13, s30, $0xb8;
	[tilespmem:$0xE100] =	vst v63  }
0x146: {  	_ =	swait.ge [sflag:s10], $0x1400  }
0x147: {  	[sflag:s10] =	ssyncset.done $0x0  }
0x148: {  	p0 =	sne.s32 s12, $0x4B0;
	[sflag:s10] =	ssyncadd.s32 $0xFFFFEC00  }
.Ltmp0:
0x149: {  	_ =	swait.ge [sflag:s8], $0x1400;
	(pc) =	sbr.rel @p0 .LBB2_2-.Ltmp0, $4  }
0x14a: {  	[sflag:s8] =	ssyncset.done $0x0  }
0x14b: {  	[sflag:s8] =	ssyncadd.s32 $0xFFFFEC00  }
0x14c: {  	_ =	swait.ge [sflag:s7], $0x1400  }
0x14d: {  	s12 =	sadd.s32 $0x50, s12;
	s14 =	rddreg [dreg:$0x4];
	[sflag:s7] =	ssyncset.done $0x0  }
0x14e: {  	s12 =	rddreg [dreg:$0x5]  }
0x14f: {  	[sflag:s7] =	ssyncadd.s32 $0xFFFFEC00;
	s13 =	sadd.s32 s11, s14;
	s14 =	simm.s32 $0xA000  }
0x150: {  	[tilespmem:s14], [sflag:$0x1] =	stream.linear.gather [hbm4b:s13+s3], $0x50, $0x38;
	[tilespmem:$0xE100] =	vst v63  }
0x151: {  	s15 =	simm.s32 $0xA280;
	s12 =	sadd.s32 s11, s12  }
0x152: {  	[tilespmem:s15], [sflag:$0x2] =	stream.linear.gather [hbm4b:s12+s3], $0x50, $0x38;
	[tilespmem:$0xE100] =	vst v63  }
0x153: {  	s16 =	simm.s32 $0xA050;
	s13 =	sadd.s32 $0xA, s13  }
0x154: {  	[tilespmem:s16], [sflag:$0x1] =	stream.linear.gather [hbm4b:s13+s3], $0x50, $0x38;
	[tilespmem:$0xE100] =	vst v63  }
0x155: {  	s18 =	rddreg [dreg:$0x11];
	s17 =	simm.s32 $0xA2D0;
	s12 =	sadd.s32 $0xA, s12  }
0x156: {  	[tilespmem:s17], [sflag:$0x2] =	stream.linear.gather [hbm4b:s12+s3], $0x50, $0x38;
	[tilespmem:$0xE100] =	vst v63  }
0x157: {  	s19 =	rddreg [dreg:$0x10];
	s13 =	sadd.s32 s11, s18;
	s18 =	simm.s32 $0xA0A0  }
0x158: {  	[tilespmem:s18], [sflag:$0x1] =	stream.linear.gather [hbm4b:s13+s3], $0x50, $0x38;
	[tilespmem:$0xE100] =	vst v63  }
0x159: {  	s20 =	rddreg [dreg:$0xf];
	s12 =	sadd.s32 s11, s19;
	s19 =	simm.s32 $0xA320  }
0x15a: {  	[tilespmem:s19], [sflag:$0x2] =	stream.linear.gather [hbm4b:s12+s3], $0x50, $0x38;
	[tilespmem:$0xE100] =	vst v63  }
0x15b: {  	s21 =	rddreg [dreg:$0xe];
	s13 =	sadd.s32 s11, s20;
	s20 =	simm.s32 $0xA0F0  }
0x15c: {  	[tilespmem:s20], [sflag:$0x1] =	stream.linear.gather [hbm4b:s13+s3], $0x50, $0x38;
	[tilespmem:$0xE100] =	vst v63  }
0x15d: {  	s22 =	rddreg [dreg:$0xd];
	s12 =	sadd.s32 s11, s21;
	s21 =	simm.s32 $0xA370  }
0x15e: {  	[tilespmem:s21], [sflag:$0x2] =	stream.linear.gather [hbm4b:s12+s3], $0x50, $0x38;
	[tilespmem:$0xE100] =	vst v63  }
0x15f: {  	s23 =	rddreg [dreg:$0xc];
	s13 =	sadd.s32 s11, s22;
	s22 =	simm.s32 $0xA140  }
0x160: {  	[tilespmem:s22], [sflag:$0x1] =	stream.linear.gather [hbm4b:s13+s3], $0x50, $0x38;
	[tilespmem:$0xE100] =	vst v63  }
0x161: {  	s24 =	rddreg [dreg:$0xb];
	s12 =	sadd.s32 s11, s23;
	s23 =	simm.s32 $0xA3C0  }
0x162: {  	[tilespmem:s23], [sflag:$0x2] =	stream.linear.gather [hbm4b:s12+s3], $0x50, $0x38;
	[tilespmem:$0xE100] =	vst v63  }
0x163: {  	s25 =	rddreg [dreg:$0xa];
	s5 =	simm.s32 $0xA190;
	s13 =	sadd.s32 s11, s24  }
0x164: {  	[tilespmem:s5], [sflag:$0x1] =	stream.linear.gather [hbm4b:s13+s3], $0x50, $0x38;
	[tilespmem:$0xE100] =	vst v63  }
0x165: {  	s0 =	rddreg [dreg:$0x9];
	s24 =	simm.s32 $0xA410;
	s12 =	sadd.s32 s11, s25  }
0x166: {  	[tilespmem:s24], [sflag:$0x2] =	stream.linear.gather [hbm4b:s12+s3], $0x50, $0x38;
	[tilespmem:$0xE100] =	vst v63  }
0x167: {  	s9 =	rddreg [dreg:$0x8];
	s13 =	sadd.s32 s11, s0;
	s0 =	simm.s32 $0xA1E0  }
0x168: {  	[tilespmem:s0], [sflag:$0x1] =	stream.linear.gather [hbm4b:s13+s3], $0x50, $0x38;
	[tilespmem:$0xE100] =	vst v63  }
0x169: {  	s25 =	rddreg [dreg:$0x7];
	s12 =	sadd.s32 s11, s9;
	s9 =	simm.s32 $0xA460  }
0x16a: {  	[tilespmem:s9], [sflag:$0x2] =	stream.linear.gather [hbm4b:s12+s3], $0x50, $0x38;
	[tilespmem:$0xE100] =	vst v63  }
0x16b: {  	s13 =	sadd.s32 s11, s25;
	s25 =	simm.s32 $0xA230;
	s12 =	rddreg [dreg:$0x6]  }
0x16c: {  	[tilespmem:s25], [sflag:$0x1] =	stream.linear.gather [hbm4b:s13+s3], $0x50, $0x38;
	[tilespmem:$0xE100] =	vst v63  }
0x16d: {  	s13 =	sadd.s32 s11, s12;
	s12 =	simm.s32 $0xA4B0  }
0x16e: {  	[tilespmem:s12], [sflag:$0x2] =	stream.linear.gather [hbm4b:s13+s3], $0x50, $0x38;
	[tilespmem:$0xE100] =	vst v63  }
0x16f: {  	_ =	swait.ge [sflag:s28], $0x50  }
0x170: {  	[sflag:s28] =	ssyncset.done $0x0  }
0x171: {  	[sflag:s28] =	ssyncadd.s32 $0xFFFFFFB0  }
0x172: {  	_ =	swait.ge [sflag:s29], $0x50  }
0x173: {  	[sflag:s29] =	ssyncset.done $0x0  }
0x174: {  	[sflag:s29] =	ssyncadd.s32 $0xFFFFFFB0  }
0x175: {  	_ =	swait.ge [sflag:s28], $0x50  }
0x176: {  	[sflag:s28] =	ssyncset.done $0x0  }
0x177: {  	[sflag:s28] =	ssyncadd.s32 $0xFFFFFFB0  }
0x178: {  	_ =	swait.ge [sflag:s29], $0x50  }
0x179: {  	[sflag:s29] =	ssyncset.done $0x0  }
0x17a: {  	[sflag:s29] =	ssyncadd.s32 $0xFFFFFFB0  }
0x17b: {  	_ =	swait.ge [sflag:s28], $0x50  }
0x17c: {  	[sflag:s28] =	ssyncset.done $0x0  }
0x17d: {  	[sflag:s28] =	ssyncadd.s32 $0xFFFFFFB0  }
0x17e: {  	_ =	swait.ge [sflag:s29], $0x50  }
0x17f: {  	[sflag:s29] =	ssyncset.done $0x0  }
0x180: {  	[sflag:s29] =	ssyncadd.s32 $0xFFFFFFB0  }
0x181: {  	_ =	swait.ge [sflag:s28], $0x50  }
0x182: {  	[sflag:s28] =	ssyncset.done $0x0  }
0x183: {  	[sflag:s28] =	ssyncadd.s32 $0xFFFFFFB0  }
0x184: {  	_ =	swait.ge [sflag:s29], $0x50  }
0x185: {  	[sflag:s29] =	ssyncset.done $0x0  }
0x186: {  	[sflag:s29] =	ssyncadd.s32 $0xFFFFFFB0  }
0x187: {  	_ =	swait.ge [sflag:s28], $0x50  }
0x188: {  	[sflag:s28] =	ssyncset.done $0x0  }
0x189: {  	[sflag:s28] =	ssyncadd.s32 $0xFFFFFFB0  }
0x18a: {  	_ =	swait.ge [sflag:s29], $0x50  }
0x18b: {  	[sflag:s29] =	ssyncset.done $0x0  }
0x18c: {  	[sflag:s29] =	ssyncadd.s32 $0xFFFFFFB0  }
0x18d: {  	_ =	swait.ge [sflag:s28], $0x50  }
0x18e: {  	[sflag:s28] =	ssyncset.done $0x0  }
0x18f: {  	[sflag:s28] =	ssyncadd.s32 $0xFFFFFFB0  }
0x190: {  	_ =	swait.ge [sflag:s29], $0x50  }
0x191: {  	[sflag:s29] =	ssyncset.done $0x0  }
0x192: {  	[sflag:s29] =	ssyncadd.s32 $0xFFFFFFB0  }
0x193: {  	_ =	swait.ge [sflag:s28], $0x50  }
0x194: {  	[sflag:s28] =	ssyncset.done $0x0  }
0x195: {  	[sflag:s28] =	ssyncadd.s32 $0xFFFFFFB0  }
0x196: {  	_ =	swait.ge [sflag:s29], $0x50  }
0x197: {  	[sflag:s29] =	ssyncset.done $0x0  }
0x198: {  	[sflag:s29] =	ssyncadd.s32 $0xFFFFFFB0  }
0x199: {  	_ =	swait.ge [sflag:s28], $0x50  }
0x19a: {  	[sflag:s28] =	ssyncset.done $0x0  }
0x19b: {  	[sflag:s28] =	ssyncadd.s32 $0xFFFFFFB0  }
0x19c: {  	_ =	swait.ge [sflag:s29], $0x50  }
0x19d: {  	[sflag:s29] =	ssyncset.done $0x0  }
0x19e: {  	s11 =	simm.s32 $0xA500;
	[sflag:s29] =	ssyncadd.s32 $0xFFFFFFB0  }
0x19f: {  	[tilespmem:s11], [sflag:$0x3] =	stream.indirect.gather [hbm4b:s4+s30], $0x40, s14, s30, $0xb8;
	[tilespmem:$0xE100] =	vst v63  }
0x1a0: {  	s13 =	simm.s32 $0xB900  }
0x1a1: {  	[tilespmem:s13], [sflag:$0x4] =	stream.indirect.gather [hbm4b:s4+s30], $0x40, s16, s30, $0xb8;
	[tilespmem:$0xE100] =	vst v63  }
0x1a2: {  	_ =	swait.ge [sflag:s1], $0x1400  }
0x1a3: {  	[sflag:s1] =	ssyncset.done $0x0  }
0x1a4: {  	[sflag:s1] =	ssyncadd.s32 $0xFFFFEC00  }
0x1a5: {  	[spmem:s2] =	stream.indirect.scatter.add.f32 [tilespmem:s11], [sflag:$0x6], $0x40, s15, s30, $0xb8;
	[tilespmem:$0xE100] =	vst v63  }
0x1a6: {  	s16 =	simm.s32 $0xCD00  }
0x1a7: {  	[tilespmem:s16], [sflag:$0x5] =	stream.indirect.gather [hbm4b:s4+s30], $0x40, s18, s30, $0xb8;
	[tilespmem:$0xE100] =	vst v63  }
0x1a8: {  	_ =	swait.ge [sflag:s6], $0x1400  }
0x1a9: {  	[sflag:s6] =	ssyncset.done $0x0  }
0x1aa: {  	[sflag:s6] =	ssyncadd.s32 $0xFFFFEC00  }
0x1ab: {  	[spmem:s2] =	stream.indirect.scatter.add.f32 [tilespmem:s13], [sflag:$0x7], $0x40, s17, s30, $0xb8;
	[tilespmem:$0xE100] =	vst v63  }
0x1ac: {  	_ =	swait.ge [sflag:s8], $0x1400  }
0x1ad: {  	[sflag:s8] =	ssyncset.done $0x0  }
0x1ae: {  	[sflag:s8] =	ssyncadd.s32 $0xFFFFEC00  }
0x1af: {  	[tilespmem:s11], [sflag:$0x3] =	stream.indirect.gather [hbm4b:s4+s30], $0x40, s20, s30, $0xb8;
	[tilespmem:$0xE100] =	vst v63  }
0x1b0: {  	s20 =	simm.s32 $0x5  }
0x1b1: {  	_ =	swait.ge [sflag:s20], $0x1400  }
0x1b2: {  	[sflag:s20] =	ssyncset.done $0x0  }
0x1b3: {  	[sflag:s20] =	ssyncadd.s32 $0xFFFFEC00  }
0x1b4: {  	[spmem:s2] =	stream.indirect.scatter.add.f32 [tilespmem:s16], [sflag:$0x8], $0x40, s19, s30, $0xb8;
	[tilespmem:$0xE100] =	vst v63  }
0x1b5: {  	_ =	swait.ge [sflag:s7], $0x1400  }
0x1b6: {  	[sflag:s7] =	ssyncset.done $0x0  }
0x1b7: {  	[sflag:s7] =	ssyncadd.s32 $0xFFFFEC00  }
0x1b8: {  	[tilespmem:s13], [sflag:$0x4] =	stream.indirect.gather [hbm4b:s4+s30], $0x40, s22, s30, $0xb8;
	[tilespmem:$0xE100] =	vst v63  }
0x1b9: {  	_ =	swait.ge [sflag:s1], $0x1400  }
0x1ba: {  	[sflag:s1] =	ssyncset.done $0x0  }
0x1bb: {  	[sflag:s1] =	ssyncadd.s32 $0xFFFFEC00  }
0x1bc: {  	[spmem:s2] =	stream.indirect.scatter.add.f32 [tilespmem:s11], [sflag:$0x6], $0x40, s21, s30, $0xb8;
	[tilespmem:$0xE100] =	vst v63  }
0x1bd: {  	_ =	swait.ge [sflag:s10], $0x1400  }
0x1be: {  	[sflag:s10] =	ssyncset.done $0x0  }
0x1bf: {  	[sflag:s10] =	ssyncadd.s32 $0xFFFFEC00  }
0x1c0: {  	[tilespmem:s16], [sflag:$0x5] =	stream.indirect.gather [hbm4b:s4+s30], $0x40, s5, s30, $0xb8;
	[tilespmem:$0xE100] =	vst v63  }
0x1c1: {  	_ =	swait.ge [sflag:s6], $0x1400  }
0x1c2: {  	[sflag:s6] =	ssyncset.done $0x0  }
0x1c3: {  	[sflag:s6] =	ssyncadd.s32 $0xFFFFEC00  }
0x1c4: {  	[spmem:s2] =	stream.indirect.scatter.add.f32 [tilespmem:s13], [sflag:$0x7], $0x40, s23, s30, $0xb8;
	[tilespmem:$0xE100] =	vst v63  }
0x1c5: {  	_ =	swait.ge [sflag:s8], $0x1400  }
0x1c6: {  	[sflag:s8] =	ssyncset.done $0x0  }
0x1c7: {  	[sflag:s8] =	ssyncadd.s32 $0xFFFFEC00  }
0x1c8: {  	[tilespmem:s11], [sflag:$0x3] =	stream.indirect.gather [hbm4b:s4+s30], $0x40, s0, s30, $0xb8;
	[tilespmem:$0xE100] =	vst v63  }
0x1c9: {  	_ =	swait.ge [sflag:s20], $0x1400  }
0x1ca: {  	[sflag:s20] =	ssyncset.done $0x0  }
0x1cb: {  	[sflag:s20] =	ssyncadd.s32 $0xFFFFEC00  }
0x1cc: {  	[spmem:s2] =	stream.indirect.scatter.add.f32 [tilespmem:s16], [sflag:$0x8], $0x40, s24, s30, $0xb8;
	[tilespmem:$0xE100] =	vst v63  }
0x1cd: {  	_ =	swait.ge [sflag:s7], $0x1400  }
0x1ce: {  	[sflag:s7] =	ssyncset.done $0x0  }
0x1cf: {  	[sflag:s7] =	ssyncadd.s32 $0xFFFFEC00  }
0x1d0: {  	[tilespmem:s13], [sflag:$0x4] =	stream.indirect.gather [hbm4b:s4+s30], $0x40, s25, s30, $0xb8;
	[tilespmem:$0xE100] =	vst v63  }
0x1d1: {  	_ =	swait.ge [sflag:s1], $0x1400  }
0x1d2: {  	[sflag:s1] =	ssyncset.done $0x0  }
0x1d3: {  	[sflag:s1] =	ssyncadd.s32 $0xFFFFEC00  }
0x1d4: {  	[spmem:s2] =	stream.indirect.scatter.add.f32 [tilespmem:s11], [sflag:$0x6], $0x40, s9, s30, $0xb8;
	[tilespmem:$0xE100] =	vst v63  }
0x1d5: {  	_ =	swait.ge [sflag:s6], $0x1400  }
0x1d6: {  	[sflag:s6] =	ssyncset.done $0x0  }
0x1d7: {  	[sflag:s6] =	ssyncadd.s32 $0xFFFFEC00  }
0x1d8: {  	[spmem:s2] =	stream.indirect.scatter.add.f32 [tilespmem:s13], [sflag:$0x7], $0x40, s12, s30, $0xb8;
	[tilespmem:$0xE100] =	vst v63  }
0x1d9: {  	_ =	swait.ge [sflag:s10], $0x1400  }
0x1da: {  	[sflag:s10] =	ssyncset.done $0x0  }
0x1db: {  	[sflag:s10] =	ssyncadd.s32 $0xFFFFEC00  }
0x1dc: {  	_ =	swait.ge [sflag:s8], $0x1400  }
0x1dd: {  	[sflag:s8] =	ssyncset.done $0x0  }
0x1de: {  	[sflag:s8] =	ssyncadd.s32 $0xFFFFEC00  }
0x1df: {  	_ =	swait.ge [sflag:s7], $0x1400  }
0x1e0: {  	[sflag:s7] =	ssyncset.done $0x0  }
0x1e1: {  	[sflag:s7] =	ssyncadd.s32 $0xFFFFEC00  }
0x1e2: {  	[bflag:$0x0] =	sbarrier.arrive $0xFFFF  }
0x1e3: {  	s12 =	rddreg [dreg:$0x14]  }
0x1e4: {  	s22 =	rddreg [dreg:$0x15]  }
0x1e5: {  	s13 =	simm.s32 $0x9;
	s23 =	rddreg [dreg:$0x18]  }
0x1e6: {  	[hbm:s22], [sflag:s12] =	dma.local [spmem:s23], $0x1400  }
0x1e7: {  	_ =	swait.ge [sflag:s13], $0x1400  }
0x1e8: {  	s24 =	rddreg [dreg:$0x17]  }
0x1e9: {  	s25 =	rddreg [dreg:$0x16];
	s0 =	sadd.s32 $0x1, s24  }
0x1ea: {  	p0 =	sne.s32 s0, s25  }
.Ltmp1:
0x1eb: {  	_ = 	snop;
	(pc) =	sbr.rel @p0 .LBB2_1-.Ltmp1, $3  }
0x1ec: {  	_ =	sdelay $0x1  }
0x1ed: {  	[sflag:s13] =	ssyncset.done $0x0  }
0x1ee: {  	[sflag:s13] =	ssyncadd.s32 $0xFFFFEC00  }
0x1ef: {  	_ =	sfence.sel $0x180000  }
0x1f0: {  	[bflag:$0x0] =	sbarrier.arrive $0xFFFF  }
0x1f1: {  	_ =	strace $0x9000004A  }
0x1f2: {  	s0 =	stileid.u32;
	[bflag:$0x2] =	sbarrier.arrive $0xFFFF  }
0x1f3: {  	p0 =	sne.s32 s0, $0x0;
	s0 =	rddreg [dreg:$0x3]  }
0x1f4: {  	s0 =	sadd.s32 @!p0 $0x100000, s0  }
0x1f5: {  	[sflag:s0] =	ssyncadd.tile.s32 @!p0 $0x1;
	_ =	shalt  }
.Lfunc_end2:
_tile_overlayer_lowered:
.L_overlay_start_2:
0x1f6: {  	(tag) =	ssettag $0x2  }
0x1f7: {  	s0 =	rddreg [dreg:$0x0];
	s2 =	stileid.u32  }
0x1f8: {  	s1 =	rddreg [dreg:$0x1];
	p0 =	sne.s32 s2, $0x0  }
0x1f9: {  	s3 =	rddreg [dreg:$0x2];
	[bflag:$0x3] =	sbarrier.arrive $0xFFFF;
	s2 =	simm.s32 @!p0 $0x1C09  }
0x1fa: {  	[timem:s3], [sflag:s2] =	dma.local @!p0 [hbm:s0], s1  }
0x1fb: {  	s0 =	simm.s32 @!p0 $0x9  }
0x1fc: {  	_ =	swait.ge @!p0 [sflag:s0], s1  }
0x1fd: {  	s1 =	ssub.s32 @!p0 $0x0, s1;
	[sflag:s0] =	ssyncset.done @!p0 $0x0  }
0x1fe: {  	[sflag:s0] =	ssyncadd.s32 @!p0 s1  }
0x1ff: {  	[bflag:$0x3] =	sbarrier.arrive $0xFFFF  }
0x200: {  	_ =	shalt  }

// kernel: kernel.7.cloned.1.call-start
scs
__scs_entry_jumppad:
0x0: {  	(pc) =	sbr.rel $0x88, $3  }
0x1: {  	(tag) =	ssettag $0x0;
	lr =	simm.s32 $0x1  }
0x2: {  	[smem:$0x3F99] =	sst lr;
	_ =	strace $0xD0000000  }
0x3: {  	_ = 	snop  }
0x4: {  	_ = 	snop  }
0x5: {  	_ = 	snop  }
0x6: {  	_ = 	snop  }
0x7: {  	_ = 	snop  }
__scs_overlays_trampoline_lowered:
0x8: {  	[smem:$0x3FA8] =	sst s0  }
0x9: {  	[smem:$0x3FA9] =	sst s1  }
0xa: {  	[smem:$0x3FAA] =	sst s2  }
0xb: {  	[smem:$0x3FAB] =	sst s3  }
0xc: {  	[smem:$0x3FAC] =	sst s4  }
0xd: {  	[smem:$0x3FAD] =	sst s5  }
0xe: {  	[smem:$0x3FAE] =	sst s6  }
0xf: {  	[smem:$0x3FAF] =	sst s7  }
0x10: {  	[smem:$0x3FB0] =	sst s8  }
0x11: {  	[smem:$0x3FB1] =	sst s9;
	s0 =	simm.s32 @!p0 $0x0  }
0x12: {  	s1 =	sld [smem:$0x3F97];
	s0 =	simm.s32 @p0 $0x1  }
0x13: {  	[smem:$0x3FB2] =	sst s0;
	s0 =	simm.s32 @!p1 $0x0  }
0x14: {  	s2 =	sld [smem:$0x3F96];
	s0 =	simm.s32 @p1 $0x1  }
0x15: {  	[smem:$0x3FB3] =	sst s0;
	s0 =	simm.s32 @!p2 $0x0  }
0x16: {  	s3 =	sld [smem:$0x3FDB];
	s0 =	simm.s32 @p2 $0x1  }
0x17: {  	s4 =	simm.s32 $0x1BF5;
	[smem:$0x3FB5] =	sst s0  }
0x18: {  	s0 =	sld [smem:$0x3F98];
	_ =	swait.ge [sflag:s4], $0x0  }
0x19: {  	s7 =	sld [smem:$0x3F99]  }
0x1a: {  	s8 =	sadd.s32 $0xFFFFE003, lr  }
0x1b: {  	s9 =	sadd.s32 $0xFFFFFEF7, lr;
	s5 =	simm.s32 $0xFFFFFFFF;
	p2 =	slt.u32 s8, $0xFFFFF086  }
0x1c: {  	p1 =	slt.u32 s9, $0xF7A;
	s5 =	simm.s32 @!p2 $0x0  }
0x1d: {  	s5 =	simm.s32 @p1 $0x1;
	p0 =	seq.s32 s7, s2  }
0x1e: {  	s7 =	smul.u32 @!p0 $0xF7A, s2;
	p2 =	seq.s32 @!p0 s5, $0x0  }
0x1f: {  	s9 =	smul.u32 $0xF7A, s1;
	s8 =	simm.s32 @!p0 $0x1BF5;
	p2 =	por !p2, p0  }
0x20: {  	[sflag:s8] =	ssyncset.s32 @!p0 $0xFFFFF086;
	s6 =	sadd.s32 @!p0 s3, s7;
	s7 =	simm.s32 @!p0 $0x108  }
0x21: {  	s3 =	sadd.s32 s3, s9;
	s6 =	sadd.s32 @!p0 $0x88, s6;
	s7 =	simm.s32 @p2 $0x1082  }
0x22: {  	[simem:s7], [sflag:s8] =	dma.local @!p0 [hbm:s6], $0xF7A  }
0x23: {  	s9 =	sor.u32 $0xD0000000, s2;
	s6 =	simm.s32 $0x108;
	_ =	swait.ge @!p0 [sflag:s8], $0x0  }
0x24: {  	s3 =	sadd.s32 $0x88, s3;
	s6 =	simm.s32 @!p1 $0x1082;
	[sflag:s4] =	ssyncset.s32 $0xFFFFF086  }
0x25: {  	[simem:s6], [sflag:s4] =	dma.local [hbm:s3], $0xF7A  }
0x26: {  	[smem:$0x3F99] =	sst s1;
	(tag) =	ssettag s2;
	_ =	strace s9  }
0x27: {  	s1 =	sld [smem:$0x3FA9]  }
0x28: {  	s2 =	sld [smem:$0x3FAA]  }
0x29: {  	s4 =	sld [smem:$0x3FAC]  }
0x2a: {  	p0 =	seq.s32 s5, $0x0;
	s5 =	sld [smem:$0x3FAD]  }
0x2b: {  	s6 =	sld [smem:$0x3FAE]  }
0x2c: {  	s7 =	sld [smem:$0x3FAF]  }
0x2d: {  	s3 =	simm.s32 $0x108;
	s8 =	sld [smem:$0x3FB0]  }
0x2e: {  	s3 =	simm.s32 @!p0 $0x1082;
	s9 =	sld [smem:$0x3FB1]  }
0x2f: {  	lr =	sadd.s32 s0, s3;
	s0 =	sld [smem:$0x3FA8]  }
0x30: {  	s3 =	sld [smem:$0x3FAB]  }
0x31: {  	[smem:$0x3FB4] =	sst s10  }
0x32: {  	s10 =	sld [smem:$0x3FB2];
	_ =	sdelay $0x3  }
0x33: {  	p0 =	seq.s32 s10, $0x1;
	s10 =	sld [smem:$0x3FB4];
	_ =	sdelay $0x3  }
0x34: {  	[smem:$0x3FB4] =	sst s10  }
0x35: {  	s10 =	sld [smem:$0x3FB3];
	_ =	sdelay $0x3  }
0x36: {  	p1 =	seq.s32 s10, $0x1;
	s10 =	sld [smem:$0x3FB4];
	_ =	sdelay $0x3  }
0x37: {  	[smem:$0x3FB4] =	sst s10  }
0x38: {  	s10 =	sld [smem:$0x3FB5]  }
0x39: {  	_ = 	snop;
	(pc) =	sbr.ind lr, $3  }
0x3a: {  	_ = 	snop  }
0x3b: {  	_ = 	snop  }
0x3c: {  	p2 =	seq.s32 s10, $0x1;
	s10 =	sld [smem:$0x3FB4]  }
0x3d: {  	_ =	shalt  }
0x3e: {  	_ =	shalt  }
0x3f: {  	_ =	shalt  }
0x40: {  	_ =	shalt  }
0x41: {  	_ =	shalt  }
0x42: {  	_ =	shalt  }
0x43: {  	_ =	shalt  }
0x44: {  	_ =	shalt  }
0x45: {  	_ =	shalt  }
0x46: {  	_ =	shalt  }
0x47: {  	_ =	shalt  }
0x48: {  	_ =	shalt  }
0x49: {  	_ =	shalt  }
0x4a: {  	_ =	shalt  }
0x4b: {  	_ =	shalt  }
0x4c: {  	_ =	shalt  }
0x4d: {  	_ =	shalt  }
0x4e: {  	_ =	shalt  }
0x4f: {  	_ =	shalt  }
0x50: {  	_ =	shalt  }
0x51: {  	_ =	shalt  }
0x52: {  	_ =	shalt  }
0x53: {  	_ =	shalt  }
0x54: {  	_ =	shalt  }
0x55: {  	_ =	shalt  }
0x56: {  	_ =	shalt  }
0x57: {  	_ =	shalt  }
0x58: {  	_ =	shalt  }
0x59: {  	_ =	shalt  }
0x5a: {  	_ =	shalt  }
0x5b: {  	_ =	shalt  }
0x5c: {  	_ =	shalt  }
0x5d: {  	_ =	shalt  }
0x5e: {  	_ =	shalt  }
0x5f: {  	_ =	shalt  }
0x60: {  	_ =	shalt  }
0x61: {  	_ =	shalt  }
0x62: {  	_ =	shalt  }
0x63: {  	_ =	shalt  }
0x64: {  	_ =	shalt  }
0x65: {  	_ =	shalt  }
0x66: {  	_ =	shalt  }
0x67: {  	_ =	shalt  }
0x68: {  	_ =	shalt  }
0x69: {  	_ =	shalt  }
0x6a: {  	_ =	shalt  }
0x6b: {  	_ =	shalt  }
0x6c: {  	_ =	shalt  }
0x6d: {  	_ =	shalt  }
0x6e: {  	_ =	shalt  }
0x6f: {  	_ =	shalt  }
0x70: {  	_ =	shalt  }
0x71: {  	_ =	shalt  }
0x72: {  	_ =	shalt  }
0x73: {  	_ =	shalt  }
0x74: {  	_ =	shalt  }
0x75: {  	_ =	shalt  }
0x76: {  	_ =	shalt  }
0x77: {  	_ =	shalt  }
0x78: {  	_ =	shalt  }
0x79: {  	_ =	shalt  }
0x7a: {  	_ =	shalt  }
0x7b: {  	_ =	shalt  }
0x7c: {  	_ =	shalt  }
0x7d: {  	_ =	shalt  }
0x7e: {  	_ =	shalt  }
0x7f: {  	_ =	shalt  }
0x80: {  	_ =	shalt  }
0x81: {  	_ =	shalt  }
0x82: {  	_ =	shalt  }
0x83: {  	_ =	shalt  }
0x84: {  	_ =	shalt  }
0x85: {  	_ =	shalt  }
0x86: {  	_ =	shalt  }
0x87: {  	_ =	shalt  }
.Lfunc_end0:
.L_simem_size_0:
called_computation_lowered:
.L_overlay_start_0:
0x88: {  	s2 =	sld [smem:$0x3FD9]  }
0x89: {  	s3 =	sld [smem:$0x3FFE];
	_ =	sdelay $0x1  }
0x8a: {  	s1 =	srdreg.scid  }
0x8b: {  	s0 =	sand.u32 $0x1, s1  }
0x8c: {  	s17 =	sshll.u32 s0, $0xA;
	s2 =	sadd.s32 s3, s2  }
0x8d: {  	s2 =	sadd.s32 s2, s17  }
0x8e: {  	[smem:$0x3FC0] =	sst s2  }
0x8f: {  	_ = 	snop  }
0x90: {  	s2 =	sld [smem:$0x3FD0];
	(tm) =	ssettm $0x1  }
0x91: {  	s18 =	sld [smem:$0x3FFB];
	_ =	sdelay $0x3  }
0x92: {  	_ =	strace s18  }
0x93: {  	s3 =	sld [smem:$0x3FFC];
	_ =	sdelay $0x3  }
0x94: {  	_ =	strace s3  }
0x95: {  	s3 =	sld [smem:$0x3FFD];
	_ =	sdelay $0x3  }
0x96: {  	_ =	strace s3  }
0x97: {  	_ =	strace $0x8FFFFFFF  }
0x98: {  	s19 =	sld [smem:$0x3FDB];
	_ =	sdelay $0x1  }
0x99: {  	s4 =	simm.s32 $_scs_section_size  }
0x9a: {  	s5 =	simm.s32 $_size__tile_overlayer_lowered;
	s6 =	simm.s32 $_tile_overlayer_lowered  }
0x9b: {  	s22 =	simm.s32 $0x1BFF;
	s21 =	sshll.u32 s6, $0x1;
	s3 =	sadd.s32 s4, s19  }
0x9c: {  	s7 =	simm.s32 $0x0;
	s20 =	sshll.u32 s5, $0x1;
	s5 =	sadd.s32 s21, s3  }
0x9d: {  	[timem:s7], [sflag:s22] =	dma.local [hbm:s5], s20  }
0x9e: {  	_ =	swait.ge [sflag:s22], s20  }
0x9f: {  	s4 =	ssub.s32 $0x0, s20;
	[sflag:s22] =	ssyncset.done $0x0  }
0xa0: {  	[sflag:s22] =	ssyncadd.s32 s4;
	_ =	sdelay $0x1  }
0xa1: {  	s23 =	simm.s32 $0x1B8B  }
0xa2: {  	_ =	swait.ge [sflag:s23], $0x1  }
0xa3: {  	[sflag:s23] =	ssyncset.done $0x0  }
0xa4: {  	s25 =	simm.s32 $0x1B8E;
	s24 =	sld [smem:$0x3FFE];
	[sflag:s23] =	ssyncadd.s32 $0xFFFFFFFF  }
0xa5: {  	s26 =	simm.s32 $execute0_lowered;
	[smem:$0x3FD2] =	sst s25  }
0xa6: {  	s5 =	sshll.u32 s26, $0x1;
	_ =	strace $0x80000046;
	[dreg:$0x1] =	wrdreg $0xFFFFFFFF  }
0xa7: {  	s28 =	simm.s32 $_size_execute0_lowered;
	s3 =	sadd.s32 s3, s5;
	[dreg:$0x0] =	wrdreg $0x0  }
0xa8: {  	s5 =	sshll.u32 s28, $0x1;
	[dreg:$0x2] =	wrdreg s3  }
0xa9: {  	[dreg:$0x3] =	wrdreg s5  }
0xaa: {  	[dreg:$0x4] =	wrdreg $0xC0  }
0xab: {  	_ =	task [dreg:s7], $0x5FFFF  }
0xac: {  	[dreg:$0x1] =	wrdreg $0xFFFFFFFF  }
0xad: {  	[dreg:$0x0] =	wrdreg $0x60  }
0xae: {  	[dreg:$0x2] =	wrdreg s24  }
0xaf: {  	[dreg:$0x3] =	wrdreg s2  }
0xb0: {  	[dreg:$0x4] =	wrdreg $0x0  }
0xb1: {  	[dreg:$0x5] =	wrdreg $0x140000  }
0xb2: {  	[dreg:$0x6] =	wrdreg $0x9  }
0xb3: {  	_ =	task.clear_ibuf [dreg:s7], $0x7FFFF;
	_ =	strace $0x90000046  }
0xb4: {  	s29 =	simm.s32 $0x9;
	_ =	strace $0x80000048  }
0xb5: {  	_ =	swait.ge [sflag:s29], $0x1  }
0xb6: {  	[sflag:s29] =	ssyncadd.s32 $0xFFFFFFFF  }
0xb7: {  	_ =	strace $0x90000048  }
0xb8: {  	_ =	sfence  }
0xb9: {  	s30 =	sld [smem:$0x0];
	_ =	sdelay $0x2  }
0xba: {  	s31 =	sshll.u32 s1, $0xD;
	s1 =	sshrl.u32 s1, $0x2  }
0xbb: {  	s3 =	sand.u32 $0x4000, s31;
	s1 =	sadd.s32 s1, s30  }
0xbc: {  	s0 =	sor.u32 s3, s0;
	s1 =	sshll.u32 s1, $0x11  }
0xbd: {  	s0 =	sor.u32 s1, s0  }
0xbe: {  	s0 =	sadd.s32 $0x8F2B, s0  }
0xbf: {  	[sflag:s0] =	ssyncadd.remote.s32 $0x1  }
0xc0: {  	_ =	sfence.sel $0xFFFF  }
0xc1: {  	[dreg:$0x0] =	wrdreg $0xFFFFFFFF;
	(pc) =	sbr.abs _section_cstart, $3  }
0xc2: {  	[dreg:$0x1] =	wrdreg $0xFFFFFFFF  }
0xc3: {  	_ =	task.clear_ibuf [dreg:s7], $0x2FFFF;
	_ =	strace $0x9FFFFFFF  }
0xc4: {  	(tm) =	ssettm $0x7FFFFFFF  }
0xc5: {  	_ =	shalt  }
tec
execute0_lowered:
.L_overlay_start_1:
0x0: {  	(tag) =	ssettag $0x1  }
0x1: {  	s1 =	rddreg [dreg:$0x0]  }
0x2: {  	s0 =	rddreg [dreg:$0x1]  }
0x3: {  	s2 =	rddreg [dreg:$0x2]  }
0x4: {  	s3 =	rddreg [dreg:$0x3];
	s16 =	stileid.u32  }
0x5: {  	s4 =	simm.s32 $0x0;
	s5 =	srdreg.scid;
	s6 =	smul.u32 $0x14000, s16  }
0x6: {  	s31 =	simm.s32 $0x16FD0;
	[smem:$0x7FF] =	sst s4;
	s7 =	smul.u32 $0x2800, s16  }
0x7: {  	s8 =	sand.u32 $0x1, s5;
	s5 =	sadd.s32 $0xB600, s1;
	s13 =	sadd.s32 $0x1600, s1  }
0x8: {  	s14 =	sadd.s32 $0x5F800, s1;
	s20 =	sshll.u32 s16, $0x6;
	s9 =	smul.u32 $0x140000, s8  }
0x9: {  	_ =	strace $0x80000047;
	s12 =	smul.u32 $0x28000, s8;
	[dreg:$0x13] =	wrdreg s14  }
0xa: {  	s8 =	ssub.s32 $0x2, s8;
	s18 =	sor.u32 $0x1C0C, s20;
	s10 =	sshrl.u32 s6, $0x3  }
0xb: {  	s11 =	sshrl.u32 s7, $0x3;
	s15 =	sshrl.u32 s8, $0x1;
	s21 =	sadd.s32 s7, s3  }
0xc: {  	[dreg:$0x16] =	wrdreg s18;
	s10 =	sadd.s32 s10, s1;
	s11 =	sadd.s32 s11, s1  }
0xd: {  	s9 =	sadd.s32 s6, s9;
	s12 =	sadd.s32 s7, s12;
	s8 =	ssub.s32 s8, s15  }
0xe: {  	s6 =	sadd.s32 s6, s2;
	[dreg:$0x17] =	wrdreg s21;
	s9 =	sshrl.u32 s9, $0x3  }
0xf: {  	s19 =	sshrl.u32 s12, $0x3;
	[dreg:$0x14] =	wrdreg s6;
	s10 =	sadd.s32 $0x32800, s10  }
0x10: {  	s22 =	sadd.s32 $0x5A800, s11;
	s24 =	sor.u32 $0x230, s12;
	s28 =	sor.u32 $0x1E0, s12  }
0x11: {  	s3 =	sor.u32 $0x190, s12;
	s16 =	sor.u32 $0x140, s12;
	[dreg:$0x15] =	wrdreg s10  }
0x12: {  	s21 =	sor.u32 $0xF0, s12;
	[dreg:$0x18] =	wrdreg s22;
	s23 =	sadd.s32 s19, s0  }
0x13: {  	s25 =	sadd.s32 s19, s13;
	s7 =	sshrl.u32 s24, $0x3;
	[dreg:$0x5] =	wrdreg s23  }
0x14: {  	s6 =	simm.s32 $0x1;
	[dreg:$0x6] =	wrdreg s25;
	s26 =	sadd.s32 s7, s13  }
0x15: {  	s30 =	sshrl.u32 s28, $0x3;
	s29 =	sadd.s32 s7, s0;
	[dreg:$0x7] =	wrdreg s26  }
0x16: {  	s9 =	sadd.s32 s9, s1;
	s2 =	sadd.s32 s30, s13;
	[dreg:$0x8] =	wrdreg s29  }
0x17: {  	s14 =	sshrl.u32 s3, $0x3;
	s11 =	sadd.s32 s30, s0;
	[dreg:$0x9] =	wrdreg s2  }
0x18: {  	s1 =	sadd.s32 s19, s1;
	s15 =	sadd.s32 s14, s13;
	[dreg:$0xa] =	wrdreg s11  }
0x19: {  	s19 =	sshrl.u32 s16, $0x3;
	s17 =	sadd.s32 s14, s0;
	[dreg:$0xb] =	wrdreg s15  }
0x1a: {  	s20 =	sadd.s32 s19, s13;
	s22 =	sadd.s32 s19, s0;
	[dreg:$0xc] =	wrdreg s17  }
0x1b: {  	s23 =	sshrl.u32 s21, $0x3;
	s25 =	sor.u32 $0xA0, s12;
	[dreg:$0xd] =	wrdreg s20  }
0x1c: {  	s9 =	sadd.s32 $0x69A00, s9;
	s1 =	sadd.s32 $0x5FA00, s1;
	[dreg:$0xe] =	wrdreg s22  }
0x1d: {  	s30 =	smax.u32 s8, $0x1;
	s7 =	simm.s32 $0x2;
	[dreg:$0x19] =	wrdreg s9  }
0x1e: {  	s8 =	simm.s32 $0x50;
	s19 =	simm.s32 $0x7;
	[dreg:$0x1a] =	wrdreg s1  }
0x1f: {  	s21 =	simm.s32 $0xA;
	s24 =	sadd.s32 s23, s13;
	[dreg:$0x1b] =	wrdreg s30  }
0x20: {  	s26 =	sadd.s32 s23, s0;
	s28 =	sshrl.u32 s25, $0x3;
	[dreg:$0xf] =	wrdreg s24  }
0x21: {  	s20 =	simm.s32 $0xC;
	[dreg:$0x10] =	wrdreg s26;
	s29 =	sadd.s32 s28, s13  }
0x22: {  	s9 =	simm.s32 $0x6;
	s0 =	sadd.s32 s28, s0;
	[dreg:$0x11] =	wrdreg s29  }
0x23: {  	s15 =	simm.s32 $0x9;
	s1 =	simm.s32 $0x0;
	[dreg:$0x12] =	wrdreg s0  }
.LBB2_1:
0x24: {  	[dreg:$0x1c] =	wrdreg s1  }
0x25: {  	s0 =	rddreg [dreg:$0x14]  }
0x26: {  	s16 =	rddreg [dreg:$0x15];
	s14 =	sshrl.u32 s0, $0x3  }
0x27: {  	[dreg:$0x1d] =	wrdreg s14  }
0x28: {  	[spmem:s14], [sflag:s18] =	dma.local [hbm:s16], $0x2800  }
0x29: {  	_ =	swait.ge [sflag:s20], $0x2800  }
0x2a: {  	s17 =	rddreg [dreg:$0x17]  }
0x2b: {  	[sflag:s20] =	ssyncset.done $0x0;
	s23 =	rddreg [dreg:$0x18];
	s22 =	sshrl.u32 s17, $0x3  }
0x2c: {  	[sflag:s20] =	ssyncadd.s32 $0xFFFFD800;
	[dreg:$0x1e] =	wrdreg s22  }
0x2d: {  	[spmem:s22], [sflag:s18] =	dma.local [hbm:s23], $0x500  }
0x2e: {  	_ =	swait.ge [sflag:s20], $0x500  }
0x2f: {  	[sflag:s20] =	ssyncset.done $0x0  }
0x30: {  	s29 =	simm.s32 $0x16800;
	s24 =	rddreg [dreg:$0x13];
	[sflag:s20] =	ssyncadd.s32 $0xFFFFFB00  }
0x31: {  	[tilespmem:s29], [sflag:$0xC] =	stream.linear.gather [hbm4b:s24+s4], $0x500, $0x38;
	[tilespmem:$0x1EA00] =	vst v63  }
0x32: {  	_ =	swait.ge [sflag:s20], $0x500  }
0x33: {  	[sflag:s20] =	ssyncset.done $0x0  }
0x34: {  	[sflag:s20] =	ssyncadd.s32 $0xFFFFFB00  }
0x35: {  	[bflag:$0x0] =	sbarrier.arrive $0xFFFF  }
0x36: {  	s25 =	rddreg [dreg:$0x5]  }
0x37: {  	s20 =	simm.s32 $0x16D00;
	s26 =	rddreg [dreg:$0x6];
	s0 =	sadd.s32 $0x0, s25  }
0x38: {  	[tilespmem:s20], [sflag:$0x1] =	stream.linear.gather [hbm4b:s0+s4], $0x50, $0x38;
	[tilespmem:$0x1EA00] =	vst v63  }
0x39: {  	s22 =	simm.s32 $0x16F80;
	s18 =	sadd.s32 $0x0, s26  }
0x3a: {  	[tilespmem:s22], [sflag:$0x2] =	stream.linear.gather [hbm4b:s18+s4], $0x50, $0x38;
	[tilespmem:$0x1EA00] =	vst v63  }
0x3b: {  	s24 =	simm.s32 $0x16D50;
	s0 =	sadd.s32 $0xA, s0  }
0x3c: {  	[tilespmem:s24], [sflag:$0x1] =	stream.linear.gather [hbm4b:s0+s4], $0x50, $0x38;
	[tilespmem:$0x1EA00] =	vst v63  }
0x3d: {  	s28 =	rddreg [dreg:$0x12];
	s26 =	simm.s32 $0x16FD0;
	s1 =	sadd.s32 $0xA, s18  }
0x3e: {  	[tilespmem:s26], [sflag:$0x2] =	stream.linear.gather [hbm4b:s1+s4], $0x50, $0x38;
	[tilespmem:$0x1EA00] =	vst v63  }
0x3f: {  	s2 =	rddreg [dreg:$0x11];
	s3 =	sadd.s32 $0x0, s28;
	s1 =	simm.s32 $0x16DA0  }
0x40: {  	[tilespmem:s1], [sflag:$0x1] =	stream.linear.gather [hbm4b:s3+s4], $0x50, $0x38;
	[tilespmem:$0x1EA00] =	vst v63  }
0x41: {  	s13 =	simm.s32 $0x17020;
	s28 =	rddreg [dreg:$0x10];
	s10 =	sadd.s32 $0x0, s2  }
0x42: {  	[tilespmem:s13], [sflag:$0x2] =	stream.linear.gather [hbm4b:s10+s4], $0x50, $0x38;
	[tilespmem:$0x1EA00] =	vst v63  }
0x43: {  	s11 =	rddreg [dreg:$0xf];
	s12 =	sadd.s32 $0x0, s28;
	s10 =	simm.s32 $0x16DF0  }
0x44: {  	[tilespmem:s10], [sflag:$0x1] =	stream.linear.gather [hbm4b:s12+s4], $0x50, $0x38;
	[tilespmem:$0x1EA00] =	vst v63  }
0x45: {  	s14 =	sadd.s32 $0x0, s11;
	s11 =	simm.s32 $0x17070;
	s28 =	rddreg [dreg:$0xe]  }
0x46: {  	[tilespmem:s11], [sflag:$0x2] =	stream.linear.gather [hbm4b:s14+s4], $0x50, $0x38;
	[tilespmem:$0x1EA00] =	vst v63  }
0x47: {  	s17 =	simm.s32 $0x16E40;
	s16 =	rddreg [dreg:$0xd];
	s23 =	sadd.s32 $0x0, s28  }
0x48: {  	[tilespmem:s17], [sflag:$0x1] =	stream.linear.gather [hbm4b:s23+s4], $0x50, $0x38;
	[tilespmem:$0x1EA00] =	vst v63  }
0x49: {  	s25 =	sadd.s32 $0x0, s16;
	s28 =	rddreg [dreg:$0xc];
	s23 =	simm.s32 $0x170C0  }
0x4a: {  	[tilespmem:s23], [sflag:$0x2] =	stream.linear.gather [hbm4b:s25+s4], $0x50, $0x38;
	[tilespmem:$0x1EA00] =	vst v63  }
0x4b: {  	s2 =	rddreg [dreg:$0xb];
	s3 =	sadd.s32 $0x0, s28;
	s25 =	simm.s32 $0x16E90  }
0x4c: {  	[tilespmem:s25], [sflag:$0x1] =	stream.linear.gather [hbm4b:s3+s4], $0x50, $0x38;
	[tilespmem:$0x1EA00] =	vst v63  }
0x4d: {  	s28 =	rddreg [dreg:$0xa];
	s12 =	sadd.s32 $0x0, s2;
	s2 =	simm.s32 $0x17110  }
0x4e: {  	[tilespmem:s2], [sflag:$0x2] =	stream.linear.gather [hbm4b:s12+s4], $0x50, $0x38;
	[tilespmem:$0x1EA00] =	vst v63  }
0x4f: {  	s16 =	sadd.s32 $0x0, s28;
	s14 =	rddreg [dreg:$0x9];
	s3 =	simm.s32 $0x16EE0  }
0x50: {  	[tilespmem:s3], [sflag:$0x1] =	stream.linear.gather [hbm4b:s16+s4], $0x50, $0x38;
	[tilespmem:$0x1EA00] =	vst v63  }
0x51: {  	s28 =	rddreg [dreg:$0x8];
	s12 =	sadd.s32 $0x0, s14;
	s16 =	simm.s32 $0x17160  }
0x52: {  	[tilespmem:s16], [sflag:$0x2] =	stream.linear.gather [hbm4b:s12+s4], $0x50, $0x38;
	[tilespmem:$0x1EA00] =	vst v63  }
0x53: {  	s14 =	rddreg [dreg:$0x7];
	s12 =	sadd.s32 $0x0, s28;
	s28 =	simm.s32 $0x16F30  }
0x54: {  	[tilespmem:s28], [sflag:$0x1] =	stream.linear.gather [hbm4b:s12+s4], $0x50, $0x38;
	[tilespmem:$0x1EA00] =	vst v63  }
0x55: {  	s14 =	sadd.s32 $0x0, s14;
	s12 =	simm.s32 $0x171B0  }
0x56: {  	[tilespmem:s12], [sflag:$0x2] =	stream.linear.gather [hbm4b:s14+s4], $0x50, $0x38;
	[tilespmem:$0x1EA00] =	vst v63  }
0x57: {  	_ =	swait.ge [sflag:s6], $0x50  }
0x58: {  	[sflag:s6] =	ssyncset.done $0x0  }
0x59: {  	[sflag:s6] =	ssyncadd.s32 $0xFFFFFFB0  }
0x5a: {  	_ =	swait.ge [sflag:s7], $0x50  }
0x5b: {  	[sflag:s7] =	ssyncset.done $0x0  }
0x5c: {  	[sflag:s7] =	ssyncadd.s32 $0xFFFFFFB0  }
0x5d: {  	_ =	swait.ge [sflag:s6], $0x50  }
0x5e: {  	[sflag:s6] =	ssyncset.done $0x0  }
0x5f: {  	[sflag:s6] =	ssyncadd.s32 $0xFFFFFFB0  }
0x60: {  	_ =	swait.ge [sflag:s7], $0x50  }
0x61: {  	[sflag:s7] =	ssyncset.done $0x0  }
0x62: {  	[sflag:s7] =	ssyncadd.s32 $0xFFFFFFB0  }
0x63: {  	_ =	swait.ge [sflag:s6], $0x50  }
0x64: {  	[sflag:s6] =	ssyncset.done $0x0  }
0x65: {  	[sflag:s6] =	ssyncadd.s32 $0xFFFFFFB0  }
0x66: {  	_ =	swait.ge [sflag:s7], $0x50  }
0x67: {  	[sflag:s7] =	ssyncset.done $0x0  }
0x68: {  	[sflag:s7] =	ssyncadd.s32 $0xFFFFFFB0  }
0x69: {  	_ =	swait.ge [sflag:s6], $0x50  }
0x6a: {  	[sflag:s6] =	ssyncset.done $0x0  }
0x6b: {  	[sflag:s6] =	ssyncadd.s32 $0xFFFFFFB0  }
0x6c: {  	_ =	swait.ge [sflag:s7], $0x50  }
0x6d: {  	[sflag:s7] =	ssyncset.done $0x0  }
0x6e: {  	[sflag:s7] =	ssyncadd.s32 $0xFFFFFFB0  }
0x6f: {  	_ =	swait.ge [sflag:s6], $0x50  }
0x70: {  	[sflag:s6] =	ssyncset.done $0x0  }
0x71: {  	[sflag:s6] =	ssyncadd.s32 $0xFFFFFFB0  }
0x72: {  	_ =	swait.ge [sflag:s7], $0x50  }
0x73: {  	[sflag:s7] =	ssyncset.done $0x0  }
0x74: {  	[sflag:s7] =	ssyncadd.s32 $0xFFFFFFB0  }
0x75: {  	_ =	swait.ge [sflag:s6], $0x50  }
0x76: {  	[sflag:s6] =	ssyncset.done $0x0  }
0x77: {  	[sflag:s6] =	ssyncadd.s32 $0xFFFFFFB0  }
0x78: {  	_ =	swait.ge [sflag:s7], $0x50  }
0x79: {  	[sflag:s7] =	ssyncset.done $0x0  }
0x7a: {  	[sflag:s7] =	ssyncadd.s32 $0xFFFFFFB0  }
0x7b: {  	_ =	swait.ge [sflag:s6], $0x50  }
0x7c: {  	[sflag:s6] =	ssyncset.done $0x0  }
0x7d: {  	[sflag:s6] =	ssyncadd.s32 $0xFFFFFFB0  }
0x7e: {  	_ =	swait.ge [sflag:s7], $0x50  }
0x7f: {  	[sflag:s7] =	ssyncset.done $0x0  }
0x80: {  	[sflag:s7] =	ssyncadd.s32 $0xFFFFFFB0  }
0x81: {  	_ =	swait.ge [sflag:s6], $0x50  }
0x82: {  	[sflag:s6] =	ssyncset.done $0x0  }
0x83: {  	[sflag:s6] =	ssyncadd.s32 $0xFFFFFFB0  }
0x84: {  	_ =	swait.ge [sflag:s7], $0x50  }
0x85: {  	[sflag:s7] =	ssyncset.done $0x0  }
0x86: {  	s14 =	simm.s32 $0x17200;
	[sflag:s7] =	ssyncadd.s32 $0xFFFFFFB0  }
0x87: {  	[tilespmem:s14], [sflag:$0x3] =	stream.indirect.gather [hbm4b:s5+s8], $0x80, s20, s8, $0xb8;
	[tilespmem:$0x1EA00] =	vst v63  }
0x88: {  	s20 =	simm.s32 $0x19A00  }
0x89: {  	[tilespmem:s20], [sflag:$0x4] =	stream.indirect.gather [hbm4b:s5+s8], $0x80, s24, s8, $0xb8;
	[tilespmem:$0x1EA00] =	vst v63  }
0x8a: {  	s24 =	simm.s32 $0x3  }
0x8b: {  	_ =	swait.ge [sflag:s24], $0x2800  }
0x8c: {  	[sflag:s24] =	ssyncset.done $0x0  }
0x8d: {  	[sflag:s24] =	ssyncadd.s32 $0xFFFFD800  }
0x8e: {  	s0 =	rddreg [dreg:$0x2]  }
0x8f: {  	[spmem:s0] =	stream.indirect.scatter.add.f32 [tilespmem:s14], [sflag:$0x6], $0x80, s22, s8, $0xb8;
	[tilespmem:$0x1EA00] =	vst v63  }
0x90: {  	s18 =	rddreg [dreg:$0x3]  }
0x91: {  	[spmem:s18] =	stream.indirect.scatter.add.f32 [tilespmem:s29], [sflag:$0x9], $0x10, s22, s8, $0xb8;
	[tilespmem:$0x1EA00] =	vst v63  }
0x92: {  	s22 =	simm.s32 $0x1C200  }
0x93: {  	[tilespmem:s22], [sflag:$0x5] =	stream.indirect.gather [hbm4b:s5+s8], $0x80, s1, s8, $0xb8;
	[tilespmem:$0x1EA00] =	vst v63  }
0x94: {  	s1 =	simm.s32 $0x4  }
0x95: {  	_ =	swait.ge [sflag:s1], $0x2800  }
0x96: {  	[sflag:s1] =	ssyncset.done $0x0  }
0x97: {  	[sflag:s1] =	ssyncadd.s32 $0xFFFFD800  }
0x98: {  	[spmem:s0] =	stream.indirect.scatter.add.f32 [tilespmem:s20], [sflag:$0x7], $0x80, s26, s8, $0xb8;
	[tilespmem:$0x1EA00] =	vst v63  }
0x99: {  	_ = 	snop  }
0x9a: {  	[spmem:s18] =	stream.indirect.scatter.add.f32 [tilespmem:s29], [sflag:$0xA], $0x10, s26, s8, $0xb8;
	[tilespmem:$0x1EA00] =	vst v63  }
0x9b: {  	_ =	swait.ge [sflag:s9], $0x2800  }
0x9c: {  	[sflag:s9] =	ssyncset.done $0x0  }
0x9d: {  	[sflag:s9] =	ssyncadd.s32 $0xFFFFD800  }
0x9e: {  	_ =	swait.ge [sflag:s15], $0x500  }
0x9f: {  	[sflag:s15] =	ssyncset.done $0x0  }
0xa0: {  	[sflag:s15] =	ssyncadd.s32 $0xFFFFFB00  }
0xa1: {  	[tilespmem:s14], [sflag:$0x3] =	stream.indirect.gather [hbm4b:s5+s8], $0x80, s10, s8, $0xb8;
	[tilespmem:$0x1EA00] =	vst v63  }
0xa2: {  	s10 =	simm.s32 $0x5  }
0xa3: {  	_ =	swait.ge [sflag:s10], $0x2800  }
0xa4: {  	[sflag:s10] =	ssyncset.done $0x0  }
0xa5: {  	[sflag:s10] =	ssyncadd.s32 $0xFFFFD800  }
0xa6: {  	[spmem:s0] =	stream.indirect.scatter.add.f32 [tilespmem:s22], [sflag:$0x8], $0x80, s13, s8, $0xb8;
	[tilespmem:$0x1EA00] =	vst v63  }
0xa7: {  	_ = 	snop  }
0xa8: {  	[spmem:s18] =	stream.indirect.scatter.add.f32 [tilespmem:s29], [sflag:$0xB], $0x10, s13, s8, $0xb8;
	[tilespmem:$0x1EA00] =	vst v63  }
0xa9: {  	_ =	swait.ge [sflag:s19], $0x2800  }
0xaa: {  	[sflag:s19] =	ssyncset.done $0x0  }
0xab: {  	[sflag:s19] =	ssyncadd.s32 $0xFFFFD800  }
0xac: {  	_ =	swait.ge [sflag:s21], $0x500  }
0xad: {  	[sflag:s21] =	ssyncset.done $0x0  }
0xae: {  	[sflag:s21] =	ssyncadd.s32 $0xFFFFFB00  }
0xaf: {  	[tilespmem:s20], [sflag:$0x4] =	stream.indirect.gather [hbm4b:s5+s8], $0x80, s17, s8, $0xb8;
	[tilespmem:$0x1EA00] =	vst v63  }
0xb0: {  	_ =	swait.ge [sflag:s24], $0x2800  }
0xb1: {  	[sflag:s24] =	ssyncset.done $0x0  }
0xb2: {  	[sflag:s24] =	ssyncadd.s32 $0xFFFFD800  }
0xb3: {  	[spmem:s0] =	stream.indirect.scatter.add.f32 [tilespmem:s14], [sflag:$0x6], $0x80, s11, s8, $0xb8;
	[tilespmem:$0x1EA00] =	vst v63  }
0xb4: {  	s17 =	simm.s32 $0x8  }
0xb5: {  	[spmem:s18] =	stream.indirect.scatter.add.f32 [tilespmem:s29], [sflag:$0x9], $0x10, s11, s8, $0xb8;
	[tilespmem:$0x1EA00] =	vst v63  }
0xb6: {  	_ =	swait.ge [sflag:s17], $0x2800  }
0xb7: {  	[sflag:s17] =	ssyncset.done $0x0  }
0xb8: {  	s26 =	simm.s32 $0xB;
	[sflag:s17] =	ssyncadd.s32 $0xFFFFD800  }
0xb9: {  	_ =	swait.ge [sflag:s26], $0x500  }
0xba: {  	[sflag:s26] =	ssyncset.done $0x0  }
0xbb: {  	[sflag:s26] =	ssyncadd.s32 $0xFFFFFB00  }
0xbc: {  	[tilespmem:s22], [sflag:$0x5] =	stream.indirect.gather [hbm4b:s5+s8], $0x80, s25, s8, $0xb8;
	[tilespmem:$0x1EA00] =	vst v63  }
0xbd: {  	_ =	swait.ge [sflag:s1], $0x2800  }
0xbe: {  	[sflag:s1] =	ssyncset.done $0x0  }
0xbf: {  	[sflag:s1] =	ssyncadd.s32 $0xFFFFD800  }
0xc0: {  	[spmem:s0] =	stream.indirect.scatter.add.f32 [tilespmem:s20], [sflag:$0x7], $0x80, s23, s8, $0xb8;
	[tilespmem:$0x1EA00] =	vst v63  }
0xc1: {  	_ = 	snop  }
0xc2: {  	[spmem:s18] =	stream.indirect.scatter.add.f32 [tilespmem:s29], [sflag:$0xA], $0x10, s23, s8, $0xb8;
	[tilespmem:$0x1EA00] =	vst v63  }
0xc3: {  	_ =	swait.ge [sflag:s9], $0x2800  }
0xc4: {  	[sflag:s9] =	ssyncset.done $0x0  }
0xc5: {  	[sflag:s9] =	ssyncadd.s32 $0xFFFFD800  }
0xc6: {  	_ =	swait.ge [sflag:s15], $0x500  }
0xc7: {  	[sflag:s15] =	ssyncset.done $0x0  }
0xc8: {  	[sflag:s15] =	ssyncadd.s32 $0xFFFFFB00  }
0xc9: {  	[tilespmem:s14], [sflag:$0x3] =	stream.indirect.gather [hbm4b:s5+s8], $0x80, s3, s8, $0xb8;
	[tilespmem:$0x1EA00] =	vst v63  }
0xca: {  	_ =	swait.ge [sflag:s10], $0x2800  }
0xcb: {  	[sflag:s10] =	ssyncset.done $0x0  }
0xcc: {  	[sflag:s10] =	ssyncadd.s32 $0xFFFFD800  }
0xcd: {  	[spmem:s0] =	stream.indirect.scatter.add.f32 [tilespmem:s22], [sflag:$0x8], $0x80, s2, s8, $0xb8;
	[tilespmem:$0x1EA00] =	vst v63  }
0xce: {  	_ = 	snop  }
0xcf: {  	[spmem:s18] =	stream.indirect.scatter.add.f32 [tilespmem:s29], [sflag:$0xB], $0x10, s2, s8, $0xb8;
	[tilespmem:$0x1EA00] =	vst v63  }
0xd0: {  	_ =	swait.ge [sflag:s19], $0x2800  }
0xd1: {  	[sflag:s19] =	ssyncset.done $0x0  }
0xd2: {  	[sflag:s19] =	ssyncadd.s32 $0xFFFFD800  }
0xd3: {  	_ =	swait.ge [sflag:s21], $0x500  }
0xd4: {  	[sflag:s21] =	ssyncset.done $0x0  }
0xd5: {  	[sflag:s21] =	ssyncadd.s32 $0xFFFFFB00  }
0xd6: {  	[tilespmem:s20], [sflag:$0x4] =	stream.indirect.gather [hbm4b:s5+s8], $0x80, s28, s8, $0xb8;
	[tilespmem:$0x1EA00] =	vst v63  }
0xd7: {  	_ =	swait.ge [sflag:s24], $0x2800  }
0xd8: {  	[sflag:s24] =	ssyncset.done $0x0  }
0xd9: {  	[sflag:s24] =	ssyncadd.s32 $0xFFFFD800  }
0xda: {  	[spmem:s0] =	stream.indirect.scatter.add.f32 [tilespmem:s14], [sflag:$0x6], $0x80, s16, s8, $0xb8;
	[tilespmem:$0x1EA00] =	vst v63  }
0xdb: {  	_ = 	snop  }
0xdc: {  	[spmem:s18] =	stream.indirect.scatter.add.f32 [tilespmem:s29], [sflag:$0x9], $0x10, s16, s8, $0xb8;
	[tilespmem:$0x1EA00] =	vst v63  }
0xdd: {  	_ =	swait.ge [sflag:s1], $0x2800  }
0xde: {  	[sflag:s1] =	ssyncset.done $0x0  }
0xdf: {  	[sflag:s1] =	ssyncadd.s32 $0xFFFFD800  }
0xe0: {  	[spmem:s0] =	stream.indirect.scatter.add.f32 [tilespmem:s20], [sflag:$0x7], $0x80, s12, s8, $0xb8;
	[tilespmem:$0x1EA00] =	vst v63  }
0xe1: {  	_ = 	snop  }
0xe2: {  	[spmem:s18] =	stream.indirect.scatter.add.f32 [tilespmem:s29], [sflag:$0xA], $0x10, s12, s8, $0xb8;
	[tilespmem:$0x1EA00] =	vst v63  }
0xe3: {  	_ =	swait.ge [sflag:s17], $0x2800  }
0xe4: {  	[sflag:s17] =	ssyncset.done $0x0  }
0xe5: {  	[sflag:s17] =	ssyncadd.s32 $0xFFFFD800  }
0xe6: {  	_ =	swait.ge [sflag:s26], $0x500  }
0xe7: {  	[sflag:s26] =	ssyncset.done $0x0  }
0xe8: {  	[sflag:s26] =	ssyncadd.s32 $0xFFFFFB00  }
0xe9: {  	_ =	swait.ge [sflag:s9], $0x2800  }
0xea: {  	[sflag:s9] =	ssyncset.done $0x0  }
0xeb: {  	[sflag:s9] =	ssyncadd.s32 $0xFFFFD800  }
0xec: {  	_ =	swait.ge [sflag:s15], $0x500  }
0xed: {  	[sflag:s15] =	ssyncset.done $0x0  }
0xee: {  	[sflag:s15] =	ssyncadd.s32 $0xFFFFFB00  }
0xef: {  	_ =	swait.ge [sflag:s19], $0x2800  }
0xf0: {  	[sflag:s19] =	ssyncset.done $0x0  }
0xf1: {  	[sflag:s19] =	ssyncadd.s32 $0xFFFFD800  }
0xf2: {  	s30 =	simm.s32 $0xA0;
	_ =	swait.ge [sflag:s21], $0x500  }
0xf3: {  	s28 =	simm.s32 $0x50;
	s18 =	rddreg [dreg:$0x5];
	[sflag:s21] =	ssyncset.done $0x0  }
.LBB2_2:
0xf4: {  	[sflag:s21] =	ssyncadd.s32 $0xFFFFFB00  }
0xf5: {  	s20 =	rddreg [dreg:$0x6];
	s18 =	sadd.s32 s28, s18;
	s24 =	simm.s32 $0x16D00  }
0xf6: {  	[tilespmem:s24], [sflag:$0x1] =	stream.linear.gather [hbm4b:s18+s4], $0x50, $0x38;
	[tilespmem:$0x1EA00] =	vst v63  }
0xf7: {  	s26 =	simm.s32 $0x16F80;
	s20 =	sadd.s32 s28, s20  }
0xf8: {  	[tilespmem:s26], [sflag:$0x2] =	stream.linear.gather [hbm4b:s20+s4], $0x50, $0x38;
	[tilespmem:$0x1EA00] =	vst v63  }
0xf9: {  	s29 =	simm.s32 $0x16D50;
	s18 =	sadd.s32 $0xA, s18  }
0xfa: {  	[tilespmem:s29], [sflag:$0x1] =	stream.linear.gather [hbm4b:s18+s4], $0x50, $0x38;
	[tilespmem:$0x1EA00] =	vst v63  }
0xfb: {  	s22 =	rddreg [dreg:$0x12];
	s13 =	sadd.s32 $0xA, s20  }
0xfc: {  	[tilespmem:s31], [sflag:$0x2] =	stream.linear.gather [hbm4b:s13+s4], $0x50, $0x38;
	[tilespmem:$0x1EA00] =	vst v63  }
0xfd: {  	s14 =	rddreg [dreg:$0x11];
	s1 =	simm.s32 $0x16DA0;
	s16 =	sadd.s32 s28, s22  }
0xfe: {  	[tilespmem:s1], [sflag:$0x1] =	stream.linear.gather [hbm4b:s16+s4], $0x50, $0x38;
	[tilespmem:$0x1EA00] =	vst v63  }
0xff: {  	s17 =	rddreg [dreg:$0x10];
	s20 =	sadd.s32 s28, s14;
	s13 =	simm.s32 $0x17020  }
0x100: {  	[tilespmem:s13], [sflag:$0x2] =	stream.linear.gather [hbm4b:s20+s4], $0x50, $0x38;
	[tilespmem:$0x1EA00] =	vst v63  }
0x101: {  	s23 =	rddreg [dreg:$0xf];
	s10 =	simm.s32 $0x16DF0;
	s25 =	sadd.s32 s28, s17  }
0x102: {  	[tilespmem:s10], [sflag:$0x1] =	stream.linear.gather [hbm4b:s25+s4], $0x50, $0x38;
	[tilespmem:$0x1EA00] =	vst v63  }
0x103: {  	s2 =	rddreg [dreg:$0xe];
	s11 =	simm.s32 $0x17070;
	s3 =	sadd.s32 s28, s23  }
0x104: {  	[tilespmem:s11], [sflag:$0x2] =	stream.linear.gather [hbm4b:s3+s4], $0x50, $0x38;
	[tilespmem:$0x1EA00] =	vst v63  }
0x105: {  	s12 =	rddreg [dreg:$0xd];
	s17 =	simm.s32 $0x16E40;
	s14 =	sadd.s32 s28, s2  }
0x106: {  	[tilespmem:s17], [sflag:$0x1] =	stream.linear.gather [hbm4b:s14+s4], $0x50, $0x38;
	[tilespmem:$0x1EA00] =	vst v63  }
0x107: {  	s23 =	simm.s32 $0x170C0;
	s16 =	rddreg [dreg:$0xc];
	s25 =	sadd.s32 s28, s12  }
0x108: {  	[tilespmem:s23], [sflag:$0x2] =	stream.linear.gather [hbm4b:s25+s4], $0x50, $0x38;
	[tilespmem:$0x1EA00] =	vst v63  }
0x109: {  	s2 =	rddreg [dreg:$0xb];
	s3 =	sadd.s32 s28, s16;
	s25 =	simm.s32 $0x16E90  }
0x10a: {  	[tilespmem:s25], [sflag:$0x1] =	stream.linear.gather [hbm4b:s3+s4], $0x50, $0x38;
	[tilespmem:$0x1EA00] =	vst v63  }
0x10b: {  	s12 =	rddreg [dreg:$0xa];
	s14 =	sadd.s32 s28, s2;
	s2 =	simm.s32 $0x17110  }
0x10c: {  	[tilespmem:s2], [sflag:$0x2] =	stream.linear.gather [hbm4b:s14+s4], $0x50, $0x38;
	[tilespmem:$0x1EA00] =	vst v63  }
0x10d: {  	s12 =	sadd.s32 s28, s12;
	s16 =	rddreg [dreg:$0x9];
	s3 =	simm.s32 $0x16EE0  }
0x10e: {  	[tilespmem:s3], [sflag:$0x1] =	stream.linear.gather [hbm4b:s12+s4], $0x50, $0x38;
	[tilespmem:$0x1EA00] =	vst v63  }
0x10f: {  	s20 =	sadd.s32 s28, s16;
	s16 =	simm.s32 $0x17160;
	s14 =	rddreg [dreg:$0x8]  }
0x110: {  	[tilespmem:s16], [sflag:$0x2] =	stream.linear.gather [hbm4b:s20+s4], $0x50, $0x38;
	[tilespmem:$0x1EA00] =	vst v63  }
0x111: {  	s22 =	simm.s32 $0x16F30;
	s14 =	sadd.s32 s28, s14;
	s12 =	rddreg [dreg:$0x7]  }
0x112: {  	[tilespmem:s22], [sflag:$0x1] =	stream.linear.gather [hbm4b:s14+s4], $0x50, $0x38;
	[tilespmem:$0x1EA00] =	vst v63  }
0x113: {  	s20 =	sadd.s32 s28, s12;
	s12 =	simm.s32 $0x171B0  }
0x114: {  	[tilespmem:s12], [sflag:$0x2] =	stream.linear.gather [hbm4b:s20+s4], $0x50, $0x38;
	[tilespmem:$0x1EA00] =	vst v63  }
0x115: {  	_ =	swait.ge [sflag:s6], $0x50  }
0x116: {  	[sflag:s6] =	ssyncset.done $0x0  }
0x117: {  	[sflag:s6] =	ssyncadd.s32 $0xFFFFFFB0  }
0x118: {  	_ =	swait.ge [sflag:s7], $0x50  }
0x119: {  	[sflag:s7] =	ssyncset.done $0x0  }
0x11a: {  	[sflag:s7] =	ssyncadd.s32 $0xFFFFFFB0  }
0x11b: {  	_ =	swait.ge [sflag:s6], $0x50  }
0x11c: {  	[sflag:s6] =	ssyncset.done $0x0  }
0x11d: {  	[sflag:s6] =	ssyncadd.s32 $0xFFFFFFB0  }
0x11e: {  	_ =	swait.ge [sflag:s7], $0x50  }
0x11f: {  	[sflag:s7] =	ssyncset.done $0x0  }
0x120: {  	[sflag:s7] =	ssyncadd.s32 $0xFFFFFFB0  }
0x121: {  	_ =	swait.ge [sflag:s6], $0x50  }
0x122: {  	[sflag:s6] =	ssyncset.done $0x0  }
0x123: {  	[sflag:s6] =	ssyncadd.s32 $0xFFFFFFB0  }
0x124: {  	_ =	swait.ge [sflag:s7], $0x50  }
0x125: {  	[sflag:s7] =	ssyncset.done $0x0  }
0x126: {  	[sflag:s7] =	ssyncadd.s32 $0xFFFFFFB0  }
0x127: {  	_ =	swait.ge [sflag:s6], $0x50  }
0x128: {  	[sflag:s6] =	ssyncset.done $0x0  }
0x129: {  	[sflag:s6] =	ssyncadd.s32 $0xFFFFFFB0  }
0x12a: {  	_ =	swait.ge [sflag:s7], $0x50  }
0x12b: {  	[sflag:s7] =	ssyncset.done $0x0  }
0x12c: {  	[sflag:s7] =	ssyncadd.s32 $0xFFFFFFB0  }
0x12d: {  	_ =	swait.ge [sflag:s6], $0x50  }
0x12e: {  	[sflag:s6] =	ssyncset.done $0x0  }
0x12f: {  	[sflag:s6] =	ssyncadd.s32 $0xFFFFFFB0  }
0x130: {  	_ =	swait.ge [sflag:s7], $0x50  }
0x131: {  	[sflag:s7] =	ssyncset.done $0x0  }
0x132: {  	[sflag:s7] =	ssyncadd.s32 $0xFFFFFFB0  }
0x133: {  	_ =	swait.ge [sflag:s6], $0x50  }
0x134: {  	[sflag:s6] =	ssyncset.done $0x0  }
0x135: {  	[sflag:s6] =	ssyncadd.s32 $0xFFFFFFB0  }
0x136: {  	_ =	swait.ge [sflag:s7], $0x50  }
0x137: {  	[sflag:s7] =	ssyncset.done $0x0  }
0x138: {  	[sflag:s7] =	ssyncadd.s32 $0xFFFFFFB0  }
0x139: {  	_ =	swait.ge [sflag:s6], $0x50  }
0x13a: {  	[sflag:s6] =	ssyncset.done $0x0  }
0x13b: {  	[sflag:s6] =	ssyncadd.s32 $0xFFFFFFB0  }
0x13c: {  	_ =	swait.ge [sflag:s7], $0x50  }
0x13d: {  	[sflag:s7] =	ssyncset.done $0x0  }
0x13e: {  	[sflag:s7] =	ssyncadd.s32 $0xFFFFFFB0  }
0x13f: {  	_ =	swait.ge [sflag:s6], $0x50  }
0x140: {  	[sflag:s6] =	ssyncset.done $0x0  }
0x141: {  	[sflag:s6] =	ssyncadd.s32 $0xFFFFFFB0  }
0x142: {  	_ =	swait.ge [sflag:s7], $0x50  }
0x143: {  	[sflag:s7] =	ssyncset.done $0x0  }
0x144: {  	s14 =	simm.s32 $0x17200;
	[sflag:s7] =	ssyncadd.s32 $0xFFFFFFB0  }
0x145: {  	[tilespmem:s14], [sflag:$0x3] =	stream.indirect.gather [hbm4b:s5+s8], $0x80, s24, s8, $0xb8;
	[tilespmem:$0x1EA00] =	vst v63  }
0x146: {  	s24 =	simm.s32 $0x19A00  }
0x147: {  	[tilespmem:s24], [sflag:$0x4] =	stream.indirect.gather [hbm4b:s5+s8], $0x80, s29, s8, $0xb8;
	[tilespmem:$0x1EA00] =	vst v63  }
0x148: {  	s29 =	simm.s32 $0x3  }
0x149: {  	_ =	swait.ge [sflag:s29], $0x2800  }
0x14a: {  	[sflag:s29] =	ssyncset.done $0x0  }
0x14b: {  	s0 =	smov.u32 s30;
	[sflag:s29] =	ssyncadd.s32 $0xFFFFD800  }
0x14c: {  	s28 =	smov.u32 s0;
	s0 =	rddreg [dreg:$0x2]  }
0x14d: {  	[spmem:s0] =	stream.indirect.scatter.add.f32 [tilespmem:s14], [sflag:$0x6], $0x80, s26, s8, $0xb8;
	[tilespmem:$0x1EA00] =	vst v63  }
0x14e: {  	s20 =	simm.s32 $0x16800;
	s18 =	rddreg [dreg:$0x3]  }
0x14f: {  	[spmem:s18] =	stream.indirect.scatter.add.f32 [tilespmem:s20], [sflag:$0x9], $0x10, s26, s8, $0xb8;
	[tilespmem:$0x1EA00] =	vst v63  }
0x150: {  	s26 =	simm.s32 $0x1C200  }
0x151: {  	[tilespmem:s26], [sflag:$0x5] =	stream.indirect.gather [hbm4b:s5+s8], $0x80, s1, s8, $0xb8;
	[tilespmem:$0x1EA00] =	vst v63  }
0x152: {  	s1 =	simm.s32 $0x4  }
0x153: {  	_ =	swait.ge [sflag:s1], $0x2800  }
0x154: {  	[sflag:s1] =	ssyncset.done $0x0  }
0x155: {  	[sflag:s1] =	ssyncadd.s32 $0xFFFFD800  }
0x156: {  	[spmem:s0] =	stream.indirect.scatter.add.f32 [tilespmem:s24], [sflag:$0x7], $0x80, s31, s8, $0xb8;
	[tilespmem:$0x1EA00] =	vst v63  }
0x157: {  	_ = 	snop  }
0x158: {  	[spmem:s18] =	stream.indirect.scatter.add.f32 [tilespmem:s20], [sflag:$0xA], $0x10, s31, s8, $0xb8;
	[tilespmem:$0x1EA00] =	vst v63  }
0x159: {  	_ =	swait.ge [sflag:s9], $0x2800  }
0x15a: {  	[sflag:s9] =	ssyncset.done $0x0  }
0x15b: {  	[sflag:s9] =	ssyncadd.s32 $0xFFFFD800  }
0x15c: {  	_ =	swait.ge [sflag:s15], $0x500  }
0x15d: {  	[sflag:s15] =	ssyncset.done $0x0  }
0x15e: {  	[sflag:s15] =	ssyncadd.s32 $0xFFFFFB00  }
0x15f: {  	[tilespmem:s14], [sflag:$0x3] =	stream.indirect.gather [hbm4b:s5+s8], $0x80, s10, s8, $0xb8;
	[tilespmem:$0x1EA00] =	vst v63  }
0x160: {  	s10 =	simm.s32 $0x5  }
0x161: {  	_ =	swait.ge [sflag:s10], $0x2800  }
0x162: {  	[sflag:s10] =	ssyncset.done $0x0  }
0x163: {  	[sflag:s10] =	ssyncadd.s32 $0xFFFFD800  }
0x164: {  	[spmem:s0] =	stream.indirect.scatter.add.f32 [tilespmem:s26], [sflag:$0x8], $0x80, s13, s8, $0xb8;
	[tilespmem:$0x1EA00] =	vst v63  }
0x165: {  	_ = 	snop  }
0x166: {  	[spmem:s18] =	stream.indirect.scatter.add.f32 [tilespmem:s20], [sflag:$0xB], $0x10, s13, s8, $0xb8;
	[tilespmem:$0x1EA00] =	vst v63  }
0x167: {  	_ =	swait.ge [sflag:s19], $0x2800  }
0x168: {  	[sflag:s19] =	ssyncset.done $0x0  }
0x169: {  	[sflag:s19] =	ssyncadd.s32 $0xFFFFD800  }
0x16a: {  	_ =	swait.ge [sflag:s21], $0x500  }
0x16b: {  	[sflag:s21] =	ssyncset.done $0x0  }
0x16c: {  	[sflag:s21] =	ssyncadd.s32 $0xFFFFFB00  }
0x16d: {  	[tilespmem:s24], [sflag:$0x4] =	stream.indirect.gather [hbm4b:s5+s8], $0x80, s17, s8, $0xb8;
	[tilespmem:$0x1EA00] =	vst v63  }
0x16e: {  	_ =	swait.ge [sflag:s29], $0x2800  }
0x16f: {  	[sflag:s29] =	ssyncset.done $0x0  }
0x170: {  	[sflag:s29] =	ssyncadd.s32 $0xFFFFD800  }
0x171: {  	[spmem:s0] =	stream.indirect.scatter.add.f32 [tilespmem:s14], [sflag:$0x6], $0x80, s11, s8, $0xb8;
	[tilespmem:$0x1EA00] =	vst v63  }
0x172: {  	s13 =	simm.s32 $0x8  }
0x173: {  	[spmem:s18] =	stream.indirect.scatter.add.f32 [tilespmem:s20], [sflag:$0x9], $0x10, s11, s8, $0xb8;
	[tilespmem:$0x1EA00] =	vst v63  }
0x174: {  	_ =	swait.ge [sflag:s13], $0x2800  }
0x175: {  	[sflag:s13] =	ssyncset.done $0x0  }
0x176: {  	s17 =	simm.s32 $0xB;
	[sflag:s13] =	ssyncadd.s32 $0xFFFFD800  }
0x177: {  	_ =	swait.ge [sflag:s17], $0x500  }
0x178: {  	[sflag:s17] =	ssyncset.done $0x0  }
0x179: {  	[sflag:s17] =	ssyncadd.s32 $0xFFFFFB00  }
0x17a: {  	[tilespmem:s26], [sflag:$0x5] =	stream.indirect.gather [hbm4b:s5+s8], $0x80, s25, s8, $0xb8;
	[tilespmem:$0x1EA00] =	vst v63  }
0x17b: {  	_ =	swait.ge [sflag:s1], $0x2800  }
0x17c: {  	[sflag:s1] =	ssyncset.done $0x0  }
0x17d: {  	[sflag:s1] =	ssyncadd.s32 $0xFFFFD800  }
0x17e: {  	[spmem:s0] =	stream.indirect.scatter.add.f32 [tilespmem:s24], [sflag:$0x7], $0x80, s23, s8, $0xb8;
	[tilespmem:$0x1EA00] =	vst v63  }
0x17f: {  	_ = 	snop  }
0x180: {  	[spmem:s18] =	stream.indirect.scatter.add.f32 [tilespmem:s20], [sflag:$0xA], $0x10, s23, s8, $0xb8;
	[tilespmem:$0x1EA00] =	vst v63  }
0x181: {  	_ =	swait.ge [sflag:s9], $0x2800  }
0x182: {  	[sflag:s9] =	ssyncset.done $0x0  }
0x183: {  	[sflag:s9] =	ssyncadd.s32 $0xFFFFD800  }
0x184: {  	_ =	swait.ge [sflag:s15], $0x500  }
0x185: {  	[sflag:s15] =	ssyncset.done $0x0  }
0x186: {  	[sflag:s15] =	ssyncadd.s32 $0xFFFFFB00  }
0x187: {  	[tilespmem:s14], [sflag:$0x3] =	stream.indirect.gather [hbm4b:s5+s8], $0x80, s3, s8, $0xb8;
	[tilespmem:$0x1EA00] =	vst v63  }
0x188: {  	_ =	swait.ge [sflag:s10], $0x2800  }
0x189: {  	[sflag:s10] =	ssyncset.done $0x0  }
0x18a: {  	[sflag:s10] =	ssyncadd.s32 $0xFFFFD800  }
0x18b: {  	[spmem:s0] =	stream.indirect.scatter.add.f32 [tilespmem:s26], [sflag:$0x8], $0x80, s2, s8, $0xb8;
	[tilespmem:$0x1EA00] =	vst v63  }
0x18c: {  	_ = 	snop  }
0x18d: {  	[spmem:s18] =	stream.indirect.scatter.add.f32 [tilespmem:s20], [sflag:$0xB], $0x10, s2, s8, $0xb8;
	[tilespmem:$0x1EA00] =	vst v63  }
0x18e: {  	_ =	swait.ge [sflag:s19], $0x2800  }
0x18f: {  	[sflag:s19] =	ssyncset.done $0x0  }
0x190: {  	[sflag:s19] =	ssyncadd.s32 $0xFFFFD800  }
0x191: {  	_ =	swait.ge [sflag:s21], $0x500  }
0x192: {  	[sflag:s21] =	ssyncset.done $0x0  }
0x193: {  	[sflag:s21] =	ssyncadd.s32 $0xFFFFFB00  }
0x194: {  	[tilespmem:s24], [sflag:$0x4] =	stream.indirect.gather [hbm4b:s5+s8], $0x80, s22, s8, $0xb8;
	[tilespmem:$0x1EA00] =	vst v63  }
0x195: {  	_ =	swait.ge [sflag:s29], $0x2800  }
0x196: {  	[sflag:s29] =	ssyncset.done $0x0  }
0x197: {  	[sflag:s29] =	ssyncadd.s32 $0xFFFFD800  }
0x198: {  	[spmem:s0] =	stream.indirect.scatter.add.f32 [tilespmem:s14], [sflag:$0x6], $0x80, s16, s8, $0xb8;
	[tilespmem:$0x1EA00] =	vst v63  }
0x199: {  	_ = 	snop  }
0x19a: {  	[spmem:s18] =	stream.indirect.scatter.add.f32 [tilespmem:s20], [sflag:$0x9], $0x10, s16, s8, $0xb8;
	[tilespmem:$0x1EA00] =	vst v63  }
0x19b: {  	_ =	swait.ge [sflag:s1], $0x2800  }
0x19c: {  	[sflag:s1] =	ssyncset.done $0x0  }
0x19d: {  	[sflag:s1] =	ssyncadd.s32 $0xFFFFD800  }
0x19e: {  	[spmem:s0] =	stream.indirect.scatter.add.f32 [tilespmem:s24], [sflag:$0x7], $0x80, s12, s8, $0xb8;
	[tilespmem:$0x1EA00] =	vst v63  }
0x19f: {  	_ = 	snop  }
0x1a0: {  	[spmem:s18] =	stream.indirect.scatter.add.f32 [tilespmem:s20], [sflag:$0xA], $0x10, s12, s8, $0xb8;
	[tilespmem:$0x1EA00] =	vst v63  }
0x1a1: {  	_ =	swait.ge [sflag:s13], $0x2800  }
0x1a2: {  	[sflag:s13] =	ssyncset.done $0x0  }
0x1a3: {  	[sflag:s13] =	ssyncadd.s32 $0xFFFFD800  }
0x1a4: {  	_ =	swait.ge [sflag:s17], $0x500  }
0x1a5: {  	[sflag:s17] =	ssyncset.done $0x0  }
0x1a6: {  	[sflag:s17] =	ssyncadd.s32 $0xFFFFFB00  }
0x1a7: {  	_ =	swait.ge [sflag:s9], $0x2800  }
0x1a8: {  	[sflag:s9] =	ssyncset.done $0x0  }
0x1a9: {  	[sflag:s9] =	ssyncadd.s32 $0xFFFFD800  }
0x1aa: {  	_ =	swait.ge [sflag:s15], $0x500  }
0x1ab: {  	[sflag:s15] =	ssyncset.done $0x0  }
0x1ac: {  	p0 =	sne.s32 s30, $0x4B0;
	[sflag:s15] =	ssyncadd.s32 $0xFFFFFB00  }
.Ltmp0:
0x1ad: {  	_ =	swait.ge [sflag:s19], $0x2800;
	(pc) =	sbr.rel @p0 .LBB2_2-.Ltmp0, $4  }
0x1ae: {  	[sflag:s19] =	ssyncset.done $0x0  }
0x1af: {  	[sflag:s19] =	ssyncadd.s32 $0xFFFFD800  }
0x1b0: {  	_ =	swait.ge [sflag:s21], $0x500  }
0x1b1: {  	s30 =	sadd.s32 $0x50, s30;
	s18 =	rddreg [dreg:$0x5];
	[sflag:s21] =	ssyncset.done $0x0  }
0x1b2: {  	s0 =	rddreg [dreg:$0x6]  }
0x1b3: {  	[sflag:s21] =	ssyncadd.s32 $0xFFFFFB00;
	s18 =	sadd.s32 s28, s18;
	s20 =	simm.s32 $0x16D00  }
0x1b4: {  	[tilespmem:s20], [sflag:$0x1] =	stream.linear.gather [hbm4b:s18+s4], $0x50, $0x38;
	[tilespmem:$0x1EA00] =	vst v63  }
0x1b5: {  	s22 =	simm.s32 $0x16F80;
	s0 =	sadd.s32 s28, s0  }
0x1b6: {  	[tilespmem:s22], [sflag:$0x2] =	stream.linear.gather [hbm4b:s0+s4], $0x50, $0x38;
	[tilespmem:$0x1EA00] =	vst v63  }
0x1b7: {  	s24 =	simm.s32 $0x16D50;
	s18 =	sadd.s32 $0xA, s18  }
0x1b8: {  	[tilespmem:s24], [sflag:$0x1] =	stream.linear.gather [hbm4b:s18+s4], $0x50, $0x38;
	[tilespmem:$0x1EA00] =	vst v63  }
0x1b9: {  	s25 =	rddreg [dreg:$0x12];
	s26 =	simm.s32 $0x16FD0;
	s0 =	sadd.s32 $0xA, s0  }
0x1ba: {  	[tilespmem:s26], [sflag:$0x2] =	stream.linear.gather [hbm4b:s0+s4], $0x50, $0x38;
	[tilespmem:$0x1EA00] =	vst v63  }
0x1bb: {  	s29 =	rddreg [dreg:$0x11];
	s1 =	simm.s32 $0x16DA0;
	s18 =	sadd.s32 s28, s25  }
0x1bc: {  	[tilespmem:s1], [sflag:$0x1] =	stream.linear.gather [hbm4b:s18+s4], $0x50, $0x38;
	[tilespmem:$0x1EA00] =	vst v63  }
0x1bd: {  	s30 =	rddreg [dreg:$0x10];
	s13 =	simm.s32 $0x17020;
	s0 =	sadd.s32 s28, s29  }
0x1be: {  	[tilespmem:s13], [sflag:$0x2] =	stream.linear.gather [hbm4b:s0+s4], $0x50, $0x38;
	[tilespmem:$0x1EA00] =	vst v63  }
0x1bf: {  	s2 =	rddreg [dreg:$0xf];
	s10 =	simm.s32 $0x16DF0;
	s18 =	sadd.s32 s28, s30  }
0x1c0: {  	[tilespmem:s10], [sflag:$0x1] =	stream.linear.gather [hbm4b:s18+s4], $0x50, $0x38;
	[tilespmem:$0x1EA00] =	vst v63  }
0x1c1: {  	s3 =	rddreg [dreg:$0xe];
	s11 =	simm.s32 $0x17070;
	s0 =	sadd.s32 s28, s2  }
0x1c2: {  	[tilespmem:s11], [sflag:$0x2] =	stream.linear.gather [hbm4b:s0+s4], $0x50, $0x38;
	[tilespmem:$0x1EA00] =	vst v63  }
0x1c3: {  	s12 =	rddreg [dreg:$0xd];
	s17 =	simm.s32 $0x16E40;
	s18 =	sadd.s32 s28, s3  }
0x1c4: {  	[tilespmem:s17], [sflag:$0x1] =	stream.linear.gather [hbm4b:s18+s4], $0x50, $0x38;
	[tilespmem:$0x1EA00] =	vst v63  }
0x1c5: {  	s14 =	rddreg [dreg:$0xc];
	s23 =	simm.s32 $0x170C0;
	s0 =	sadd.s32 s28, s12  }
0x1c6: {  	[tilespmem:s23], [sflag:$0x2] =	stream.linear.gather [hbm4b:s0+s4], $0x50, $0x38;
	[tilespmem:$0x1EA00] =	vst v63  }
0x1c7: {  	s16 =	rddreg [dreg:$0xb];
	s25 =	simm.s32 $0x16E90;
	s18 =	sadd.s32 s28, s14  }
0x1c8: {  	[tilespmem:s25], [sflag:$0x1] =	stream.linear.gather [hbm4b:s18+s4], $0x50, $0x38;
	[tilespmem:$0x1EA00] =	vst v63  }
0x1c9: {  	s29 =	rddreg [dreg:$0xa];
	s2 =	simm.s32 $0x17110;
	s0 =	sadd.s32 s28, s16  }
0x1ca: {  	[tilespmem:s2], [sflag:$0x2] =	stream.linear.gather [hbm4b:s0+s4], $0x50, $0x38;
	[tilespmem:$0x1EA00] =	vst v63  }
0x1cb: {  	s30 =	rddreg [dreg:$0x9];
	s3 =	simm.s32 $0x16EE0;
	s18 =	sadd.s32 s28, s29  }
0x1cc: {  	[tilespmem:s3], [sflag:$0x1] =	stream.linear.gather [hbm4b:s18+s4], $0x50, $0x38;
	[tilespmem:$0x1EA00] =	vst v63  }
0x1cd: {  	s12 =	rddreg [dreg:$0x8];
	s16 =	simm.s32 $0x17160;
	s0 =	sadd.s32 s28, s30  }
0x1ce: {  	[tilespmem:s16], [sflag:$0x2] =	stream.linear.gather [hbm4b:s0+s4], $0x50, $0x38;
	[tilespmem:$0x1EA00] =	vst v63  }
0x1cf: {  	s14 =	rddreg [dreg:$0x7];
	s29 =	simm.s32 $0x16F30;
	s18 =	sadd.s32 s28, s12  }
0x1d0: {  	[tilespmem:s29], [sflag:$0x1] =	stream.linear.gather [hbm4b:s18+s4], $0x50, $0x38;
	[tilespmem:$0x1EA00] =	vst v63  }
0x1d1: {  	s12 =	simm.s32 $0x171B0;
	s0 =	sadd.s32 s28, s14  }
0x1d2: {  	[tilespmem:s12], [sflag:$0x2] =	stream.linear.gather [hbm4b:s0+s4], $0x50, $0x38;
	[tilespmem:$0x1EA00] =	vst v63  }
0x1d3: {  	_ =	swait.ge [sflag:s6], $0x50  }
0x1d4: {  	[sflag:s6] =	ssyncset.done $0x0  }
0x1d5: {  	[sflag:s6] =	ssyncadd.s32 $0xFFFFFFB0  }
0x1d6: {  	_ =	swait.ge [sflag:s7], $0x50  }
0x1d7: {  	[sflag:s7] =	ssyncset.done $0x0  }
0x1d8: {  	[sflag:s7] =	ssyncadd.s32 $0xFFFFFFB0  }
0x1d9: {  	_ =	swait.ge [sflag:s6], $0x50  }
0x1da: {  	[sflag:s6] =	ssyncset.done $0x0  }
0x1db: {  	[sflag:s6] =	ssyncadd.s32 $0xFFFFFFB0  }
0x1dc: {  	_ =	swait.ge [sflag:s7], $0x50  }
0x1dd: {  	[sflag:s7] =	ssyncset.done $0x0  }
0x1de: {  	[sflag:s7] =	ssyncadd.s32 $0xFFFFFFB0  }
0x1df: {  	_ =	swait.ge [sflag:s6], $0x50  }
0x1e0: {  	[sflag:s6] =	ssyncset.done $0x0  }
0x1e1: {  	[sflag:s6] =	ssyncadd.s32 $0xFFFFFFB0  }
0x1e2: {  	_ =	swait.ge [sflag:s7], $0x50  }
0x1e3: {  	[sflag:s7] =	ssyncset.done $0x0  }
0x1e4: {  	[sflag:s7] =	ssyncadd.s32 $0xFFFFFFB0  }
0x1e5: {  	_ =	swait.ge [sflag:s6], $0x50  }
0x1e6: {  	[sflag:s6] =	ssyncset.done $0x0  }
0x1e7: {  	[sflag:s6] =	ssyncadd.s32 $0xFFFFFFB0  }
0x1e8: {  	_ =	swait.ge [sflag:s7], $0x50  }
0x1e9: {  	[sflag:s7] =	ssyncset.done $0x0  }
0x1ea: {  	[sflag:s7] =	ssyncadd.s32 $0xFFFFFFB0  }
0x1eb: {  	_ =	swait.ge [sflag:s6], $0x50  }
0x1ec: {  	[sflag:s6] =	ssyncset.done $0x0  }
0x1ed: {  	[sflag:s6] =	ssyncadd.s32 $0xFFFFFFB0  }
0x1ee: {  	_ =	swait.ge [sflag:s7], $0x50  }
0x1ef: {  	[sflag:s7] =	ssyncset.done $0x0  }
0x1f0: {  	[sflag:s7] =	ssyncadd.s32 $0xFFFFFFB0  }
0x1f1: {  	_ =	swait.ge [sflag:s6], $0x50  }
0x1f2: {  	[sflag:s6] =	ssyncset.done $0x0  }
0x1f3: {  	[sflag:s6] =	ssyncadd.s32 $0xFFFFFFB0  }
0x1f4: {  	_ =	swait.ge [sflag:s7], $0x50  }
0x1f5: {  	[sflag:s7] =	ssyncset.done $0x0  }
0x1f6: {  	[sflag:s7] =	ssyncadd.s32 $0xFFFFFFB0  }
0x1f7: {  	_ =	swait.ge [sflag:s6], $0x50  }
0x1f8: {  	[sflag:s6] =	ssyncset.done $0x0  }
0x1f9: {  	[sflag:s6] =	ssyncadd.s32 $0xFFFFFFB0  }
0x1fa: {  	_ =	swait.ge [sflag:s7], $0x50  }
0x1fb: {  	[sflag:s7] =	ssyncset.done $0x0  }
0x1fc: {  	[sflag:s7] =	ssyncadd.s32 $0xFFFFFFB0  }
0x1fd: {  	_ =	swait.ge [sflag:s6], $0x50  }
0x1fe: {  	[sflag:s6] =	ssyncset.done $0x0  }
0x1ff: {  	[sflag:s6] =	ssyncadd.s32 $0xFFFFFFB0  }
0x200: {  	_ =	swait.ge [sflag:s7], $0x50  }
0x201: {  	[sflag:s7] =	ssyncset.done $0x0  }
0x202: {  	s14 =	simm.s32 $0x17200;
	[sflag:s7] =	ssyncadd.s32 $0xFFFFFFB0  }
0x203: {  	[tilespmem:s14], [sflag:$0x3] =	stream.indirect.gather [hbm4b:s5+s8], $0x80, s20, s8, $0xb8;
	[tilespmem:$0x1EA00] =	vst v63  }
0x204: {  	s28 =	simm.s32 $0x19A00  }
0x205: {  	[tilespmem:s28], [sflag:$0x4] =	stream.indirect.gather [hbm4b:s5+s8], $0x80, s24, s8, $0xb8;
	[tilespmem:$0x1EA00] =	vst v63  }
0x206: {  	s24 =	simm.s32 $0x3  }
0x207: {  	_ =	swait.ge [sflag:s24], $0x2800  }
0x208: {  	[sflag:s24] =	ssyncset.done $0x0  }
0x209: {  	[sflag:s24] =	ssyncadd.s32 $0xFFFFD800  }
0x20a: {  	s0 =	rddreg [dreg:$0x2]  }
0x20b: {  	[spmem:s0] =	stream.indirect.scatter.add.f32 [tilespmem:s14], [sflag:$0x6], $0x80, s22, s8, $0xb8;
	[tilespmem:$0x1EA00] =	vst v63  }
0x20c: {  	s20 =	simm.s32 $0x16800;
	s18 =	rddreg [dreg:$0x3]  }
0x20d: {  	[spmem:s18] =	stream.indirect.scatter.add.f32 [tilespmem:s20], [sflag:$0x9], $0x10, s22, s8, $0xb8;
	[tilespmem:$0x1EA00] =	vst v63  }
0x20e: {  	s22 =	simm.s32 $0x1C200  }
0x20f: {  	[tilespmem:s22], [sflag:$0x5] =	stream.indirect.gather [hbm4b:s5+s8], $0x80, s1, s8, $0xb8;
	[tilespmem:$0x1EA00] =	vst v63  }
0x210: {  	s1 =	simm.s32 $0x4  }
0x211: {  	_ =	swait.ge [sflag:s1], $0x2800  }
0x212: {  	[sflag:s1] =	ssyncset.done $0x0  }
0x213: {  	[sflag:s1] =	ssyncadd.s32 $0xFFFFD800  }
0x214: {  	[spmem:s0] =	stream.indirect.scatter.add.f32 [tilespmem:s28], [sflag:$0x7], $0x80, s26, s8, $0xb8;
	[tilespmem:$0x1EA00] =	vst v63  }
0x215: {  	_ = 	snop  }
0x216: {  	[spmem:s18] =	stream.indirect.scatter.add.f32 [tilespmem:s20], [sflag:$0xA], $0x10, s26, s8, $0xb8;
	[tilespmem:$0x1EA00] =	vst v63  }
0x217: {  	_ =	swait.ge [sflag:s9], $0x2800  }
0x218: {  	[sflag:s9] =	ssyncset.done $0x0  }
0x219: {  	[sflag:s9] =	ssyncadd.s32 $0xFFFFD800  }
0x21a: {  	_ =	swait.ge [sflag:s15], $0x500  }
0x21b: {  	[sflag:s15] =	ssyncset.done $0x0  }
0x21c: {  	s30 =	simm.s32 $0x5;
	[sflag:s15] =	ssyncadd.s32 $0xFFFFFB00  }
0x21d: {  	[tilespmem:s14], [sflag:$0x3] =	stream.indirect.gather [hbm4b:s5+s8], $0x80, s10, s8, $0xb8;
	[tilespmem:$0x1EA00] =	vst v63  }
0x21e: {  	_ =	swait.ge [sflag:s30], $0x2800  }
0x21f: {  	[sflag:s30] =	ssyncset.done $0x0  }
0x220: {  	[sflag:s30] =	ssyncadd.s32 $0xFFFFD800  }
0x221: {  	[spmem:s0] =	stream.indirect.scatter.add.f32 [tilespmem:s22], [sflag:$0x8], $0x80, s13, s8, $0xb8;
	[tilespmem:$0x1EA00] =	vst v63  }
0x222: {  	_ = 	snop  }
0x223: {  	[spmem:s18] =	stream.indirect.scatter.add.f32 [tilespmem:s20], [sflag:$0xB], $0x10, s13, s8, $0xb8;
	[tilespmem:$0x1EA00] =	vst v63  }
0x224: {  	_ =	swait.ge [sflag:s19], $0x2800  }
0x225: {  	[sflag:s19] =	ssyncset.done $0x0  }
0x226: {  	[sflag:s19] =	ssyncadd.s32 $0xFFFFD800  }
0x227: {  	_ =	swait.ge [sflag:s21], $0x500  }
0x228: {  	[sflag:s21] =	ssyncset.done $0x0  }
0x229: {  	[sflag:s21] =	ssyncadd.s32 $0xFFFFFB00  }
0x22a: {  	[tilespmem:s28], [sflag:$0x4] =	stream.indirect.gather [hbm4b:s5+s8], $0x80, s17, s8, $0xb8;
	[tilespmem:$0x1EA00] =	vst v63  }
0x22b: {  	_ =	swait.ge [sflag:s24], $0x2800  }
0x22c: {  	[sflag:s24] =	ssyncset.done $0x0  }
0x22d: {  	[sflag:s24] =	ssyncadd.s32 $0xFFFFD800  }
0x22e: {  	[spmem:s0] =	stream.indirect.scatter.add.f32 [tilespmem:s14], [sflag:$0x6], $0x80, s11, s8, $0xb8;
	[tilespmem:$0x1EA00] =	vst v63  }
0x22f: {  	s13 =	simm.s32 $0x8  }
0x230: {  	[spmem:s18] =	stream.indirect.scatter.add.f32 [tilespmem:s20], [sflag:$0x9], $0x10, s11, s8, $0xb8;
	[tilespmem:$0x1EA00] =	vst v63  }
0x231: {  	_ =	swait.ge [sflag:s13], $0x2800  }
0x232: {  	[sflag:s13] =	ssyncset.done $0x0  }
0x233: {  	s17 =	simm.s32 $0xB;
	[sflag:s13] =	ssyncadd.s32 $0xFFFFD800  }
0x234: {  	_ =	swait.ge [sflag:s17], $0x500  }
0x235: {  	[sflag:s17] =	ssyncset.done $0x0  }
0x236: {  	[sflag:s17] =	ssyncadd.s32 $0xFFFFFB00  }
0x237: {  	[tilespmem:s22], [sflag:$0x5] =	stream.indirect.gather [hbm4b:s5+s8], $0x80, s25, s8, $0xb8;
	[tilespmem:$0x1EA00] =	vst v63  }
0x238: {  	_ =	swait.ge [sflag:s1], $0x2800  }
0x239: {  	[sflag:s1] =	ssyncset.done $0x0  }
0x23a: {  	[sflag:s1] =	ssyncadd.s32 $0xFFFFD800  }
0x23b: {  	[spmem:s0] =	stream.indirect.scatter.add.f32 [tilespmem:s28], [sflag:$0x7], $0x80, s23, s8, $0xb8;
	[tilespmem:$0x1EA00] =	vst v63  }
0x23c: {  	_ = 	snop  }
0x23d: {  	[spmem:s18] =	stream.indirect.scatter.add.f32 [tilespmem:s20], [sflag:$0xA], $0x10, s23, s8, $0xb8;
	[tilespmem:$0x1EA00] =	vst v63  }
0x23e: {  	_ =	swait.ge [sflag:s9], $0x2800  }
0x23f: {  	[sflag:s9] =	ssyncset.done $0x0  }
0x240: {  	[sflag:s9] =	ssyncadd.s32 $0xFFFFD800  }
0x241: {  	_ =	swait.ge [sflag:s15], $0x500  }
0x242: {  	[sflag:s15] =	ssyncset.done $0x0  }
0x243: {  	[sflag:s15] =	ssyncadd.s32 $0xFFFFFB00  }
0x244: {  	[tilespmem:s14], [sflag:$0x3] =	stream.indirect.gather [hbm4b:s5+s8], $0x80, s3, s8, $0xb8;
	[tilespmem:$0x1EA00] =	vst v63  }
0x245: {  	_ =	swait.ge [sflag:s30], $0x2800  }
0x246: {  	[sflag:s30] =	ssyncset.done $0x0  }
0x247: {  	[sflag:s30] =	ssyncadd.s32 $0xFFFFD800  }
0x248: {  	[spmem:s0] =	stream.indirect.scatter.add.f32 [tilespmem:s22], [sflag:$0x8], $0x80, s2, s8, $0xb8;
	[tilespmem:$0x1EA00] =	vst v63  }
0x249: {  	_ = 	snop  }
0x24a: {  	[spmem:s18] =	stream.indirect.scatter.add.f32 [tilespmem:s20], [sflag:$0xB], $0x10, s2, s8, $0xb8;
	[tilespmem:$0x1EA00] =	vst v63  }
0x24b: {  	_ =	swait.ge [sflag:s19], $0x2800  }
0x24c: {  	[sflag:s19] =	ssyncset.done $0x0  }
0x24d: {  	[sflag:s19] =	ssyncadd.s32 $0xFFFFD800  }
0x24e: {  	_ =	swait.ge [sflag:s21], $0x500  }
0x24f: {  	[sflag:s21] =	ssyncset.done $0x0  }
0x250: {  	[sflag:s21] =	ssyncadd.s32 $0xFFFFFB00  }
0x251: {  	[tilespmem:s28], [sflag:$0x4] =	stream.indirect.gather [hbm4b:s5+s8], $0x80, s29, s8, $0xb8;
	[tilespmem:$0x1EA00] =	vst v63  }
0x252: {  	_ =	swait.ge [sflag:s24], $0x2800  }
0x253: {  	[sflag:s24] =	ssyncset.done $0x0  }
0x254: {  	[sflag:s24] =	ssyncadd.s32 $0xFFFFD800  }
0x255: {  	[spmem:s0] =	stream.indirect.scatter.add.f32 [tilespmem:s14], [sflag:$0x6], $0x80, s16, s8, $0xb8;
	[tilespmem:$0x1EA00] =	vst v63  }
0x256: {  	_ = 	snop  }
0x257: {  	[spmem:s18] =	stream.indirect.scatter.add.f32 [tilespmem:s20], [sflag:$0x9], $0x10, s16, s8, $0xb8;
	[tilespmem:$0x1EA00] =	vst v63  }
0x258: {  	_ =	swait.ge [sflag:s1], $0x2800  }
0x259: {  	[sflag:s1] =	ssyncset.done $0x0  }
0x25a: {  	[sflag:s1] =	ssyncadd.s32 $0xFFFFD800  }
0x25b: {  	[spmem:s0] =	stream.indirect.scatter.add.f32 [tilespmem:s28], [sflag:$0x7], $0x80, s12, s8, $0xb8;
	[tilespmem:$0x1EA00] =	vst v63  }
0x25c: {  	_ = 	snop  }
0x25d: {  	[spmem:s18] =	stream.indirect.scatter.add.f32 [tilespmem:s20], [sflag:$0xA], $0x10, s12, s8, $0xb8;
	[tilespmem:$0x1EA00] =	vst v63  }
0x25e: {  	_ =	swait.ge [sflag:s13], $0x2800  }
0x25f: {  	[sflag:s13] =	ssyncset.done $0x0  }
0x260: {  	[sflag:s13] =	ssyncadd.s32 $0xFFFFD800  }
0x261: {  	_ =	swait.ge [sflag:s17], $0x500  }
0x262: {  	[sflag:s17] =	ssyncset.done $0x0  }
0x263: {  	[sflag:s17] =	ssyncadd.s32 $0xFFFFFB00  }
0x264: {  	_ =	swait.ge [sflag:s9], $0x2800  }
0x265: {  	[sflag:s9] =	ssyncset.done $0x0  }
0x266: {  	[sflag:s9] =	ssyncadd.s32 $0xFFFFD800  }
0x267: {  	_ =	swait.ge [sflag:s15], $0x500  }
0x268: {  	[sflag:s15] =	ssyncset.done $0x0  }
0x269: {  	[sflag:s15] =	ssyncadd.s32 $0xFFFFFB00  }
0x26a: {  	_ =	swait.ge [sflag:s19], $0x2800  }
0x26b: {  	[sflag:s19] =	ssyncset.done $0x0  }
0x26c: {  	[sflag:s19] =	ssyncadd.s32 $0xFFFFD800  }
0x26d: {  	_ =	swait.ge [sflag:s21], $0x500  }
0x26e: {  	[sflag:s21] =	ssyncset.done $0x0  }
0x26f: {  	[sflag:s21] =	ssyncadd.s32 $0xFFFFFB00  }
0x270: {  	[bflag:$0x0] =	sbarrier.arrive $0xFFFF  }
0x271: {  	s18 =	rddreg [dreg:$0x16]  }
0x272: {  	s24 =	rddreg [dreg:$0x19]  }
0x273: {  	s20 =	simm.s32 $0xC;
	s25 =	rddreg [dreg:$0x1d]  }
0x274: {  	[hbm:s24], [sflag:s18] =	dma.local [spmem:s25], $0x2800  }
0x275: {  	_ =	swait.ge [sflag:s20], $0x2800  }
0x276: {  	[sflag:s20] =	ssyncset.done $0x0;
	s26 =	rddreg [dreg:$0x1a]  }
0x277: {  	s28 =	rddreg [dreg:$0x1e];
	[sflag:s20] =	ssyncadd.s32 $0xFFFFD800  }
0x278: {  	[hbm:s26], [sflag:s18] =	dma.local [spmem:s28], $0x500  }
0x279: {  	_ =	swait.ge [sflag:s20], $0x500  }
0x27a: {  	s29 =	rddreg [dreg:$0x1c]  }
0x27b: {  	s30 =	rddreg [dreg:$0x1b];
	s1 =	sadd.s32 $0x1, s29  }
0x27c: {  	p0 =	sne.s32 s1, s30  }
.Ltmp1:
0x27d: {  	_ = 	snop;
	(pc) =	sbr.rel @p0 .LBB2_1-.Ltmp1, $3  }
0x27e: {  	_ =	sdelay $0x1  }
0x27f: {  	[sflag:s20] =	ssyncset.done $0x0  }
0x280: {  	[sflag:s20] =	ssyncadd.s32 $0xFFFFFB00  }
0x281: {  	_ =	sfence.sel $0x180000  }
0x282: {  	[bflag:$0x0] =	sbarrier.arrive $0xFFFF  }
0x283: {  	_ =	strace $0x90000047  }
0x284: {  	s0 =	stileid.u32;
	[bflag:$0x2] =	sbarrier.arrive $0xFFFF  }
0x285: {  	p0 =	sne.s32 s0, $0x0;
	s0 =	rddreg [dreg:$0x4]  }
0x286: {  	s0 =	sadd.s32 @!p0 $0x100000, s0  }
0x287: {  	[sflag:s0] =	ssyncadd.tile.s32 @!p0 $0x1;
	_ =	shalt  }
.Lfunc_end2:
_tile_overlayer_lowered:
.L_overlay_start_2:
0x288: {  	(tag) =	ssettag $0x2  }
0x289: {  	s0 =	rddreg [dreg:$0x0];
	s2 =	stileid.u32  }
0x28a: {  	s1 =	rddreg [dreg:$0x1];
	p0 =	sne.s32 s2, $0x0  }
0x28b: {  	s3 =	rddreg [dreg:$0x2];
	[bflag:$0x3] =	sbarrier.arrive $0xFFFF;
	s2 =	simm.s32 @!p0 $0x1C0C  }
0x28c: {  	[timem:s3], [sflag:s2] =	dma.local @!p0 [hbm:s0], s1  }
0x28d: {  	s0 =	simm.s32 @!p0 $0xC  }
0x28e: {  	_ =	swait.ge @!p0 [sflag:s0], s1  }
0x28f: {  	s1 =	ssub.s32 @!p0 $0x0, s1;
	[sflag:s0] =	ssyncset.done @!p0 $0x0  }
0x290: {  	[sflag:s0] =	ssyncadd.s32 @!p0 s1  }
0x291: {  	[bflag:$0x3] =	sbarrier.arrive $0xFFFF  }
0x292: {  	_ =	shalt  }

</sc_bundles>
